<compile_context>
chip_gen: v7x
topology: tpu7x:2x2x1
jax: 0.10.2.dev20260603
libtpu: 0.0.44.dev20260713+nightly
codegen_flags: <defaults>
</compile_context>

<pallas_src>
import functools

import jax
import jax.numpy as jnp
from jax import lax
from jax.experimental import pallas as pl
from jax.experimental.pallas import tpu as pltpu
from jax.experimental.pallas import tpu_sc as plsc

B = 16384
H = 64
NC = 2
NS = 16
NW = NC * NS
BPW = B // NW
CH = 128
NCHUNK = BPW // CH


def _mf_body(user_hbm, recipe_hbm, uemb_hbm, remb_hbm, ubias_hbm, rbias_hbm,
             out_hbm, uidx_v, ridx_v, ubuf, rbuf, ubd, rbd, out_v, m_v, sem):
    wid = lax.axis_index("c") * NS + lax.axis_index("s")
    base = pl.multiple_of(wid * BPW, 8)

    pltpu.sync_copy(user_hbm.at[wid], uidx_v)
    pltpu.sync_copy(recipe_hbm.at[wid], ridx_v)

    def fire(j):
        slot = j % 2
        return [
            pltpu.async_copy(uemb_hbm.at[uidx_v.at[j]], ubuf.at[slot], sem),
            pltpu.async_copy(remb_hbm.at[ridx_v.at[j]], rbuf.at[slot], sem),
            pltpu.async_copy(ubias_hbm.at[uidx_v.at[j]], ubd.at[slot], sem),
            pltpu.async_copy(rbias_hbm.at[ridx_v.at[j]], rbd.at[slot], sem),
        ]

    lanes = lax.iota(jnp.int32, 16)
    pending = fire(0)

    for j in range(NCHUNK):
        nxt = fire(j + 1) if j + 1 < NCHUNK else []
        for c in pending:
            c.wait()
        pending = nxt
        slot = j % 2

        def group(g, _):
            eb = g * 16
            for i in range(16):
                e = eb + i
                acc = ubuf[slot, e, pl.ds(0, 16)] * rbuf[slot, e, pl.ds(0, 16)]
                for k in range(1, H // 16):
                    acc = acc + (ubuf[slot, e, pl.ds(k * 16, 16)]
                                 * rbuf[slot, e, pl.ds(k * 16, 16)])
                plsc.store_scatter(m_v, [lanes * 17 + i], acc)
            sv = m_v[pl.ds(0, 16)]
            for l in range(1, 16):
                sv = sv + m_v[pl.ds(l * 17, 16)]
            sv = sv + ubd[slot, pl.ds(eb, 16)] + rbd[slot, pl.ds(eb, 16)]
            out_v[pl.ds(j * CH + eb, 16)] = sv
            return _

        lax.fori_loop(0, CH // 16, group, None)

    pltpu.sync_copy(out_v, out_hbm.at[pl.ds(base, BPW)])


@jax.jit
def _mf_call(user, recipe, user_emb, recipe_emb, user_bias, recipe_bias):
    mesh = plsc.VectorSubcoreMesh(core_axis_name="c", subcore_axis_name="s")
    return pl.kernel(
        _mf_body,
        out_type=jax.ShapeDtypeStruct((B,), jnp.float32),
        mesh=mesh,
        compiler_params=pltpu.CompilerParams(
            needs_layout_passes=False, use_tc_tiling_on_sc=False),
        scratch_types=[
            pltpu.VMEM((NCHUNK, CH), jnp.int32),
            pltpu.VMEM((NCHUNK, CH), jnp.int32),
            pltpu.VMEM((2, CH, H), jnp.float32),
            pltpu.VMEM((2, CH, H), jnp.float32),
            pltpu.VMEM((2, CH), jnp.float32),
            pltpu.VMEM((2, CH), jnp.float32),
            pltpu.VMEM((BPW,), jnp.float32),
            pltpu.VMEM((16 * 17,), jnp.float32),
            pltpu.SemaphoreType.DMA,
        ],
    )(user, recipe, user_emb, recipe_emb, user_bias, recipe_bias)


def kernel(user, recipe, user_emb, recipe_emb, user_bias, recipe_bias):
    user = user.astype(jnp.int32).reshape(NW, NCHUNK, CH)
    recipe = recipe.astype(jnp.int32).reshape(NW, NCHUNK, CH)
    ub = user_bias.reshape(-1)
    rb = recipe_bias.reshape(-1)
    return _mf_call(user, recipe, user_emb, recipe_emb, ub, rb)

# --- scband reference (transcript-rebuilt; emitter-appended) ---
"""Pipeline reference for scband-mf-17532056502470 (READ-ONLY COPY).

The authoritative reference and input builder live on the scoring server;
editing this copy changes nothing except your own understanding.
"""

import jax, jax.numpy as jnp
import numpy as np

NUM_USERS = 100000
NUM_RECIPES = 100000
H = 64
BATCH = 16384

def setup_inputs(seed: int = 0) -> dict:
    key = jax.random.key(seed)
    k1, k2, k3, k4, k5, k6 = jax.random.split(key, 6)
    user = jax.random.randint(k1, (BATCH,), 0, NUM_USERS)
    recipe = jax.random.randint(k2, (BATCH,), 0, NUM_RECIPES)
    user_emb = jax.random.normal(k3, (NUM_USERS + 1, H), dtype=jnp.float32)
    recipe_emb = jax.random.normal(k4, (NUM_RECIPES + 1, H), dtype=jnp.float32)
    user_bias = jax.random.normal(k5, (NUM_USERS + 1, 1), dtype=jnp.float32)
    recipe_bias = jax.random.normal(k6, (NUM_RECIPES + 1, 1), dtype=jnp.float32)
    # emulate padding_idx=0: zero out row 0
    user_emb = user_emb.at[0].set(0.0)
    recipe_emb = recipe_emb.at[0].set(0.0)
    user_bias = user_bias.at[0].set(0.0)
    recipe_bias = recipe_bias.at[0].set(0.0)
    return {"user": user, "recipe": recipe, "user_emb": user_emb, "recipe_emb": recipe_emb, "user_bias": user_bias, "recipe_bias": recipe_bias}

def reference(user, recipe, user_emb, recipe_emb, user_bias, recipe_bias):
    ue = jnp.take(user_emb, user, axis=0)            # [B, H]
    re = jnp.take(recipe_emb, recipe, axis=0)        # [B, H]
    score = (ue * re).sum(axis=1)                    # [B]
    score = score[:, None]
    score = score + jnp.take(user_bias, user, axis=0) + jnp.take(recipe_bias, recipe, axis=0)
    score = jnp.squeeze(score, axis=1)               # [B]
    return score

if __name__ == "__main__":
    import jax
    _d = setup_inputs()
    print(jax.jit(kernel)(*tuple(_d.values())))

</pallas_src>

<mosaic_0001>
#map = affine_map<(d0, d1) -> (0, 0, 0)>
#map1 = affine_map<(d0, d1) -> (0, 0)>
#map2 = affine_map<(d0, d1) -> (0)>
module attributes {stable_mosaic.version = 14 : i64} {
  func.func @_mf_body(%arg0: i32, %arg1: i32, %arg2: memref<32x4x128xi32, #tpu.memory_space<hbm>>, %arg3: memref<32x4x128xi32, #tpu.memory_space<hbm>>, %arg4: memref<100001x64xf32, #tpu.memory_space<hbm>>, %arg5: memref<100001x64xf32, #tpu.memory_space<hbm>>, %arg6: memref<100001xf32, #tpu.memory_space<hbm>>, %arg7: memref<100001xf32, #tpu.memory_space<hbm>>, %arg8: memref<16384xf32, #tpu.memory_space<hbm>>, %arg9: memref<4x128xi32, #tpu.memory_space<vmem>>, %arg10: memref<4x128xi32, #tpu.memory_space<vmem>>, %arg11: memref<2x128x64xf32, #tpu.memory_space<vmem>>, %arg12: memref<2x128x64xf32, #tpu.memory_space<vmem>>, %arg13: memref<2x128xf32, #tpu.memory_space<vmem>>, %arg14: memref<2x128xf32, #tpu.memory_space<vmem>>, %arg15: memref<512xf32, #tpu.memory_space<vmem>>, %arg16: memref<272xf32, #tpu.memory_space<vmem>>, %arg17: memref<!tpu.dma_semaphore, #tpu.memory_space<semaphore_mem>>) attributes {dimension_semantics = [#tpu.dimension_semantics<core_parallel>, #tpu.dimension_semantics<subcore_parallel>], iteration_bounds = array<i64: 2, 16>, scalar_prefetch = 0 : i64, scratch_operands = 9 : i64, tpu.core_type = #tpu.core_type<sc_vector_subcore>, window_params = [{transform_indices = #map}, {transform_indices = #map}, {transform_indices = #map1}, {transform_indices = #map1}, {transform_indices = #map2}, {transform_indices = #map2}, {transform_indices = #map2}]} {
    %mul3A = arith.constant 16 : i32
    %mul3A_0 = arith.muli %arg0, %mul3A : i32
    %add3A = arith.addi %mul3A_0, %arg1 : i32
    %mul3A_1 = arith.constant 512 : i32
    %mul3A_2 = arith.muli %add3A, %mul3A_1 : i32
    %multiple_of3A = tpu.assume_multiple %mul3A_2, 8 : i32
    "tpu.region"() ({
      %run_scoped3A = tpu.sem_alloc : memref<!tpu.dma_semaphore, #tpu.memory_space<semaphore_mem>>
      %dma_start3A_372 = arith.constant 0 : i32
      %dma_start3A_373 = arith.constant 0 : i32
      %dma_start3A_374 = tpu.memref_slice %arg2[%add3A, %dma_start3A_372, %dma_start3A_373] : memref<32x4x128xi32, #tpu.memory_space<hbm>> -> memref<1x4x128xi32, #tpu.memory_space<hbm>>
      %dma_start3A_375 = tpu.memref_squeeze %dma_start3A_374 : memref<1x4x128xi32, #tpu.memory_space<hbm>> -> memref<4x128xi32, #tpu.memory_space<hbm>>
      %dma_start3A_376 = arith.constant 0 : i32
      %dma_start3A_377 = arith.constant 0 : i32
      %dma_start3A_378 = tpu.memref_slice %arg2[%add3A, %dma_start3A_376, %dma_start3A_377] : memref<32x4x128xi32, #tpu.memory_space<hbm>> -> memref<1x4x128xi32, #tpu.memory_space<hbm>>
      %dma_start3A_379 = tpu.memref_squeeze %dma_start3A_378 : memref<1x4x128xi32, #tpu.memory_space<hbm>> -> memref<4x128xi32, #tpu.memory_space<hbm>>
      tpu.enqueue_dma source(%dma_start3A_379 : memref<4x128xi32, #tpu.memory_space<hbm>>) target(%arg9 : memref<4x128xi32, #tpu.memory_space<vmem>>) target_semaphore(%run_scoped3A : memref<!tpu.dma_semaphore, #tpu.memory_space<semaphore_mem>>)
      %dma_wait3A_380 = arith.constant 0 : i32
      %dma_wait3A_381 = arith.constant 0 : i32
      %dma_wait3A_382 = tpu.memref_slice %arg2[%add3A, %dma_wait3A_380, %dma_wait3A_381] : memref<32x4x128xi32, #tpu.memory_space<hbm>> -> memref<1x4x128xi32, #tpu.memory_space<hbm>>
      %dma_wait3A_383 = tpu.memref_squeeze %dma_wait3A_382 : memref<1x4x128xi32, #tpu.memory_space<hbm>> -> memref<4x128xi32, #tpu.memory_space<hbm>>
      %dma_wait3A_384 = arith.constant 0 : i32
      %dma_wait3A_385 = arith.constant 0 : i32
      %dma_wait3A_386 = tpu.memref_slice %arg2[%add3A, %dma_wait3A_384, %dma_wait3A_385] : memref<32x4x128xi32, #tpu.memory_space<hbm>> -> memref<1x4x128xi32, #tpu.memory_space<hbm>>
      %dma_wait3A_387 = tpu.memref_squeeze %dma_wait3A_386 : memref<1x4x128xi32, #tpu.memory_space<hbm>> -> memref<4x128xi32, #tpu.memory_space<hbm>>
      tpu.wait_dma2 semaphore(%run_scoped3A : memref<!tpu.dma_semaphore, #tpu.memory_space<semaphore_mem>>) src(%dma_wait3A_387 : memref<4x128xi32, #tpu.memory_space<hbm>>) dst(%arg9 : memref<4x128xi32, #tpu.memory_space<vmem>>)
      tpu.yield
    }) : () -> ()
    "tpu.region"() ({
      %run_scoped3A = tpu.sem_alloc : memref<!tpu.dma_semaphore, #tpu.memory_space<semaphore_mem>>
      %dma_start3A_372 = arith.constant 0 : i32
      %dma_start3A_373 = arith.constant 0 : i32
      %dma_start3A_374 = tpu.memref_slice %arg3[%add3A, %dma_start3A_372, %dma_start3A_373] : memref<32x4x128xi32, #tpu.memory_space<hbm>> -> memref<1x4x128xi32, #tpu.memory_space<hbm>>
      %dma_start3A_375 = tpu.memref_squeeze %dma_start3A_374 : memref<1x4x128xi32, #tpu.memory_space<hbm>> -> memref<4x128xi32, #tpu.memory_space<hbm>>
      %dma_start3A_376 = arith.constant 0 : i32
      %dma_start3A_377 = arith.constant 0 : i32
      %dma_start3A_378 = tpu.memref_slice %arg3[%add3A, %dma_start3A_376, %dma_start3A_377] : memref<32x4x128xi32, #tpu.memory_space<hbm>> -> memref<1x4x128xi32, #tpu.memory_space<hbm>>
      %dma_start3A_379 = tpu.memref_squeeze %dma_start3A_378 : memref<1x4x128xi32, #tpu.memory_space<hbm>> -> memref<4x128xi32, #tpu.memory_space<hbm>>
      tpu.enqueue_dma source(%dma_start3A_379 : memref<4x128xi32, #tpu.memory_space<hbm>>) target(%arg10 : memref<4x128xi32, #tpu.memory_space<vmem>>) target_semaphore(%run_scoped3A : memref<!tpu.dma_semaphore, #tpu.memory_space<semaphore_mem>>)
      %dma_wait3A_380 = arith.constant 0 : i32
      %dma_wait3A_381 = arith.constant 0 : i32
      %dma_wait3A_382 = tpu.memref_slice %arg3[%add3A, %dma_wait3A_380, %dma_wait3A_381] : memref<32x4x128xi32, #tpu.memory_space<hbm>> -> memref<1x4x128xi32, #tpu.memory_space<hbm>>
      %dma_wait3A_383 = tpu.memref_squeeze %dma_wait3A_382 : memref<1x4x128xi32, #tpu.memory_space<hbm>> -> memref<4x128xi32, #tpu.memory_space<hbm>>
      %dma_wait3A_384 = arith.constant 0 : i32
      %dma_wait3A_385 = arith.constant 0 : i32
      %dma_wait3A_386 = tpu.memref_slice %arg3[%add3A, %dma_wait3A_384, %dma_wait3A_385] : memref<32x4x128xi32, #tpu.memory_space<hbm>> -> memref<1x4x128xi32, #tpu.memory_space<hbm>>
      %dma_wait3A_387 = tpu.memref_squeeze %dma_wait3A_386 : memref<1x4x128xi32, #tpu.memory_space<hbm>> -> memref<4x128xi32, #tpu.memory_space<hbm>>
      tpu.wait_dma2 semaphore(%run_scoped3A : memref<!tpu.dma_semaphore, #tpu.memory_space<semaphore_mem>>) src(%dma_wait3A_387 : memref<4x128xi32, #tpu.memory_space<hbm>>) dst(%arg10 : memref<4x128xi32, #tpu.memory_space<vmem>>)
      tpu.yield
    }) : () -> ()
    %iota3A = tpu.iota {dimensions = array<i32: 0>} : vector<16xi32>
    %dma_start3A = arith.constant 0 : i32
    %dma_start3A_3 = arith.constant 0 : i32
    %dma_start3A_4 = arith.constant 0 : i32
    %dma_start3A_5 = arith.constant 0 : i32
    %dma_start3A_6 = tpu.memref_slice %arg11[%dma_start3A_3, %dma_start3A_4, %dma_start3A_5] : memref<2x128x64xf32, #tpu.memory_space<vmem>> -> memref<1x128x64xf32, #tpu.memory_space<vmem>>
    %dma_start3A_7 = tpu.memref_squeeze %dma_start3A_6 : memref<1x128x64xf32, #tpu.memory_space<vmem>> -> memref<128x64xf32, #tpu.memory_space<vmem>>
    %dma_start3A_8 = arith.constant 0 : i32
    %dma_start3A_9 = tpu.memref_slice %arg9[%dma_start3A, %dma_start3A_8] : memref<4x128xi32, #tpu.memory_space<vmem>> -> memref<1x128xi32, #tpu.memory_space<vmem>>
    %dma_start3A_10 = tpu.memref_squeeze %dma_start3A_9 : memref<1x128xi32, #tpu.memory_space<vmem>> -> memref<128xi32, #tpu.memory_space<vmem>>
    %dma_start3A_11 = arith.constant 0 : i32
    %dma_start3A_12 = arith.constant 0 : i32
    %dma_start3A_13 = tpu.memref_slice %arg4[%dma_start3A_11, %dma_start3A_12] : memref<100001x64xf32, #tpu.memory_space<hbm>> -> memref<100001x64xf32, #tpu.memory_space<hbm>>
    tpu.enqueue_indirect_dma source(%dma_start3A_13 : memref<100001x64xf32, #tpu.memory_space<hbm>>) target(%dma_start3A_7 : memref<128x64xf32, #tpu.memory_space<vmem>>) offsets(%dma_start3A_10 : memref<128xi32, #tpu.memory_space<vmem>>) semaphore(%arg17 : memref<!tpu.dma_semaphore, #tpu.memory_space<semaphore_mem>>)
    %dma_start3A_14 = arith.constant 0 : i32
    %dma_start3A_15 = arith.constant 0 : i32
    %dma_start3A_16 = arith.constant 0 : i32
    %dma_start3A_17 = arith.constant 0 : i32
    %dma_start3A_18 = tpu.memref_slice %arg12[%dma_start3A_15, %dma_start3A_16, %dma_start3A_17] : memref<2x128x64xf32, #tpu.memory_space<vmem>> -> memref<1x128x64xf32, #tpu.memory_space<vmem>>
    %dma_start3A_19 = tpu.memref_squeeze %dma_start3A_18 : memref<1x128x64xf32, #tpu.memory_space<vmem>> -> memref<128x64xf32, #tpu.memory_space<vmem>>
    %dma_start3A_20 = arith.constant 0 : i32
    %dma_start3A_21 = tpu.memref_slice %arg10[%dma_start3A_14, %dma_start3A_20] : memref<4x128xi32, #tpu.memory_space<vmem>> -> memref<1x128xi32, #tpu.memory_space<vmem>>
    %dma_start3A_22 = tpu.memref_squeeze %dma_start3A_21 : memref<1x128xi32, #tpu.memory_space<vmem>> -> memref<128xi32, #tpu.memory_space<vmem>>
    %dma_start3A_23 = arith.constant 0 : i32
    %dma_start3A_24 = arith.constant 0 : i32
    %dma_start3A_25 = tpu.memref_slice %arg5[%dma_start3A_23, %dma_start3A_24] : memref<100001x64xf32, #tpu.memory_space<hbm>> -> memref<100001x64xf32, #tpu.memory_space<hbm>>
    tpu.enqueue_indirect_dma source(%dma_start3A_25 : memref<100001x64xf32, #tpu.memory_space<hbm>>) target(%dma_start3A_19 : memref<128x64xf32, #tpu.memory_space<vmem>>) offsets(%dma_start3A_22 : memref<128xi32, #tpu.memory_space<vmem>>) semaphore(%arg17 : memref<!tpu.dma_semaphore, #tpu.memory_space<semaphore_mem>>)
    %dma_start3A_26 = arith.constant 0 : i32
    %dma_start3A_27 = arith.constant 0 : i32
    %dma_start3A_28 = arith.constant 0 : i32
    %dma_start3A_29 = tpu.memref_slice %arg13[%dma_start3A_27, %dma_start3A_28] : memref<2x128xf32, #tpu.memory_space<vmem>> -> memref<1x128xf32, #tpu.memory_space<vmem>>
    %dma_start3A_30 = tpu.memref_squeeze %dma_start3A_29 : memref<1x128xf32, #tpu.memory_space<vmem>> -> memref<128xf32, #tpu.memory_space<vmem>>
    %dma_start3A_31 = arith.constant 0 : i32
    %dma_start3A_32 = tpu.memref_slice %arg9[%dma_start3A_26, %dma_start3A_31] : memref<4x128xi32, #tpu.memory_space<vmem>> -> memref<1x128xi32, #tpu.memory_space<vmem>>
    %dma_start3A_33 = tpu.memref_squeeze %dma_start3A_32 : memref<1x128xi32, #tpu.memory_space<vmem>> -> memref<128xi32, #tpu.memory_space<vmem>>
    %dma_start3A_34 = arith.constant 0 : i32
    %dma_start3A_35 = tpu.memref_slice %arg6[%dma_start3A_34] : memref<100001xf32, #tpu.memory_space<hbm>> -> memref<100001xf32, #tpu.memory_space<hbm>>
    tpu.enqueue_indirect_dma source(%dma_start3A_35 : memref<100001xf32, #tpu.memory_space<hbm>>) target(%dma_start3A_30 : memref<128xf32, #tpu.memory_space<vmem>>) offsets(%dma_start3A_33 : memref<128xi32, #tpu.memory_space<vmem>>) semaphore(%arg17 : memref<!tpu.dma_semaphore, #tpu.memory_space<semaphore_mem>>)
    %dma_start3A_36 = arith.constant 0 : i32
    %dma_start3A_37 = arith.constant 0 : i32
    %dma_start3A_38 = arith.constant 0 : i32
    %dma_start3A_39 = tpu.memref_slice %arg14[%dma_start3A_37, %dma_start3A_38] : memref<2x128xf32, #tpu.memory_space<vmem>> -> memref<1x128xf32, #tpu.memory_space<vmem>>
    %dma_start3A_40 = tpu.memref_squeeze %dma_start3A_39 : memref<1x128xf32, #tpu.memory_space<vmem>> -> memref<128xf32, #tpu.memory_space<vmem>>
    %dma_start3A_41 = arith.constant 0 : i32
    %dma_start3A_42 = tpu.memref_slice %arg10[%dma_start3A_36, %dma_start3A_41] : memref<4x128xi32, #tpu.memory_space<vmem>> -> memref<1x128xi32, #tpu.memory_space<vmem>>
    %dma_start3A_43 = tpu.memref_squeeze %dma_start3A_42 : memref<1x128xi32, #tpu.memory_space<vmem>> -> memref<128xi32, #tpu.memory_space<vmem>>
    %dma_start3A_44 = arith.constant 0 : i32
    %dma_start3A_45 = tpu.memref_slice %arg7[%dma_start3A_44] : memref<100001xf32, #tpu.memory_space<hbm>> -> memref<100001xf32, #tpu.memory_space<hbm>>
    tpu.enqueue_indirect_dma source(%dma_start3A_45 : memref<100001xf32, #tpu.memory_space<hbm>>) target(%dma_start3A_40 : memref<128xf32, #tpu.memory_space<vmem>>) offsets(%dma_start3A_43 : memref<128xi32, #tpu.memory_space<vmem>>) semaphore(%arg17 : memref<!tpu.dma_semaphore, #tpu.memory_space<semaphore_mem>>)
    %dma_start3A_46 = arith.constant 1 : i32
    %dma_start3A_47 = arith.constant 1 : i32
    %dma_start3A_48 = arith.constant 0 : i32
    %dma_start3A_49 = arith.constant 0 : i32
    %dma_start3A_50 = tpu.memref_slice %arg11[%dma_start3A_47, %dma_start3A_48, %dma_start3A_49] : memref<2x128x64xf32, #tpu.memory_space<vmem>> -> memref<1x128x64xf32, #tpu.memory_space<vmem>>
    %dma_start3A_51 = tpu.memref_squeeze %dma_start3A_50 : memref<1x128x64xf32, #tpu.memory_space<vmem>> -> memref<128x64xf32, #tpu.memory_space<vmem>>
    %dma_start3A_52 = arith.constant 0 : i32
    %dma_start3A_53 = tpu.memref_slice %arg9[%dma_start3A_46, %dma_start3A_52] : memref<4x128xi32, #tpu.memory_space<vmem>> -> memref<1x128xi32, #tpu.memory_space<vmem>>
    %dma_start3A_54 = tpu.memref_squeeze %dma_start3A_53 : memref<1x128xi32, #tpu.memory_space<vmem>> -> memref<128xi32, #tpu.memory_space<vmem>>
    %dma_start3A_55 = arith.constant 0 : i32
    %dma_start3A_56 = arith.constant 0 : i32
    %dma_start3A_57 = tpu.memref_slice %arg4[%dma_start3A_55, %dma_start3A_56] : memref<100001x64xf32, #tpu.memory_space<hbm>> -> memref<100001x64xf32, #tpu.memory_space<hbm>>
    tpu.enqueue_indirect_dma source(%dma_start3A_57 : memref<100001x64xf32, #tpu.memory_space<hbm>>) target(%dma_start3A_51 : memref<128x64xf32, #tpu.memory_space<vmem>>) offsets(%dma_start3A_54 : memref<128xi32, #tpu.memory_space<vmem>>) semaphore(%arg17 : memref<!tpu.dma_semaphore, #tpu.memory_space<semaphore_mem>>)
    %dma_start3A_58 = arith.constant 1 : i32
    %dma_start3A_59 = arith.constant 1 : i32
    %dma_start3A_60 = arith.constant 0 : i32
    %dma_start3A_61 = arith.constant 0 : i32
    %dma_start3A_62 = tpu.memref_slice %arg12[%dma_start3A_59, %dma_start3A_60, %dma_start3A_61] : memref<2x128x64xf32, #tpu.memory_space<vmem>> -> memref<1x128x64xf32, #tpu.memory_space<vmem>>
    %dma_start3A_63 = tpu.memref_squeeze %dma_start3A_62 : memref<1x128x64xf32, #tpu.memory_space<vmem>> -> memref<128x64xf32, #tpu.memory_space<vmem>>
    %dma_start3A_64 = arith.constant 0 : i32
    %dma_start3A_65 = tpu.memref_slice %arg10[%dma_start3A_58, %dma_start3A_64] : memref<4x128xi32, #tpu.memory_space<vmem>> -> memref<1x128xi32, #tpu.memory_space<vmem>>
    %dma_start3A_66 = tpu.memref_squeeze %dma_start3A_65 : memref<1x128xi32, #tpu.memory_space<vmem>> -> memref<128xi32, #tpu.memory_space<vmem>>
    %dma_start3A_67 = arith.constant 0 : i32
    %dma_start3A_68 = arith.constant 0 : i32
    %dma_start3A_69 = tpu.memref_slice %arg5[%dma_start3A_67, %dma_start3A_68] : memref<100001x64xf32, #tpu.memory_space<hbm>> -> memref<100001x64xf32, #tpu.memory_space<hbm>>
    tpu.enqueue_indirect_dma source(%dma_start3A_69 : memref<100001x64xf32, #tpu.memory_space<hbm>>) target(%dma_start3A_63 : memref<128x64xf32, #tpu.memory_space<vmem>>) offsets(%dma_start3A_66 : memref<128xi32, #tpu.memory_space<vmem>>) semaphore(%arg17 : memref<!tpu.dma_semaphore, #tpu.memory_space<semaphore_mem>>)
    %dma_start3A_70 = arith.constant 1 : i32
    %dma_start3A_71 = arith.constant 1 : i32
    %dma_start3A_72 = arith.constant 0 : i32
    %dma_start3A_73 = tpu.memref_slice %arg13[%dma_start3A_71, %dma_start3A_72] : memref<2x128xf32, #tpu.memory_space<vmem>> -> memref<1x128xf32, #tpu.memory_space<vmem>>
    %dma_start3A_74 = tpu.memref_squeeze %dma_start3A_73 : memref<1x128xf32, #tpu.memory_space<vmem>> -> memref<128xf32, #tpu.memory_space<vmem>>
    %dma_start3A_75 = arith.constant 0 : i32
    %dma_start3A_76 = tpu.memref_slice %arg9[%dma_start3A_70, %dma_start3A_75] : memref<4x128xi32, #tpu.memory_space<vmem>> -> memref<1x128xi32, #tpu.memory_space<vmem>>
    %dma_start3A_77 = tpu.memref_squeeze %dma_start3A_76 : memref<1x128xi32, #tpu.memory_space<vmem>> -> memref<128xi32, #tpu.memory_space<vmem>>
    %dma_start3A_78 = arith.constant 0 : i32
    %dma_start3A_79 = tpu.memref_slice %arg6[%dma_start3A_78] : memref<100001xf32, #tpu.memory_space<hbm>> -> memref<100001xf32, #tpu.memory_space<hbm>>
    tpu.enqueue_indirect_dma source(%dma_start3A_79 : memref<100001xf32, #tpu.memory_space<hbm>>) target(%dma_start3A_74 : memref<128xf32, #tpu.memory_space<vmem>>) offsets(%dma_start3A_77 : memref<128xi32, #tpu.memory_space<vmem>>) semaphore(%arg17 : memref<!tpu.dma_semaphore, #tpu.memory_space<semaphore_mem>>)
    %dma_start3A_80 = arith.constant 1 : i32
    %dma_start3A_81 = arith.constant 1 : i32
    %dma_start3A_82 = arith.constant 0 : i32
    %dma_start3A_83 = tpu.memref_slice %arg14[%dma_start3A_81, %dma_start3A_82] : memref<2x128xf32, #tpu.memory_space<vmem>> -> memref<1x128xf32, #tpu.memory_space<vmem>>
    %dma_start3A_84 = tpu.memref_squeeze %dma_start3A_83 : memref<1x128xf32, #tpu.memory_space<vmem>> -> memref<128xf32, #tpu.memory_space<vmem>>
    %dma_start3A_85 = arith.constant 0 : i32
    %dma_start3A_86 = tpu.memref_slice %arg10[%dma_start3A_80, %dma_start3A_85] : memref<4x128xi32, #tpu.memory_space<vmem>> -> memref<1x128xi32, #tpu.memory_space<vmem>>
    %dma_start3A_87 = tpu.memref_squeeze %dma_start3A_86 : memref<1x128xi32, #tpu.memory_space<vmem>> -> memref<128xi32, #tpu.memory_space<vmem>>
    %dma_start3A_88 = arith.constant 0 : i32
    %dma_start3A_89 = tpu.memref_slice %arg7[%dma_start3A_88] : memref<100001xf32, #tpu.memory_space<hbm>> -> memref<100001xf32, #tpu.memory_space<hbm>>
    tpu.enqueue_indirect_dma source(%dma_start3A_89 : memref<100001xf32, #tpu.memory_space<hbm>>) target(%dma_start3A_84 : memref<128xf32, #tpu.memory_space<vmem>>) offsets(%dma_start3A_87 : memref<128xi32, #tpu.memory_space<vmem>>) semaphore(%arg17 : memref<!tpu.dma_semaphore, #tpu.memory_space<semaphore_mem>>)
    %dma_wait3A = arith.constant 0 : i32
    %dma_wait3A_90 = arith.constant 0 : i32
    %dma_wait3A_91 = arith.constant 0 : i32
    %dma_wait3A_92 = arith.constant 0 : i32
    %dma_wait3A_93 = tpu.memref_slice %arg11[%dma_wait3A_90, %dma_wait3A_91, %dma_wait3A_92] : memref<2x128x64xf32, #tpu.memory_space<vmem>> -> memref<1x128x64xf32, #tpu.memory_space<vmem>>
    %dma_wait3A_94 = tpu.memref_squeeze %dma_wait3A_93 : memref<1x128x64xf32, #tpu.memory_space<vmem>> -> memref<128x64xf32, #tpu.memory_space<vmem>>
    %dma_wait3A_95 = arith.constant 0 : i32
    %dma_wait3A_96 = tpu.memref_slice %arg9[%dma_wait3A, %dma_wait3A_95] : memref<4x128xi32, #tpu.memory_space<vmem>> -> memref<1x128xi32, #tpu.memory_space<vmem>>
    %dma_wait3A_97 = tpu.memref_squeeze %dma_wait3A_96 : memref<1x128xi32, #tpu.memory_space<vmem>> -> memref<128xi32, #tpu.memory_space<vmem>>
    %dma_wait3A_98 = arith.constant 0 : i32
    %dma_wait3A_99 = arith.constant 0 : i32
    %dma_wait3A_100 = tpu.memref_slice %arg4[%dma_wait3A_98, %dma_wait3A_99] : memref<100001x64xf32, #tpu.memory_space<hbm>> -> memref<100001x64xf32, #tpu.memory_space<hbm>>
    tpu.wait_indirect_dma semaphore(%arg17 : memref<!tpu.dma_semaphore, #tpu.memory_space<semaphore_mem>>) src(%dma_wait3A_100 : memref<100001x64xf32, #tpu.memory_space<hbm>>) dst(%dma_wait3A_94 : memref<128x64xf32, #tpu.memory_space<vmem>>)
    %dma_wait3A_101 = arith.constant 0 : i32
    %dma_wait3A_102 = arith.constant 0 : i32
    %dma_wait3A_103 = arith.constant 0 : i32
    %dma_wait3A_104 = arith.constant 0 : i32
    %dma_wait3A_105 = tpu.memref_slice %arg12[%dma_wait3A_102, %dma_wait3A_103, %dma_wait3A_104] : memref<2x128x64xf32, #tpu.memory_space<vmem>> -> memref<1x128x64xf32, #tpu.memory_space<vmem>>
    %dma_wait3A_106 = tpu.memref_squeeze %dma_wait3A_105 : memref<1x128x64xf32, #tpu.memory_space<vmem>> -> memref<128x64xf32, #tpu.memory_space<vmem>>
    %dma_wait3A_107 = arith.constant 0 : i32
    %dma_wait3A_108 = tpu.memref_slice %arg10[%dma_wait3A_101, %dma_wait3A_107] : memref<4x128xi32, #tpu.memory_space<vmem>> -> memref<1x128xi32, #tpu.memory_space<vmem>>
    %dma_wait3A_109 = tpu.memref_squeeze %dma_wait3A_108 : memref<1x128xi32, #tpu.memory_space<vmem>> -> memref<128xi32, #tpu.memory_space<vmem>>
    %dma_wait3A_110 = arith.constant 0 : i32
    %dma_wait3A_111 = arith.constant 0 : i32
    %dma_wait3A_112 = tpu.memref_slice %arg5[%dma_wait3A_110, %dma_wait3A_111] : memref<100001x64xf32, #tpu.memory_space<hbm>> -> memref<100001x64xf32, #tpu.memory_space<hbm>>
    tpu.wait_indirect_dma semaphore(%arg17 : memref<!tpu.dma_semaphore, #tpu.memory_space<semaphore_mem>>) src(%dma_wait3A_112 : memref<100001x64xf32, #tpu.memory_space<hbm>>) dst(%dma_wait3A_106 : memref<128x64xf32, #tpu.memory_space<vmem>>)
    %dma_wait3A_113 = arith.constant 0 : i32
    %dma_wait3A_114 = arith.constant 0 : i32
    %dma_wait3A_115 = arith.constant 0 : i32
    %dma_wait3A_116 = tpu.memref_slice %arg13[%dma_wait3A_114, %dma_wait3A_115] : memref<2x128xf32, #tpu.memory_space<vmem>> -> memref<1x128xf32, #tpu.memory_space<vmem>>
    %dma_wait3A_117 = tpu.memref_squeeze %dma_wait3A_116 : memref<1x128xf32, #tpu.memory_space<vmem>> -> memref<128xf32, #tpu.memory_space<vmem>>
    %dma_wait3A_118 = arith.constant 0 : i32
    %dma_wait3A_119 = tpu.memref_slice %arg9[%dma_wait3A_113, %dma_wait3A_118] : memref<4x128xi32, #tpu.memory_space<vmem>> -> memref<1x128xi32, #tpu.memory_space<vmem>>
    %dma_wait3A_120 = tpu.memref_squeeze %dma_wait3A_119 : memref<1x128xi32, #tpu.memory_space<vmem>> -> memref<128xi32, #tpu.memory_space<vmem>>
    %dma_wait3A_121 = arith.constant 0 : i32
    %dma_wait3A_122 = tpu.memref_slice %arg6[%dma_wait3A_121] : memref<100001xf32, #tpu.memory_space<hbm>> -> memref<100001xf32, #tpu.memory_space<hbm>>
    tpu.wait_indirect_dma semaphore(%arg17 : memref<!tpu.dma_semaphore, #tpu.memory_space<semaphore_mem>>) src(%dma_wait3A_122 : memref<100001xf32, #tpu.memory_space<hbm>>) dst(%dma_wait3A_117 : memref<128xf32, #tpu.memory_space<vmem>>)
    %dma_wait3A_123 = arith.constant 0 : i32
    %dma_wait3A_124 = arith.constant 0 : i32
    %dma_wait3A_125 = arith.constant 0 : i32
    %dma_wait3A_126 = tpu.memref_slice %arg14[%dma_wait3A_124, %dma_wait3A_125] : memref<2x128xf32, #tpu.memory_space<vmem>> -> memref<1x128xf32, #tpu.memory_space<vmem>>
    %dma_wait3A_127 = tpu.memref_squeeze %dma_wait3A_126 : memref<1x128xf32, #tpu.memory_space<vmem>> -> memref<128xf32, #tpu.memory_space<vmem>>
    %dma_wait3A_128 = arith.constant 0 : i32
    %dma_wait3A_129 = tpu.memref_slice %arg10[%dma_wait3A_123, %dma_wait3A_128] : memref<4x128xi32, #tpu.memory_space<vmem>> -> memref<1x128xi32, #tpu.memory_space<vmem>>
    %dma_wait3A_130 = tpu.memref_squeeze %dma_wait3A_129 : memref<1x128xi32, #tpu.memory_space<vmem>> -> memref<128xi32, #tpu.memory_space<vmem>>
    %dma_wait3A_131 = arith.constant 0 : i32
    %dma_wait3A_132 = tpu.memref_slice %arg7[%dma_wait3A_131] : memref<100001xf32, #tpu.memory_space<hbm>> -> memref<100001xf32, #tpu.memory_space<hbm>>
    tpu.wait_indirect_dma semaphore(%arg17 : memref<!tpu.dma_semaphore, #tpu.memory_space<semaphore_mem>>) src(%dma_wait3A_132 : memref<100001xf32, #tpu.memory_space<hbm>>) dst(%dma_wait3A_127 : memref<128xf32, #tpu.memory_space<vmem>>)
    %scan3A = arith.constant 0 : i32
    %scan3A_133 = arith.constant 8 : i32
    %scan3A_134 = arith.addi %scan3A, %scan3A_133 : i32
    %scan3A_135 = arith.constant 1 : i32
    scf.for %scan3A_372 = %scan3A to %scan3A_134 step %scan3A_135  : i32 {
      %mul3A_373 = arith.constant 16 : i32
      %mul3A_374 = arith.muli %scan3A_372, %mul3A_373 : i32
      %add3A_375 = arith.constant 0 : i32
      %add3A_376 = arith.addi %mul3A_374, %add3A_375 : i32
      %get3A = arith.constant 0 : i32
      %get3A_377 = arith.index_cast %get3A : i32 to index
      %get3A_378 = arith.index_cast %add3A_376 : i32 to index
      %get3A_379 = arith.constant 0 : index
      %get3A_380 = tpu.vector_load %arg11[%get3A_377, %get3A_378, %get3A_379] {strides = array<i32>} : memref<2x128x64xf32, #tpu.memory_space<vmem>>, vector<16xf32>,
      %get3A_381 = arith.constant 0 : i32
      %get3A_382 = arith.index_cast %get3A_381 : i32 to index
      %get3A_383 = arith.index_cast %add3A_376 : i32 to index
      %get3A_384 = arith.constant 0 : index
      %get3A_385 = tpu.vector_load %arg12[%get3A_382, %get3A_383, %get3A_384] {strides = array<i32>} : memref<2x128x64xf32, #tpu.memory_space<vmem>>, vector<16xf32>,
      %mul3A_386 = arith.mulf %get3A_380, %get3A_385 : vector<16xf32>
      %get3A_387 = arith.constant 0 : i32
      %get3A_388 = arith.index_cast %get3A_387 : i32 to index
      %get3A_389 = arith.index_cast %add3A_376 : i32 to index
      %get3A_390 = arith.constant 16 : index
      %get3A_391 = tpu.vector_load %arg11[%get3A_388, %get3A_389, %get3A_390] {strides = array<i32>} : memref<2x128x64xf32, #tpu.memory_space<vmem>>, vector<16xf32>,
      %get3A_392 = arith.constant 0 : i32
      %get3A_393 = arith.index_cast %get3A_392 : i32 to index
      %get3A_394 = arith.index_cast %add3A_376 : i32 to index
      %get3A_395 = arith.constant 16 : index
      %get3A_396 = tpu.vector_load %arg12[%get3A_393, %get3A_394, %get3A_395] {strides = array<i32>} : memref<2x128x64xf32, #tpu.memory_space<vmem>>, vector<16xf32>,
      %mul3A_397 = arith.mulf %get3A_391, %get3A_396 : vector<16xf32>
      %add3A_398 = arith.addf %mul3A_386, %mul3A_397 : vector<16xf32>
      %get3A_399 = arith.constant 0 : i32
      %get3A_400 = arith.index_cast %get3A_399 : i32 to index
      %get3A_401 = arith.index_cast %add3A_376 : i32 to index
      %get3A_402 = arith.constant 32 : index
      %get3A_403 = tpu.vector_load %arg11[%get3A_400, %get3A_401, %get3A_402] {strides = array<i32>} : memref<2x128x64xf32, #tpu.memory_space<vmem>>, vector<16xf32>,
      %get3A_404 = arith.constant 0 : i32
      %get3A_405 = arith.index_cast %get3A_404 : i32 to index
      %get3A_406 = arith.index_cast %add3A_376 : i32 to index
      %get3A_407 = arith.constant 32 : index
      %get3A_408 = tpu.vector_load %arg12[%get3A_405, %get3A_406, %get3A_407] {strides = array<i32>} : memref<2x128x64xf32, #tpu.memory_space<vmem>>, vector<16xf32>,
      %mul3A_409 = arith.mulf %get3A_403, %get3A_408 : vector<16xf32>
      %add3A_410 = arith.addf %add3A_398, %mul3A_409 : vector<16xf32>
      %get3A_411 = arith.constant 0 : i32
      %get3A_412 = arith.index_cast %get3A_411 : i32 to index
      %get3A_413 = arith.index_cast %add3A_376 : i32 to index
      %get3A_414 = arith.constant 48 : index
      %get3A_415 = tpu.vector_load %arg11[%get3A_412, %get3A_413, %get3A_414] {strides = array<i32>} : memref<2x128x64xf32, #tpu.memory_space<vmem>>, vector<16xf32>,
      %get3A_416 = arith.constant 0 : i32
      %get3A_417 = arith.index_cast %get3A_416 : i32 to index
      %get3A_418 = arith.index_cast %add3A_376 : i32 to index
      %get3A_419 = arith.constant 48 : index
      %get3A_420 = tpu.vector_load %arg12[%get3A_417, %get3A_418, %get3A_419] {strides = array<i32>} : memref<2x128x64xf32, #tpu.memory_space<vmem>>, vector<16xf32>,
      %mul3A_421 = arith.mulf %get3A_415, %get3A_420 : vector<16xf32>
      %add3A_422 = arith.addf %add3A_410, %mul3A_421 : vector<16xf32>
      %mul3A_423 = arith.constant 17 : i32
      %mul3A_424 = vector.broadcast %mul3A_423 : i32 to vector<16xi32>
      %mul3A_425 = arith.muli %iota3A, %mul3A_424 : vector<16xi32>
      %add3A_426 = arith.constant 0 : i32
      %add3A_427 = vector.broadcast %add3A_426 : i32 to vector<16xi32>
      %add3A_428 = arith.addi %mul3A_425, %add3A_427 : vector<16xi32>
      tpu.vector_store_idx %arg16[%add3A_428], %add3A_422 : memref<272xf32, #tpu.memory_space<vmem>>[vector<16xi32>], vector<16xf32>,
      %add3A_429 = arith.constant 1 : i32
      %add3A_430 = arith.addi %mul3A_374, %add3A_429 : i32
      %get3A_431 = arith.constant 0 : i32
      %get3A_432 = arith.index_cast %get3A_431 : i32 to index
      %get3A_433 = arith.index_cast %add3A_430 : i32 to index
      %get3A_434 = arith.constant 0 : index
      %get3A_435 = tpu.vector_load %arg11[%get3A_432, %get3A_433, %get3A_434] {strides = array<i32>} : memref<2x128x64xf32, #tpu.memory_space<vmem>>, vector<16xf32>,
      %get3A_436 = arith.constant 0 : i32
      %get3A_437 = arith.index_cast %get3A_436 : i32 to index
      %get3A_438 = arith.index_cast %add3A_430 : i32 to index
      %get3A_439 = arith.constant 0 : index
      %get3A_440 = tpu.vector_load %arg12[%get3A_437, %get3A_438, %get3A_439] {strides = array<i32>} : memref<2x128x64xf32, #tpu.memory_space<vmem>>, vector<16xf32>,
      %mul3A_441 = arith.mulf %get3A_435, %get3A_440 : vector<16xf32>
      %get3A_442 = arith.constant 0 : i32
      %get3A_443 = arith.index_cast %get3A_442 : i32 to index
      %get3A_444 = arith.index_cast %add3A_430 : i32 to index
      %get3A_445 = arith.constant 16 : index
      %get3A_446 = tpu.vector_load %arg11[%get3A_443, %get3A_444, %get3A_445] {strides = array<i32>} : memref<2x128x64xf32, #tpu.memory_space<vmem>>, vector<16xf32>,
      %get3A_447 = arith.constant 0 : i32
      %get3A_448 = arith.index_cast %get3A_447 : i32 to index
      %get3A_449 = arith.index_cast %add3A_430 : i32 to index
      %get3A_450 = arith.constant 16 : index
      %get3A_451 = tpu.vector_load %arg12[%get3A_448, %get3A_449, %get3A_450] {strides = array<i32>} : memref<2x128x64xf32, #tpu.memory_space<vmem>>, vector<16xf32>,
      %mul3A_452 = arith.mulf %get3A_446, %get3A_451 : vector<16xf32>
      %add3A_453 = arith.addf %mul3A_441, %mul3A_452 : vector<16xf32>
      %get3A_454 = arith.constant 0 : i32
      %get3A_455 = arith.index_cast %get3A_454 : i32 to index
      %get3A_456 = arith.index_cast %add3A_430 : i32 to index
      %get3A_457 = arith.constant 32 : index
      %get3A_458 = tpu.vector_load %arg11[%get3A_455, %get3A_456, %get3A_457] {strides = array<i32>} : memref<2x128x64xf32, #tpu.memory_space<vmem>>, vector<16xf32>,
      %get3A_459 = arith.constant 0 : i32
      %get3A_460 = arith.index_cast %get3A_459 : i32 to index
      %get3A_461 = arith.index_cast %add3A_430 : i32 to index
      %get3A_462 = arith.constant 32 : index
      %get3A_463 = tpu.vector_load %arg12[%get3A_460, %get3A_461, %get3A_462] {strides = array<i32>} : memref<2x128x64xf32, #tpu.memory_space<vmem>>, vector<16xf32>,
      %mul3A_464 = arith.mulf %get3A_458, %get3A_463 : vector<16xf32>
      %add3A_465 = arith.addf %add3A_453, %mul3A_464 : vector<16xf32>
      %get3A_466 = arith.constant 0 : i32
      %get3A_467 = arith.index_cast %get3A_466 : i32 to index
      %get3A_468 = arith.index_cast %add3A_430 : i32 to index
      %get3A_469 = arith.constant 48 : index
      %get3A_470 = tpu.vector_load %arg11[%get3A_467, %get3A_468, %get3A_469] {strides = array<i32>} : memref<2x128x64xf32, #tpu.memory_space<vmem>>, vector<16xf32>,
      %get3A_471 = arith.constant 0 : i32
      %get3A_472 = arith.index_cast %get3A_471 : i32 to index
      %get3A_473 = arith.index_cast %add3A_430 : i32 to index
      %get3A_474 = arith.constant 48 : index
      %get3A_475 = tpu.vector_load %arg12[%get3A_472, %get3A_473, %get3A_474] {strides = array<i32>} : memref<2x128x64xf32, #tpu.memory_space<vmem>>, vector<16xf32>,
      %mul3A_476 = arith.mulf %get3A_470, %get3A_475 : vector<16xf32>
      %add3A_477 = arith.addf %add3A_465, %mul3A_476 : vector<16xf32>
      %mul3A_478 = arith.constant 17 : i32
      %mul3A_479 = vector.broadcast %mul3A_478 : i32 to vector<16xi32>
      %mul3A_480 = arith.muli %iota3A, %mul3A_479 : vector<16xi32>
      %add3A_481 = arith.constant 1 : i32
      %add3A_482 = vector.broadcast %add3A_481 : i32 to vector<16xi32>
      %add3A_483 = arith.addi %mul3A_480, %add3A_482 : vector<16xi32>
      tpu.vector_store_idx %arg16[%add3A_483], %add3A_477 : memref<272xf32, #tpu.memory_space<vmem>>[vector<16xi32>], vector<16xf32>,
      %add3A_484 = arith.constant 2 : i32
      %add3A_485 = arith.addi %mul3A_374, %add3A_484 : i32
      %get3A_486 = arith.constant 0 : i32
      %get3A_487 = arith.index_cast %get3A_486 : i32 to index
      %get3A_488 = arith.index_cast %add3A_485 : i32 to index
      %get3A_489 = arith.constant 0 : index
      %get3A_490 = tpu.vector_load %arg11[%get3A_487, %get3A_488, %get3A_489] {strides = array<i32>} : memref<2x128x64xf32, #tpu.memory_space<vmem>>, vector<16xf32>,
      %get3A_491 = arith.constant 0 : i32
      %get3A_492 = arith.index_cast %get3A_491 : i32 to index
      %get3A_493 = arith.index_cast %add3A_485 : i32 to index
      %get3A_494 = arith.constant 0 : index
      %get3A_495 = tpu.vector_load %arg12[%get3A_492, %get3A_493, %get3A_494] {strides = array<i32>} : memref<2x128x64xf32, #tpu.memory_space<vmem>>, vector<16xf32>,
      %mul3A_496 = arith.mulf %get3A_490, %get3A_495 : vector<16xf32>
      %get3A_497 = arith.constant 0 : i32
      %get3A_498 = arith.index_cast %get3A_497 : i32 to index
      %get3A_499 = arith.index_cast %add3A_485 : i32 to index
      %get3A_500 = arith.constant 16 : index
      %get3A_501 = tpu.vector_load %arg11[%get3A_498, %get3A_499, %get3A_500] {strides = array<i32>} : memref<2x128x64xf32, #tpu.memory_space<vmem>>, vector<16xf32>,
      %get3A_502 = arith.constant 0 : i32
      %get3A_503 = arith.index_cast %get3A_502 : i32 to index
      %get3A_504 = arith.index_cast %add3A_485 : i32 to index
      %get3A_505 = arith.constant 16 : index
      %get3A_506 = tpu.vector_load %arg12[%get3A_503, %get3A_504, %get3A_505] {strides = array<i32>} : memref<2x128x64xf32, #tpu.memory_space<vmem>>, vector<16xf32>,
      %mul3A_507 = arith.mulf %get3A_501, %get3A_506 : vector<16xf32>
      %add3A_508 = arith.addf %mul3A_496, %mul3A_507 : vector<16xf32>
      %get3A_509 = arith.constant 0 : i32
      %get3A_510 = arith.index_cast %get3A_509 : i32 to index
      %get3A_511 = arith.index_cast %add3A_485 : i32 to index
      %get3A_512 = arith.constant 32 : index
      %get3A_513 = tpu.vector_load %arg11[%get3A_510, %get3A_511, %get3A_512] {strides = array<i32>} : memref<2x128x64xf32, #tpu.memory_space<vmem>>, vector<16xf32>,
      %get3A_514 = arith.constant 0 : i32
      %get3A_515 = arith.index_cast %get3A_514 : i32 to index
      %get3A_516 = arith.index_cast %add3A_485 : i32 to index
      %get3A_517 = arith.constant 32 : index
      %get3A_518 = tpu.vector_load %arg12[%get3A_515, %get3A_516, %get3A_517] {strides = array<i32>} : memref<2x128x64xf32, #tpu.memory_space<vmem>>, vector<16xf32>,
      %mul3A_519 = arith.mulf %get3A_513, %get3A_518 : vector<16xf32>
      %add3A_520 = arith.addf %add3A_508, %mul3A_519 : vector<16xf32>
      %get3A_521 = arith.constant 0 : i32
      %get3A_522 = arith.index_cast %get3A_521 : i32 to index
      %get3A_523 = arith.index_cast %add3A_485 : i32 to index
      %get3A_524 = arith.constant 48 : index
      %get3A_525 = tpu.vector_load %arg11[%get3A_522, %get3A_523, %get3A_524] {strides = array<i32>} : memref<2x128x64xf32, #tpu.memory_space<vmem>>, vector<16xf32>,
      %get3A_526 = arith.constant 0 : i32
      %get3A_527 = arith.index_cast %get3A_526 : i32 to index
      %get3A_528 = arith.index_cast %add3A_485 : i32 to index
      %get3A_529 = arith.constant 48 : index
      %get3A_530 = tpu.vector_load %arg12[%get3A_527, %get3A_528, %get3A_529] {strides = array<i32>} : memref<2x128x64xf32, #tpu.memory_space<vmem>>, vector<16xf32>,
      %mul3A_531 = arith.mulf %get3A_525, %get3A_530 : vector<16xf32>
      %add3A_532 = arith.addf %add3A_520, %mul3A_531 : vector<16xf32>
      %mul3A_533 = arith.constant 17 : i32
      %mul3A_534 = vector.broadcast %mul3A_533 : i32 to vector<16xi32>
      %mul3A_535 = arith.muli %iota3A, %mul3A_534 : vector<16xi32>
      %add3A_536 = arith.constant 2 : i32
      %add3A_537 = vector.broadcast %add3A_536 : i32 to vector<16xi32>
      %add3A_538 = arith.addi %mul3A_535, %add3A_537 : vector<16xi32>
      tpu.vector_store_idx %arg16[%add3A_538], %add3A_532 : memref<272xf32, #tpu.memory_space<vmem>>[vector<16xi32>], vector<16xf32>,
      %add3A_539 = arith.constant 3 : i32
      %add3A_540 = arith.addi %mul3A_374, %add3A_539 : i32
      %get3A_541 = arith.constant 0 : i32
      %get3A_542 = arith.index_cast %get3A_541 : i32 to index
      %get3A_543 = arith.index_cast %add3A_540 : i32 to index
      %get3A_544 = arith.constant 0 : index
      %get3A_545 = tpu.vector_load %arg11[%get3A_542, %get3A_543, %get3A_544] {strides = array<i32>} : memref<2x128x64xf32, #tpu.memory_space<vmem>>, vector<16xf32>,
      %get3A_546 = arith.constant 0 : i32
      %get3A_547 = arith.index_cast %get3A_546 : i32 to index
      %get3A_548 = arith.index_cast %add3A_540 : i32 to index
      %get3A_549 = arith.constant 0 : index
      %get3A_550 = tpu.vector_load %arg12[%get3A_547, %get3A_548, %get3A_549] {strides = array<i32>} : memref<2x128x64xf32, #tpu.memory_space<vmem>>, vector<16xf32>,
      %mul3A_551 = arith.mulf %get3A_545, %get3A_550 : vector<16xf32>
      %get3A_552 = arith.constant 0 : i32
      %get3A_553 = arith.index_cast %get3A_552 : i32 to index
      %get3A_554 = arith.index_cast %add3A_540 : i32 to index
      %get3A_555 = arith.constant 16 : index
      %get3A_556 = tpu.vector_load %arg11[%get3A_553, %get3A_554, %get3A_555] {strides = array<i32>} : memref<2x128x64xf32, #tpu.memory_space<vmem>>, vector<16xf32>,
      %get3A_557 = arith.constant 0 : i32
      %get3A_558 = arith.index_cast %get3A_557 : i32 to index
      %get3A_559 = arith.index_cast %add3A_540 : i32 to index
      %get3A_560 = arith.constant 16 : index
      %get3A_561 = tpu.vector_load %arg12[%get3A_558, %get3A_559, %get3A_560] {strides = array<i32>} : memref<2x128x64xf32, #tpu.memory_space<vmem>>, vector<16xf32>,
      %mul3A_562 = arith.mulf %get3A_556, %get3A_561 : vector<16xf32>
      %add3A_563 = arith.addf %mul3A_551, %mul3A_562 : vector<16xf32>
      %get3A_564 = arith.constant 0 : i32
      %get3A_565 = arith.index_cast %get3A_564 : i32 to index
      %get3A_566 = arith.index_cast %add3A_540 : i32 to index
      %get3A_567 = arith.constant 32 : index
      %get3A_568 = tpu.vector_load %arg11[%get3A_565, %get3A_566, %get3A_567] {strides = array<i32>} : memref<2x128x64xf32, #tpu.memory_space<vmem>>, vector<16xf32>,
      %get3A_569 = arith.constant 0 : i32
      %get3A_570 = arith.index_cast %get3A_569 : i32 to index
      %get3A_571 = arith.index_cast %add3A_540 : i32 to index
      %get3A_572 = arith.constant 32 : index
      %get3A_573 = tpu.vector_load %arg12[%get3A_570, %get3A_571, %get3A_572] {strides = array<i32>} : memref<2x128x64xf32, #tpu.memory_space<vmem>>, vector<16xf32>,
      %mul3A_574 = arith.mulf %get3A_568, %get3A_573 : vector<16xf32>
      %add3A_575 = arith.addf %add3A_563, %mul3A_574 : vector<16xf32>
      %get3A_576 = arith.constant 0 : i32
      %get3A_577 = arith.index_cast %get3A_576 : i32 to index
      %get3A_578 = arith.index_cast %add3A_540 : i32 to index
      %get3A_579 = arith.constant 48 : index
      %get3A_580 = tpu.vector_load %arg11[%get3A_577, %get3A_578, %get3A_579] {strides = array<i32>} : memref<2x128x64xf32, #tpu.memory_space<vmem>>, vector<16xf32>,
      %get3A_581 = arith.constant 0 : i32
      %get3A_582 = arith.index_cast %get3A_581 : i32 to index
      %get3A_583 = arith.index_cast %add3A_540 : i32 to index
      %get3A_584 = arith.constant 48 : index
      %get3A_585 = tpu.vector_load %arg12[%get3A_582, %get3A_583, %get3A_584] {strides = array<i32>} : memref<2x128x64xf32, #tpu.memory_space<vmem>>, vector<16xf32>,
      %mul3A_586 = arith.mulf %get3A_580, %get3A_585 : vector<16xf32>
      %add3A_587 = arith.addf %add3A_575, %mul3A_586 : vector<16xf32>
      %mul3A_588 = arith.constant 17 : i32
      %mul3A_589 = vector.broadcast %mul3A_588 : i32 to vector<16xi32>
      %mul3A_590 = arith.muli %iota3A, %mul3A_589 : vector<16xi32>
      %add3A_591 = arith.constant 3 : i32
      %add3A_592 = vector.broadcast %add3A_591 : i32 to vector<16xi32>
      %add3A_593 = arith.addi %mul3A_590, %add3A_592 : vector<16xi32>
      tpu.vector_store_idx %arg16[%add3A_593], %add3A_587 : memref<272xf32, #tpu.memory_space<vmem>>[vector<16xi32>], vector<16xf32>,
      %add3A_594 = arith.constant 4 : i32
      %add3A_595 = arith.addi %mul3A_374, %add3A_594 : i32
      %get3A_596 = arith.constant 0 : i32
      %get3A_597 = arith.index_cast %get3A_596 : i32 to index
      %get3A_598 = arith.index_cast %add3A_595 : i32 to index
      %get3A_599 = arith.constant 0 : index
      %get3A_600 = tpu.vector_load %arg11[%get3A_597, %get3A_598, %get3A_599] {strides = array<i32>} : memref<2x128x64xf32, #tpu.memory_space<vmem>>, vector<16xf32>,
      %get3A_601 = arith.constant 0 : i32
      %get3A_602 = arith.index_cast %get3A_601 : i32 to index
      %get3A_603 = arith.index_cast %add3A_595 : i32 to index
      %get3A_604 = arith.constant 0 : index
      %get3A_605 = tpu.vector_load %arg12[%get3A_602, %get3A_603, %get3A_604] {strides = array<i32>} : memref<2x128x64xf32, #tpu.memory_space<vmem>>, vector<16xf32>,
      %mul3A_606 = arith.mulf %get3A_600, %get3A_605 : vector<16xf32>
      %get3A_607 = arith.constant 0 : i32
      %get3A_608 = arith.index_cast %get3A_607 : i32 to index
      %get3A_609 = arith.index_cast %add3A_595 : i32 to index
      %get3A_610 = arith.constant 16 : index
      %get3A_611 = tpu.vector_load %arg11[%get3A_608, %get3A_609, %get3A_610] {strides = array<i32>} : memref<2x128x64xf32, #tpu.memory_space<vmem>>, vector<16xf32>,
      %get3A_612 = arith.constant 0 : i32
      %get3A_613 = arith.index_cast %get3A_612 : i32 to index
      %get3A_614 = arith.index_cast %add3A_595 : i32 to index
      %get3A_615 = arith.constant 16 : index
      %get3A_616 = tpu.vector_load %arg12[%get3A_613, %get3A_614, %get3A_615] {strides = array<i32>} : memref<2x128x64xf32, #tpu.memory_space<vmem>>, vector<16xf32>,
      %mul3A_617 = arith.mulf %get3A_611, %get3A_616 : vector<16xf32>
      %add3A_618 = arith.addf %mul3A_606, %mul3A_617 : vector<16xf32>
      %get3A_619 = arith.constant 0 : i32
      %get3A_620 = arith.index_cast %get3A_619 : i32 to index
      %get3A_621 = arith.index_cast %add3A_595 : i32 to index
      %get3A_622 = arith.constant 32 : index
      %get3A_623 = tpu.vector_load %arg11[%get3A_620, %get3A_621, %get3A_622] {strides = array<i32>} : memref<2x128x64xf32, #tpu.memory_space<vmem>>, vector<16xf32>,
      %get3A_624 = arith.constant 0 : i32
      %get3A_625 = arith.index_cast %get3A_624 : i32 to index
      %get3A_626 = arith.index_cast %add3A_595 : i32 to index
      %get3A_627 = arith.constant 32 : index
      %get3A_628 = tpu.vector_load %arg12[%get3A_625, %get3A_626, %get3A_627] {strides = array<i32>} : memref<2x128x64xf32, #tpu.memory_space<vmem>>, vector<16xf32>,
      %mul3A_629 = arith.mulf %get3A_623, %get3A_628 : vector<16xf32>
      %add3A_630 = arith.addf %add3A_618, %mul3A_629 : vector<16xf32>
      %get3A_631 = arith.constant 0 : i32
      %get3A_632 = arith.index_cast %get3A_631 : i32 to index
      %get3A_633 = arith.index_cast %add3A_595 : i32 to index
      %get3A_634 = arith.constant 48 : index
      %get3A_635 = tpu.vector_load %arg11[%get3A_632, %get3A_633, %get3A_634] {strides = array<i32>} : memref<2x128x64xf32, #tpu.memory_space<vmem>>, vector<16xf32>,
      %get3A_636 = arith.constant 0 : i32
      %get3A_637 = arith.index_cast %get3A_636 : i32 to index
      %get3A_638 = arith.index_cast %add3A_595 : i32 to index
      %get3A_639 = arith.constant 48 : index
      %get3A_640 = tpu.vector_load %arg12[%get3A_637, %get3A_638, %get3A_639] {strides = array<i32>} : memref<2x128x64xf32, #tpu.memory_space<vmem>>, vector<16xf32>,
      %mul3A_641 = arith.mulf %get3A_635, %get3A_640 : vector<16xf32>
      %add3A_642 = arith.addf %add3A_630, %mul3A_641 : vector<16xf32>
      %mul3A_643 = arith.constant 17 : i32
      %mul3A_644 = vector.broadcast %mul3A_643 : i32 to vector<16xi32>
      %mul3A_645 = arith.muli %iota3A, %mul3A_644 : vector<16xi32>
      %add3A_646 = arith.constant 4 : i32
      %add3A_647 = vector.broadcast %add3A_646 : i32 to vector<16xi32>
      %add3A_648 = arith.addi %mul3A_645, %add3A_647 : vector<16xi32>
      tpu.vector_store_idx %arg16[%add3A_648], %add3A_642 : memref<272xf32, #tpu.memory_space<vmem>>[vector<16xi32>], vector<16xf32>,
      %add3A_649 = arith.constant 5 : i32
      %add3A_650 = arith.addi %mul3A_374, %add3A_649 : i32
      %get3A_651 = arith.constant 0 : i32
      %get3A_652 = arith.index_cast %get3A_651 : i32 to index
      %get3A_653 = arith.index_cast %add3A_650 : i32 to index
      %get3A_654 = arith.constant 0 : index
      %get3A_655 = tpu.vector_load %arg11[%get3A_652, %get3A_653, %get3A_654] {strides = array<i32>} : memref<2x128x64xf32, #tpu.memory_space<vmem>>, vector<16xf32>,
      %get3A_656 = arith.constant 0 : i32
      %get3A_657 = arith.index_cast %get3A_656 : i32 to index
      %get3A_658 = arith.index_cast %add3A_650 : i32 to index
      %get3A_659 = arith.constant 0 : index
      %get3A_660 = tpu.vector_load %arg12[%get3A_657, %get3A_658, %get3A_659] {strides = array<i32>} : memref<2x128x64xf32, #tpu.memory_space<vmem>>, vector<16xf32>,
      %mul3A_661 = arith.mulf %get3A_655, %get3A_660 : vector<16xf32>
      %get3A_662 = arith.constant 0 : i32
      %get3A_663 = arith.index_cast %get3A_662 : i32 to index
      %get3A_664 = arith.index_cast %add3A_650 : i32 to index
      %get3A_665 = arith.constant 16 : index
      %get3A_666 = tpu.vector_load %arg11[%get3A_663, %get3A_664, %get3A_665] {strides = array<i32>} : memref<2x128x64xf32, #tpu.memory_space<vmem>>, vector<16xf32>,
      %get3A_667 = arith.constant 0 : i32
      %get3A_668 = arith.index_cast %get3A_667 : i32 to index
      %get3A_669 = arith.index_cast %add3A_650 : i32 to index
      %get3A_670 = arith.constant 16 : index
      %get3A_671 = tpu.vector_load %arg12[%get3A_668, %get3A_669, %get3A_670] {strides = array<i32>} : memref<2x128x64xf32, #tpu.memory_space<vmem>>, vector<16xf32>,
      %mul3A_672 = arith.mulf %get3A_666, %get3A_671 : vector<16xf32>
      %add3A_673 = arith.addf %mul3A_661, %mul3A_672 : vector<16xf32>
      %get3A_674 = arith.constant 0 : i32
      %get3A_675 = arith.index_cast %get3A_674 : i32 to index
      %get3A_676 = arith.index_cast %add3A_650 : i32 to index
      %get3A_677 = arith.constant 32 : index
      %get3A_678 = tpu.vector_load %arg11[%get3A_675, %get3A_676, %get3A_677] {strides = array<i32>} : memref<2x128x64xf32, #tpu.memory_space<vmem>>, vector<16xf32>,
      %get3A_679 = arith.constant 0 : i32
      %get3A_680 = arith.index_cast %get3A_679 : i32 to index
      %get3A_681 = arith.index_cast %add3A_650 : i32 to index
      %get3A_682 = arith.constant 32 : index
      %get3A_683 = tpu.vector_load %arg12[%get3A_680, %get3A_681, %get3A_682] {strides = array<i32>} : memref<2x128x64xf32, #tpu.memory_space<vmem>>, vector<16xf32>,
      %mul3A_684 = arith.mulf %get3A_678, %get3A_683 : vector<16xf32>
      %add3A_685 = arith.addf %add3A_673, %mul3A_684 : vector<16xf32>
      %get3A_686 = arith.constant 0 : i32
      %get3A_687 = arith.index_cast %get3A_686 : i32 to index
      %get3A_688 = arith.index_cast %add3A_650 : i32 to index
      %get3A_689 = arith.constant 48 : index
      %get3A_690 = tpu.vector_load %arg11[%get3A_687, %get3A_688, %get3A_689] {strides = array<i32>} : memref<2x128x64xf32, #tpu.memory_space<vmem>>, vector<16xf32>,
      %get3A_691 = arith.constant 0 : i32
      %get3A_692 = arith.index_cast %get3A_691 : i32 to index
      %get3A_693 = arith.index_cast %add3A_650 : i32 to index
      %get3A_694 = arith.constant 48 : index
      %get3A_695 = tpu.vector_load %arg12[%get3A_692, %get3A_693, %get3A_694] {strides = array<i32>} : memref<2x128x64xf32, #tpu.memory_space<vmem>>, vector<16xf32>,
      %mul3A_696 = arith.mulf %get3A_690, %get3A_695 : vector<16xf32>
      %add3A_697 = arith.addf %add3A_685, %mul3A_696 : vector<16xf32>
      %mul3A_698 = arith.constant 17 : i32
      %mul3A_699 = vector.broadcast %mul3A_698 : i32 to vector<16xi32>
      %mul3A_700 = arith.muli %iota3A, %mul3A_699 : vector<16xi32>
      %add3A_701 = arith.constant 5 : i32
      %add3A_702 = vector.broadcast %add3A_701 : i32 to vector<16xi32>
      %add3A_703 = arith.addi %mul3A_700, %add3A_702 : vector<16xi32>
      tpu.vector_store_idx %arg16[%add3A_703], %add3A_697 : memref<272xf32, #tpu.memory_space<vmem>>[vector<16xi32>], vector<16xf32>,
      %add3A_704 = arith.constant 6 : i32
      %add3A_705 = arith.addi %mul3A_374, %add3A_704 : i32
      %get3A_706 = arith.constant 0 : i32
      %get3A_707 = arith.index_cast %get3A_706 : i32 to index
      %get3A_708 = arith.index_cast %add3A_705 : i32 to index
      %get3A_709 = arith.constant 0 : index
      %get3A_710 = tpu.vector_load %arg11[%get3A_707, %get3A_708, %get3A_709] {strides = array<i32>} : memref<2x128x64xf32, #tpu.memory_space<vmem>>, vector<16xf32>,
      %get3A_711 = arith.constant 0 : i32
      %get3A_712 = arith.index_cast %get3A_711 : i32 to index
      %get3A_713 = arith.index_cast %add3A_705 : i32 to index
      %get3A_714 = arith.constant 0 : index
      %get3A_715 = tpu.vector_load %arg12[%get3A_712, %get3A_713, %get3A_714] {strides = array<i32>} : memref<2x128x64xf32, #tpu.memory_space<vmem>>, vector<16xf32>,
      %mul3A_716 = arith.mulf %get3A_710, %get3A_715 : vector<16xf32>
      %get3A_717 = arith.constant 0 : i32
      %get3A_718 = arith.index_cast %get3A_717 : i32 to index
      %get3A_719 = arith.index_cast %add3A_705 : i32 to index
      %get3A_720 = arith.constant 16 : index
      %get3A_721 = tpu.vector_load %arg11[%get3A_718, %get3A_719, %get3A_720] {strides = array<i32>} : memref<2x128x64xf32, #tpu.memory_space<vmem>>, vector<16xf32>,
      %get3A_722 = arith.constant 0 : i32
      %get3A_723 = arith.index_cast %get3A_722 : i32 to index
      %get3A_724 = arith.index_cast %add3A_705 : i32 to index
      %get3A_725 = arith.constant 16 : index
      %get3A_726 = tpu.vector_load %arg12[%get3A_723, %get3A_724, %get3A_725] {strides = array<i32>} : memref<2x128x64xf32, #tpu.memory_space<vmem>>, vector<16xf32>,
      %mul3A_727 = arith.mulf %get3A_721, %get3A_726 : vector<16xf32>
      %add3A_728 = arith.addf %mul3A_716, %mul3A_727 : vector<16xf32>
      %get3A_729 = arith.constant 0 : i32
      %get3A_730 = arith.index_cast %get3A_729 : i32 to index
      %get3A_731 = arith.index_cast %add3A_705 : i32 to index
      %get3A_732 = arith.constant 32 : index
      %get3A_733 = tpu.vector_load %arg11[%get3A_730, %get3A_731, %get3A_732] {strides = array<i32>} : memref<2x128x64xf32, #tpu.memory_space<vmem>>, vector<16xf32>,
      %get3A_734 = arith.constant 0 : i32
      %get3A_735 = arith.index_cast %get3A_734 : i32 to index
      %get3A_736 = arith.index_cast %add3A_705 : i32 to index
      %get3A_737 = arith.constant 32 : index
      %get3A_738 = tpu.vector_load %arg12[%get3A_735, %get3A_736, %get3A_737] {strides = array<i32>} : memref<2x128x64xf32, #tpu.memory_space<vmem>>, vector<16xf32>,
      %mul3A_739 = arith.mulf %get3A_733, %get3A_738 : vector<16xf32>
      %add3A_740 = arith.addf %add3A_728, %mul3A_739 : vector<16xf32>
      %get3A_741 = arith.constant 0 : i32
      %get3A_742 = arith.index_cast %get3A_741 : i32 to index
      %get3A_743 = arith.index_cast %add3A_705 : i32 to index
      %get3A_744 = arith.constant 48 : index
      %get3A_745 = tpu.vector_load %arg11[%get3A_742, %get3A_743, %get3A_744] {strides = array<i32>} : memref<2x128x64xf32, #tpu.memory_space<vmem>>, vector<16xf32>,
      %get3A_746 = arith.constant 0 : i32
      %get3A_747 = arith.index_cast %get3A_746 : i32 to index
      %get3A_748 = arith.index_cast %add3A_705 : i32 to index
      %get3A_749 = arith.constant 48 : index
      %get3A_750 = tpu.vector_load %arg12[%get3A_747, %get3A_748, %get3A_749] {strides = array<i32>} : memref<2x128x64xf32, #tpu.memory_space<vmem>>, vector<16xf32>,
      %mul3A_751 = arith.mulf %get3A_745, %get3A_750 : vector<16xf32>
      %add3A_752 = arith.addf %add3A_740, %mul3A_751 : vector<16xf32>
      %mul3A_753 = arith.constant 17 : i32
      %mul3A_754 = vector.broadcast %mul3A_753 : i32 to vector<16xi32>
      %mul3A_755 = arith.muli %iota3A, %mul3A_754 : vector<16xi32>
      %add3A_756 = arith.constant 6 : i32
      %add3A_757 = vector.broadcast %add3A_756 : i32 to vector<16xi32>
      %add3A_758 = arith.addi %mul3A_755, %add3A_757 : vector<16xi32>
      tpu.vector_store_idx %arg16[%add3A_758], %add3A_752 : memref<272xf32, #tpu.memory_space<vmem>>[vector<16xi32>], vector<16xf32>,
      %add3A_759 = arith.constant 7 : i32
      %add3A_760 = arith.addi %mul3A_374, %add3A_759 : i32
      %get3A_761 = arith.constant 0 : i32
      %get3A_762 = arith.index_cast %get3A_761 : i32 to index
      %get3A_763 = arith.index_cast %add3A_760 : i32 to index
      %get3A_764 = arith.constant 0 : index
      %get3A_765 = tpu.vector_load %arg11[%get3A_762, %get3A_763, %get3A_764] {strides = array<i32>} : memref<2x128x64xf32, #tpu.memory_space<vmem>>, vector<16xf32>,
      %get3A_766 = arith.constant 0 : i32
      %get3A_767 = arith.index_cast %get3A_766 : i32 to index
      %get3A_768 = arith.index_cast %add3A_760 : i32 to index
      %get3A_769 = arith.constant 0 : index
      %get3A_770 = tpu.vector_load %arg12[%get3A_767, %get3A_768, %get3A_769] {strides = array<i32>} : memref<2x128x64xf32, #tpu.memory_space<vmem>>, vector<16xf32>,
      %mul3A_771 = arith.mulf %get3A_765, %get3A_770 : vector<16xf32>
      %get3A_772 = arith.constant 0 : i32
      %get3A_773 = arith.index_cast %get3A_772 : i32 to index
      %get3A_774 = arith.index_cast %add3A_760 : i32 to index
      %get3A_775 = arith.constant 16 : index
      %get3A_776 = tpu.vector_load %arg11[%get3A_773, %get3A_774, %get3A_775] {strides = array<i32>} : memref<2x128x64xf32, #tpu.memory_space<vmem>>, vector<16xf32>,
      %get3A_777 = arith.constant 0 : i32
      %get3A_778 = arith.index_cast %get3A_777 : i32 to index
      %get3A_779 = arith.index_cast %add3A_760 : i32 to index
      %get3A_780 = arith.constant 16 : index
      %get3A_781 = tpu.vector_load %arg12[%get3A_778, %get3A_779, %get3A_780] {strides = array<i32>} : memref<2x128x64xf32, #tpu.memory_space<vmem>>, vector<16xf32>,
      %mul3A_782 = arith.mulf %get3A_776, %get3A_781 : vector<16xf32>
      %add3A_783 = arith.addf %mul3A_771, %mul3A_782 : vector<16xf32>
      %get3A_784 = arith.constant 0 : i32
      %get3A_785 = arith.index_cast %get3A_784 : i32 to index
      %get3A_786 = arith.index_cast %add3A_760 : i32 to index
      %get3A_787 = arith.constant 32 : index
      %get3A_788 = tpu.vector_load %arg11[%get3A_785, %get3A_786, %get3A_787] {strides = array<i32>} : memref<2x128x64xf32, #tpu.memory_space<vmem>>, vector<16xf32>,
      %get3A_789 = arith.constant 0 : i32
      %get3A_790 = arith.index_cast %get3A_789 : i32 to index
      %get3A_791 = arith.index_cast %add3A_760 : i32 to index
      %get3A_792 = arith.constant 32 : index
      %get3A_793 = tpu.vector_load %arg12[%get3A_790, %get3A_791, %get3A_792] {strides = array<i32>} : memref<2x128x64xf32, #tpu.memory_space<vmem>>, vector<16xf32>,
      %mul3A_794 = arith.mulf %get3A_788, %get3A_793 : vector<16xf32>
      %add3A_795 = arith.addf %add3A_783, %mul3A_794 : vector<16xf32>
      %get3A_796 = arith.constant 0 : i32
      %get3A_797 = arith.index_cast %get3A_796 : i32 to index
      %get3A_798 = arith.index_cast %add3A_760 : i32 to index
      %get3A_799 = arith.constant 48 : index
      %get3A_800 = tpu.vector_load %arg11[%get3A_797, %get3A_798, %get3A_799] {strides = array<i32>} : memref<2x128x64xf32, #tpu.memory_space<vmem>>, vector<16xf32>,
      %get3A_801 = arith.constant 0 : i32
      %get3A_802 = arith.index_cast %get3A_801 : i32 to index
      %get3A_803 = arith.index_cast %add3A_760 : i32 to index
      %get3A_804 = arith.constant 48 : index
      %get3A_805 = tpu.vector_load %arg12[%get3A_802, %get3A_803, %get3A_804] {strides = array<i32>} : memref<2x128x64xf32, #tpu.memory_space<vmem>>, vector<16xf32>,
      %mul3A_806 = arith.mulf %get3A_800, %get3A_805 : vector<16xf32>
      %add3A_807 = arith.addf %add3A_795, %mul3A_806 : vector<16xf32>
      %mul3A_808 = arith.constant 17 : i32
      %mul3A_809 = vector.broadcast %mul3A_808 : i32 to vector<16xi32>
      %mul3A_810 = arith.muli %iota3A, %mul3A_809 : vector<16xi32>
      %add3A_811 = arith.constant 7 : i32
      %add3A_812 = vector.broadcast %add3A_811 : i32 to vector<16xi32>
      %add3A_813 = arith.addi %mul3A_810, %add3A_812 : vector<16xi32>
      tpu.vector_store_idx %arg16[%add3A_813], %add3A_807 : memref<272xf32, #tpu.memory_space<vmem>>[vector<16xi32>], vector<16xf32>,
      %add3A_814 = arith.constant 8 : i32
      %add3A_815 = arith.addi %mul3A_374, %add3A_814 : i32
      %get3A_816 = arith.constant 0 : i32
      %get3A_817 = arith.index_cast %get3A_816 : i32 to index
      %get3A_818 = arith.index_cast %add3A_815 : i32 to index
      %get3A_819 = arith.constant 0 : index
      %get3A_820 = tpu.vector_load %arg11[%get3A_817, %get3A_818, %get3A_819] {strides = array<i32>} : memref<2x128x64xf32, #tpu.memory_space<vmem>>, vector<16xf32>,
      %get3A_821 = arith.constant 0 : i32
      %get3A_822 = arith.index_cast %get3A_821 : i32 to index
      %get3A_823 = arith.index_cast %add3A_815 : i32 to index
      %get3A_824 = arith.constant 0 : index
      %get3A_825 = tpu.vector_load %arg12[%get3A_822, %get3A_823, %get3A_824] {strides = array<i32>} : memref<2x128x64xf32, #tpu.memory_space<vmem>>, vector<16xf32>,
      %mul3A_826 = arith.mulf %get3A_820, %get3A_825 : vector<16xf32>
      %get3A_827 = arith.constant 0 : i32
      %get3A_828 = arith.index_cast %get3A_827 : i32 to index
      %get3A_829 = arith.index_cast %add3A_815 : i32 to index
      %get3A_830 = arith.constant 16 : index
      %get3A_831 = tpu.vector_load %arg11[%get3A_828, %get3A_829, %get3A_830] {strides = array<i32>} : memref<2x128x64xf32, #tpu.memory_space<vmem>>, vector<16xf32>,
      %get3A_832 = arith.constant 0 : i32
      %get3A_833 = arith.index_cast %get3A_832 : i32 to index
      %get3A_834 = arith.index_cast %add3A_815 : i32 to index
      %get3A_835 = arith.constant 16 : index
      %get3A_836 = tpu.vector_load %arg12[%get3A_833, %get3A_834, %get3A_835] {strides = array<i32>} : memref<2x128x64xf32, #tpu.memory_space<vmem>>, vector<16xf32>,
      %mul3A_837 = arith.mulf %get3A_831, %get3A_836 : vector<16xf32>
      %add3A_838 = arith.addf %mul3A_826, %mul3A_837 : vector<16xf32>
      %get3A_839 = arith.constant 0 : i32
      %get3A_840 = arith.index_cast %get3A_839 : i32 to index
      %get3A_841 = arith.index_cast %add3A_815 : i32 to index
      %get3A_842 = arith.constant 32 : index
      %get3A_843 = tpu.vector_load %arg11[%get3A_840, %get3A_841, %get3A_842] {strides = array<i32>} : memref<2x128x64xf32, #tpu.memory_space<vmem>>, vector<16xf32>,
      %get3A_844 = arith.constant 0 : i32
      %get3A_845 = arith.index_cast %get3A_844 : i32 to index
      %get3A_846 = arith.index_cast %add3A_815 : i32 to index
      %get3A_847 = arith.constant 32 : index
      %get3A_848 = tpu.vector_load %arg12[%get3A_845, %get3A_846, %get3A_847] {strides = array<i32>} : memref<2x128x64xf32, #tpu.memory_space<vmem>>, vector<16xf32>,
      %mul3A_849 = arith.mulf %get3A_843, %get3A_848 : vector<16xf32>
      %add3A_850 = arith.addf %add3A_838, %mul3A_849 : vector<16xf32>
      %get3A_851 = arith.constant 0 : i32
      %get3A_852 = arith.index_cast %get3A_851 : i32 to index
      %get3A_853 = arith.index_cast %add3A_815 : i32 to index
      %get3A_854 = arith.constant 48 : index
      %get3A_855 = tpu.vector_load %arg11[%get3A_852, %get3A_853, %get3A_854] {strides = array<i32>} : memref<2x128x64xf32, #tpu.memory_space<vmem>>, vector<16xf32>,
      %get3A_856 = arith.constant 0 : i32
      %get3A_857 = arith.index_cast %get3A_856 : i32 to index
      %get3A_858 = arith.index_cast %add3A_815 : i32 to index
      %get3A_859 = arith.constant 48 : index
      %get3A_860 = tpu.vector_load %arg12[%get3A_857, %get3A_858, %get3A_859] {strides = array<i32>} : memref<2x128x64xf32, #tpu.memory_space<vmem>>, vector<16xf32>,
      %mul3A_861 = arith.mulf %get3A_855, %get3A_860 : vector<16xf32>
      %add3A_862 = arith.addf %add3A_850, %mul3A_861 : vector<16xf32>
      %mul3A_863 = arith.constant 17 : i32
      %mul3A_864 = vector.broadcast %mul3A_863 : i32 to vector<16xi32>
      %mul3A_865 = arith.muli %iota3A, %mul3A_864 : vector<16xi32>
      %add3A_866 = arith.constant 8 : i32
      %add3A_867 = vector.broadcast %add3A_866 : i32 to vector<16xi32>
      %add3A_868 = arith.addi %mul3A_865, %add3A_867 : vector<16xi32>
      tpu.vector_store_idx %arg16[%add3A_868], %add3A_862 : memref<272xf32, #tpu.memory_space<vmem>>[vector<16xi32>], vector<16xf32>,
      %add3A_869 = arith.constant 9 : i32
      %add3A_870 = arith.addi %mul3A_374, %add3A_869 : i32
      %get3A_871 = arith.constant 0 : i32
      %get3A_872 = arith.index_cast %get3A_871 : i32 to index
      %get3A_873 = arith.index_cast %add3A_870 : i32 to index
      %get3A_874 = arith.constant 0 : index
      %get3A_875 = tpu.vector_load %arg11[%get3A_872, %get3A_873, %get3A_874] {strides = array<i32>} : memref<2x128x64xf32, #tpu.memory_space<vmem>>, vector<16xf32>,
      %get3A_876 = arith.constant 0 : i32
      %get3A_877 = arith.index_cast %get3A_876 : i32 to index
      %get3A_878 = arith.index_cast %add3A_870 : i32 to index
      %get3A_879 = arith.constant 0 : index
      %get3A_880 = tpu.vector_load %arg12[%get3A_877, %get3A_878, %get3A_879] {strides = array<i32>} : memref<2x128x64xf32, #tpu.memory_space<vmem>>, vector<16xf32>,
      %mul3A_881 = arith.mulf %get3A_875, %get3A_880 : vector<16xf32>
      %get3A_882 = arith.constant 0 : i32
      %get3A_883 = arith.index_cast %get3A_882 : i32 to index
      %get3A_884 = arith.index_cast %add3A_870 : i32 to index
      %get3A_885 = arith.constant 16 : index
      %get3A_886 = tpu.vector_load %arg11[%get3A_883, %get3A_884, %get3A_885] {strides = array<i32>} : memref<2x128x64xf32, #tpu.memory_space<vmem>>, vector<16xf32>,
      %get3A_887 = arith.constant 0 : i32
      %get3A_888 = arith.index_cast %get3A_887 : i32 to index
      %get3A_889 = arith.index_cast %add3A_870 : i32 to index
      %get3A_890 = arith.constant 16 : index
      %get3A_891 = tpu.vector_load %arg12[%get3A_888, %get3A_889, %get3A_890] {strides = array<i32>} : memref<2x128x64xf32, #tpu.memory_space<vmem>>, vector<16xf32>,
      %mul3A_892 = arith.mulf %get3A_886, %get3A_891 : vector<16xf32>
      %add3A_893 = arith.addf %mul3A_881, %mul3A_892 : vector<16xf32>
      %get3A_894 = arith.constant 0 : i32
      %get3A_895 = arith.index_cast %get3A_894 : i32 to index
      %get3A_896 = arith.index_cast %add3A_870 : i32 to index
      %get3A_897 = arith.constant 32 : index
      %get3A_898 = tpu.vector_load %arg11[%get3A_895, %get3A_896, %get3A_897] {strides = array<i32>} : memref<2x128x64xf32, #tpu.memory_space<vmem>>, vector<16xf32>,
      %get3A_899 = arith.constant 0 : i32
      %get3A_900 = arith.index_cast %get3A_899 : i32 to index
      %get3A_901 = arith.index_cast %add3A_870 : i32 to index
      %get3A_902 = arith.constant 32 : index
      %get3A_903 = tpu.vector_load %arg12[%get3A_900, %get3A_901, %get3A_902] {strides = array<i32>} : memref<2x128x64xf32, #tpu.memory_space<vmem>>, vector<16xf32>,
      %mul3A_904 = arith.mulf %get3A_898, %get3A_903 : vector<16xf32>
      %add3A_905 = arith.addf %add3A_893, %mul3A_904 : vector<16xf32>
      %get3A_906 = arith.constant 0 : i32
      %get3A_907 = arith.index_cast %get3A_906 : i32 to index
      %get3A_908 = arith.index_cast %add3A_870 : i32 to index
      %get3A_909 = arith.constant 48 : index
      %get3A_910 = tpu.vector_load %arg11[%get3A_907, %get3A_908, %get3A_909] {strides = array<i32>} : memref<2x128x64xf32, #tpu.memory_space<vmem>>, vector<16xf32>,
      %get3A_911 = arith.constant 0 : i32
      %get3A_912 = arith.index_cast %get3A_911 : i32 to index
      %get3A_913 = arith.index_cast %add3A_870 : i32 to index
      %get3A_914 = arith.constant 48 : index
      %get3A_915 = tpu.vector_load %arg12[%get3A_912, %get3A_913, %get3A_914] {strides = array<i32>} : memref<2x128x64xf32, #tpu.memory_space<vmem>>, vector<16xf32>,
      %mul3A_916 = arith.mulf %get3A_910, %get3A_915 : vector<16xf32>
      %add3A_917 = arith.addf %add3A_905, %mul3A_916 : vector<16xf32>
      %mul3A_918 = arith.constant 17 : i32
      %mul3A_919 = vector.broadcast %mul3A_918 : i32 to vector<16xi32>
      %mul3A_920 = arith.muli %iota3A, %mul3A_919 : vector<16xi32>
      %add3A_921 = arith.constant 9 : i32
      %add3A_922 = vector.broadcast %add3A_921 : i32 to vector<16xi32>
      %add3A_923 = arith.addi %mul3A_920, %add3A_922 : vector<16xi32>
      tpu.vector_store_idx %arg16[%add3A_923], %add3A_917 : memref<272xf32, #tpu.memory_space<vmem>>[vector<16xi32>], vector<16xf32>,
      %add3A_924 = arith.constant 10 : i32
      %add3A_925 = arith.addi %mul3A_374, %add3A_924 : i32
      %get3A_926 = arith.constant 0 : i32
      %get3A_927 = arith.index_cast %get3A_926 : i32 to index
      %get3A_928 = arith.index_cast %add3A_925 : i32 to index
      %get3A_929 = arith.constant 0 : index
      %get3A_930 = tpu.vector_load %arg11[%get3A_927, %get3A_928, %get3A_929] {strides = array<i32>} : memref<2x128x64xf32, #tpu.memory_space<vmem>>, vector<16xf32>,
      %get3A_931 = arith.constant 0 : i32
      %get3A_932 = arith.index_cast %get3A_931 : i32 to index
      %get3A_933 = arith.index_cast %add3A_925 : i32 to index
      %get3A_934 = arith.constant 0 : index
      %get3A_935 = tpu.vector_load %arg12[%get3A_932, %get3A_933, %get3A_934] {strides = array<i32>} : memref<2x128x64xf32, #tpu.memory_space<vmem>>, vector<16xf32>,
      %mul3A_936 = arith.mulf %get3A_930, %get3A_935 : vector<16xf32>
      %get3A_937 = arith.constant 0 : i32
      %get3A_938 = arith.index_cast %get3A_937 : i32 to index
      %get3A_939 = arith.index_cast %add3A_925 : i32 to index
      %get3A_940 = arith.constant 16 : index
      %get3A_941 = tpu.vector_load %arg11[%get3A_938, %get3A_939, %get3A_940] {strides = array<i32>} : memref<2x128x64xf32, #tpu.memory_space<vmem>>, vector<16xf32>,
      %get3A_942 = arith.constant 0 : i32
      %get3A_943 = arith.index_cast %get3A_942 : i32 to index
      %get3A_944 = arith.index_cast %add3A_925 : i32 to index
      %get3A_945 = arith.constant 16 : index
      %get3A_946 = tpu.vector_load %arg12[%get3A_943, %get3A_944, %get3A_945] {strides = array<i32>} : memref<2x128x64xf32, #tpu.memory_space<vmem>>, vector<16xf32>,
      %mul3A_947 = arith.mulf %get3A_941, %get3A_946 : vector<16xf32>
      %add3A_948 = arith.addf %mul3A_936, %mul3A_947 : vector<16xf32>
      %get3A_949 = arith.constant 0 : i32
      %get3A_950 = arith.index_cast %get3A_949 : i32 to index
      %get3A_951 = arith.index_cast %add3A_925 : i32 to index
      %get3A_952 = arith.constant 32 : index
      %get3A_953 = tpu.vector_load %arg11[%get3A_950, %get3A_951, %get3A_952] {strides = array<i32>} : memref<2x128x64xf32, #tpu.memory_space<vmem>>, vector<16xf32>,
      %get3A_954 = arith.constant 0 : i32
      %get3A_955 = arith.index_cast %get3A_954 : i32 to index
      %get3A_956 = arith.index_cast %add3A_925 : i32 to index
      %get3A_957 = arith.constant 32 : index
      %get3A_958 = tpu.vector_load %arg12[%get3A_955, %get3A_956, %get3A_957] {strides = array<i32>} : memref<2x128x64xf32, #tpu.memory_space<vmem>>, vector<16xf32>,
      %mul3A_959 = arith.mulf %get3A_953, %get3A_958 : vector<16xf32>
      %add3A_960 = arith.addf %add3A_948, %mul3A_959 : vector<16xf32>
      %get3A_961 = arith.constant 0 : i32
      %get3A_962 = arith.index_cast %get3A_961 : i32 to index
      %get3A_963 = arith.index_cast %add3A_925 : i32 to index
      %get3A_964 = arith.constant 48 : index
      %get3A_965 = tpu.vector_load %arg11[%get3A_962, %get3A_963, %get3A_964] {strides = array<i32>} : memref<2x128x64xf32, #tpu.memory_space<vmem>>, vector<16xf32>,
      %get3A_966 = arith.constant 0 : i32
      %get3A_967 = arith.index_cast %get3A_966 : i32 to index
      %get3A_968 = arith.index_cast %add3A_925 : i32 to index
      %get3A_969 = arith.constant 48 : index
      %get3A_970 = tpu.vector_load %arg12[%get3A_967, %get3A_968, %get3A_969] {strides = array<i32>} : memref<2x128x64xf32, #tpu.memory_space<vmem>>, vector<16xf32>,
      %mul3A_971 = arith.mulf %get3A_965, %get3A_970 : vector<16xf32>
      %add3A_972 = arith.addf %add3A_960, %mul3A_971 : vector<16xf32>
      %mul3A_973 = arith.constant 17 : i32
      %mul3A_974 = vector.broadcast %mul3A_973 : i32 to vector<16xi32>
      %mul3A_975 = arith.muli %iota3A, %mul3A_974 : vector<16xi32>
      %add3A_976 = arith.constant 10 : i32
      %add3A_977 = vector.broadcast %add3A_976 : i32 to vector<16xi32>
      %add3A_978 = arith.addi %mul3A_975, %add3A_977 : vector<16xi32>
      tpu.vector_store_idx %arg16[%add3A_978], %add3A_972 : memref<272xf32, #tpu.memory_space<vmem>>[vector<16xi32>], vector<16xf32>,
      %add3A_979 = arith.constant 11 : i32
      %add3A_980 = arith.addi %mul3A_374, %add3A_979 : i32
      %get3A_981 = arith.constant 0 : i32
      %get3A_982 = arith.index_cast %get3A_981 : i32 to index
      %get3A_983 = arith.index_cast %add3A_980 : i32 to index
      %get3A_984 = arith.constant 0 : index
      %get3A_985 = tpu.vector_load %arg11[%get3A_982, %get3A_983, %get3A_984] {strides = array<i32>} : memref<2x128x64xf32, #tpu.memory_space<vmem>>, vector<16xf32>,
      %get3A_986 = arith.constant 0 : i32
      %get3A_987 = arith.index_cast %get3A_986 : i32 to index
      %get3A_988 = arith.index_cast %add3A_980 : i32 to index
      %get3A_989 = arith.constant 0 : index
      %get3A_990 = tpu.vector_load %arg12[%get3A_987, %get3A_988, %get3A_989] {strides = array<i32>} : memref<2x128x64xf32, #tpu.memory_space<vmem>>, vector<16xf32>,
      %mul3A_991 = arith.mulf %get3A_985, %get3A_990 : vector<16xf32>
      %get3A_992 = arith.constant 0 : i32
      %get3A_993 = arith.index_cast %get3A_992 : i32 to index
      %get3A_994 = arith.index_cast %add3A_980 : i32 to index
      %get3A_995 = arith.constant 16 : index
      %get3A_996 = tpu.vector_load %arg11[%get3A_993, %get3A_994, %get3A_995] {strides = array<i32>} : memref<2x128x64xf32, #tpu.memory_space<vmem>>, vector<16xf32>,
      %get3A_997 = arith.constant 0 : i32
      %get3A_998 = arith.index_cast %get3A_997 : i32 to index
      %get3A_999 = arith.index_cast %add3A_980 : i32 to index
      %get3A_1000 = arith.constant 16 : index
      %get3A_1001 = tpu.vector_load %arg12[%get3A_998, %get3A_999, %get3A_1000] {strides = array<i32>} : memref<2x128x64xf32, #tpu.memory_space<vmem>>, vector<16xf32>,
      %mul3A_1002 = arith.mulf %get3A_996, %get3A_1001 : vector<16xf32>
      %add3A_1003 = arith.addf %mul3A_991, %mul3A_1002 : vector<16xf32>
      %get3A_1004 = arith.constant 0 : i32
      %get3A_1005 = arith.index_cast %get3A_1004 : i32 to index
      %get3A_1006 = arith.index_cast %add3A_980 : i32 to index
      %get3A_1007 = arith.constant 32 : index
      %get3A_1008 = tpu.vector_load %arg11[%get3A_1005, %get3A_1006, %get3A_1007] {strides = array<i32>} : memref<2x128x64xf32, #tpu.memory_space<vmem>>, vector<16xf32>,
      %get3A_1009 = arith.constant 0 : i32
      %get3A_1010 = arith.index_cast %get3A_1009 : i32 to index
      %get3A_1011 = arith.index_cast %add3A_980 : i32 to index
      %get3A_1012 = arith.constant 32 : index
      %get3A_1013 = tpu.vector_load %arg12[%get3A_1010, %get3A_1011, %get3A_1012] {strides = array<i32>} : memref<2x128x64xf32, #tpu.memory_space<vmem>>, vector<16xf32>,
      %mul3A_1014 = arith.mulf %get3A_1008, %get3A_1013 : vector<16xf32>
      %add3A_1015 = arith.addf %add3A_1003, %mul3A_1014 : vector<16xf32>
      %get3A_1016 = arith.constant 0 : i32
      %get3A_1017 = arith.index_cast %get3A_1016 : i32 to index
      %get3A_1018 = arith.index_cast %add3A_980 : i32 to index
      %get3A_1019 = arith.constant 48 : index
      %get3A_1020 = tpu.vector_load %arg11[%get3A_1017, %get3A_1018, %get3A_1019] {strides = array<i32>} : memref<2x128x64xf32, #tpu.memory_space<vmem>>, vector<16xf32>,
      %get3A_1021 = arith.constant 0 : i32
      %get3A_1022 = arith.index_cast %get3A_1021 : i32 to index
      %get3A_1023 = arith.index_cast %add3A_980 : i32 to index
      %get3A_1024 = arith.constant 48 : index
      %get3A_1025 = tpu.vector_load %arg12[%get3A_1022, %get3A_1023, %get3A_1024] {strides = array<i32>} : memref<2x128x64xf32, #tpu.memory_space<vmem>>, vector<16xf32>,
      %mul3A_1026 = arith.mulf %get3A_1020, %get3A_1025 : vector<16xf32>
      %add3A_1027 = arith.addf %add3A_1015, %mul3A_1026 : vector<16xf32>
      %mul3A_1028 = arith.constant 17 : i32
      %mul3A_1029 = vector.broadcast %mul3A_1028 : i32 to vector<16xi32>
      %mul3A_1030 = arith.muli %iota3A, %mul3A_1029 : vector<16xi32>
      %add3A_1031 = arith.constant 11 : i32
      %add3A_1032 = vector.broadcast %add3A_1031 : i32 to vector<16xi32>
      %add3A_1033 = arith.addi %mul3A_1030, %add3A_1032 : vector<16xi32>
      tpu.vector_store_idx %arg16[%add3A_1033], %add3A_1027 : memref<272xf32, #tpu.memory_space<vmem>>[vector<16xi32>], vector<16xf32>,
      %add3A_1034 = arith.constant 12 : i32
      %add3A_1035 = arith.addi %mul3A_374, %add3A_1034 : i32
      %get3A_1036 = arith.constant 0 : i32
      %get3A_1037 = arith.index_cast %get3A_1036 : i32 to index
      %get3A_1038 = arith.index_cast %add3A_1035 : i32 to index
      %get3A_1039 = arith.constant 0 : index
      %get3A_1040 = tpu.vector_load %arg11[%get3A_1037, %get3A_1038, %get3A_1039] {strides = array<i32>} : memref<2x128x64xf32, #tpu.memory_space<vmem>>, vector<16xf32>,
      %get3A_1041 = arith.constant 0 : i32
      %get3A_1042 = arith.index_cast %get3A_1041 : i32 to index
      %get3A_1043 = arith.index_cast %add3A_1035 : i32 to index
      %get3A_1044 = arith.constant 0 : index
      %get3A_1045 = tpu.vector_load %arg12[%get3A_1042, %get3A_1043, %get3A_1044] {strides = array<i32>} : memref<2x128x64xf32, #tpu.memory_space<vmem>>, vector<16xf32>,
      %mul3A_1046 = arith.mulf %get3A_1040, %get3A_1045 : vector<16xf32>
      %get3A_1047 = arith.constant 0 : i32
      %get3A_1048 = arith.index_cast %get3A_1047 : i32 to index
      %get3A_1049 = arith.index_cast %add3A_1035 : i32 to index
      %get3A_1050 = arith.constant 16 : index
      %get3A_1051 = tpu.vector_load %arg11[%get3A_1048, %get3A_1049, %get3A_1050] {strides = array<i32>} : memref<2x128x64xf32, #tpu.memory_space<vmem>>, vector<16xf32>,
      %get3A_1052 = arith.constant 0 : i32
      %get3A_1053 = arith.index_cast %get3A_1052 : i32 to index
      %get3A_1054 = arith.index_cast %add3A_1035 : i32 to index
      %get3A_1055 = arith.constant 16 : index
      %get3A_1056 = tpu.vector_load %arg12[%get3A_1053, %get3A_1054, %get3A_1055] {strides = array<i32>} : memref<2x128x64xf32, #tpu.memory_space<vmem>>, vector<16xf32>,
      %mul3A_1057 = arith.mulf %get3A_1051, %get3A_1056 : vector<16xf32>
      %add3A_1058 = arith.addf %mul3A_1046, %mul3A_1057 : vector<16xf32>
      %get3A_1059 = arith.constant 0 : i32
      %get3A_1060 = arith.index_cast %get3A_1059 : i32 to index
      %get3A_1061 = arith.index_cast %add3A_1035 : i32 to index
      %get3A_1062 = arith.constant 32 : index
      %get3A_1063 = tpu.vector_load %arg11[%get3A_1060, %get3A_1061, %get3A_1062] {strides = array<i32>} : memref<2x128x64xf32, #tpu.memory_space<vmem>>, vector<16xf32>,
      %get3A_1064 = arith.constant 0 : i32
      %get3A_1065 = arith.index_cast %get3A_1064 : i32 to index
      %get3A_1066 = arith.index_cast %add3A_1035 : i32 to index
      %get3A_1067 = arith.constant 32 : index
      %get3A_1068 = tpu.vector_load %arg12[%get3A_1065, %get3A_1066, %get3A_1067] {strides = array<i32>} : memref<2x128x64xf32, #tpu.memory_space<vmem>>, vector<16xf32>,
      %mul3A_1069 = arith.mulf %get3A_1063, %get3A_1068 : vector<16xf32>
      %add3A_1070 = arith.addf %add3A_1058, %mul3A_1069 : vector<16xf32>
      %get3A_1071 = arith.constant 0 : i32
      %get3A_1072 = arith.index_cast %get3A_1071 : i32 to index
      %get3A_1073 = arith.index_cast %add3A_1035 : i32 to index
      %get3A_1074 = arith.constant 48 : index
      %get3A_1075 = tpu.vector_load %arg11[%get3A_1072, %get3A_1073, %get3A_1074] {strides = array<i32>} : memref<2x128x64xf32, #tpu.memory_space<vmem>>, vector<16xf32>,
      %get3A_1076 = arith.constant 0 : i32
      %get3A_1077 = arith.index_cast %get3A_1076 : i32 to index
      %get3A_1078 = arith.index_cast %add3A_1035 : i32 to index
      %get3A_1079 = arith.constant 48 : index
      %get3A_1080 = tpu.vector_load %arg12[%get3A_1077, %get3A_1078, %get3A_1079] {strides = array<i32>} : memref<2x128x64xf32, #tpu.memory_space<vmem>>, vector<16xf32>,
      %mul3A_1081 = arith.mulf %get3A_1075, %get3A_1080 : vector<16xf32>
      %add3A_1082 = arith.addf %add3A_1070, %mul3A_1081 : vector<16xf32>
      %mul3A_1083 = arith.constant 17 : i32
      %mul3A_1084 = vector.broadcast %mul3A_1083 : i32 to vector<16xi32>
      %mul3A_1085 = arith.muli %iota3A, %mul3A_1084 : vector<16xi32>
      %add3A_1086 = arith.constant 12 : i32
      %add3A_1087 = vector.broadcast %add3A_1086 : i32 to vector<16xi32>
      %add3A_1088 = arith.addi %mul3A_1085, %add3A_1087 : vector<16xi32>
      tpu.vector_store_idx %arg16[%add3A_1088], %add3A_1082 : memref<272xf32, #tpu.memory_space<vmem>>[vector<16xi32>], vector<16xf32>,
      %add3A_1089 = arith.constant 13 : i32
      %add3A_1090 = arith.addi %mul3A_374, %add3A_1089 : i32
      %get3A_1091 = arith.constant 0 : i32
      %get3A_1092 = arith.index_cast %get3A_1091 : i32 to index
      %get3A_1093 = arith.index_cast %add3A_1090 : i32 to index
      %get3A_1094 = arith.constant 0 : index
      %get3A_1095 = tpu.vector_load %arg11[%get3A_1092, %get3A_1093, %get3A_1094] {strides = array<i32>} : memref<2x128x64xf32, #tpu.memory_space<vmem>>, vector<16xf32>,
      %get3A_1096 = arith.constant 0 : i32
      %get3A_1097 = arith.index_cast %get3A_1096 : i32 to index
      %get3A_1098 = arith.index_cast %add3A_1090 : i32 to index
      %get3A_1099 = arith.constant 0 : index
      %get3A_1100 = tpu.vector_load %arg12[%get3A_1097, %get3A_1098, %get3A_1099] {strides = array<i32>} : memref<2x128x64xf32, #tpu.memory_space<vmem>>, vector<16xf32>,
      %mul3A_1101 = arith.mulf %get3A_1095, %get3A_1100 : vector<16xf32>
      %get3A_1102 = arith.constant 0 : i32
      %get3A_1103 = arith.index_cast %get3A_1102 : i32 to index
      %get3A_1104 = arith.index_cast %add3A_1090 : i32 to index
      %get3A_1105 = arith.constant 16 : index
      %get3A_1106 = tpu.vector_load %arg11[%get3A_1103, %get3A_1104, %get3A_1105] {strides = array<i32>} : memref<2x128x64xf32, #tpu.memory_space<vmem>>, vector<16xf32>,
      %get3A_1107 = arith.constant 0 : i32
      %get3A_1108 = arith.index_cast %get3A_1107 : i32 to index
      %get3A_1109 = arith.index_cast %add3A_1090 : i32 to index
      %get3A_1110 = arith.constant 16 : index
      %get3A_1111 = tpu.vector_load %arg12[%get3A_1108, %get3A_1109, %get3A_1110] {strides = array<i32>} : memref<2x128x64xf32, #tpu.memory_space<vmem>>, vector<16xf32>,
      %mul3A_1112 = arith.mulf %get3A_1106, %get3A_1111 : vector<16xf32>
      %add3A_1113 = arith.addf %mul3A_1101, %mul3A_1112 : vector<16xf32>
      %get3A_1114 = arith.constant 0 : i32
      %get3A_1115 = arith.index_cast %get3A_1114 : i32 to index
      %get3A_1116 = arith.index_cast %add3A_1090 : i32 to index
      %get3A_1117 = arith.constant 32 : index
      %get3A_1118 = tpu.vector_load %arg11[%get3A_1115, %get3A_1116, %get3A_1117] {strides = array<i32>} : memref<2x128x64xf32, #tpu.memory_space<vmem>>, vector<16xf32>,
      %get3A_1119 = arith.constant 0 : i32
      %get3A_1120 = arith.index_cast %get3A_1119 : i32 to index
      %get3A_1121 = arith.index_cast %add3A_1090 : i32 to index
      %get3A_1122 = arith.constant 32 : index
      %get3A_1123 = tpu.vector_load %arg12[%get3A_1120, %get3A_1121, %get3A_1122] {strides = array<i32>} : memref<2x128x64xf32, #tpu.memory_space<vmem>>, vector<16xf32>,
      %mul3A_1124 = arith.mulf %get3A_1118, %get3A_1123 : vector<16xf32>
      %add3A_1125 = arith.addf %add3A_1113, %mul3A_1124 : vector<16xf32>
      %get3A_1126 = arith.constant 0 : i32
      %get3A_1127 = arith.index_cast %get3A_1126 : i32 to index
      %get3A_1128 = arith.index_cast %add3A_1090 : i32 to index
      %get3A_1129 = arith.constant 48 : index
      %get3A_1130 = tpu.vector_load %arg11[%get3A_1127, %get3A_1128, %get3A_1129] {strides = array<i32>} : memref<2x128x64xf32, #tpu.memory_space<vmem>>, vector<16xf32>,
      %get3A_1131 = arith.constant 0 : i32
      %get3A_1132 = arith.index_cast %get3A_1131 : i32 to index
      %get3A_1133 = arith.index_cast %add3A_1090 : i32 to index
      %get3A_1134 = arith.constant 48 : index
      %get3A_1135 = tpu.vector_load %arg12[%get3A_1132, %get3A_1133, %get3A_1134] {strides = array<i32>} : memref<2x128x64xf32, #tpu.memory_space<vmem>>, vector<16xf32>,
      %mul3A_1136 = arith.mulf %get3A_1130, %get3A_1135 : vector<16xf32>
      %add3A_1137 = arith.addf %add3A_1125, %mul3A_1136 : vector<16xf32>
      %mul3A_1138 = arith.constant 17 : i32
      %mul3A_1139 = vector.broadcast %mul3A_1138 : i32 to vector<16xi32>
      %mul3A_1140 = arith.muli %iota3A, %mul3A_1139 : vector<16xi32>
      %add3A_1141 = arith.constant 13 : i32
      %add3A_1142 = vector.broadcast %add3A_1141 : i32 to vector<16xi32>
      %add3A_1143 = arith.addi %mul3A_1140, %add3A_1142 : vector<16xi32>
      tpu.vector_store_idx %arg16[%add3A_1143], %add3A_1137 : memref<272xf32, #tpu.memory_space<vmem>>[vector<16xi32>], vector<16xf32>,
      %add3A_1144 = arith.constant 14 : i32
      %add3A_1145 = arith.addi %mul3A_374, %add3A_1144 : i32
      %get3A_1146 = arith.constant 0 : i32
      %get3A_1147 = arith.index_cast %get3A_1146 : i32 to index
      %get3A_1148 = arith.index_cast %add3A_1145 : i32 to index
      %get3A_1149 = arith.constant 0 : index
      %get3A_1150 = tpu.vector_load %arg11[%get3A_1147, %get3A_1148, %get3A_1149] {strides = array<i32>} : memref<2x128x64xf32, #tpu.memory_space<vmem>>, vector<16xf32>,
      %get3A_1151 = arith.constant 0 : i32
      %get3A_1152 = arith.index_cast %get3A_1151 : i32 to index
      %get3A_1153 = arith.index_cast %add3A_1145 : i32 to index
      %get3A_1154 = arith.constant 0 : index
      %get3A_1155 = tpu.vector_load %arg12[%get3A_1152, %get3A_1153, %get3A_1154] {strides = array<i32>} : memref<2x128x64xf32, #tpu.memory_space<vmem>>, vector<16xf32>,
      %mul3A_1156 = arith.mulf %get3A_1150, %get3A_1155 : vector<16xf32>
      %get3A_1157 = arith.constant 0 : i32
      %get3A_1158 = arith.index_cast %get3A_1157 : i32 to index
      %get3A_1159 = arith.index_cast %add3A_1145 : i32 to index
      %get3A_1160 = arith.constant 16 : index
      %get3A_1161 = tpu.vector_load %arg11[%get3A_1158, %get3A_1159, %get3A_1160] {strides = array<i32>} : memref<2x128x64xf32, #tpu.memory_space<vmem>>, vector<16xf32>,
      %get3A_1162 = arith.constant 0 : i32
      %get3A_1163 = arith.index_cast %get3A_1162 : i32 to index
      %get3A_1164 = arith.index_cast %add3A_1145 : i32 to index
      %get3A_1165 = arith.constant 16 : index
      %get3A_1166 = tpu.vector_load %arg12[%get3A_1163, %get3A_1164, %get3A_1165] {strides = array<i32>} : memref<2x128x64xf32, #tpu.memory_space<vmem>>, vector<16xf32>,
      %mul3A_1167 = arith.mulf %get3A_1161, %get3A_1166 : vector<16xf32>
      %add3A_1168 = arith.addf %mul3A_1156, %mul3A_1167 : vector<16xf32>
      %get3A_1169 = arith.constant 0 : i32
      %get3A_1170 = arith.index_cast %get3A_1169 : i32 to index
      %get3A_1171 = arith.index_cast %add3A_1145 : i32 to index
      %get3A_1172 = arith.constant 32 : index
      %get3A_1173 = tpu.vector_load %arg11[%get3A_1170, %get3A_1171, %get3A_1172] {strides = array<i32>} : memref<2x128x64xf32, #tpu.memory_space<vmem>>, vector<16xf32>,
      %get3A_1174 = arith.constant 0 : i32
      %get3A_1175 = arith.index_cast %get3A_1174 : i32 to index
      %get3A_1176 = arith.index_cast %add3A_1145 : i32 to index
      %get3A_1177 = arith.constant 32 : index
      %get3A_1178 = tpu.vector_load %arg12[%get3A_1175, %get3A_1176, %get3A_1177] {strides = array<i32>} : memref<2x128x64xf32, #tpu.memory_space<vmem>>, vector<16xf32>,
      %mul3A_1179 = arith.mulf %get3A_1173, %get3A_1178 : vector<16xf32>
      %add3A_1180 = arith.addf %add3A_1168, %mul3A_1179 : vector<16xf32>
      %get3A_1181 = arith.constant 0 : i32
      %get3A_1182 = arith.index_cast %get3A_1181 : i32 to index
      %get3A_1183 = arith.index_cast %add3A_1145 : i32 to index
      %get3A_1184 = arith.constant 48 : index
      %get3A_1185 = tpu.vector_load %arg11[%get3A_1182, %get3A_1183, %get3A_1184] {strides = array<i32>} : memref<2x128x64xf32, #tpu.memory_space<vmem>>, vector<16xf32>,
      %get3A_1186 = arith.constant 0 : i32
      %get3A_1187 = arith.index_cast %get3A_1186 : i32 to index
      %get3A_1188 = arith.index_cast %add3A_1145 : i32 to index
      %get3A_1189 = arith.constant 48 : index
      %get3A_1190 = tpu.vector_load %arg12[%get3A_1187, %get3A_1188, %get3A_1189] {strides = array<i32>} : memref<2x128x64xf32, #tpu.memory_space<vmem>>, vector<16xf32>,
      %mul3A_1191 = arith.mulf %get3A_1185, %get3A_1190 : vector<16xf32>
      %add3A_1192 = arith.addf %add3A_1180, %mul3A_1191 : vector<16xf32>
      %mul3A_1193 = arith.constant 17 : i32
      %mul3A_1194 = vector.broadcast %mul3A_1193 : i32 to vector<16xi32>
      %mul3A_1195 = arith.muli %iota3A, %mul3A_1194 : vector<16xi32>
      %add3A_1196 = arith.constant 14 : i32
      %add3A_1197 = vector.broadcast %add3A_1196 : i32 to vector<16xi32>
      %add3A_1198 = arith.addi %mul3A_1195, %add3A_1197 : vector<16xi32>
      tpu.vector_store_idx %arg16[%add3A_1198], %add3A_1192 : memref<272xf32, #tpu.memory_space<vmem>>[vector<16xi32>], vector<16xf32>,
      %add3A_1199 = arith.constant 15 : i32
      %add3A_1200 = arith.addi %mul3A_374, %add3A_1199 : i32
      %get3A_1201 = arith.constant 0 : i32
      %get3A_1202 = arith.index_cast %get3A_1201 : i32 to index
      %get3A_1203 = arith.index_cast %add3A_1200 : i32 to index
      %get3A_1204 = arith.constant 0 : index
      %get3A_1205 = tpu.vector_load %arg11[%get3A_1202, %get3A_1203, %get3A_1204] {strides = array<i32>} : memref<2x128x64xf32, #tpu.memory_space<vmem>>, vector<16xf32>,
      %get3A_1206 = arith.constant 0 : i32
      %get3A_1207 = arith.index_cast %get3A_1206 : i32 to index
      %get3A_1208 = arith.index_cast %add3A_1200 : i32 to index
      %get3A_1209 = arith.constant 0 : index
      %get3A_1210 = tpu.vector_load %arg12[%get3A_1207, %get3A_1208, %get3A_1209] {strides = array<i32>} : memref<2x128x64xf32, #tpu.memory_space<vmem>>, vector<16xf32>,
      %mul3A_1211 = arith.mulf %get3A_1205, %get3A_1210 : vector<16xf32>
      %get3A_1212 = arith.constant 0 : i32
      %get3A_1213 = arith.index_cast %get3A_1212 : i32 to index
      %get3A_1214 = arith.index_cast %add3A_1200 : i32 to index
      %get3A_1215 = arith.constant 16 : index
      %get3A_1216 = tpu.vector_load %arg11[%get3A_1213, %get3A_1214, %get3A_1215] {strides = array<i32>} : memref<2x128x64xf32, #tpu.memory_space<vmem>>, vector<16xf32>,
      %get3A_1217 = arith.constant 0 : i32
      %get3A_1218 = arith.index_cast %get3A_1217 : i32 to index
      %get3A_1219 = arith.index_cast %add3A_1200 : i32 to index
      %get3A_1220 = arith.constant 16 : index
      %get3A_1221 = tpu.vector_load %arg12[%get3A_1218, %get3A_1219, %get3A_1220] {strides = array<i32>} : memref<2x128x64xf32, #tpu.memory_space<vmem>>, vector<16xf32>,
      %mul3A_1222 = arith.mulf %get3A_1216, %get3A_1221 : vector<16xf32>
      %add3A_1223 = arith.addf %mul3A_1211, %mul3A_1222 : vector<16xf32>
      %get3A_1224 = arith.constant 0 : i32
      %get3A_1225 = arith.index_cast %get3A_1224 : i32 to index
      %get3A_1226 = arith.index_cast %add3A_1200 : i32 to index
      %get3A_1227 = arith.constant 32 : index
      %get3A_1228 = tpu.vector_load %arg11[%get3A_1225, %get3A_1226, %get3A_1227] {strides = array<i32>} : memref<2x128x64xf32, #tpu.memory_space<vmem>>, vector<16xf32>,
      %get3A_1229 = arith.constant 0 : i32
      %get3A_1230 = arith.index_cast %get3A_1229 : i32 to index
      %get3A_1231 = arith.index_cast %add3A_1200 : i32 to index
      %get3A_1232 = arith.constant 32 : index
      %get3A_1233 = tpu.vector_load %arg12[%get3A_1230, %get3A_1231, %get3A_1232] {strides = array<i32>} : memref<2x128x64xf32, #tpu.memory_space<vmem>>, vector<16xf32>,
      %mul3A_1234 = arith.mulf %get3A_1228, %get3A_1233 : vector<16xf32>
      %add3A_1235 = arith.addf %add3A_1223, %mul3A_1234 : vector<16xf32>
      %get3A_1236 = arith.constant 0 : i32
      %get3A_1237 = arith.index_cast %get3A_1236 : i32 to index
      %get3A_1238 = arith.index_cast %add3A_1200 : i32 to index
      %get3A_1239 = arith.constant 48 : index
      %get3A_1240 = tpu.vector_load %arg11[%get3A_1237, %get3A_1238, %get3A_1239] {strides = array<i32>} : memref<2x128x64xf32, #tpu.memory_space<vmem>>, vector<16xf32>,
      %get3A_1241 = arith.constant 0 : i32
      %get3A_1242 = arith.index_cast %get3A_1241 : i32 to index
      %get3A_1243 = arith.index_cast %add3A_1200 : i32 to index
      %get3A_1244 = arith.constant 48 : index
      %get3A_1245 = tpu.vector_load %arg12[%get3A_1242, %get3A_1243, %get3A_1244] {strides = array<i32>} : memref<2x128x64xf32, #tpu.memory_space<vmem>>, vector<16xf32>,
      %mul3A_1246 = arith.mulf %get3A_1240, %get3A_1245 : vector<16xf32>
      %add3A_1247 = arith.addf %add3A_1235, %mul3A_1246 : vector<16xf32>
      %mul3A_1248 = arith.constant 17 : i32
      %mul3A_1249 = vector.broadcast %mul3A_1248 : i32 to vector<16xi32>
      %mul3A_1250 = arith.muli %iota3A, %mul3A_1249 : vector<16xi32>
      %add3A_1251 = arith.constant 15 : i32
      %add3A_1252 = vector.broadcast %add3A_1251 : i32 to vector<16xi32>
      %add3A_1253 = arith.addi %mul3A_1250, %add3A_1252 : vector<16xi32>
      tpu.vector_store_idx %arg16[%add3A_1253], %add3A_1247 : memref<272xf32, #tpu.memory_space<vmem>>[vector<16xi32>], vector<16xf32>,
      %get3A_1254 = arith.constant 0 : index
      %get3A_1255 = tpu.vector_load %arg16[%get3A_1254] {strides = array<i32>} : memref<272xf32, #tpu.memory_space<vmem>>, vector<16xf32>,
      %get3A_1256 = arith.constant 17 : index
      %get3A_1257 = tpu.vector_load %arg16[%get3A_1256] {strides = array<i32>} : memref<272xf32, #tpu.memory_space<vmem>>, vector<16xf32>,
      %add3A_1258 = arith.addf %get3A_1255, %get3A_1257 : vector<16xf32>
      %get3A_1259 = arith.constant 34 : index
      %get3A_1260 = tpu.vector_load %arg16[%get3A_1259] {strides = array<i32>} : memref<272xf32, #tpu.memory_space<vmem>>, vector<16xf32>,
      %add3A_1261 = arith.addf %add3A_1258, %get3A_1260 : vector<16xf32>
      %get3A_1262 = arith.constant 51 : index
      %get3A_1263 = tpu.vector_load %arg16[%get3A_1262] {strides = array<i32>} : memref<272xf32, #tpu.memory_space<vmem>>, vector<16xf32>,
      %add3A_1264 = arith.addf %add3A_1261, %get3A_1263 : vector<16xf32>
      %get3A_1265 = arith.constant 68 : index
      %get3A_1266 = tpu.vector_load %arg16[%get3A_1265] {strides = array<i32>} : memref<272xf32, #tpu.memory_space<vmem>>, vector<16xf32>,
      %add3A_1267 = arith.addf %add3A_1264, %get3A_1266 : vector<16xf32>
      %get3A_1268 = arith.constant 85 : index
      %get3A_1269 = tpu.vector_load %arg16[%get3A_1268] {strides = array<i32>} : memref<272xf32, #tpu.memory_space<vmem>>, vector<16xf32>,
      %add3A_1270 = arith.addf %add3A_1267, %get3A_1269 : vector<16xf32>
      %get3A_1271 = arith.constant 102 : index
      %get3A_1272 = tpu.vector_load %arg16[%get3A_1271] {strides = array<i32>} : memref<272xf32, #tpu.memory_space<vmem>>, vector<16xf32>,
      %add3A_1273 = arith.addf %add3A_1270, %get3A_1272 : vector<16xf32>
      %get3A_1274 = arith.constant 119 : index
      %get3A_1275 = tpu.vector_load %arg16[%get3A_1274] {strides = array<i32>} : memref<272xf32, #tpu.memory_space<vmem>>, vector<16xf32>,
      %add3A_1276 = arith.addf %add3A_1273, %get3A_1275 : vector<16xf32>
      %get3A_1277 = arith.constant 136 : index
      %get3A_1278 = tpu.vector_load %arg16[%get3A_1277] {strides = array<i32>} : memref<272xf32, #tpu.memory_space<vmem>>, vector<16xf32>,
      %add3A_1279 = arith.addf %add3A_1276, %get3A_1278 : vector<16xf32>
      %get3A_1280 = arith.constant 153 : index
      %get3A_1281 = tpu.vector_load %arg16[%get3A_1280] {strides = array<i32>} : memref<272xf32, #tpu.memory_space<vmem>>, vector<16xf32>,
      %add3A_1282 = arith.addf %add3A_1279, %get3A_1281 : vector<16xf32>
      %get3A_1283 = arith.constant 170 : index
      %get3A_1284 = tpu.vector_load %arg16[%get3A_1283] {strides = array<i32>} : memref<272xf32, #tpu.memory_space<vmem>>, vector<16xf32>,
      %add3A_1285 = arith.addf %add3A_1282, %get3A_1284 : vector<16xf32>
      %get3A_1286 = arith.constant 187 : index
      %get3A_1287 = tpu.vector_load %arg16[%get3A_1286] {strides = array<i32>} : memref<272xf32, #tpu.memory_space<vmem>>, vector<16xf32>,
      %add3A_1288 = arith.addf %add3A_1285, %get3A_1287 : vector<16xf32>
      %get3A_1289 = arith.constant 204 : index
      %get3A_1290 = tpu.vector_load %arg16[%get3A_1289] {strides = array<i32>} : memref<272xf32, #tpu.memory_space<vmem>>, vector<16xf32>,
      %add3A_1291 = arith.addf %add3A_1288, %get3A_1290 : vector<16xf32>
      %get3A_1292 = arith.constant 221 : index
      %get3A_1293 = tpu.vector_load %arg16[%get3A_1292] {strides = array<i32>} : memref<272xf32, #tpu.memory_space<vmem>>, vector<16xf32>,
      %add3A_1294 = arith.addf %add3A_1291, %get3A_1293 : vector<16xf32>
      %get3A_1295 = arith.constant 238 : index
      %get3A_1296 = tpu.vector_load %arg16[%get3A_1295] {strides = array<i32>} : memref<272xf32, #tpu.memory_space<vmem>>, vector<16xf32>,
      %add3A_1297 = arith.addf %add3A_1294, %get3A_1296 : vector<16xf32>
      %get3A_1298 = arith.constant 255 : index
      %get3A_1299 = tpu.vector_load %arg16[%get3A_1298] {strides = array<i32>} : memref<272xf32, #tpu.memory_space<vmem>>, vector<16xf32>,
      %add3A_1300 = arith.addf %add3A_1297, %get3A_1299 : vector<16xf32>
      %get3A_1301 = arith.constant 0 : i32
      %get3A_1302 = arith.index_cast %get3A_1301 : i32 to index
      %get3A_1303 = arith.index_cast %mul3A_374 : i32 to index
      %get3A_1304 = tpu.vector_load %arg13[%get3A_1302, %get3A_1303] {strides = array<i32>} : memref<2x128xf32, #tpu.memory_space<vmem>>, vector<16xf32>,
      %add3A_1305 = arith.addf %add3A_1300, %get3A_1304 : vector<16xf32>
      %get3A_1306 = arith.constant 0 : i32
      %get3A_1307 = arith.index_cast %get3A_1306 : i32 to index
      %get3A_1308 = arith.index_cast %mul3A_374 : i32 to index
      %get3A_1309 = tpu.vector_load %arg14[%get3A_1307, %get3A_1308] {strides = array<i32>} : memref<2x128xf32, #tpu.memory_space<vmem>>, vector<16xf32>,
      %add3A_1310 = arith.addf %add3A_1305, %get3A_1309 : vector<16xf32>
      %add3A_1311 = arith.constant 0 : i32
      %add3A_1312 = arith.addi %add3A_1311, %mul3A_374 : i32
      %swap3A = arith.index_cast %add3A_1312 : i32 to index
      %swap3A_1313 = tpu.vector_load %arg15[%swap3A] {strides = array<i32>} : memref<512xf32, #tpu.memory_space<vmem>>, vector<16xf32>,
      tpu.vector_store %arg15[%swap3A], %add3A_1310 {strides = array<i32>} : memref<512xf32, #tpu.memory_space<vmem>>, vector<16xf32>,
    }
    %scan3A_136 = arith.constant 8 : i32
    %dma_start3A_137 = arith.constant 2 : i32
    %dma_start3A_138 = arith.constant 0 : i32
    %dma_start3A_139 = arith.constant 0 : i32
    %dma_start3A_140 = arith.constant 0 : i32
    %dma_start3A_141 = tpu.memref_slice %arg11[%dma_start3A_138, %dma_start3A_139, %dma_start3A_140] : memref<2x128x64xf32, #tpu.memory_space<vmem>> -> memref<1x128x64xf32, #tpu.memory_space<vmem>>
    %dma_start3A_142 = tpu.memref_squeeze %dma_start3A_141 : memref<1x128x64xf32, #tpu.memory_space<vmem>> -> memref<128x64xf32, #tpu.memory_space<vmem>>
    %dma_start3A_143 = arith.constant 0 : i32
    %dma_start3A_144 = tpu.memref_slice %arg9[%dma_start3A_137, %dma_start3A_143] : memref<4x128xi32, #tpu.memory_space<vmem>> -> memref<1x128xi32, #tpu.memory_space<vmem>>
    %dma_start3A_145 = tpu.memref_squeeze %dma_start3A_144 : memref<1x128xi32, #tpu.memory_space<vmem>> -> memref<128xi32, #tpu.memory_space<vmem>>
    %dma_start3A_146 = arith.constant 0 : i32
    %dma_start3A_147 = arith.constant 0 : i32
    %dma_start3A_148 = tpu.memref_slice %arg4[%dma_start3A_146, %dma_start3A_147] : memref<100001x64xf32, #tpu.memory_space<hbm>> -> memref<100001x64xf32, #tpu.memory_space<hbm>>
    tpu.enqueue_indirect_dma source(%dma_start3A_148 : memref<100001x64xf32, #tpu.memory_space<hbm>>) target(%dma_start3A_142 : memref<128x64xf32, #tpu.memory_space<vmem>>) offsets(%dma_start3A_145 : memref<128xi32, #tpu.memory_space<vmem>>) semaphore(%arg17 : memref<!tpu.dma_semaphore, #tpu.memory_space<semaphore_mem>>)
    %dma_start3A_149 = arith.constant 2 : i32
    %dma_start3A_150 = arith.constant 0 : i32
    %dma_start3A_151 = arith.constant 0 : i32
    %dma_start3A_152 = arith.constant 0 : i32
    %dma_start3A_153 = tpu.memref_slice %arg12[%dma_start3A_150, %dma_start3A_151, %dma_start3A_152] : memref<2x128x64xf32, #tpu.memory_space<vmem>> -> memref<1x128x64xf32, #tpu.memory_space<vmem>>
    %dma_start3A_154 = tpu.memref_squeeze %dma_start3A_153 : memref<1x128x64xf32, #tpu.memory_space<vmem>> -> memref<128x64xf32, #tpu.memory_space<vmem>>
    %dma_start3A_155 = arith.constant 0 : i32
    %dma_start3A_156 = tpu.memref_slice %arg10[%dma_start3A_149, %dma_start3A_155] : memref<4x128xi32, #tpu.memory_space<vmem>> -> memref<1x128xi32, #tpu.memory_space<vmem>>
    %dma_start3A_157 = tpu.memref_squeeze %dma_start3A_156 : memref<1x128xi32, #tpu.memory_space<vmem>> -> memref<128xi32, #tpu.memory_space<vmem>>
    %dma_start3A_158 = arith.constant 0 : i32
    %dma_start3A_159 = arith.constant 0 : i32
    %dma_start3A_160 = tpu.memref_slice %arg5[%dma_start3A_158, %dma_start3A_159] : memref<100001x64xf32, #tpu.memory_space<hbm>> -> memref<100001x64xf32, #tpu.memory_space<hbm>>
    tpu.enqueue_indirect_dma source(%dma_start3A_160 : memref<100001x64xf32, #tpu.memory_space<hbm>>) target(%dma_start3A_154 : memref<128x64xf32, #tpu.memory_space<vmem>>) offsets(%dma_start3A_157 : memref<128xi32, #tpu.memory_space<vmem>>) semaphore(%arg17 : memref<!tpu.dma_semaphore, #tpu.memory_space<semaphore_mem>>)
    %dma_start3A_161 = arith.constant 2 : i32
    %dma_start3A_162 = arith.constant 0 : i32
    %dma_start3A_163 = arith.constant 0 : i32
    %dma_start3A_164 = tpu.memref_slice %arg13[%dma_start3A_162, %dma_start3A_163] : memref<2x128xf32, #tpu.memory_space<vmem>> -> memref<1x128xf32, #tpu.memory_space<vmem>>
    %dma_start3A_165 = tpu.memref_squeeze %dma_start3A_164 : memref<1x128xf32, #tpu.memory_space<vmem>> -> memref<128xf32, #tpu.memory_space<vmem>>
    %dma_start3A_166 = arith.constant 0 : i32
    %dma_start3A_167 = tpu.memref_slice %arg9[%dma_start3A_161, %dma_start3A_166] : memref<4x128xi32, #tpu.memory_space<vmem>> -> memref<1x128xi32, #tpu.memory_space<vmem>>
    %dma_start3A_168 = tpu.memref_squeeze %dma_start3A_167 : memref<1x128xi32, #tpu.memory_space<vmem>> -> memref<128xi32, #tpu.memory_space<vmem>>
    %dma_start3A_169 = arith.constant 0 : i32
    %dma_start3A_170 = tpu.memref_slice %arg6[%dma_start3A_169] : memref<100001xf32, #tpu.memory_space<hbm>> -> memref<100001xf32, #tpu.memory_space<hbm>>
    tpu.enqueue_indirect_dma source(%dma_start3A_170 : memref<100001xf32, #tpu.memory_space<hbm>>) target(%dma_start3A_165 : memref<128xf32, #tpu.memory_space<vmem>>) offsets(%dma_start3A_168 : memref<128xi32, #tpu.memory_space<vmem>>) semaphore(%arg17 : memref<!tpu.dma_semaphore, #tpu.memory_space<semaphore_mem>>)
    %dma_start3A_171 = arith.constant 2 : i32
    %dma_start3A_172 = arith.constant 0 : i32
    %dma_start3A_173 = arith.constant 0 : i32
    %dma_start3A_174 = tpu.memref_slice %arg14[%dma_start3A_172, %dma_start3A_173] : memref<2x128xf32, #tpu.memory_space<vmem>> -> memref<1x128xf32, #tpu.memory_space<vmem>>
    %dma_start3A_175 = tpu.memref_squeeze %dma_start3A_174 : memref<1x128xf32, #tpu.memory_space<vmem>> -> memref<128xf32, #tpu.memory_space<vmem>>
    %dma_start3A_176 = arith.constant 0 : i32
    %dma_start3A_177 = tpu.memref_slice %arg10[%dma_start3A_171, %dma_start3A_176] : memref<4x128xi32, #tpu.memory_space<vmem>> -> memref<1x128xi32, #tpu.memory_space<vmem>>
    %dma_start3A_178 = tpu.memref_squeeze %dma_start3A_177 : memref<1x128xi32, #tpu.memory_space<vmem>> -> memref<128xi32, #tpu.memory_space<vmem>>
    %dma_start3A_179 = arith.constant 0 : i32
    %dma_start3A_180 = tpu.memref_slice %arg7[%dma_start3A_179] : memref<100001xf32, #tpu.memory_space<hbm>> -> memref<100001xf32, #tpu.memory_space<hbm>>
    tpu.enqueue_indirect_dma source(%dma_start3A_180 : memref<100001xf32, #tpu.memory_space<hbm>>) target(%dma_start3A_175 : memref<128xf32, #tpu.memory_space<vmem>>) offsets(%dma_start3A_178 : memref<128xi32, #tpu.memory_space<vmem>>) semaphore(%arg17 : memref<!tpu.dma_semaphore, #tpu.memory_space<semaphore_mem>>)
    %dma_wait3A_181 = arith.constant 1 : i32
    %dma_wait3A_182 = arith.constant 1 : i32
    %dma_wait3A_183 = arith.constant 0 : i32
    %dma_wait3A_184 = arith.constant 0 : i32
    %dma_wait3A_185 = tpu.memref_slice %arg11[%dma_wait3A_182, %dma_wait3A_183, %dma_wait3A_184] : memref<2x128x64xf32, #tpu.memory_space<vmem>> -> memref<1x128x64xf32, #tpu.memory_space<vmem>>
    %dma_wait3A_186 = tpu.memref_squeeze %dma_wait3A_185 : memref<1x128x64xf32, #tpu.memory_space<vmem>> -> memref<128x64xf32, #tpu.memory_space<vmem>>
    %dma_wait3A_187 = arith.constant 0 : i32
    %dma_wait3A_188 = tpu.memref_slice %arg9[%dma_wait3A_181, %dma_wait3A_187] : memref<4x128xi32, #tpu.memory_space<vmem>> -> memref<1x128xi32, #tpu.memory_space<vmem>>
    %dma_wait3A_189 = tpu.memref_squeeze %dma_wait3A_188 : memref<1x128xi32, #tpu.memory_space<vmem>> -> memref<128xi32, #tpu.memory_space<vmem>>
    %dma_wait3A_190 = arith.constant 0 : i32
    %dma_wait3A_191 = arith.constant 0 : i32
    %dma_wait3A_192 = tpu.memref_slice %arg4[%dma_wait3A_190, %dma_wait3A_191] : memref<100001x64xf32, #tpu.memory_space<hbm>> -> memref<100001x64xf32, #tpu.memory_space<hbm>>
    tpu.wait_indirect_dma semaphore(%arg17 : memref<!tpu.dma_semaphore, #tpu.memory_space<semaphore_mem>>) src(%dma_wait3A_192 : memref<100001x64xf32, #tpu.memory_space<hbm>>) dst(%dma_wait3A_186 : memref<128x64xf32, #tpu.memory_space<vmem>>)
    %dma_wait3A_193 = arith.constant 1 : i32
    %dma_wait3A_194 = arith.constant 1 : i32
    %dma_wait3A_195 = arith.constant 0 : i32
    %dma_wait3A_196 = arith.constant 0 : i32
    %dma_wait3A_197 = tpu.memref_slice %arg12[%dma_wait3A_194, %dma_wait3A_195, %dma_wait3A_196] : memref<2x128x64xf32, #tpu.memory_space<vmem>> -> memref<1x128x64xf32, #tpu.memory_space<vmem>>
    %dma_wait3A_198 = tpu.memref_squeeze %dma_wait3A_197 : memref<1x128x64xf32, #tpu.memory_space<vmem>> -> memref<128x64xf32, #tpu.memory_space<vmem>>
    %dma_wait3A_199 = arith.constant 0 : i32
    %dma_wait3A_200 = tpu.memref_slice %arg10[%dma_wait3A_193, %dma_wait3A_199] : memref<4x128xi32, #tpu.memory_space<vmem>> -> memref<1x128xi32, #tpu.memory_space<vmem>>
    %dma_wait3A_201 = tpu.memref_squeeze %dma_wait3A_200 : memref<1x128xi32, #tpu.memory_space<vmem>> -> memref<128xi32, #tpu.memory_space<vmem>>
    %dma_wait3A_202 = arith.constant 0 : i32
    %dma_wait3A_203 = arith.constant 0 : i32
    %dma_wait3A_204 = tpu.memref_slice %arg5[%dma_wait3A_202, %dma_wait3A_203] : memref<100001x64xf32, #tpu.memory_space<hbm>> -> memref<100001x64xf32, #tpu.memory_space<hbm>>
    tpu.wait_indirect_dma semaphore(%arg17 : memref<!tpu.dma_semaphore, #tpu.memory_space<semaphore_mem>>) src(%dma_wait3A_204 : memref<100001x64xf32, #tpu.memory_space<hbm>>) dst(%dma_wait3A_198 : memref<128x64xf32, #tpu.memory_space<vmem>>)
    %dma_wait3A_205 = arith.constant 1 : i32
    %dma_wait3A_206 = arith.constant 1 : i32
    %dma_wait3A_207 = arith.constant 0 : i32
    %dma_wait3A_208 = tpu.memref_slice %arg13[%dma_wait3A_206, %dma_wait3A_207] : memref<2x128xf32, #tpu.memory_space<vmem>> -> memref<1x128xf32, #tpu.memory_space<vmem>>
    %dma_wait3A_209 = tpu.memref_squeeze %dma_wait3A_208 : memref<1x128xf32, #tpu.memory_space<vmem>> -> memref<128xf32, #tpu.memory_space<vmem>>
    %dma_wait3A_210 = arith.constant 0 : i32
    %dma_wait3A_211 = tpu.memref_slice %arg9[%dma_wait3A_205, %dma_wait3A_210] : memref<4x128xi32, #tpu.memory_space<vmem>> -> memref<1x128xi32, #tpu.memory_space<vmem>>
    %dma_wait3A_212 = tpu.memref_squeeze %dma_wait3A_211 : memref<1x128xi32, #tpu.memory_space<vmem>> -> memref<128xi32, #tpu.memory_space<vmem>>
    %dma_wait3A_213 = arith.constant 0 : i32
    %dma_wait3A_214 = tpu.memref_slice %arg6[%dma_wait3A_213] : memref<100001xf32, #tpu.memory_space<hbm>> -> memref<100001xf32, #tpu.memory_space<hbm>>
    tpu.wait_indirect_dma semaphore(%arg17 : memref<!tpu.dma_semaphore, #tpu.memory_space<semaphore_mem>>) src(%dma_wait3A_214 : memref<100001xf32, #tpu.memory_space<hbm>>) dst(%dma_wait3A_209 : memref<128xf32, #tpu.memory_space<vmem>>)
    %dma_wait3A_215 = arith.constant 1 : i32
    %dma_wait3A_216 = arith.constant 1 : i32
    %dma_wait3A_217 = arith.constant 0 : i32
    %dma_wait3A_218 = tpu.memref_slice %arg14[%dma_wait3A_216, %dma_wait3A_217] : memref<2x128xf32, #tpu.memory_space<vmem>> -> memref<1x128xf32, #tpu.memory_space<vmem>>
    %dma_wait3A_219 = tpu.memref_squeeze %dma_wait3A_218 : memref<1x128xf32, #tpu.memory_space<vmem>> -> memref<128xf32, #tpu.memory_space<vmem>>
    %dma_wait3A_220 = arith.constant 0 : i32
    %dma_wait3A_221 = tpu.memref_slice %arg10[%dma_wait3A_215, %dma_wait3A_220] : memref<4x128xi32, #tpu.memory_space<vmem>> -> memref<1x128xi32, #tpu.memory_space<vmem>>
    %dma_wait3A_222 = tpu.memref_squeeze %dma_wait3A_221 : memref<1x128xi32, #tpu.memory_space<vmem>> -> memref<128xi32, #tpu.memory_space<vmem>>
    %dma_wait3A_223 = arith.constant 0 : i32
    %dma_wait3A_224 = tpu.memref_slice %arg7[%dma_wait3A_223] : memref<100001xf32, #tpu.memory_space<hbm>> -> memref<100001xf32, #tpu.memory_space<hbm>>
    tpu.wait_indirect_dma semaphore(%arg17 : memref<!tpu.dma_semaphore, #tpu.memory_space<semaphore_mem>>) src(%dma_wait3A_224 : memref<100001xf32, #tpu.memory_space<hbm>>) dst(%dma_wait3A_219 : memref<128xf32, #tpu.memory_space<vmem>>)
    %scan3A_225 = arith.constant 0 : i32
    %scan3A_226 = arith.constant 8 : i32
    %scan3A_227 = arith.addi %scan3A_225, %scan3A_226 : i32
    %scan3A_228 = arith.constant 1 : i32
    scf.for %scan3A_372 = %scan3A_225 to %scan3A_227 step %scan3A_228  : i32 {
      %mul3A_373 = arith.constant 16 : i32
      %mul3A_374 = arith.muli %scan3A_372, %mul3A_373 : i32
      %add3A_375 = arith.constant 0 : i32
      %add3A_376 = arith.addi %mul3A_374, %add3A_375 : i32
      %get3A = arith.constant 1 : i32
      %get3A_377 = arith.index_cast %get3A : i32 to index
      %get3A_378 = arith.index_cast %add3A_376 : i32 to index
      %get3A_379 = arith.constant 0 : index
      %get3A_380 = tpu.vector_load %arg11[%get3A_377, %get3A_378, %get3A_379] {strides = array<i32>} : memref<2x128x64xf32, #tpu.memory_space<vmem>>, vector<16xf32>,
      %get3A_381 = arith.constant 1 : i32
      %get3A_382 = arith.index_cast %get3A_381 : i32 to index
      %get3A_383 = arith.index_cast %add3A_376 : i32 to index
      %get3A_384 = arith.constant 0 : index
      %get3A_385 = tpu.vector_load %arg12[%get3A_382, %get3A_383, %get3A_384] {strides = array<i32>} : memref<2x128x64xf32, #tpu.memory_space<vmem>>, vector<16xf32>,
      %mul3A_386 = arith.mulf %get3A_380, %get3A_385 : vector<16xf32>
      %get3A_387 = arith.constant 1 : i32
      %get3A_388 = arith.index_cast %get3A_387 : i32 to index
      %get3A_389 = arith.index_cast %add3A_376 : i32 to index
      %get3A_390 = arith.constant 16 : index
      %get3A_391 = tpu.vector_load %arg11[%get3A_388, %get3A_389, %get3A_390] {strides = array<i32>} : memref<2x128x64xf32, #tpu.memory_space<vmem>>, vector<16xf32>,
      %get3A_392 = arith.constant 1 : i32
      %get3A_393 = arith.index_cast %get3A_392 : i32 to index
      %get3A_394 = arith.index_cast %add3A_376 : i32 to index
      %get3A_395 = arith.constant 16 : index
      %get3A_396 = tpu.vector_load %arg12[%get3A_393, %get3A_394, %get3A_395] {strides = array<i32>} : memref<2x128x64xf32, #tpu.memory_space<vmem>>, vector<16xf32>,
      %mul3A_397 = arith.mulf %get3A_391, %get3A_396 : vector<16xf32>
      %add3A_398 = arith.addf %mul3A_386, %mul3A_397 : vector<16xf32>
      %get3A_399 = arith.constant 1 : i32
      %get3A_400 = arith.index_cast %get3A_399 : i32 to index
      %get3A_401 = arith.index_cast %add3A_376 : i32 to index
      %get3A_402 = arith.constant 32 : index
      %get3A_403 = tpu.vector_load %arg11[%get3A_400, %get3A_401, %get3A_402] {strides = array<i32>} : memref<2x128x64xf32, #tpu.memory_space<vmem>>, vector<16xf32>,
      %get3A_404 = arith.constant 1 : i32
      %get3A_405 = arith.index_cast %get3A_404 : i32 to index
      %get3A_406 = arith.index_cast %add3A_376 : i32 to index
      %get3A_407 = arith.constant 32 : index
      %get3A_408 = tpu.vector_load %arg12[%get3A_405, %get3A_406, %get3A_407] {strides = array<i32>} : memref<2x128x64xf32, #tpu.memory_space<vmem>>, vector<16xf32>,
      %mul3A_409 = arith.mulf %get3A_403, %get3A_408 : vector<16xf32>
      %add3A_410 = arith.addf %add3A_398, %mul3A_409 : vector<16xf32>
      %get3A_411 = arith.constant 1 : i32
      %get3A_412 = arith.index_cast %get3A_411 : i32 to index
      %get3A_413 = arith.index_cast %add3A_376 : i32 to index
      %get3A_414 = arith.constant 48 : index
      %get3A_415 = tpu.vector_load %arg11[%get3A_412, %get3A_413, %get3A_414] {strides = array<i32>} : memref<2x128x64xf32, #tpu.memory_space<vmem>>, vector<16xf32>,
      %get3A_416 = arith.constant 1 : i32
      %get3A_417 = arith.index_cast %get3A_416 : i32 to index
      %get3A_418 = arith.index_cast %add3A_376 : i32 to index
      %get3A_419 = arith.constant 48 : index
      %get3A_420 = tpu.vector_load %arg12[%get3A_417, %get3A_418, %get3A_419] {strides = array<i32>} : memref<2x128x64xf32, #tpu.memory_space<vmem>>, vector<16xf32>,
      %mul3A_421 = arith.mulf %get3A_415, %get3A_420 : vector<16xf32>
      %add3A_422 = arith.addf %add3A_410, %mul3A_421 : vector<16xf32>
      %mul3A_423 = arith.constant 17 : i32
      %mul3A_424 = vector.broadcast %mul3A_423 : i32 to vector<16xi32>
      %mul3A_425 = arith.muli %iota3A, %mul3A_424 : vector<16xi32>
      %add3A_426 = arith.constant 0 : i32
      %add3A_427 = vector.broadcast %add3A_426 : i32 to vector<16xi32>
      %add3A_428 = arith.addi %mul3A_425, %add3A_427 : vector<16xi32>
      tpu.vector_store_idx %arg16[%add3A_428], %add3A_422 : memref<272xf32, #tpu.memory_space<vmem>>[vector<16xi32>], vector<16xf32>,
      %add3A_429 = arith.constant 1 : i32
      %add3A_430 = arith.addi %mul3A_374, %add3A_429 : i32
      %get3A_431 = arith.constant 1 : i32
      %get3A_432 = arith.index_cast %get3A_431 : i32 to index
      %get3A_433 = arith.index_cast %add3A_430 : i32 to index
      %get3A_434 = arith.constant 0 : index
      %get3A_435 = tpu.vector_load %arg11[%get3A_432, %get3A_433, %get3A_434] {strides = array<i32>} : memref<2x128x64xf32, #tpu.memory_space<vmem>>, vector<16xf32>,
      %get3A_436 = arith.constant 1 : i32
      %get3A_437 = arith.index_cast %get3A_436 : i32 to index
      %get3A_438 = arith.index_cast %add3A_430 : i32 to index
      %get3A_439 = arith.constant 0 : index
      %get3A_440 = tpu.vector_load %arg12[%get3A_437, %get3A_438, %get3A_439] {strides = array<i32>} : memref<2x128x64xf32, #tpu.memory_space<vmem>>, vector<16xf32>,
      %mul3A_441 = arith.mulf %get3A_435, %get3A_440 : vector<16xf32>
      %get3A_442 = arith.constant 1 : i32
      %get3A_443 = arith.index_cast %get3A_442 : i32 to index
      %get3A_444 = arith.index_cast %add3A_430 : i32 to index
      %get3A_445 = arith.constant 16 : index
      %get3A_446 = tpu.vector_load %arg11[%get3A_443, %get3A_444, %get3A_445] {strides = array<i32>} : memref<2x128x64xf32, #tpu.memory_space<vmem>>, vector<16xf32>,
      %get3A_447 = arith.constant 1 : i32
      %get3A_448 = arith.index_cast %get3A_447 : i32 to index
      %get3A_449 = arith.index_cast %add3A_430 : i32 to index
      %get3A_450 = arith.constant 16 : index
      %get3A_451 = tpu.vector_load %arg12[%get3A_448, %get3A_449, %get3A_450] {strides = array<i32>} : memref<2x128x64xf32, #tpu.memory_space<vmem>>, vector<16xf32>,
      %mul3A_452 = arith.mulf %get3A_446, %get3A_451 : vector<16xf32>
      %add3A_453 = arith.addf %mul3A_441, %mul3A_452 : vector<16xf32>
      %get3A_454 = arith.constant 1 : i32
      %get3A_455 = arith.index_cast %get3A_454 : i32 to index
      %get3A_456 = arith.index_cast %add3A_430 : i32 to index
      %get3A_457 = arith.constant 32 : index
      %get3A_458 = tpu.vector_load %arg11[%get3A_455, %get3A_456, %get3A_457] {strides = array<i32>} : memref<2x128x64xf32, #tpu.memory_space<vmem>>, vector<16xf32>,
      %get3A_459 = arith.constant 1 : i32
      %get3A_460 = arith.index_cast %get3A_459 : i32 to index
      %get3A_461 = arith.index_cast %add3A_430 : i32 to index
      %get3A_462 = arith.constant 32 : index
      %get3A_463 = tpu.vector_load %arg12[%get3A_460, %get3A_461, %get3A_462] {strides = array<i32>} : memref<2x128x64xf32, #tpu.memory_space<vmem>>, vector<16xf32>,
      %mul3A_464 = arith.mulf %get3A_458, %get3A_463 : vector<16xf32>
      %add3A_465 = arith.addf %add3A_453, %mul3A_464 : vector<16xf32>
      %get3A_466 = arith.constant 1 : i32
      %get3A_467 = arith.index_cast %get3A_466 : i32 to index
      %get3A_468 = arith.index_cast %add3A_430 : i32 to index
      %get3A_469 = arith.constant 48 : index
      %get3A_470 = tpu.vector_load %arg11[%get3A_467, %get3A_468, %get3A_469] {strides = array<i32>} : memref<2x128x64xf32, #tpu.memory_space<vmem>>, vector<16xf32>,
      %get3A_471 = arith.constant 1 : i32
      %get3A_472 = arith.index_cast %get3A_471 : i32 to index
      %get3A_473 = arith.index_cast %add3A_430 : i32 to index
      %get3A_474 = arith.constant 48 : index
      %get3A_475 = tpu.vector_load %arg12[%get3A_472, %get3A_473, %get3A_474] {strides = array<i32>} : memref<2x128x64xf32, #tpu.memory_space<vmem>>, vector<16xf32>,
      %mul3A_476 = arith.mulf %get3A_470, %get3A_475 : vector<16xf32>
      %add3A_477 = arith.addf %add3A_465, %mul3A_476 : vector<16xf32>
      %mul3A_478 = arith.constant 17 : i32
      %mul3A_479 = vector.broadcast %mul3A_478 : i32 to vector<16xi32>
      %mul3A_480 = arith.muli %iota3A, %mul3A_479 : vector<16xi32>
      %add3A_481 = arith.constant 1 : i32
      %add3A_482 = vector.broadcast %add3A_481 : i32 to vector<16xi32>
      %add3A_483 = arith.addi %mul3A_480, %add3A_482 : vector<16xi32>
      tpu.vector_store_idx %arg16[%add3A_483], %add3A_477 : memref<272xf32, #tpu.memory_space<vmem>>[vector<16xi32>], vector<16xf32>,
      %add3A_484 = arith.constant 2 : i32
      %add3A_485 = arith.addi %mul3A_374, %add3A_484 : i32
      %get3A_486 = arith.constant 1 : i32
      %get3A_487 = arith.index_cast %get3A_486 : i32 to index
      %get3A_488 = arith.index_cast %add3A_485 : i32 to index
      %get3A_489 = arith.constant 0 : index
      %get3A_490 = tpu.vector_load %arg11[%get3A_487, %get3A_488, %get3A_489] {strides = array<i32>} : memref<2x128x64xf32, #tpu.memory_space<vmem>>, vector<16xf32>,
      %get3A_491 = arith.constant 1 : i32
      %get3A_492 = arith.index_cast %get3A_491 : i32 to index
      %get3A_493 = arith.index_cast %add3A_485 : i32 to index
      %get3A_494 = arith.constant 0 : index
      %get3A_495 = tpu.vector_load %arg12[%get3A_492, %get3A_493, %get3A_494] {strides = array<i32>} : memref<2x128x64xf32, #tpu.memory_space<vmem>>, vector<16xf32>,
      %mul3A_496 = arith.mulf %get3A_490, %get3A_495 : vector<16xf32>
      %get3A_497 = arith.constant 1 : i32
      %get3A_498 = arith.index_cast %get3A_497 : i32 to index
      %get3A_499 = arith.index_cast %add3A_485 : i32 to index
      %get3A_500 = arith.constant 16 : index
      %get3A_501 = tpu.vector_load %arg11[%get3A_498, %get3A_499, %get3A_500] {strides = array<i32>} : memref<2x128x64xf32, #tpu.memory_space<vmem>>, vector<16xf32>,
      %get3A_502 = arith.constant 1 : i32
      %get3A_503 = arith.index_cast %get3A_502 : i32 to index
      %get3A_504 = arith.index_cast %add3A_485 : i32 to index
      %get3A_505 = arith.constant 16 : index
      %get3A_506 = tpu.vector_load %arg12[%get3A_503, %get3A_504, %get3A_505] {strides = array<i32>} : memref<2x128x64xf32, #tpu.memory_space<vmem>>, vector<16xf32>,
      %mul3A_507 = arith.mulf %get3A_501, %get3A_506 : vector<16xf32>
      %add3A_508 = arith.addf %mul3A_496, %mul3A_507 : vector<16xf32>
      %get3A_509 = arith.constant 1 : i32
      %get3A_510 = arith.index_cast %get3A_509 : i32 to index
      %get3A_511 = arith.index_cast %add3A_485 : i32 to index
      %get3A_512 = arith.constant 32 : index
      %get3A_513 = tpu.vector_load %arg11[%get3A_510, %get3A_511, %get3A_512] {strides = array<i32>} : memref<2x128x64xf32, #tpu.memory_space<vmem>>, vector<16xf32>,
      %get3A_514 = arith.constant 1 : i32
      %get3A_515 = arith.index_cast %get3A_514 : i32 to index
      %get3A_516 = arith.index_cast %add3A_485 : i32 to index
      %get3A_517 = arith.constant 32 : index
      %get3A_518 = tpu.vector_load %arg12[%get3A_515, %get3A_516, %get3A_517] {strides = array<i32>} : memref<2x128x64xf32, #tpu.memory_space<vmem>>, vector<16xf32>,
      %mul3A_519 = arith.mulf %get3A_513, %get3A_518 : vector<16xf32>
      %add3A_520 = arith.addf %add3A_508, %mul3A_519 : vector<16xf32>
      %get3A_521 = arith.constant 1 : i32
      %get3A_522 = arith.index_cast %get3A_521 : i32 to index
      %get3A_523 = arith.index_cast %add3A_485 : i32 to index
      %get3A_524 = arith.constant 48 : index
      %get3A_525 = tpu.vector_load %arg11[%get3A_522, %get3A_523, %get3A_524] {strides = array<i32>} : memref<2x128x64xf32, #tpu.memory_space<vmem>>, vector<16xf32>,
      %get3A_526 = arith.constant 1 : i32
      %get3A_527 = arith.index_cast %get3A_526 : i32 to index
      %get3A_528 = arith.index_cast %add3A_485 : i32 to index
      %get3A_529 = arith.constant 48 : index
      %get3A_530 = tpu.vector_load %arg12[%get3A_527, %get3A_528, %get3A_529] {strides = array<i32>} : memref<2x128x64xf32, #tpu.memory_space<vmem>>, vector<16xf32>,
      %mul3A_531 = arith.mulf %get3A_525, %get3A_530 : vector<16xf32>
      %add3A_532 = arith.addf %add3A_520, %mul3A_531 : vector<16xf32>
      %mul3A_533 = arith.constant 17 : i32
      %mul3A_534 = vector.broadcast %mul3A_533 : i32 to vector<16xi32>
      %mul3A_535 = arith.muli %iota3A, %mul3A_534 : vector<16xi32>
      %add3A_536 = arith.constant 2 : i32
      %add3A_537 = vector.broadcast %add3A_536 : i32 to vector<16xi32>
      %add3A_538 = arith.addi %mul3A_535, %add3A_537 : vector<16xi32>
      tpu.vector_store_idx %arg16[%add3A_538], %add3A_532 : memref<272xf32, #tpu.memory_space<vmem>>[vector<16xi32>], vector<16xf32>,
      %add3A_539 = arith.constant 3 : i32
      %add3A_540 = arith.addi %mul3A_374, %add3A_539 : i32
      %get3A_541 = arith.constant 1 : i32
      %get3A_542 = arith.index_cast %get3A_541 : i32 to index
      %get3A_543 = arith.index_cast %add3A_540 : i32 to index
      %get3A_544 = arith.constant 0 : index
      %get3A_545 = tpu.vector_load %arg11[%get3A_542, %get3A_543, %get3A_544] {strides = array<i32>} : memref<2x128x64xf32, #tpu.memory_space<vmem>>, vector<16xf32>,
      %get3A_546 = arith.constant 1 : i32
      %get3A_547 = arith.index_cast %get3A_546 : i32 to index
      %get3A_548 = arith.index_cast %add3A_540 : i32 to index
      %get3A_549 = arith.constant 0 : index
      %get3A_550 = tpu.vector_load %arg12[%get3A_547, %get3A_548, %get3A_549] {strides = array<i32>} : memref<2x128x64xf32, #tpu.memory_space<vmem>>, vector<16xf32>,
      %mul3A_551 = arith.mulf %get3A_545, %get3A_550 : vector<16xf32>
      %get3A_552 = arith.constant 1 : i32
      %get3A_553 = arith.index_cast %get3A_552 : i32 to index
      %get3A_554 = arith.index_cast %add3A_540 : i32 to index
      %get3A_555 = arith.constant 16 : index
      %get3A_556 = tpu.vector_load %arg11[%get3A_553, %get3A_554, %get3A_555] {strides = array<i32>} : memref<2x128x64xf32, #tpu.memory_space<vmem>>, vector<16xf32>,
      %get3A_557 = arith.constant 1 : i32
      %get3A_558 = arith.index_cast %get3A_557 : i32 to index
      %get3A_559 = arith.index_cast %add3A_540 : i32 to index
      %get3A_560 = arith.constant 16 : index
      %get3A_561 = tpu.vector_load %arg12[%get3A_558, %get3A_559, %get3A_560] {strides = array<i32>} : memref<2x128x64xf32, #tpu.memory_space<vmem>>, vector<16xf32>,
      %mul3A_562 = arith.mulf %get3A_556, %get3A_561 : vector<16xf32>
      %add3A_563 = arith.addf %mul3A_551, %mul3A_562 : vector<16xf32>
      %get3A_564 = arith.constant 1 : i32
      %get3A_565 = arith.index_cast %get3A_564 : i32 to index
      %get3A_566 = arith.index_cast %add3A_540 : i32 to index
      %get3A_567 = arith.constant 32 : index
      %get3A_568 = tpu.vector_load %arg11[%get3A_565, %get3A_566, %get3A_567] {strides = array<i32>} : memref<2x128x64xf32, #tpu.memory_space<vmem>>, vector<16xf32>,
      %get3A_569 = arith.constant 1 : i32
      %get3A_570 = arith.index_cast %get3A_569 : i32 to index
      %get3A_571 = arith.index_cast %add3A_540 : i32 to index
      %get3A_572 = arith.constant 32 : index
      %get3A_573 = tpu.vector_load %arg12[%get3A_570, %get3A_571, %get3A_572] {strides = array<i32>} : memref<2x128x64xf32, #tpu.memory_space<vmem>>, vector<16xf32>,
      %mul3A_574 = arith.mulf %get3A_568, %get3A_573 : vector<16xf32>
      %add3A_575 = arith.addf %add3A_563, %mul3A_574 : vector<16xf32>
      %get3A_576 = arith.constant 1 : i32
      %get3A_577 = arith.index_cast %get3A_576 : i32 to index
      %get3A_578 = arith.index_cast %add3A_540 : i32 to index
      %get3A_579 = arith.constant 48 : index
      %get3A_580 = tpu.vector_load %arg11[%get3A_577, %get3A_578, %get3A_579] {strides = array<i32>} : memref<2x128x64xf32, #tpu.memory_space<vmem>>, vector<16xf32>,
      %get3A_581 = arith.constant 1 : i32
      %get3A_582 = arith.index_cast %get3A_581 : i32 to index
      %get3A_583 = arith.index_cast %add3A_540 : i32 to index
      %get3A_584 = arith.constant 48 : index
      %get3A_585 = tpu.vector_load %arg12[%get3A_582, %get3A_583, %get3A_584] {strides = array<i32>} : memref<2x128x64xf32, #tpu.memory_space<vmem>>, vector<16xf32>,
      %mul3A_586 = arith.mulf %get3A_580, %get3A_585 : vector<16xf32>
      %add3A_587 = arith.addf %add3A_575, %mul3A_586 : vector<16xf32>
      %mul3A_588 = arith.constant 17 : i32
      %mul3A_589 = vector.broadcast %mul3A_588 : i32 to vector<16xi32>
      %mul3A_590 = arith.muli %iota3A, %mul3A_589 : vector<16xi32>
      %add3A_591 = arith.constant 3 : i32
      %add3A_592 = vector.broadcast %add3A_591 : i32 to vector<16xi32>
      %add3A_593 = arith.addi %mul3A_590, %add3A_592 : vector<16xi32>
      tpu.vector_store_idx %arg16[%add3A_593], %add3A_587 : memref<272xf32, #tpu.memory_space<vmem>>[vector<16xi32>], vector<16xf32>,
      %add3A_594 = arith.constant 4 : i32
      %add3A_595 = arith.addi %mul3A_374, %add3A_594 : i32
      %get3A_596 = arith.constant 1 : i32
      %get3A_597 = arith.index_cast %get3A_596 : i32 to index
      %get3A_598 = arith.index_cast %add3A_595 : i32 to index
      %get3A_599 = arith.constant 0 : index
      %get3A_600 = tpu.vector_load %arg11[%get3A_597, %get3A_598, %get3A_599] {strides = array<i32>} : memref<2x128x64xf32, #tpu.memory_space<vmem>>, vector<16xf32>,
      %get3A_601 = arith.constant 1 : i32
      %get3A_602 = arith.index_cast %get3A_601 : i32 to index
      %get3A_603 = arith.index_cast %add3A_595 : i32 to index
      %get3A_604 = arith.constant 0 : index
      %get3A_605 = tpu.vector_load %arg12[%get3A_602, %get3A_603, %get3A_604] {strides = array<i32>} : memref<2x128x64xf32, #tpu.memory_space<vmem>>, vector<16xf32>,
      %mul3A_606 = arith.mulf %get3A_600, %get3A_605 : vector<16xf32>
      %get3A_607 = arith.constant 1 : i32
      %get3A_608 = arith.index_cast %get3A_607 : i32 to index
      %get3A_609 = arith.index_cast %add3A_595 : i32 to index
      %get3A_610 = arith.constant 16 : index
      %get3A_611 = tpu.vector_load %arg11[%get3A_608, %get3A_609, %get3A_610] {strides = array<i32>} : memref<2x128x64xf32, #tpu.memory_space<vmem>>, vector<16xf32>,
      %get3A_612 = arith.constant 1 : i32
      %get3A_613 = arith.index_cast %get3A_612 : i32 to index
      %get3A_614 = arith.index_cast %add3A_595 : i32 to index
      %get3A_615 = arith.constant 16 : index
      %get3A_616 = tpu.vector_load %arg12[%get3A_613, %get3A_614, %get3A_615] {strides = array<i32>} : memref<2x128x64xf32, #tpu.memory_space<vmem>>, vector<16xf32>,
      %mul3A_617 = arith.mulf %get3A_611, %get3A_616 : vector<16xf32>
      %add3A_618 = arith.addf %mul3A_606, %mul3A_617 : vector<16xf32>
      %get3A_619 = arith.constant 1 : i32
      %get3A_620 = arith.index_cast %get3A_619 : i32 to index
      %get3A_621 = arith.index_cast %add3A_595 : i32 to index
      %get3A_622 = arith.constant 32 : index
      %get3A_623 = tpu.vector_load %arg11[%get3A_620, %get3A_621, %get3A_622] {strides = array<i32>} : memref<2x128x64xf32, #tpu.memory_space<vmem>>, vector<16xf32>,
      %get3A_624 = arith.constant 1 : i32
      %get3A_625 = arith.index_cast %get3A_624 : i32 to index
      %get3A_626 = arith.index_cast %add3A_595 : i32 to index
      %get3A_627 = arith.constant 32 : index
      %get3A_628 = tpu.vector_load %arg12[%get3A_625, %get3A_626, %get3A_627] {strides = array<i32>} : memref<2x128x64xf32, #tpu.memory_space<vmem>>, vector<16xf32>,
      %mul3A_629 = arith.mulf %get3A_623, %get3A_628 : vector<16xf32>
      %add3A_630 = arith.addf %add3A_618, %mul3A_629 : vector<16xf32>
      %get3A_631 = arith.constant 1 : i32
      %get3A_632 = arith.index_cast %get3A_631 : i32 to index
      %get3A_633 = arith.index_cast %add3A_595 : i32 to index
      %get3A_634 = arith.constant 48 : index
      %get3A_635 = tpu.vector_load %arg11[%get3A_632, %get3A_633, %get3A_634] {strides = array<i32>} : memref<2x128x64xf32, #tpu.memory_space<vmem>>, vector<16xf32>,
      %get3A_636 = arith.constant 1 : i32
      %get3A_637 = arith.index_cast %get3A_636 : i32 to index
      %get3A_638 = arith.index_cast %add3A_595 : i32 to index
      %get3A_639 = arith.constant 48 : index
      %get3A_640 = tpu.vector_load %arg12[%get3A_637, %get3A_638, %get3A_639] {strides = array<i32>} : memref<2x128x64xf32, #tpu.memory_space<vmem>>, vector<16xf32>,
      %mul3A_641 = arith.mulf %get3A_635, %get3A_640 : vector<16xf32>
      %add3A_642 = arith.addf %add3A_630, %mul3A_641 : vector<16xf32>
      %mul3A_643 = arith.constant 17 : i32
      %mul3A_644 = vector.broadcast %mul3A_643 : i32 to vector<16xi32>
      %mul3A_645 = arith.muli %iota3A, %mul3A_644 : vector<16xi32>
      %add3A_646 = arith.constant 4 : i32
      %add3A_647 = vector.broadcast %add3A_646 : i32 to vector<16xi32>
      %add3A_648 = arith.addi %mul3A_645, %add3A_647 : vector<16xi32>
      tpu.vector_store_idx %arg16[%add3A_648], %add3A_642 : memref<272xf32, #tpu.memory_space<vmem>>[vector<16xi32>], vector<16xf32>,
      %add3A_649 = arith.constant 5 : i32
      %add3A_650 = arith.addi %mul3A_374, %add3A_649 : i32
      %get3A_651 = arith.constant 1 : i32
      %get3A_652 = arith.index_cast %get3A_651 : i32 to index
      %get3A_653 = arith.index_cast %add3A_650 : i32 to index
      %get3A_654 = arith.constant 0 : index
      %get3A_655 = tpu.vector_load %arg11[%get3A_652, %get3A_653, %get3A_654] {strides = array<i32>} : memref<2x128x64xf32, #tpu.memory_space<vmem>>, vector<16xf32>,
      %get3A_656 = arith.constant 1 : i32
      %get3A_657 = arith.index_cast %get3A_656 : i32 to index
      %get3A_658 = arith.index_cast %add3A_650 : i32 to index
      %get3A_659 = arith.constant 0 : index
      %get3A_660 = tpu.vector_load %arg12[%get3A_657, %get3A_658, %get3A_659] {strides = array<i32>} : memref<2x128x64xf32, #tpu.memory_space<vmem>>, vector<16xf32>,
      %mul3A_661 = arith.mulf %get3A_655, %get3A_660 : vector<16xf32>
      %get3A_662 = arith.constant 1 : i32
      %get3A_663 = arith.index_cast %get3A_662 : i32 to index
      %get3A_664 = arith.index_cast %add3A_650 : i32 to index
      %get3A_665 = arith.constant 16 : index
      %get3A_666 = tpu.vector_load %arg11[%get3A_663, %get3A_664, %get3A_665] {strides = array<i32>} : memref<2x128x64xf32, #tpu.memory_space<vmem>>, vector<16xf32>,
      %get3A_667 = arith.constant 1 : i32
      %get3A_668 = arith.index_cast %get3A_667 : i32 to index
      %get3A_669 = arith.index_cast %add3A_650 : i32 to index
      %get3A_670 = arith.constant 16 : index
      %get3A_671 = tpu.vector_load %arg12[%get3A_668, %get3A_669, %get3A_670] {strides = array<i32>} : memref<2x128x64xf32, #tpu.memory_space<vmem>>, vector<16xf32>,
      %mul3A_672 = arith.mulf %get3A_666, %get3A_671 : vector<16xf32>
      %add3A_673 = arith.addf %mul3A_661, %mul3A_672 : vector<16xf32>
      %get3A_674 = arith.constant 1 : i32
      %get3A_675 = arith.index_cast %get3A_674 : i32 to index
      %get3A_676 = arith.index_cast %add3A_650 : i32 to index
      %get3A_677 = arith.constant 32 : index
      %get3A_678 = tpu.vector_load %arg11[%get3A_675, %get3A_676, %get3A_677] {strides = array<i32>} : memref<2x128x64xf32, #tpu.memory_space<vmem>>, vector<16xf32>,
      %get3A_679 = arith.constant 1 : i32
      %get3A_680 = arith.index_cast %get3A_679 : i32 to index
      %get3A_681 = arith.index_cast %add3A_650 : i32 to index
      %get3A_682 = arith.constant 32 : index
      %get3A_683 = tpu.vector_load %arg12[%get3A_680, %get3A_681, %get3A_682] {strides = array<i32>} : memref<2x128x64xf32, #tpu.memory_space<vmem>>, vector<16xf32>,
      %mul3A_684 = arith.mulf %get3A_678, %get3A_683 : vector<16xf32>
      %add3A_685 = arith.addf %add3A_673, %mul3A_684 : vector<16xf32>
      %get3A_686 = arith.constant 1 : i32
      %get3A_687 = arith.index_cast %get3A_686 : i32 to index
      %get3A_688 = arith.index_cast %add3A_650 : i32 to index
      %get3A_689 = arith.constant 48 : index
      %get3A_690 = tpu.vector_load %arg11[%get3A_687, %get3A_688, %get3A_689] {strides = array<i32>} : memref<2x128x64xf32, #tpu.memory_space<vmem>>, vector<16xf32>,
      %get3A_691 = arith.constant 1 : i32
      %get3A_692 = arith.index_cast %get3A_691 : i32 to index
      %get3A_693 = arith.index_cast %add3A_650 : i32 to index
      %get3A_694 = arith.constant 48 : index
      %get3A_695 = tpu.vector_load %arg12[%get3A_692, %get3A_693, %get3A_694] {strides = array<i32>} : memref<2x128x64xf32, #tpu.memory_space<vmem>>, vector<16xf32>,
      %mul3A_696 = arith.mulf %get3A_690, %get3A_695 : vector<16xf32>
      %add3A_697 = arith.addf %add3A_685, %mul3A_696 : vector<16xf32>
      %mul3A_698 = arith.constant 17 : i32
      %mul3A_699 = vector.broadcast %mul3A_698 : i32 to vector<16xi32>
      %mul3A_700 = arith.muli %iota3A, %mul3A_699 : vector<16xi32>
      %add3A_701 = arith.constant 5 : i32
      %add3A_702 = vector.broadcast %add3A_701 : i32 to vector<16xi32>
      %add3A_703 = arith.addi %mul3A_700, %add3A_702 : vector<16xi32>
      tpu.vector_store_idx %arg16[%add3A_703], %add3A_697 : memref<272xf32, #tpu.memory_space<vmem>>[vector<16xi32>], vector<16xf32>,
      %add3A_704 = arith.constant 6 : i32
      %add3A_705 = arith.addi %mul3A_374, %add3A_704 : i32
      %get3A_706 = arith.constant 1 : i32
      %get3A_707 = arith.index_cast %get3A_706 : i32 to index
      %get3A_708 = arith.index_cast %add3A_705 : i32 to index
      %get3A_709 = arith.constant 0 : index
      %get3A_710 = tpu.vector_load %arg11[%get3A_707, %get3A_708, %get3A_709] {strides = array<i32>} : memref<2x128x64xf32, #tpu.memory_space<vmem>>, vector<16xf32>,
      %get3A_711 = arith.constant 1 : i32
      %get3A_712 = arith.index_cast %get3A_711 : i32 to index
      %get3A_713 = arith.index_cast %add3A_705 : i32 to index
      %get3A_714 = arith.constant 0 : index
      %get3A_715 = tpu.vector_load %arg12[%get3A_712, %get3A_713, %get3A_714] {strides = array<i32>} : memref<2x128x64xf32, #tpu.memory_space<vmem>>, vector<16xf32>,
      %mul3A_716 = arith.mulf %get3A_710, %get3A_715 : vector<16xf32>
      %get3A_717 = arith.constant 1 : i32
      %get3A_718 = arith.index_cast %get3A_717 : i32 to index
      %get3A_719 = arith.index_cast %add3A_705 : i32 to index
      %get3A_720 = arith.constant 16 : index
      %get3A_721 = tpu.vector_load %arg11[%get3A_718, %get3A_719, %get3A_720] {strides = array<i32>} : memref<2x128x64xf32, #tpu.memory_space<vmem>>, vector<16xf32>,
      %get3A_722 = arith.constant 1 : i32
      %get3A_723 = arith.index_cast %get3A_722 : i32 to index
      %get3A_724 = arith.index_cast %add3A_705 : i32 to index
      %get3A_725 = arith.constant 16 : index
      %get3A_726 = tpu.vector_load %arg12[%get3A_723, %get3A_724, %get3A_725] {strides = array<i32>} : memref<2x128x64xf32, #tpu.memory_space<vmem>>, vector<16xf32>,
      %mul3A_727 = arith.mulf %get3A_721, %get3A_726 : vector<16xf32>
      %add3A_728 = arith.addf %mul3A_716, %mul3A_727 : vector<16xf32>
      %get3A_729 = arith.constant 1 : i32
      %get3A_730 = arith.index_cast %get3A_729 : i32 to index
      %get3A_731 = arith.index_cast %add3A_705 : i32 to index
      %get3A_732 = arith.constant 32 : index
      %get3A_733 = tpu.vector_load %arg11[%get3A_730, %get3A_731, %get3A_732] {strides = array<i32>} : memref<2x128x64xf32, #tpu.memory_space<vmem>>, vector<16xf32>,
      %get3A_734 = arith.constant 1 : i32
      %get3A_735 = arith.index_cast %get3A_734 : i32 to index
      %get3A_736 = arith.index_cast %add3A_705 : i32 to index
      %get3A_737 = arith.constant 32 : index
      %get3A_738 = tpu.vector_load %arg12[%get3A_735, %get3A_736, %get3A_737] {strides = array<i32>} : memref<2x128x64xf32, #tpu.memory_space<vmem>>, vector<16xf32>,
      %mul3A_739 = arith.mulf %get3A_733, %get3A_738 : vector<16xf32>
      %add3A_740 = arith.addf %add3A_728, %mul3A_739 : vector<16xf32>
      %get3A_741 = arith.constant 1 : i32
      %get3A_742 = arith.index_cast %get3A_741 : i32 to index
      %get3A_743 = arith.index_cast %add3A_705 : i32 to index
      %get3A_744 = arith.constant 48 : index
      %get3A_745 = tpu.vector_load %arg11[%get3A_742, %get3A_743, %get3A_744] {strides = array<i32>} : memref<2x128x64xf32, #tpu.memory_space<vmem>>, vector<16xf32>,
      %get3A_746 = arith.constant 1 : i32
      %get3A_747 = arith.index_cast %get3A_746 : i32 to index
      %get3A_748 = arith.index_cast %add3A_705 : i32 to index
      %get3A_749 = arith.constant 48 : index
      %get3A_750 = tpu.vector_load %arg12[%get3A_747, %get3A_748, %get3A_749] {strides = array<i32>} : memref<2x128x64xf32, #tpu.memory_space<vmem>>, vector<16xf32>,
      %mul3A_751 = arith.mulf %get3A_745, %get3A_750 : vector<16xf32>
      %add3A_752 = arith.addf %add3A_740, %mul3A_751 : vector<16xf32>
      %mul3A_753 = arith.constant 17 : i32
      %mul3A_754 = vector.broadcast %mul3A_753 : i32 to vector<16xi32>
      %mul3A_755 = arith.muli %iota3A, %mul3A_754 : vector<16xi32>
      %add3A_756 = arith.constant 6 : i32
      %add3A_757 = vector.broadcast %add3A_756 : i32 to vector<16xi32>
      %add3A_758 = arith.addi %mul3A_755, %add3A_757 : vector<16xi32>
      tpu.vector_store_idx %arg16[%add3A_758], %add3A_752 : memref<272xf32, #tpu.memory_space<vmem>>[vector<16xi32>], vector<16xf32>,
      %add3A_759 = arith.constant 7 : i32
      %add3A_760 = arith.addi %mul3A_374, %add3A_759 : i32
      %get3A_761 = arith.constant 1 : i32
      %get3A_762 = arith.index_cast %get3A_761 : i32 to index
      %get3A_763 = arith.index_cast %add3A_760 : i32 to index
      %get3A_764 = arith.constant 0 : index
      %get3A_765 = tpu.vector_load %arg11[%get3A_762, %get3A_763, %get3A_764] {strides = array<i32>} : memref<2x128x64xf32, #tpu.memory_space<vmem>>, vector<16xf32>,
      %get3A_766 = arith.constant 1 : i32
      %get3A_767 = arith.index_cast %get3A_766 : i32 to index
      %get3A_768 = arith.index_cast %add3A_760 : i32 to index
      %get3A_769 = arith.constant 0 : index
      %get3A_770 = tpu.vector_load %arg12[%get3A_767, %get3A_768, %get3A_769] {strides = array<i32>} : memref<2x128x64xf32, #tpu.memory_space<vmem>>, vector<16xf32>,
      %mul3A_771 = arith.mulf %get3A_765, %get3A_770 : vector<16xf32>
      %get3A_772 = arith.constant 1 : i32
      %get3A_773 = arith.index_cast %get3A_772 : i32 to index
      %get3A_774 = arith.index_cast %add3A_760 : i32 to index
      %get3A_775 = arith.constant 16 : index
      %get3A_776 = tpu.vector_load %arg11[%get3A_773, %get3A_774, %get3A_775] {strides = array<i32>} : memref<2x128x64xf32, #tpu.memory_space<vmem>>, vector<16xf32>,
      %get3A_777 = arith.constant 1 : i32
      %get3A_778 = arith.index_cast %get3A_777 : i32 to index
      %get3A_779 = arith.index_cast %add3A_760 : i32 to index
      %get3A_780 = arith.constant 16 : index
      %get3A_781 = tpu.vector_load %arg12[%get3A_778, %get3A_779, %get3A_780] {strides = array<i32>} : memref<2x128x64xf32, #tpu.memory_space<vmem>>, vector<16xf32>,
      %mul3A_782 = arith.mulf %get3A_776, %get3A_781 : vector<16xf32>
      %add3A_783 = arith.addf %mul3A_771, %mul3A_782 : vector<16xf32>
      %get3A_784 = arith.constant 1 : i32
      %get3A_785 = arith.index_cast %get3A_784 : i32 to index
      %get3A_786 = arith.index_cast %add3A_760 : i32 to index
      %get3A_787 = arith.constant 32 : index
      %get3A_788 = tpu.vector_load %arg11[%get3A_785, %get3A_786, %get3A_787] {strides = array<i32>} : memref<2x128x64xf32, #tpu.memory_space<vmem>>, vector<16xf32>,
      %get3A_789 = arith.constant 1 : i32
      %get3A_790 = arith.index_cast %get3A_789 : i32 to index
      %get3A_791 = arith.index_cast %add3A_760 : i32 to index
      %get3A_792 = arith.constant 32 : index
      %get3A_793 = tpu.vector_load %arg12[%get3A_790, %get3A_791, %get3A_792] {strides = array<i32>} : memref<2x128x64xf32, #tpu.memory_space<vmem>>, vector<16xf32>,
      %mul3A_794 = arith.mulf %get3A_788, %get3A_793 : vector<16xf32>
      %add3A_795 = arith.addf %add3A_783, %mul3A_794 : vector<16xf32>
      %get3A_796 = arith.constant 1 : i32
      %get3A_797 = arith.index_cast %get3A_796 : i32 to index
      %get3A_798 = arith.index_cast %add3A_760 : i32 to index
      %get3A_799 = arith.constant 48 : index
      %get3A_800 = tpu.vector_load %arg11[%get3A_797, %get3A_798, %get3A_799] {strides = array<i32>} : memref<2x128x64xf32, #tpu.memory_space<vmem>>, vector<16xf32>,
      %get3A_801 = arith.constant 1 : i32
      %get3A_802 = arith.index_cast %get3A_801 : i32 to index
      %get3A_803 = arith.index_cast %add3A_760 : i32 to index
      %get3A_804 = arith.constant 48 : index
      %get3A_805 = tpu.vector_load %arg12[%get3A_802, %get3A_803, %get3A_804] {strides = array<i32>} : memref<2x128x64xf32, #tpu.memory_space<vmem>>, vector<16xf32>,
      %mul3A_806 = arith.mulf %get3A_800, %get3A_805 : vector<16xf32>
      %add3A_807 = arith.addf %add3A_795, %mul3A_806 : vector<16xf32>
      %mul3A_808 = arith.constant 17 : i32
      %mul3A_809 = vector.broadcast %mul3A_808 : i32 to vector<16xi32>
      %mul3A_810 = arith.muli %iota3A, %mul3A_809 : vector<16xi32>
      %add3A_811 = arith.constant 7 : i32
      %add3A_812 = vector.broadcast %add3A_811 : i32 to vector<16xi32>
      %add3A_813 = arith.addi %mul3A_810, %add3A_812 : vector<16xi32>
      tpu.vector_store_idx %arg16[%add3A_813], %add3A_807 : memref<272xf32, #tpu.memory_space<vmem>>[vector<16xi32>], vector<16xf32>,
      %add3A_814 = arith.constant 8 : i32
      %add3A_815 = arith.addi %mul3A_374, %add3A_814 : i32
      %get3A_816 = arith.constant 1 : i32
      %get3A_817 = arith.index_cast %get3A_816 : i32 to index
      %get3A_818 = arith.index_cast %add3A_815 : i32 to index
      %get3A_819 = arith.constant 0 : index
      %get3A_820 = tpu.vector_load %arg11[%get3A_817, %get3A_818, %get3A_819] {strides = array<i32>} : memref<2x128x64xf32, #tpu.memory_space<vmem>>, vector<16xf32>,
      %get3A_821 = arith.constant 1 : i32
      %get3A_822 = arith.index_cast %get3A_821 : i32 to index
      %get3A_823 = arith.index_cast %add3A_815 : i32 to index
      %get3A_824 = arith.constant 0 : index
      %get3A_825 = tpu.vector_load %arg12[%get3A_822, %get3A_823, %get3A_824] {strides = array<i32>} : memref<2x128x64xf32, #tpu.memory_space<vmem>>, vector<16xf32>,
      %mul3A_826 = arith.mulf %get3A_820, %get3A_825 : vector<16xf32>
      %get3A_827 = arith.constant 1 : i32
      %get3A_828 = arith.index_cast %get3A_827 : i32 to index
      %get3A_829 = arith.index_cast %add3A_815 : i32 to index
      %get3A_830 = arith.constant 16 : index
      %get3A_831 = tpu.vector_load %arg11[%get3A_828, %get3A_829, %get3A_830] {strides = array<i32>} : memref<2x128x64xf32, #tpu.memory_space<vmem>>, vector<16xf32>,
      %get3A_832 = arith.constant 1 : i32
      %get3A_833 = arith.index_cast %get3A_832 : i32 to index
      %get3A_834 = arith.index_cast %add3A_815 : i32 to index
      %get3A_835 = arith.constant 16 : index
      %get3A_836 = tpu.vector_load %arg12[%get3A_833, %get3A_834, %get3A_835] {strides = array<i32>} : memref<2x128x64xf32, #tpu.memory_space<vmem>>, vector<16xf32>,
      %mul3A_837 = arith.mulf %get3A_831, %get3A_836 : vector<16xf32>
      %add3A_838 = arith.addf %mul3A_826, %mul3A_837 : vector<16xf32>
      %get3A_839 = arith.constant 1 : i32
      %get3A_840 = arith.index_cast %get3A_839 : i32 to index
      %get3A_841 = arith.index_cast %add3A_815 : i32 to index
      %get3A_842 = arith.constant 32 : index
      %get3A_843 = tpu.vector_load %arg11[%get3A_840, %get3A_841, %get3A_842] {strides = array<i32>} : memref<2x128x64xf32, #tpu.memory_space<vmem>>, vector<16xf32>,
      %get3A_844 = arith.constant 1 : i32
      %get3A_845 = arith.index_cast %get3A_844 : i32 to index
      %get3A_846 = arith.index_cast %add3A_815 : i32 to index
      %get3A_847 = arith.constant 32 : index
      %get3A_848 = tpu.vector_load %arg12[%get3A_845, %get3A_846, %get3A_847] {strides = array<i32>} : memref<2x128x64xf32, #tpu.memory_space<vmem>>, vector<16xf32>,
      %mul3A_849 = arith.mulf %get3A_843, %get3A_848 : vector<16xf32>
      %add3A_850 = arith.addf %add3A_838, %mul3A_849 : vector<16xf32>
      %get3A_851 = arith.constant 1 : i32
      %get3A_852 = arith.index_cast %get3A_851 : i32 to index
      %get3A_853 = arith.index_cast %add3A_815 : i32 to index
      %get3A_854 = arith.constant 48 : index
      %get3A_855 = tpu.vector_load %arg11[%get3A_852, %get3A_853, %get3A_854] {strides = array<i32>} : memref<2x128x64xf32, #tpu.memory_space<vmem>>, vector<16xf32>,
      %get3A_856 = arith.constant 1 : i32
      %get3A_857 = arith.index_cast %get3A_856 : i32 to index
      %get3A_858 = arith.index_cast %add3A_815 : i32 to index
      %get3A_859 = arith.constant 48 : index
      %get3A_860 = tpu.vector_load %arg12[%get3A_857, %get3A_858, %get3A_859] {strides = array<i32>} : memref<2x128x64xf32, #tpu.memory_space<vmem>>, vector<16xf32>,
      %mul3A_861 = arith.mulf %get3A_855, %get3A_860 : vector<16xf32>
      %add3A_862 = arith.addf %add3A_850, %mul3A_861 : vector<16xf32>
      %mul3A_863 = arith.constant 17 : i32
      %mul3A_864 = vector.broadcast %mul3A_863 : i32 to vector<16xi32>
      %mul3A_865 = arith.muli %iota3A, %mul3A_864 : vector<16xi32>
      %add3A_866 = arith.constant 8 : i32
      %add3A_867 = vector.broadcast %add3A_866 : i32 to vector<16xi32>
      %add3A_868 = arith.addi %mul3A_865, %add3A_867 : vector<16xi32>
      tpu.vector_store_idx %arg16[%add3A_868], %add3A_862 : memref<272xf32, #tpu.memory_space<vmem>>[vector<16xi32>], vector<16xf32>,
      %add3A_869 = arith.constant 9 : i32
      %add3A_870 = arith.addi %mul3A_374, %add3A_869 : i32
      %get3A_871 = arith.constant 1 : i32
      %get3A_872 = arith.index_cast %get3A_871 : i32 to index
      %get3A_873 = arith.index_cast %add3A_870 : i32 to index
      %get3A_874 = arith.constant 0 : index
      %get3A_875 = tpu.vector_load %arg11[%get3A_872, %get3A_873, %get3A_874] {strides = array<i32>} : memref<2x128x64xf32, #tpu.memory_space<vmem>>, vector<16xf32>,
      %get3A_876 = arith.constant 1 : i32
      %get3A_877 = arith.index_cast %get3A_876 : i32 to index
      %get3A_878 = arith.index_cast %add3A_870 : i32 to index
      %get3A_879 = arith.constant 0 : index
      %get3A_880 = tpu.vector_load %arg12[%get3A_877, %get3A_878, %get3A_879] {strides = array<i32>} : memref<2x128x64xf32, #tpu.memory_space<vmem>>, vector<16xf32>,
      %mul3A_881 = arith.mulf %get3A_875, %get3A_880 : vector<16xf32>
      %get3A_882 = arith.constant 1 : i32
      %get3A_883 = arith.index_cast %get3A_882 : i32 to index
      %get3A_884 = arith.index_cast %add3A_870 : i32 to index
      %get3A_885 = arith.constant 16 : index
      %get3A_886 = tpu.vector_load %arg11[%get3A_883, %get3A_884, %get3A_885] {strides = array<i32>} : memref<2x128x64xf32, #tpu.memory_space<vmem>>, vector<16xf32>,
      %get3A_887 = arith.constant 1 : i32
      %get3A_888 = arith.index_cast %get3A_887 : i32 to index
      %get3A_889 = arith.index_cast %add3A_870 : i32 to index
      %get3A_890 = arith.constant 16 : index
      %get3A_891 = tpu.vector_load %arg12[%get3A_888, %get3A_889, %get3A_890] {strides = array<i32>} : memref<2x128x64xf32, #tpu.memory_space<vmem>>, vector<16xf32>,
      %mul3A_892 = arith.mulf %get3A_886, %get3A_891 : vector<16xf32>
      %add3A_893 = arith.addf %mul3A_881, %mul3A_892 : vector<16xf32>
      %get3A_894 = arith.constant 1 : i32
      %get3A_895 = arith.index_cast %get3A_894 : i32 to index
      %get3A_896 = arith.index_cast %add3A_870 : i32 to index
      %get3A_897 = arith.constant 32 : index
      %get3A_898 = tpu.vector_load %arg11[%get3A_895, %get3A_896, %get3A_897] {strides = array<i32>} : memref<2x128x64xf32, #tpu.memory_space<vmem>>, vector<16xf32>,
      %get3A_899 = arith.constant 1 : i32
      %get3A_900 = arith.index_cast %get3A_899 : i32 to index
      %get3A_901 = arith.index_cast %add3A_870 : i32 to index
      %get3A_902 = arith.constant 32 : index
      %get3A_903 = tpu.vector_load %arg12[%get3A_900, %get3A_901, %get3A_902] {strides = array<i32>} : memref<2x128x64xf32, #tpu.memory_space<vmem>>, vector<16xf32>,
      %mul3A_904 = arith.mulf %get3A_898, %get3A_903 : vector<16xf32>
      %add3A_905 = arith.addf %add3A_893, %mul3A_904 : vector<16xf32>
      %get3A_906 = arith.constant 1 : i32
      %get3A_907 = arith.index_cast %get3A_906 : i32 to index
      %get3A_908 = arith.index_cast %add3A_870 : i32 to index
      %get3A_909 = arith.constant 48 : index
      %get3A_910 = tpu.vector_load %arg11[%get3A_907, %get3A_908, %get3A_909] {strides = array<i32>} : memref<2x128x64xf32, #tpu.memory_space<vmem>>, vector<16xf32>,
      %get3A_911 = arith.constant 1 : i32
      %get3A_912 = arith.index_cast %get3A_911 : i32 to index
      %get3A_913 = arith.index_cast %add3A_870 : i32 to index
      %get3A_914 = arith.constant 48 : index
      %get3A_915 = tpu.vector_load %arg12[%get3A_912, %get3A_913, %get3A_914] {strides = array<i32>} : memref<2x128x64xf32, #tpu.memory_space<vmem>>, vector<16xf32>,
      %mul3A_916 = arith.mulf %get3A_910, %get3A_915 : vector<16xf32>
      %add3A_917 = arith.addf %add3A_905, %mul3A_916 : vector<16xf32>
      %mul3A_918 = arith.constant 17 : i32
      %mul3A_919 = vector.broadcast %mul3A_918 : i32 to vector<16xi32>
      %mul3A_920 = arith.muli %iota3A, %mul3A_919 : vector<16xi32>
      %add3A_921 = arith.constant 9 : i32
      %add3A_922 = vector.broadcast %add3A_921 : i32 to vector<16xi32>
      %add3A_923 = arith.addi %mul3A_920, %add3A_922 : vector<16xi32>
      tpu.vector_store_idx %arg16[%add3A_923], %add3A_917 : memref<272xf32, #tpu.memory_space<vmem>>[vector<16xi32>], vector<16xf32>,
      %add3A_924 = arith.constant 10 : i32
      %add3A_925 = arith.addi %mul3A_374, %add3A_924 : i32
      %get3A_926 = arith.constant 1 : i32
      %get3A_927 = arith.index_cast %get3A_926 : i32 to index
      %get3A_928 = arith.index_cast %add3A_925 : i32 to index
      %get3A_929 = arith.constant 0 : index
      %get3A_930 = tpu.vector_load %arg11[%get3A_927, %get3A_928, %get3A_929] {strides = array<i32>} : memref<2x128x64xf32, #tpu.memory_space<vmem>>, vector<16xf32>,
      %get3A_931 = arith.constant 1 : i32
      %get3A_932 = arith.index_cast %get3A_931 : i32 to index
      %get3A_933 = arith.index_cast %add3A_925 : i32 to index
      %get3A_934 = arith.constant 0 : index
      %get3A_935 = tpu.vector_load %arg12[%get3A_932, %get3A_933, %get3A_934] {strides = array<i32>} : memref<2x128x64xf32, #tpu.memory_space<vmem>>, vector<16xf32>,
      %mul3A_936 = arith.mulf %get3A_930, %get3A_935 : vector<16xf32>
      %get3A_937 = arith.constant 1 : i32
      %get3A_938 = arith.index_cast %get3A_937 : i32 to index
      %get3A_939 = arith.index_cast %add3A_925 : i32 to index
      %get3A_940 = arith.constant 16 : index
      %get3A_941 = tpu.vector_load %arg11[%get3A_938, %get3A_939, %get3A_940] {strides = array<i32>} : memref<2x128x64xf32, #tpu.memory_space<vmem>>, vector<16xf32>,
      %get3A_942 = arith.constant 1 : i32
      %get3A_943 = arith.index_cast %get3A_942 : i32 to index
      %get3A_944 = arith.index_cast %add3A_925 : i32 to index
      %get3A_945 = arith.constant 16 : index
      %get3A_946 = tpu.vector_load %arg12[%get3A_943, %get3A_944, %get3A_945] {strides = array<i32>} : memref<2x128x64xf32, #tpu.memory_space<vmem>>, vector<16xf32>,
      %mul3A_947 = arith.mulf %get3A_941, %get3A_946 : vector<16xf32>
      %add3A_948 = arith.addf %mul3A_936, %mul3A_947 : vector<16xf32>
      %get3A_949 = arith.constant 1 : i32
      %get3A_950 = arith.index_cast %get3A_949 : i32 to index
      %get3A_951 = arith.index_cast %add3A_925 : i32 to index
      %get3A_952 = arith.constant 32 : index
      %get3A_953 = tpu.vector_load %arg11[%get3A_950, %get3A_951, %get3A_952] {strides = array<i32>} : memref<2x128x64xf32, #tpu.memory_space<vmem>>, vector<16xf32>,
      %get3A_954 = arith.constant 1 : i32
      %get3A_955 = arith.index_cast %get3A_954 : i32 to index
      %get3A_956 = arith.index_cast %add3A_925 : i32 to index
      %get3A_957 = arith.constant 32 : index
      %get3A_958 = tpu.vector_load %arg12[%get3A_955, %get3A_956, %get3A_957] {strides = array<i32>} : memref<2x128x64xf32, #tpu.memory_space<vmem>>, vector<16xf32>,
      %mul3A_959 = arith.mulf %get3A_953, %get3A_958 : vector<16xf32>
      %add3A_960 = arith.addf %add3A_948, %mul3A_959 : vector<16xf32>
      %get3A_961 = arith.constant 1 : i32
      %get3A_962 = arith.index_cast %get3A_961 : i32 to index
      %get3A_963 = arith.index_cast %add3A_925 : i32 to index
      %get3A_964 = arith.constant 48 : index
      %get3A_965 = tpu.vector_load %arg11[%get3A_962, %get3A_963, %get3A_964] {strides = array<i32>} : memref<2x128x64xf32, #tpu.memory_space<vmem>>, vector<16xf32>,
      %get3A_966 = arith.constant 1 : i32
      %get3A_967 = arith.index_cast %get3A_966 : i32 to index
      %get3A_968 = arith.index_cast %add3A_925 : i32 to index
      %get3A_969 = arith.constant 48 : index
      %get3A_970 = tpu.vector_load %arg12[%get3A_967, %get3A_968, %get3A_969] {strides = array<i32>} : memref<2x128x64xf32, #tpu.memory_space<vmem>>, vector<16xf32>,
      %mul3A_971 = arith.mulf %get3A_965, %get3A_970 : vector<16xf32>
      %add3A_972 = arith.addf %add3A_960, %mul3A_971 : vector<16xf32>
      %mul3A_973 = arith.constant 17 : i32
      %mul3A_974 = vector.broadcast %mul3A_973 : i32 to vector<16xi32>
      %mul3A_975 = arith.muli %iota3A, %mul3A_974 : vector<16xi32>
      %add3A_976 = arith.constant 10 : i32
      %add3A_977 = vector.broadcast %add3A_976 : i32 to vector<16xi32>
      %add3A_978 = arith.addi %mul3A_975, %add3A_977 : vector<16xi32>
      tpu.vector_store_idx %arg16[%add3A_978], %add3A_972 : memref<272xf32, #tpu.memory_space<vmem>>[vector<16xi32>], vector<16xf32>,
      %add3A_979 = arith.constant 11 : i32
      %add3A_980 = arith.addi %mul3A_374, %add3A_979 : i32
      %get3A_981 = arith.constant 1 : i32
      %get3A_982 = arith.index_cast %get3A_981 : i32 to index
      %get3A_983 = arith.index_cast %add3A_980 : i32 to index
      %get3A_984 = arith.constant 0 : index
      %get3A_985 = tpu.vector_load %arg11[%get3A_982, %get3A_983, %get3A_984] {strides = array<i32>} : memref<2x128x64xf32, #tpu.memory_space<vmem>>, vector<16xf32>,
      %get3A_986 = arith.constant 1 : i32
      %get3A_987 = arith.index_cast %get3A_986 : i32 to index
      %get3A_988 = arith.index_cast %add3A_980 : i32 to index
      %get3A_989 = arith.constant 0 : index
      %get3A_990 = tpu.vector_load %arg12[%get3A_987, %get3A_988, %get3A_989] {strides = array<i32>} : memref<2x128x64xf32, #tpu.memory_space<vmem>>, vector<16xf32>,
      %mul3A_991 = arith.mulf %get3A_985, %get3A_990 : vector<16xf32>
      %get3A_992 = arith.constant 1 : i32
      %get3A_993 = arith.index_cast %get3A_992 : i32 to index
      %get3A_994 = arith.index_cast %add3A_980 : i32 to index
      %get3A_995 = arith.constant 16 : index
      %get3A_996 = tpu.vector_load %arg11[%get3A_993, %get3A_994, %get3A_995] {strides = array<i32>} : memref<2x128x64xf32, #tpu.memory_space<vmem>>, vector<16xf32>,
      %get3A_997 = arith.constant 1 : i32
      %get3A_998 = arith.index_cast %get3A_997 : i32 to index
      %get3A_999 = arith.index_cast %add3A_980 : i32 to index
      %get3A_1000 = arith.constant 16 : index
      %get3A_1001 = tpu.vector_load %arg12[%get3A_998, %get3A_999, %get3A_1000] {strides = array<i32>} : memref<2x128x64xf32, #tpu.memory_space<vmem>>, vector<16xf32>,
      %mul3A_1002 = arith.mulf %get3A_996, %get3A_1001 : vector<16xf32>
      %add3A_1003 = arith.addf %mul3A_991, %mul3A_1002 : vector<16xf32>
      %get3A_1004 = arith.constant 1 : i32
      %get3A_1005 = arith.index_cast %get3A_1004 : i32 to index
      %get3A_1006 = arith.index_cast %add3A_980 : i32 to index
      %get3A_1007 = arith.constant 32 : index
      %get3A_1008 = tpu.vector_load %arg11[%get3A_1005, %get3A_1006, %get3A_1007] {strides = array<i32>} : memref<2x128x64xf32, #tpu.memory_space<vmem>>, vector<16xf32>,
      %get3A_1009 = arith.constant 1 : i32
      %get3A_1010 = arith.index_cast %get3A_1009 : i32 to index
      %get3A_1011 = arith.index_cast %add3A_980 : i32 to index
      %get3A_1012 = arith.constant 32 : index
      %get3A_1013 = tpu.vector_load %arg12[%get3A_1010, %get3A_1011, %get3A_1012] {strides = array<i32>} : memref<2x128x64xf32, #tpu.memory_space<vmem>>, vector<16xf32>,
      %mul3A_1014 = arith.mulf %get3A_1008, %get3A_1013 : vector<16xf32>
      %add3A_1015 = arith.addf %add3A_1003, %mul3A_1014 : vector<16xf32>
      %get3A_1016 = arith.constant 1 : i32
      %get3A_1017 = arith.index_cast %get3A_1016 : i32 to index
      %get3A_1018 = arith.index_cast %add3A_980 : i32 to index
      %get3A_1019 = arith.constant 48 : index
      %get3A_1020 = tpu.vector_load %arg11[%get3A_1017, %get3A_1018, %get3A_1019] {strides = array<i32>} : memref<2x128x64xf32, #tpu.memory_space<vmem>>, vector<16xf32>,
      %get3A_1021 = arith.constant 1 : i32
      %get3A_1022 = arith.index_cast %get3A_1021 : i32 to index
      %get3A_1023 = arith.index_cast %add3A_980 : i32 to index
      %get3A_1024 = arith.constant 48 : index
      %get3A_1025 = tpu.vector_load %arg12[%get3A_1022, %get3A_1023, %get3A_1024] {strides = array<i32>} : memref<2x128x64xf32, #tpu.memory_space<vmem>>, vector<16xf32>,
      %mul3A_1026 = arith.mulf %get3A_1020, %get3A_1025 : vector<16xf32>
      %add3A_1027 = arith.addf %add3A_1015, %mul3A_1026 : vector<16xf32>
      %mul3A_1028 = arith.constant 17 : i32
      %mul3A_1029 = vector.broadcast %mul3A_1028 : i32 to vector<16xi32>
      %mul3A_1030 = arith.muli %iota3A, %mul3A_1029 : vector<16xi32>
      %add3A_1031 = arith.constant 11 : i32
      %add3A_1032 = vector.broadcast %add3A_1031 : i32 to vector<16xi32>
      %add3A_1033 = arith.addi %mul3A_1030, %add3A_1032 : vector<16xi32>
      tpu.vector_store_idx %arg16[%add3A_1033], %add3A_1027 : memref<272xf32, #tpu.memory_space<vmem>>[vector<16xi32>], vector<16xf32>,
      %add3A_1034 = arith.constant 12 : i32
      %add3A_1035 = arith.addi %mul3A_374, %add3A_1034 : i32
      %get3A_1036 = arith.constant 1 : i32
      %get3A_1037 = arith.index_cast %get3A_1036 : i32 to index
      %get3A_1038 = arith.index_cast %add3A_1035 : i32 to index
      %get3A_1039 = arith.constant 0 : index
      %get3A_1040 = tpu.vector_load %arg11[%get3A_1037, %get3A_1038, %get3A_1039] {strides = array<i32>} : memref<2x128x64xf32, #tpu.memory_space<vmem>>, vector<16xf32>,
      %get3A_1041 = arith.constant 1 : i32
      %get3A_1042 = arith.index_cast %get3A_1041 : i32 to index
      %get3A_1043 = arith.index_cast %add3A_1035 : i32 to index
      %get3A_1044 = arith.constant 0 : index
      %get3A_1045 = tpu.vector_load %arg12[%get3A_1042, %get3A_1043, %get3A_1044] {strides = array<i32>} : memref<2x128x64xf32, #tpu.memory_space<vmem>>, vector<16xf32>,
      %mul3A_1046 = arith.mulf %get3A_1040, %get3A_1045 : vector<16xf32>
      %get3A_1047 = arith.constant 1 : i32
      %get3A_1048 = arith.index_cast %get3A_1047 : i32 to index
      %get3A_1049 = arith.index_cast %add3A_1035 : i32 to index
      %get3A_1050 = arith.constant 16 : index
      %get3A_1051 = tpu.vector_load %arg11[%get3A_1048, %get3A_1049, %get3A_1050] {strides = array<i32>} : memref<2x128x64xf32, #tpu.memory_space<vmem>>, vector<16xf32>,
      %get3A_1052 = arith.constant 1 : i32
      %get3A_1053 = arith.index_cast %get3A_1052 : i32 to index
      %get3A_1054 = arith.index_cast %add3A_1035 : i32 to index
      %get3A_1055 = arith.constant 16 : index
      %get3A_1056 = tpu.vector_load %arg12[%get3A_1053, %get3A_1054, %get3A_1055] {strides = array<i32>} : memref<2x128x64xf32, #tpu.memory_space<vmem>>, vector<16xf32>,
      %mul3A_1057 = arith.mulf %get3A_1051, %get3A_1056 : vector<16xf32>
      %add3A_1058 = arith.addf %mul3A_1046, %mul3A_1057 : vector<16xf32>
      %get3A_1059 = arith.constant 1 : i32
      %get3A_1060 = arith.index_cast %get3A_1059 : i32 to index
      %get3A_1061 = arith.index_cast %add3A_1035 : i32 to index
      %get3A_1062 = arith.constant 32 : index
      %get3A_1063 = tpu.vector_load %arg11[%get3A_1060, %get3A_1061, %get3A_1062] {strides = array<i32>} : memref<2x128x64xf32, #tpu.memory_space<vmem>>, vector<16xf32>,
      %get3A_1064 = arith.constant 1 : i32
      %get3A_1065 = arith.index_cast %get3A_1064 : i32 to index
      %get3A_1066 = arith.index_cast %add3A_1035 : i32 to index
      %get3A_1067 = arith.constant 32 : index
      %get3A_1068 = tpu.vector_load %arg12[%get3A_1065, %get3A_1066, %get3A_1067] {strides = array<i32>} : memref<2x128x64xf32, #tpu.memory_space<vmem>>, vector<16xf32>,
      %mul3A_1069 = arith.mulf %get3A_1063, %get3A_1068 : vector<16xf32>
      %add3A_1070 = arith.addf %add3A_1058, %mul3A_1069 : vector<16xf32>
      %get3A_1071 = arith.constant 1 : i32
      %get3A_1072 = arith.index_cast %get3A_1071 : i32 to index
      %get3A_1073 = arith.index_cast %add3A_1035 : i32 to index
      %get3A_1074 = arith.constant 48 : index
      %get3A_1075 = tpu.vector_load %arg11[%get3A_1072, %get3A_1073, %get3A_1074] {strides = array<i32>} : memref<2x128x64xf32, #tpu.memory_space<vmem>>, vector<16xf32>,
      %get3A_1076 = arith.constant 1 : i32
      %get3A_1077 = arith.index_cast %get3A_1076 : i32 to index
      %get3A_1078 = arith.index_cast %add3A_1035 : i32 to index
      %get3A_1079 = arith.constant 48 : index
      %get3A_1080 = tpu.vector_load %arg12[%get3A_1077, %get3A_1078, %get3A_1079] {strides = array<i32>} : memref<2x128x64xf32, #tpu.memory_space<vmem>>, vector<16xf32>,
      %mul3A_1081 = arith.mulf %get3A_1075, %get3A_1080 : vector<16xf32>
      %add3A_1082 = arith.addf %add3A_1070, %mul3A_1081 : vector<16xf32>
      %mul3A_1083 = arith.constant 17 : i32
      %mul3A_1084 = vector.broadcast %mul3A_1083 : i32 to vector<16xi32>
      %mul3A_1085 = arith.muli %iota3A, %mul3A_1084 : vector<16xi32>
      %add3A_1086 = arith.constant 12 : i32
      %add3A_1087 = vector.broadcast %add3A_1086 : i32 to vector<16xi32>
      %add3A_1088 = arith.addi %mul3A_1085, %add3A_1087 : vector<16xi32>
      tpu.vector_store_idx %arg16[%add3A_1088], %add3A_1082 : memref<272xf32, #tpu.memory_space<vmem>>[vector<16xi32>], vector<16xf32>,
      %add3A_1089 = arith.constant 13 : i32
      %add3A_1090 = arith.addi %mul3A_374, %add3A_1089 : i32
      %get3A_1091 = arith.constant 1 : i32
      %get3A_1092 = arith.index_cast %get3A_1091 : i32 to index
      %get3A_1093 = arith.index_cast %add3A_1090 : i32 to index
      %get3A_1094 = arith.constant 0 : index
      %get3A_1095 = tpu.vector_load %arg11[%get3A_1092, %get3A_1093, %get3A_1094] {strides = array<i32>} : memref<2x128x64xf32, #tpu.memory_space<vmem>>, vector<16xf32>,
      %get3A_1096 = arith.constant 1 : i32
      %get3A_1097 = arith.index_cast %get3A_1096 : i32 to index
      %get3A_1098 = arith.index_cast %add3A_1090 : i32 to index
      %get3A_1099 = arith.constant 0 : index
      %get3A_1100 = tpu.vector_load %arg12[%get3A_1097, %get3A_1098, %get3A_1099] {strides = array<i32>} : memref<2x128x64xf32, #tpu.memory_space<vmem>>, vector<16xf32>,
      %mul3A_1101 = arith.mulf %get3A_1095, %get3A_1100 : vector<16xf32>
      %get3A_1102 = arith.constant 1 : i32
      %get3A_1103 = arith.index_cast %get3A_1102 : i32 to index
      %get3A_1104 = arith.index_cast %add3A_1090 : i32 to index
      %get3A_1105 = arith.constant 16 : index
      %get3A_1106 = tpu.vector_load %arg11[%get3A_1103, %get3A_1104, %get3A_1105] {strides = array<i32>} : memref<2x128x64xf32, #tpu.memory_space<vmem>>, vector<16xf32>,
      %get3A_1107 = arith.constant 1 : i32
      %get3A_1108 = arith.index_cast %get3A_1107 : i32 to index
      %get3A_1109 = arith.index_cast %add3A_1090 : i32 to index
      %get3A_1110 = arith.constant 16 : index
      %get3A_1111 = tpu.vector_load %arg12[%get3A_1108, %get3A_1109, %get3A_1110] {strides = array<i32>} : memref<2x128x64xf32, #tpu.memory_space<vmem>>, vector<16xf32>,
      %mul3A_1112 = arith.mulf %get3A_1106, %get3A_1111 : vector<16xf32>
      %add3A_1113 = arith.addf %mul3A_1101, %mul3A_1112 : vector<16xf32>
      %get3A_1114 = arith.constant 1 : i32
      %get3A_1115 = arith.index_cast %get3A_1114 : i32 to index
      %get3A_1116 = arith.index_cast %add3A_1090 : i32 to index
      %get3A_1117 = arith.constant 32 : index
      %get3A_1118 = tpu.vector_load %arg11[%get3A_1115, %get3A_1116, %get3A_1117] {strides = array<i32>} : memref<2x128x64xf32, #tpu.memory_space<vmem>>, vector<16xf32>,
      %get3A_1119 = arith.constant 1 : i32
      %get3A_1120 = arith.index_cast %get3A_1119 : i32 to index
      %get3A_1121 = arith.index_cast %add3A_1090 : i32 to index
      %get3A_1122 = arith.constant 32 : index
      %get3A_1123 = tpu.vector_load %arg12[%get3A_1120, %get3A_1121, %get3A_1122] {strides = array<i32>} : memref<2x128x64xf32, #tpu.memory_space<vmem>>, vector<16xf32>,
      %mul3A_1124 = arith.mulf %get3A_1118, %get3A_1123 : vector<16xf32>
      %add3A_1125 = arith.addf %add3A_1113, %mul3A_1124 : vector<16xf32>
      %get3A_1126 = arith.constant 1 : i32
      %get3A_1127 = arith.index_cast %get3A_1126 : i32 to index
      %get3A_1128 = arith.index_cast %add3A_1090 : i32 to index
      %get3A_1129 = arith.constant 48 : index
      %get3A_1130 = tpu.vector_load %arg11[%get3A_1127, %get3A_1128, %get3A_1129] {strides = array<i32>} : memref<2x128x64xf32, #tpu.memory_space<vmem>>, vector<16xf32>,
      %get3A_1131 = arith.constant 1 : i32
      %get3A_1132 = arith.index_cast %get3A_1131 : i32 to index
      %get3A_1133 = arith.index_cast %add3A_1090 : i32 to index
      %get3A_1134 = arith.constant 48 : index
      %get3A_1135 = tpu.vector_load %arg12[%get3A_1132, %get3A_1133, %get3A_1134] {strides = array<i32>} : memref<2x128x64xf32, #tpu.memory_space<vmem>>, vector<16xf32>,
      %mul3A_1136 = arith.mulf %get3A_1130, %get3A_1135 : vector<16xf32>
      %add3A_1137 = arith.addf %add3A_1125, %mul3A_1136 : vector<16xf32>
      %mul3A_1138 = arith.constant 17 : i32
      %mul3A_1139 = vector.broadcast %mul3A_1138 : i32 to vector<16xi32>
      %mul3A_1140 = arith.muli %iota3A, %mul3A_1139 : vector<16xi32>
      %add3A_1141 = arith.constant 13 : i32
      %add3A_1142 = vector.broadcast %add3A_1141 : i32 to vector<16xi32>
      %add3A_1143 = arith.addi %mul3A_1140, %add3A_1142 : vector<16xi32>
      tpu.vector_store_idx %arg16[%add3A_1143], %add3A_1137 : memref<272xf32, #tpu.memory_space<vmem>>[vector<16xi32>], vector<16xf32>,
      %add3A_1144 = arith.constant 14 : i32
      %add3A_1145 = arith.addi %mul3A_374, %add3A_1144 : i32
      %get3A_1146 = arith.constant 1 : i32
      %get3A_1147 = arith.index_cast %get3A_1146 : i32 to index
      %get3A_1148 = arith.index_cast %add3A_1145 : i32 to index
      %get3A_1149 = arith.constant 0 : index
      %get3A_1150 = tpu.vector_load %arg11[%get3A_1147, %get3A_1148, %get3A_1149] {strides = array<i32>} : memref<2x128x64xf32, #tpu.memory_space<vmem>>, vector<16xf32>,
      %get3A_1151 = arith.constant 1 : i32
      %get3A_1152 = arith.index_cast %get3A_1151 : i32 to index
      %get3A_1153 = arith.index_cast %add3A_1145 : i32 to index
      %get3A_1154 = arith.constant 0 : index
      %get3A_1155 = tpu.vector_load %arg12[%get3A_1152, %get3A_1153, %get3A_1154] {strides = array<i32>} : memref<2x128x64xf32, #tpu.memory_space<vmem>>, vector<16xf32>,
      %mul3A_1156 = arith.mulf %get3A_1150, %get3A_1155 : vector<16xf32>
      %get3A_1157 = arith.constant 1 : i32
      %get3A_1158 = arith.index_cast %get3A_1157 : i32 to index
      %get3A_1159 = arith.index_cast %add3A_1145 : i32 to index
      %get3A_1160 = arith.constant 16 : index
      %get3A_1161 = tpu.vector_load %arg11[%get3A_1158, %get3A_1159, %get3A_1160] {strides = array<i32>} : memref<2x128x64xf32, #tpu.memory_space<vmem>>, vector<16xf32>,
      %get3A_1162 = arith.constant 1 : i32
      %get3A_1163 = arith.index_cast %get3A_1162 : i32 to index
      %get3A_1164 = arith.index_cast %add3A_1145 : i32 to index
      %get3A_1165 = arith.constant 16 : index
      %get3A_1166 = tpu.vector_load %arg12[%get3A_1163, %get3A_1164, %get3A_1165] {strides = array<i32>} : memref<2x128x64xf32, #tpu.memory_space<vmem>>, vector<16xf32>,
      %mul3A_1167 = arith.mulf %get3A_1161, %get3A_1166 : vector<16xf32>
      %add3A_1168 = arith.addf %mul3A_1156, %mul3A_1167 : vector<16xf32>
      %get3A_1169 = arith.constant 1 : i32
      %get3A_1170 = arith.index_cast %get3A_1169 : i32 to index
      %get3A_1171 = arith.index_cast %add3A_1145 : i32 to index
      %get3A_1172 = arith.constant 32 : index
      %get3A_1173 = tpu.vector_load %arg11[%get3A_1170, %get3A_1171, %get3A_1172] {strides = array<i32>} : memref<2x128x64xf32, #tpu.memory_space<vmem>>, vector<16xf32>,
      %get3A_1174 = arith.constant 1 : i32
      %get3A_1175 = arith.index_cast %get3A_1174 : i32 to index
      %get3A_1176 = arith.index_cast %add3A_1145 : i32 to index
      %get3A_1177 = arith.constant 32 : index
      %get3A_1178 = tpu.vector_load %arg12[%get3A_1175, %get3A_1176, %get3A_1177] {strides = array<i32>} : memref<2x128x64xf32, #tpu.memory_space<vmem>>, vector<16xf32>,
      %mul3A_1179 = arith.mulf %get3A_1173, %get3A_1178 : vector<16xf32>
      %add3A_1180 = arith.addf %add3A_1168, %mul3A_1179 : vector<16xf32>
      %get3A_1181 = arith.constant 1 : i32
      %get3A_1182 = arith.index_cast %get3A_1181 : i32 to index
      %get3A_1183 = arith.index_cast %add3A_1145 : i32 to index
      %get3A_1184 = arith.constant 48 : index
      %get3A_1185 = tpu.vector_load %arg11[%get3A_1182, %get3A_1183, %get3A_1184] {strides = array<i32>} : memref<2x128x64xf32, #tpu.memory_space<vmem>>, vector<16xf32>,
      %get3A_1186 = arith.constant 1 : i32
      %get3A_1187 = arith.index_cast %get3A_1186 : i32 to index
      %get3A_1188 = arith.index_cast %add3A_1145 : i32 to index
      %get3A_1189 = arith.constant 48 : index
      %get3A_1190 = tpu.vector_load %arg12[%get3A_1187, %get3A_1188, %get3A_1189] {strides = array<i32>} : memref<2x128x64xf32, #tpu.memory_space<vmem>>, vector<16xf32>,
      %mul3A_1191 = arith.mulf %get3A_1185, %get3A_1190 : vector<16xf32>
      %add3A_1192 = arith.addf %add3A_1180, %mul3A_1191 : vector<16xf32>
      %mul3A_1193 = arith.constant 17 : i32
      %mul3A_1194 = vector.broadcast %mul3A_1193 : i32 to vector<16xi32>
      %mul3A_1195 = arith.muli %iota3A, %mul3A_1194 : vector<16xi32>
      %add3A_1196 = arith.constant 14 : i32
      %add3A_1197 = vector.broadcast %add3A_1196 : i32 to vector<16xi32>
      %add3A_1198 = arith.addi %mul3A_1195, %add3A_1197 : vector<16xi32>
      tpu.vector_store_idx %arg16[%add3A_1198], %add3A_1192 : memref<272xf32, #tpu.memory_space<vmem>>[vector<16xi32>], vector<16xf32>,
      %add3A_1199 = arith.constant 15 : i32
      %add3A_1200 = arith.addi %mul3A_374, %add3A_1199 : i32
      %get3A_1201 = arith.constant 1 : i32
      %get3A_1202 = arith.index_cast %get3A_1201 : i32 to index
      %get3A_1203 = arith.index_cast %add3A_1200 : i32 to index
      %get3A_1204 = arith.constant 0 : index
      %get3A_1205 = tpu.vector_load %arg11[%get3A_1202, %get3A_1203, %get3A_1204] {strides = array<i32>} : memref<2x128x64xf32, #tpu.memory_space<vmem>>, vector<16xf32>,
      %get3A_1206 = arith.constant 1 : i32
      %get3A_1207 = arith.index_cast %get3A_1206 : i32 to index
      %get3A_1208 = arith.index_cast %add3A_1200 : i32 to index
      %get3A_1209 = arith.constant 0 : index
      %get3A_1210 = tpu.vector_load %arg12[%get3A_1207, %get3A_1208, %get3A_1209] {strides = array<i32>} : memref<2x128x64xf32, #tpu.memory_space<vmem>>, vector<16xf32>,
      %mul3A_1211 = arith.mulf %get3A_1205, %get3A_1210 : vector<16xf32>
      %get3A_1212 = arith.constant 1 : i32
      %get3A_1213 = arith.index_cast %get3A_1212 : i32 to index
      %get3A_1214 = arith.index_cast %add3A_1200 : i32 to index
      %get3A_1215 = arith.constant 16 : index
      %get3A_1216 = tpu.vector_load %arg11[%get3A_1213, %get3A_1214, %get3A_1215] {strides = array<i32>} : memref<2x128x64xf32, #tpu.memory_space<vmem>>, vector<16xf32>,
      %get3A_1217 = arith.constant 1 : i32
      %get3A_1218 = arith.index_cast %get3A_1217 : i32 to index
      %get3A_1219 = arith.index_cast %add3A_1200 : i32 to index
      %get3A_1220 = arith.constant 16 : index
      %get3A_1221 = tpu.vector_load %arg12[%get3A_1218, %get3A_1219, %get3A_1220] {strides = array<i32>} : memref<2x128x64xf32, #tpu.memory_space<vmem>>, vector<16xf32>,
      %mul3A_1222 = arith.mulf %get3A_1216, %get3A_1221 : vector<16xf32>
      %add3A_1223 = arith.addf %mul3A_1211, %mul3A_1222 : vector<16xf32>
      %get3A_1224 = arith.constant 1 : i32
      %get3A_1225 = arith.index_cast %get3A_1224 : i32 to index
      %get3A_1226 = arith.index_cast %add3A_1200 : i32 to index
      %get3A_1227 = arith.constant 32 : index
      %get3A_1228 = tpu.vector_load %arg11[%get3A_1225, %get3A_1226, %get3A_1227] {strides = array<i32>} : memref<2x128x64xf32, #tpu.memory_space<vmem>>, vector<16xf32>,
      %get3A_1229 = arith.constant 1 : i32
      %get3A_1230 = arith.index_cast %get3A_1229 : i32 to index
      %get3A_1231 = arith.index_cast %add3A_1200 : i32 to index
      %get3A_1232 = arith.constant 32 : index
      %get3A_1233 = tpu.vector_load %arg12[%get3A_1230, %get3A_1231, %get3A_1232] {strides = array<i32>} : memref<2x128x64xf32, #tpu.memory_space<vmem>>, vector<16xf32>,
      %mul3A_1234 = arith.mulf %get3A_1228, %get3A_1233 : vector<16xf32>
      %add3A_1235 = arith.addf %add3A_1223, %mul3A_1234 : vector<16xf32>
      %get3A_1236 = arith.constant 1 : i32
      %get3A_1237 = arith.index_cast %get3A_1236 : i32 to index
      %get3A_1238 = arith.index_cast %add3A_1200 : i32 to index
      %get3A_1239 = arith.constant 48 : index
      %get3A_1240 = tpu.vector_load %arg11[%get3A_1237, %get3A_1238, %get3A_1239] {strides = array<i32>} : memref<2x128x64xf32, #tpu.memory_space<vmem>>, vector<16xf32>,
      %get3A_1241 = arith.constant 1 : i32
      %get3A_1242 = arith.index_cast %get3A_1241 : i32 to index
      %get3A_1243 = arith.index_cast %add3A_1200 : i32 to index
      %get3A_1244 = arith.constant 48 : index
      %get3A_1245 = tpu.vector_load %arg12[%get3A_1242, %get3A_1243, %get3A_1244] {strides = array<i32>} : memref<2x128x64xf32, #tpu.memory_space<vmem>>, vector<16xf32>,
      %mul3A_1246 = arith.mulf %get3A_1240, %get3A_1245 : vector<16xf32>
      %add3A_1247 = arith.addf %add3A_1235, %mul3A_1246 : vector<16xf32>
      %mul3A_1248 = arith.constant 17 : i32
      %mul3A_1249 = vector.broadcast %mul3A_1248 : i32 to vector<16xi32>
      %mul3A_1250 = arith.muli %iota3A, %mul3A_1249 : vector<16xi32>
      %add3A_1251 = arith.constant 15 : i32
      %add3A_1252 = vector.broadcast %add3A_1251 : i32 to vector<16xi32>
      %add3A_1253 = arith.addi %mul3A_1250, %add3A_1252 : vector<16xi32>
      tpu.vector_store_idx %arg16[%add3A_1253], %add3A_1247 : memref<272xf32, #tpu.memory_space<vmem>>[vector<16xi32>], vector<16xf32>,
      %get3A_1254 = arith.constant 0 : index
      %get3A_1255 = tpu.vector_load %arg16[%get3A_1254] {strides = array<i32>} : memref<272xf32, #tpu.memory_space<vmem>>, vector<16xf32>,
      %get3A_1256 = arith.constant 17 : index
      %get3A_1257 = tpu.vector_load %arg16[%get3A_1256] {strides = array<i32>} : memref<272xf32, #tpu.memory_space<vmem>>, vector<16xf32>,
      %add3A_1258 = arith.addf %get3A_1255, %get3A_1257 : vector<16xf32>
      %get3A_1259 = arith.constant 34 : index
      %get3A_1260 = tpu.vector_load %arg16[%get3A_1259] {strides = array<i32>} : memref<272xf32, #tpu.memory_space<vmem>>, vector<16xf32>,
      %add3A_1261 = arith.addf %add3A_1258, %get3A_1260 : vector<16xf32>
      %get3A_1262 = arith.constant 51 : index
      %get3A_1263 = tpu.vector_load %arg16[%get3A_1262] {strides = array<i32>} : memref<272xf32, #tpu.memory_space<vmem>>, vector<16xf32>,
      %add3A_1264 = arith.addf %add3A_1261, %get3A_1263 : vector<16xf32>
      %get3A_1265 = arith.constant 68 : index
      %get3A_1266 = tpu.vector_load %arg16[%get3A_1265] {strides = array<i32>} : memref<272xf32, #tpu.memory_space<vmem>>, vector<16xf32>,
      %add3A_1267 = arith.addf %add3A_1264, %get3A_1266 : vector<16xf32>
      %get3A_1268 = arith.constant 85 : index
      %get3A_1269 = tpu.vector_load %arg16[%get3A_1268] {strides = array<i32>} : memref<272xf32, #tpu.memory_space<vmem>>, vector<16xf32>,
      %add3A_1270 = arith.addf %add3A_1267, %get3A_1269 : vector<16xf32>
      %get3A_1271 = arith.constant 102 : index
      %get3A_1272 = tpu.vector_load %arg16[%get3A_1271] {strides = array<i32>} : memref<272xf32, #tpu.memory_space<vmem>>, vector<16xf32>,
      %add3A_1273 = arith.addf %add3A_1270, %get3A_1272 : vector<16xf32>
      %get3A_1274 = arith.constant 119 : index
      %get3A_1275 = tpu.vector_load %arg16[%get3A_1274] {strides = array<i32>} : memref<272xf32, #tpu.memory_space<vmem>>, vector<16xf32>,
      %add3A_1276 = arith.addf %add3A_1273, %get3A_1275 : vector<16xf32>
      %get3A_1277 = arith.constant 136 : index
      %get3A_1278 = tpu.vector_load %arg16[%get3A_1277] {strides = array<i32>} : memref<272xf32, #tpu.memory_space<vmem>>, vector<16xf32>,
      %add3A_1279 = arith.addf %add3A_1276, %get3A_1278 : vector<16xf32>
      %get3A_1280 = arith.constant 153 : index
      %get3A_1281 = tpu.vector_load %arg16[%get3A_1280] {strides = array<i32>} : memref<272xf32, #tpu.memory_space<vmem>>, vector<16xf32>,
      %add3A_1282 = arith.addf %add3A_1279, %get3A_1281 : vector<16xf32>
      %get3A_1283 = arith.constant 170 : index
      %get3A_1284 = tpu.vector_load %arg16[%get3A_1283] {strides = array<i32>} : memref<272xf32, #tpu.memory_space<vmem>>, vector<16xf32>,
      %add3A_1285 = arith.addf %add3A_1282, %get3A_1284 : vector<16xf32>
      %get3A_1286 = arith.constant 187 : index
      %get3A_1287 = tpu.vector_load %arg16[%get3A_1286] {strides = array<i32>} : memref<272xf32, #tpu.memory_space<vmem>>, vector<16xf32>,
      %add3A_1288 = arith.addf %add3A_1285, %get3A_1287 : vector<16xf32>
      %get3A_1289 = arith.constant 204 : index
      %get3A_1290 = tpu.vector_load %arg16[%get3A_1289] {strides = array<i32>} : memref<272xf32, #tpu.memory_space<vmem>>, vector<16xf32>,
      %add3A_1291 = arith.addf %add3A_1288, %get3A_1290 : vector<16xf32>
      %get3A_1292 = arith.constant 221 : index
      %get3A_1293 = tpu.vector_load %arg16[%get3A_1292] {strides = array<i32>} : memref<272xf32, #tpu.memory_space<vmem>>, vector<16xf32>,
      %add3A_1294 = arith.addf %add3A_1291, %get3A_1293 : vector<16xf32>
      %get3A_1295 = arith.constant 238 : index
      %get3A_1296 = tpu.vector_load %arg16[%get3A_1295] {strides = array<i32>} : memref<272xf32, #tpu.memory_space<vmem>>, vector<16xf32>,
      %add3A_1297 = arith.addf %add3A_1294, %get3A_1296 : vector<16xf32>
      %get3A_1298 = arith.constant 255 : index
      %get3A_1299 = tpu.vector_load %arg16[%get3A_1298] {strides = array<i32>} : memref<272xf32, #tpu.memory_space<vmem>>, vector<16xf32>,
      %add3A_1300 = arith.addf %add3A_1297, %get3A_1299 : vector<16xf32>
      %get3A_1301 = arith.constant 1 : i32
      %get3A_1302 = arith.index_cast %get3A_1301 : i32 to index
      %get3A_1303 = arith.index_cast %mul3A_374 : i32 to index
      %get3A_1304 = tpu.vector_load %arg13[%get3A_1302, %get3A_1303] {strides = array<i32>} : memref<2x128xf32, #tpu.memory_space<vmem>>, vector<16xf32>,
      %add3A_1305 = arith.addf %add3A_1300, %get3A_1304 : vector<16xf32>
      %get3A_1306 = arith.constant 1 : i32
      %get3A_1307 = arith.index_cast %get3A_1306 : i32 to index
      %get3A_1308 = arith.index_cast %mul3A_374 : i32 to index
      %get3A_1309 = tpu.vector_load %arg14[%get3A_1307, %get3A_1308] {strides = array<i32>} : memref<2x128xf32, #tpu.memory_space<vmem>>, vector<16xf32>,
      %add3A_1310 = arith.addf %add3A_1305, %get3A_1309 : vector<16xf32>
      %add3A_1311 = arith.constant 128 : i32
      %add3A_1312 = arith.addi %add3A_1311, %mul3A_374 : i32
      %swap3A = arith.index_cast %add3A_1312 : i32 to index
      %swap3A_1313 = tpu.vector_load %arg15[%swap3A] {strides = array<i32>} : memref<512xf32, #tpu.memory_space<vmem>>, vector<16xf32>,
      tpu.vector_store %arg15[%swap3A], %add3A_1310 {strides = array<i32>} : memref<512xf32, #tpu.memory_space<vmem>>, vector<16xf32>,
    }
    %scan3A_229 = arith.constant 8 : i32
    %dma_start3A_230 = arith.constant 3 : i32
    %dma_start3A_231 = arith.constant 1 : i32
    %dma_start3A_232 = arith.constant 0 : i32
    %dma_start3A_233 = arith.constant 0 : i32
    %dma_start3A_234 = tpu.memref_slice %arg11[%dma_start3A_231, %dma_start3A_232, %dma_start3A_233] : memref<2x128x64xf32, #tpu.memory_space<vmem>> -> memref<1x128x64xf32, #tpu.memory_space<vmem>>
    %dma_start3A_235 = tpu.memref_squeeze %dma_start3A_234 : memref<1x128x64xf32, #tpu.memory_space<vmem>> -> memref<128x64xf32, #tpu.memory_space<vmem>>
    %dma_start3A_236 = arith.constant 0 : i32
    %dma_start3A_237 = tpu.memref_slice %arg9[%dma_start3A_230, %dma_start3A_236] : memref<4x128xi32, #tpu.memory_space<vmem>> -> memref<1x128xi32, #tpu.memory_space<vmem>>
    %dma_start3A_238 = tpu.memref_squeeze %dma_start3A_237 : memref<1x128xi32, #tpu.memory_space<vmem>> -> memref<128xi32, #tpu.memory_space<vmem>>
    %dma_start3A_239 = arith.constant 0 : i32
    %dma_start3A_240 = arith.constant 0 : i32
    %dma_start3A_241 = tpu.memref_slice %arg4[%dma_start3A_239, %dma_start3A_240] : memref<100001x64xf32, #tpu.memory_space<hbm>> -> memref<100001x64xf32, #tpu.memory_space<hbm>>
    tpu.enqueue_indirect_dma source(%dma_start3A_241 : memref<100001x64xf32, #tpu.memory_space<hbm>>) target(%dma_start3A_235 : memref<128x64xf32, #tpu.memory_space<vmem>>) offsets(%dma_start3A_238 : memref<128xi32, #tpu.memory_space<vmem>>) semaphore(%arg17 : memref<!tpu.dma_semaphore, #tpu.memory_space<semaphore_mem>>)
    %dma_start3A_242 = arith.constant 3 : i32
    %dma_start3A_243 = arith.constant 1 : i32
    %dma_start3A_244 = arith.constant 0 : i32
    %dma_start3A_245 = arith.constant 0 : i32
    %dma_start3A_246 = tpu.memref_slice %arg12[%dma_start3A_243, %dma_start3A_244, %dma_start3A_245] : memref<2x128x64xf32, #tpu.memory_space<vmem>> -> memref<1x128x64xf32, #tpu.memory_space<vmem>>
    %dma_start3A_247 = tpu.memref_squeeze %dma_start3A_246 : memref<1x128x64xf32, #tpu.memory_space<vmem>> -> memref<128x64xf32, #tpu.memory_space<vmem>>
    %dma_start3A_248 = arith.constant 0 : i32
    %dma_start3A_249 = tpu.memref_slice %arg10[%dma_start3A_242, %dma_start3A_248] : memref<4x128xi32, #tpu.memory_space<vmem>> -> memref<1x128xi32, #tpu.memory_space<vmem>>
    %dma_start3A_250 = tpu.memref_squeeze %dma_start3A_249 : memref<1x128xi32, #tpu.memory_space<vmem>> -> memref<128xi32, #tpu.memory_space<vmem>>
    %dma_start3A_251 = arith.constant 0 : i32
    %dma_start3A_252 = arith.constant 0 : i32
    %dma_start3A_253 = tpu.memref_slice %arg5[%dma_start3A_251, %dma_start3A_252] : memref<100001x64xf32, #tpu.memory_space<hbm>> -> memref<100001x64xf32, #tpu.memory_space<hbm>>
    tpu.enqueue_indirect_dma source(%dma_start3A_253 : memref<100001x64xf32, #tpu.memory_space<hbm>>) target(%dma_start3A_247 : memref<128x64xf32, #tpu.memory_space<vmem>>) offsets(%dma_start3A_250 : memref<128xi32, #tpu.memory_space<vmem>>) semaphore(%arg17 : memref<!tpu.dma_semaphore, #tpu.memory_space<semaphore_mem>>)
    %dma_start3A_254 = arith.constant 3 : i32
    %dma_start3A_255 = arith.constant 1 : i32
    %dma_start3A_256 = arith.constant 0 : i32
    %dma_start3A_257 = tpu.memref_slice %arg13[%dma_start3A_255, %dma_start3A_256] : memref<2x128xf32, #tpu.memory_space<vmem>> -> memref<1x128xf32, #tpu.memory_space<vmem>>
    %dma_start3A_258 = tpu.memref_squeeze %dma_start3A_257 : memref<1x128xf32, #tpu.memory_space<vmem>> -> memref<128xf32, #tpu.memory_space<vmem>>
    %dma_start3A_259 = arith.constant 0 : i32
    %dma_start3A_260 = tpu.memref_slice %arg9[%dma_start3A_254, %dma_start3A_259] : memref<4x128xi32, #tpu.memory_space<vmem>> -> memref<1x128xi32, #tpu.memory_space<vmem>>
    %dma_start3A_261 = tpu.memref_squeeze %dma_start3A_260 : memref<1x128xi32, #tpu.memory_space<vmem>> -> memref<128xi32, #tpu.memory_space<vmem>>
    %dma_start3A_262 = arith.constant 0 : i32
    %dma_start3A_263 = tpu.memref_slice %arg6[%dma_start3A_262] : memref<100001xf32, #tpu.memory_space<hbm>> -> memref<100001xf32, #tpu.memory_space<hbm>>
    tpu.enqueue_indirect_dma source(%dma_start3A_263 : memref<100001xf32, #tpu.memory_space<hbm>>) target(%dma_start3A_258 : memref<128xf32, #tpu.memory_space<vmem>>) offsets(%dma_start3A_261 : memref<128xi32, #tpu.memory_space<vmem>>) semaphore(%arg17 : memref<!tpu.dma_semaphore, #tpu.memory_space<semaphore_mem>>)
    %dma_start3A_264 = arith.constant 3 : i32
    %dma_start3A_265 = arith.constant 1 : i32
    %dma_start3A_266 = arith.constant 0 : i32
    %dma_start3A_267 = tpu.memref_slice %arg14[%dma_start3A_265, %dma_start3A_266] : memref<2x128xf32, #tpu.memory_space<vmem>> -> memref<1x128xf32, #tpu.memory_space<vmem>>
    %dma_start3A_268 = tpu.memref_squeeze %dma_start3A_267 : memref<1x128xf32, #tpu.memory_space<vmem>> -> memref<128xf32, #tpu.memory_space<vmem>>
    %dma_start3A_269 = arith.constant 0 : i32
    %dma_start3A_270 = tpu.memref_slice %arg10[%dma_start3A_264, %dma_start3A_269] : memref<4x128xi32, #tpu.memory_space<vmem>> -> memref<1x128xi32, #tpu.memory_space<vmem>>
    %dma_start3A_271 = tpu.memref_squeeze %dma_start3A_270 : memref<1x128xi32, #tpu.memory_space<vmem>> -> memref<128xi32, #tpu.memory_space<vmem>>
    %dma_start3A_272 = arith.constant 0 : i32
    %dma_start3A_273 = tpu.memref_slice %arg7[%dma_start3A_272] : memref<100001xf32, #tpu.memory_space<hbm>> -> memref<100001xf32, #tpu.memory_space<hbm>>
    tpu.enqueue_indirect_dma source(%dma_start3A_273 : memref<100001xf32, #tpu.memory_space<hbm>>) target(%dma_start3A_268 : memref<128xf32, #tpu.memory_space<vmem>>) offsets(%dma_start3A_271 : memref<128xi32, #tpu.memory_space<vmem>>) semaphore(%arg17 : memref<!tpu.dma_semaphore, #tpu.memory_space<semaphore_mem>>)
    %dma_wait3A_274 = arith.constant 2 : i32
    %dma_wait3A_275 = arith.constant 0 : i32
    %dma_wait3A_276 = arith.constant 0 : i32
    %dma_wait3A_277 = arith.constant 0 : i32
    %dma_wait3A_278 = tpu.memref_slice %arg11[%dma_wait3A_275, %dma_wait3A_276, %dma_wait3A_277] : memref<2x128x64xf32, #tpu.memory_space<vmem>> -> memref<1x128x64xf32, #tpu.memory_space<vmem>>
    %dma_wait3A_279 = tpu.memref_squeeze %dma_wait3A_278 : memref<1x128x64xf32, #tpu.memory_space<vmem>> -> memref<128x64xf32, #tpu.memory_space<vmem>>
    %dma_wait3A_280 = arith.constant 0 : i32
    %dma_wait3A_281 = tpu.memref_slice %arg9[%dma_wait3A_274, %dma_wait3A_280] : memref<4x128xi32, #tpu.memory_space<vmem>> -> memref<1x128xi32, #tpu.memory_space<vmem>>
    %dma_wait3A_282 = tpu.memref_squeeze %dma_wait3A_281 : memref<1x128xi32, #tpu.memory_space<vmem>> -> memref<128xi32, #tpu.memory_space<vmem>>
    %dma_wait3A_283 = arith.constant 0 : i32
    %dma_wait3A_284 = arith.constant 0 : i32
    %dma_wait3A_285 = tpu.memref_slice %arg4[%dma_wait3A_283, %dma_wait3A_284] : memref<100001x64xf32, #tpu.memory_space<hbm>> -> memref<100001x64xf32, #tpu.memory_space<hbm>>
    tpu.wait_indirect_dma semaphore(%arg17 : memref<!tpu.dma_semaphore, #tpu.memory_space<semaphore_mem>>) src(%dma_wait3A_285 : memref<100001x64xf32, #tpu.memory_space<hbm>>) dst(%dma_wait3A_279 : memref<128x64xf32, #tpu.memory_space<vmem>>)
    %dma_wait3A_286 = arith.constant 2 : i32
    %dma_wait3A_287 = arith.constant 0 : i32
    %dma_wait3A_288 = arith.constant 0 : i32
    %dma_wait3A_289 = arith.constant 0 : i32
    %dma_wait3A_290 = tpu.memref_slice %arg12[%dma_wait3A_287, %dma_wait3A_288, %dma_wait3A_289] : memref<2x128x64xf32, #tpu.memory_space<vmem>> -> memref<1x128x64xf32, #tpu.memory_space<vmem>>
    %dma_wait3A_291 = tpu.memref_squeeze %dma_wait3A_290 : memref<1x128x64xf32, #tpu.memory_space<vmem>> -> memref<128x64xf32, #tpu.memory_space<vmem>>
    %dma_wait3A_292 = arith.constant 0 : i32
    %dma_wait3A_293 = tpu.memref_slice %arg10[%dma_wait3A_286, %dma_wait3A_292] : memref<4x128xi32, #tpu.memory_space<vmem>> -> memref<1x128xi32, #tpu.memory_space<vmem>>
    %dma_wait3A_294 = tpu.memref_squeeze %dma_wait3A_293 : memref<1x128xi32, #tpu.memory_space<vmem>> -> memref<128xi32, #tpu.memory_space<vmem>>
    %dma_wait3A_295 = arith.constant 0 : i32
    %dma_wait3A_296 = arith.constant 0 : i32
    %dma_wait3A_297 = tpu.memref_slice %arg5[%dma_wait3A_295, %dma_wait3A_296] : memref<100001x64xf32, #tpu.memory_space<hbm>> -> memref<100001x64xf32, #tpu.memory_space<hbm>>
    tpu.wait_indirect_dma semaphore(%arg17 : memref<!tpu.dma_semaphore, #tpu.memory_space<semaphore_mem>>) src(%dma_wait3A_297 : memref<100001x64xf32, #tpu.memory_space<hbm>>) dst(%dma_wait3A_291 : memref<128x64xf32, #tpu.memory_space<vmem>>)
    %dma_wait3A_298 = arith.constant 2 : i32
    %dma_wait3A_299 = arith.constant 0 : i32
    %dma_wait3A_300 = arith.constant 0 : i32
    %dma_wait3A_301 = tpu.memref_slice %arg13[%dma_wait3A_299, %dma_wait3A_300] : memref<2x128xf32, #tpu.memory_space<vmem>> -> memref<1x128xf32, #tpu.memory_space<vmem>>
    %dma_wait3A_302 = tpu.memref_squeeze %dma_wait3A_301 : memref<1x128xf32, #tpu.memory_space<vmem>> -> memref<128xf32, #tpu.memory_space<vmem>>
    %dma_wait3A_303 = arith.constant 0 : i32
    %dma_wait3A_304 = tpu.memref_slice %arg9[%dma_wait3A_298, %dma_wait3A_303] : memref<4x128xi32, #tpu.memory_space<vmem>> -> memref<1x128xi32, #tpu.memory_space<vmem>>
    %dma_wait3A_305 = tpu.memref_squeeze %dma_wait3A_304 : memref<1x128xi32, #tpu.memory_space<vmem>> -> memref<128xi32, #tpu.memory_space<vmem>>
    %dma_wait3A_306 = arith.constant 0 : i32
    %dma_wait3A_307 = tpu.memref_slice %arg6[%dma_wait3A_306] : memref<100001xf32, #tpu.memory_space<hbm>> -> memref<100001xf32, #tpu.memory_space<hbm>>
    tpu.wait_indirect_dma semaphore(%arg17 : memref<!tpu.dma_semaphore, #tpu.memory_space<semaphore_mem>>) src(%dma_wait3A_307 : memref<100001xf32, #tpu.memory_space<hbm>>) dst(%dma_wait3A_302 : memref<128xf32, #tpu.memory_space<vmem>>)
    %dma_wait3A_308 = arith.constant 2 : i32
    %dma_wait3A_309 = arith.constant 0 : i32
    %dma_wait3A_310 = arith.constant 0 : i32
    %dma_wait3A_311 = tpu.memref_slice %arg14[%dma_wait3A_309, %dma_wait3A_310] : memref<2x128xf32, #tpu.memory_space<vmem>> -> memref<1x128xf32, #tpu.memory_space<vmem>>
    %dma_wait3A_312 = tpu.memref_squeeze %dma_wait3A_311 : memref<1x128xf32, #tpu.memory_space<vmem>> -> memref<128xf32, #tpu.memory_space<vmem>>
    %dma_wait3A_313 = arith.constant 0 : i32
    %dma_wait3A_314 = tpu.memref_slice %arg10[%dma_wait3A_308, %dma_wait3A_313] : memref<4x128xi32, #tpu.memory_space<vmem>> -> memref<1x128xi32, #tpu.memory_space<vmem>>
    %dma_wait3A_315 = tpu.memref_squeeze %dma_wait3A_314 : memref<1x128xi32, #tpu.memory_space<vmem>> -> memref<128xi32, #tpu.memory_space<vmem>>
    %dma_wait3A_316 = arith.constant 0 : i32
    %dma_wait3A_317 = tpu.memref_slice %arg7[%dma_wait3A_316] : memref<100001xf32, #tpu.memory_space<hbm>> -> memref<100001xf32, #tpu.memory_space<hbm>>
    tpu.wait_indirect_dma semaphore(%arg17 : memref<!tpu.dma_semaphore, #tpu.memory_space<semaphore_mem>>) src(%dma_wait3A_317 : memref<100001xf32, #tpu.memory_space<hbm>>) dst(%dma_wait3A_312 : memref<128xf32, #tpu.memory_space<vmem>>)
    %scan3A_318 = arith.constant 0 : i32
    %scan3A_319 = arith.constant 8 : i32
    %scan3A_320 = arith.addi %scan3A_318, %scan3A_319 : i32
    %scan3A_321 = arith.constant 1 : i32
    scf.for %scan3A_372 = %scan3A_318 to %scan3A_320 step %scan3A_321  : i32 {
      %mul3A_373 = arith.constant 16 : i32
      %mul3A_374 = arith.muli %scan3A_372, %mul3A_373 : i32
      %add3A_375 = arith.constant 0 : i32
      %add3A_376 = arith.addi %mul3A_374, %add3A_375 : i32
      %get3A = arith.constant 0 : i32
      %get3A_377 = arith.index_cast %get3A : i32 to index
      %get3A_378 = arith.index_cast %add3A_376 : i32 to index
      %get3A_379 = arith.constant 0 : index
      %get3A_380 = tpu.vector_load %arg11[%get3A_377, %get3A_378, %get3A_379] {strides = array<i32>} : memref<2x128x64xf32, #tpu.memory_space<vmem>>, vector<16xf32>,
      %get3A_381 = arith.constant 0 : i32
      %get3A_382 = arith.index_cast %get3A_381 : i32 to index
      %get3A_383 = arith.index_cast %add3A_376 : i32 to index
      %get3A_384 = arith.constant 0 : index
      %get3A_385 = tpu.vector_load %arg12[%get3A_382, %get3A_383, %get3A_384] {strides = array<i32>} : memref<2x128x64xf32, #tpu.memory_space<vmem>>, vector<16xf32>,
      %mul3A_386 = arith.mulf %get3A_380, %get3A_385 : vector<16xf32>
      %get3A_387 = arith.constant 0 : i32
      %get3A_388 = arith.index_cast %get3A_387 : i32 to index
      %get3A_389 = arith.index_cast %add3A_376 : i32 to index
      %get3A_390 = arith.constant 16 : index
      %get3A_391 = tpu.vector_load %arg11[%get3A_388, %get3A_389, %get3A_390] {strides = array<i32>} : memref<2x128x64xf32, #tpu.memory_space<vmem>>, vector<16xf32>,
      %get3A_392 = arith.constant 0 : i32
      %get3A_393 = arith.index_cast %get3A_392 : i32 to index
      %get3A_394 = arith.index_cast %add3A_376 : i32 to index
      %get3A_395 = arith.constant 16 : index
      %get3A_396 = tpu.vector_load %arg12[%get3A_393, %get3A_394, %get3A_395] {strides = array<i32>} : memref<2x128x64xf32, #tpu.memory_space<vmem>>, vector<16xf32>,
      %mul3A_397 = arith.mulf %get3A_391, %get3A_396 : vector<16xf32>
      %add3A_398 = arith.addf %mul3A_386, %mul3A_397 : vector<16xf32>
      %get3A_399 = arith.constant 0 : i32
      %get3A_400 = arith.index_cast %get3A_399 : i32 to index
      %get3A_401 = arith.index_cast %add3A_376 : i32 to index
      %get3A_402 = arith.constant 32 : index
      %get3A_403 = tpu.vector_load %arg11[%get3A_400, %get3A_401, %get3A_402] {strides = array<i32>} : memref<2x128x64xf32, #tpu.memory_space<vmem>>, vector<16xf32>,
      %get3A_404 = arith.constant 0 : i32
      %get3A_405 = arith.index_cast %get3A_404 : i32 to index
      %get3A_406 = arith.index_cast %add3A_376 : i32 to index
      %get3A_407 = arith.constant 32 : index
      %get3A_408 = tpu.vector_load %arg12[%get3A_405, %get3A_406, %get3A_407] {strides = array<i32>} : memref<2x128x64xf32, #tpu.memory_space<vmem>>, vector<16xf32>,
      %mul3A_409 = arith.mulf %get3A_403, %get3A_408 : vector<16xf32>
      %add3A_410 = arith.addf %add3A_398, %mul3A_409 : vector<16xf32>
      %get3A_411 = arith.constant 0 : i32
      %get3A_412 = arith.index_cast %get3A_411 : i32 to index
      %get3A_413 = arith.index_cast %add3A_376 : i32 to index
      %get3A_414 = arith.constant 48 : index
      %get3A_415 = tpu.vector_load %arg11[%get3A_412, %get3A_413, %get3A_414] {strides = array<i32>} : memref<2x128x64xf32, #tpu.memory_space<vmem>>, vector<16xf32>,
      %get3A_416 = arith.constant 0 : i32
      %get3A_417 = arith.index_cast %get3A_416 : i32 to index
      %get3A_418 = arith.index_cast %add3A_376 : i32 to index
      %get3A_419 = arith.constant 48 : index
      %get3A_420 = tpu.vector_load %arg12[%get3A_417, %get3A_418, %get3A_419] {strides = array<i32>} : memref<2x128x64xf32, #tpu.memory_space<vmem>>, vector<16xf32>,
      %mul3A_421 = arith.mulf %get3A_415, %get3A_420 : vector<16xf32>
      %add3A_422 = arith.addf %add3A_410, %mul3A_421 : vector<16xf32>
      %mul3A_423 = arith.constant 17 : i32
      %mul3A_424 = vector.broadcast %mul3A_423 : i32 to vector<16xi32>
      %mul3A_425 = arith.muli %iota3A, %mul3A_424 : vector<16xi32>
      %add3A_426 = arith.constant 0 : i32
      %add3A_427 = vector.broadcast %add3A_426 : i32 to vector<16xi32>
      %add3A_428 = arith.addi %mul3A_425, %add3A_427 : vector<16xi32>
      tpu.vector_store_idx %arg16[%add3A_428], %add3A_422 : memref<272xf32, #tpu.memory_space<vmem>>[vector<16xi32>], vector<16xf32>,
      %add3A_429 = arith.constant 1 : i32
      %add3A_430 = arith.addi %mul3A_374, %add3A_429 : i32
      %get3A_431 = arith.constant 0 : i32
      %get3A_432 = arith.index_cast %get3A_431 : i32 to index
      %get3A_433 = arith.index_cast %add3A_430 : i32 to index
      %get3A_434 = arith.constant 0 : index
      %get3A_435 = tpu.vector_load %arg11[%get3A_432, %get3A_433, %get3A_434] {strides = array<i32>} : memref<2x128x64xf32, #tpu.memory_space<vmem>>, vector<16xf32>,
      %get3A_436 = arith.constant 0 : i32
      %get3A_437 = arith.index_cast %get3A_436 : i32 to index
      %get3A_438 = arith.index_cast %add3A_430 : i32 to index
      %get3A_439 = arith.constant 0 : index
      %get3A_440 = tpu.vector_load %arg12[%get3A_437, %get3A_438, %get3A_439] {strides = array<i32>} : memref<2x128x64xf32, #tpu.memory_space<vmem>>, vector<16xf32>,
      %mul3A_441 = arith.mulf %get3A_435, %get3A_440 : vector<16xf32>
      %get3A_442 = arith.constant 0 : i32
      %get3A_443 = arith.index_cast %get3A_442 : i32 to index
      %get3A_444 = arith.index_cast %add3A_430 : i32 to index
      %get3A_445 = arith.constant 16 : index
      %get3A_446 = tpu.vector_load %arg11[%get3A_443, %get3A_444, %get3A_445] {strides = array<i32>} : memref<2x128x64xf32, #tpu.memory_space<vmem>>, vector<16xf32>,
      %get3A_447 = arith.constant 0 : i32
      %get3A_448 = arith.index_cast %get3A_447 : i32 to index
      %get3A_449 = arith.index_cast %add3A_430 : i32 to index
      %get3A_450 = arith.constant 16 : index
      %get3A_451 = tpu.vector_load %arg12[%get3A_448, %get3A_449, %get3A_450] {strides = array<i32>} : memref<2x128x64xf32, #tpu.memory_space<vmem>>, vector<16xf32>,
      %mul3A_452 = arith.mulf %get3A_446, %get3A_451 : vector<16xf32>
      %add3A_453 = arith.addf %mul3A_441, %mul3A_452 : vector<16xf32>
      %get3A_454 = arith.constant 0 : i32
      %get3A_455 = arith.index_cast %get3A_454 : i32 to index
      %get3A_456 = arith.index_cast %add3A_430 : i32 to index
      %get3A_457 = arith.constant 32 : index
      %get3A_458 = tpu.vector_load %arg11[%get3A_455, %get3A_456, %get3A_457] {strides = array<i32>} : memref<2x128x64xf32, #tpu.memory_space<vmem>>, vector<16xf32>,
      %get3A_459 = arith.constant 0 : i32
      %get3A_460 = arith.index_cast %get3A_459 : i32 to index
      %get3A_461 = arith.index_cast %add3A_430 : i32 to index
      %get3A_462 = arith.constant 32 : index
      %get3A_463 = tpu.vector_load %arg12[%get3A_460, %get3A_461, %get3A_462] {strides = array<i32>} : memref<2x128x64xf32, #tpu.memory_space<vmem>>, vector<16xf32>,
      %mul3A_464 = arith.mulf %get3A_458, %get3A_463 : vector<16xf32>
      %add3A_465 = arith.addf %add3A_453, %mul3A_464 : vector<16xf32>
      %get3A_466 = arith.constant 0 : i32
      %get3A_467 = arith.index_cast %get3A_466 : i32 to index
      %get3A_468 = arith.index_cast %add3A_430 : i32 to index
      %get3A_469 = arith.constant 48 : index
      %get3A_470 = tpu.vector_load %arg11[%get3A_467, %get3A_468, %get3A_469] {strides = array<i32>} : memref<2x128x64xf32, #tpu.memory_space<vmem>>, vector<16xf32>,
      %get3A_471 = arith.constant 0 : i32
      %get3A_472 = arith.index_cast %get3A_471 : i32 to index
      %get3A_473 = arith.index_cast %add3A_430 : i32 to index
      %get3A_474 = arith.constant 48 : index
      %get3A_475 = tpu.vector_load %arg12[%get3A_472, %get3A_473, %get3A_474] {strides = array<i32>} : memref<2x128x64xf32, #tpu.memory_space<vmem>>, vector<16xf32>,
      %mul3A_476 = arith.mulf %get3A_470, %get3A_475 : vector<16xf32>
      %add3A_477 = arith.addf %add3A_465, %mul3A_476 : vector<16xf32>
      %mul3A_478 = arith.constant 17 : i32
      %mul3A_479 = vector.broadcast %mul3A_478 : i32 to vector<16xi32>
      %mul3A_480 = arith.muli %iota3A, %mul3A_479 : vector<16xi32>
      %add3A_481 = arith.constant 1 : i32
      %add3A_482 = vector.broadcast %add3A_481 : i32 to vector<16xi32>
      %add3A_483 = arith.addi %mul3A_480, %add3A_482 : vector<16xi32>
      tpu.vector_store_idx %arg16[%add3A_483], %add3A_477 : memref<272xf32, #tpu.memory_space<vmem>>[vector<16xi32>], vector<16xf32>,
      %add3A_484 = arith.constant 2 : i32
      %add3A_485 = arith.addi %mul3A_374, %add3A_484 : i32
      %get3A_486 = arith.constant 0 : i32
      %get3A_487 = arith.index_cast %get3A_486 : i32 to index
      %get3A_488 = arith.index_cast %add3A_485 : i32 to index
      %get3A_489 = arith.constant 0 : index
      %get3A_490 = tpu.vector_load %arg11[%get3A_487, %get3A_488, %get3A_489] {strides = array<i32>} : memref<2x128x64xf32, #tpu.memory_space<vmem>>, vector<16xf32>,
      %get3A_491 = arith.constant 0 : i32
      %get3A_492 = arith.index_cast %get3A_491 : i32 to index
      %get3A_493 = arith.index_cast %add3A_485 : i32 to index
      %get3A_494 = arith.constant 0 : index
      %get3A_495 = tpu.vector_load %arg12[%get3A_492, %get3A_493, %get3A_494] {strides = array<i32>} : memref<2x128x64xf32, #tpu.memory_space<vmem>>, vector<16xf32>,
      %mul3A_496 = arith.mulf %get3A_490, %get3A_495 : vector<16xf32>
      %get3A_497 = arith.constant 0 : i32
      %get3A_498 = arith.index_cast %get3A_497 : i32 to index
      %get3A_499 = arith.index_cast %add3A_485 : i32 to index
      %get3A_500 = arith.constant 16 : index
      %get3A_501 = tpu.vector_load %arg11[%get3A_498, %get3A_499, %get3A_500] {strides = array<i32>} : memref<2x128x64xf32, #tpu.memory_space<vmem>>, vector<16xf32>,
      %get3A_502 = arith.constant 0 : i32
      %get3A_503 = arith.index_cast %get3A_502 : i32 to index
      %get3A_504 = arith.index_cast %add3A_485 : i32 to index
      %get3A_505 = arith.constant 16 : index
      %get3A_506 = tpu.vector_load %arg12[%get3A_503, %get3A_504, %get3A_505] {strides = array<i32>} : memref<2x128x64xf32, #tpu.memory_space<vmem>>, vector<16xf32>,
      %mul3A_507 = arith.mulf %get3A_501, %get3A_506 : vector<16xf32>
      %add3A_508 = arith.addf %mul3A_496, %mul3A_507 : vector<16xf32>
      %get3A_509 = arith.constant 0 : i32
      %get3A_510 = arith.index_cast %get3A_509 : i32 to index
      %get3A_511 = arith.index_cast %add3A_485 : i32 to index
      %get3A_512 = arith.constant 32 : index
      %get3A_513 = tpu.vector_load %arg11[%get3A_510, %get3A_511, %get3A_512] {strides = array<i32>} : memref<2x128x64xf32, #tpu.memory_space<vmem>>, vector<16xf32>,
      %get3A_514 = arith.constant 0 : i32
      %get3A_515 = arith.index_cast %get3A_514 : i32 to index
      %get3A_516 = arith.index_cast %add3A_485 : i32 to index
      %get3A_517 = arith.constant 32 : index
      %get3A_518 = tpu.vector_load %arg12[%get3A_515, %get3A_516, %get3A_517] {strides = array<i32>} : memref<2x128x64xf32, #tpu.memory_space<vmem>>, vector<16xf32>,
      %mul3A_519 = arith.mulf %get3A_513, %get3A_518 : vector<16xf32>
      %add3A_520 = arith.addf %add3A_508, %mul3A_519 : vector<16xf32>
      %get3A_521 = arith.constant 0 : i32
      %get3A_522 = arith.index_cast %get3A_521 : i32 to index
      %get3A_523 = arith.index_cast %add3A_485 : i32 to index
      %get3A_524 = arith.constant 48 : index
      %get3A_525 = tpu.vector_load %arg11[%get3A_522, %get3A_523, %get3A_524] {strides = array<i32>} : memref<2x128x64xf32, #tpu.memory_space<vmem>>, vector<16xf32>,
      %get3A_526 = arith.constant 0 : i32
      %get3A_527 = arith.index_cast %get3A_526 : i32 to index
      %get3A_528 = arith.index_cast %add3A_485 : i32 to index
      %get3A_529 = arith.constant 48 : index
      %get3A_530 = tpu.vector_load %arg12[%get3A_527, %get3A_528, %get3A_529] {strides = array<i32>} : memref<2x128x64xf32, #tpu.memory_space<vmem>>, vector<16xf32>,
      %mul3A_531 = arith.mulf %get3A_525, %get3A_530 : vector<16xf32>
      %add3A_532 = arith.addf %add3A_520, %mul3A_531 : vector<16xf32>
      %mul3A_533 = arith.constant 17 : i32
      %mul3A_534 = vector.broadcast %mul3A_533 : i32 to vector<16xi32>
      %mul3A_535 = arith.muli %iota3A, %mul3A_534 : vector<16xi32>
      %add3A_536 = arith.constant 2 : i32
      %add3A_537 = vector.broadcast %add3A_536 : i32 to vector<16xi32>
      %add3A_538 = arith.addi %mul3A_535, %add3A_537 : vector<16xi32>
      tpu.vector_store_idx %arg16[%add3A_538], %add3A_532 : memref<272xf32, #tpu.memory_space<vmem>>[vector<16xi32>], vector<16xf32>,
      %add3A_539 = arith.constant 3 : i32
      %add3A_540 = arith.addi %mul3A_374, %add3A_539 : i32
      %get3A_541 = arith.constant 0 : i32
      %get3A_542 = arith.index_cast %get3A_541 : i32 to index
      %get3A_543 = arith.index_cast %add3A_540 : i32 to index
      %get3A_544 = arith.constant 0 : index
      %get3A_545 = tpu.vector_load %arg11[%get3A_542, %get3A_543, %get3A_544] {strides = array<i32>} : memref<2x128x64xf32, #tpu.memory_space<vmem>>, vector<16xf32>,
      %get3A_546 = arith.constant 0 : i32
      %get3A_547 = arith.index_cast %get3A_546 : i32 to index
      %get3A_548 = arith.index_cast %add3A_540 : i32 to index
      %get3A_549 = arith.constant 0 : index
      %get3A_550 = tpu.vector_load %arg12[%get3A_547, %get3A_548, %get3A_549] {strides = array<i32>} : memref<2x128x64xf32, #tpu.memory_space<vmem>>, vector<16xf32>,
      %mul3A_551 = arith.mulf %get3A_545, %get3A_550 : vector<16xf32>
      %get3A_552 = arith.constant 0 : i32
      %get3A_553 = arith.index_cast %get3A_552 : i32 to index
      %get3A_554 = arith.index_cast %add3A_540 : i32 to index
      %get3A_555 = arith.constant 16 : index
      %get3A_556 = tpu.vector_load %arg11[%get3A_553, %get3A_554, %get3A_555] {strides = array<i32>} : memref<2x128x64xf32, #tpu.memory_space<vmem>>, vector<16xf32>,
      %get3A_557 = arith.constant 0 : i32
      %get3A_558 = arith.index_cast %get3A_557 : i32 to index
      %get3A_559 = arith.index_cast %add3A_540 : i32 to index
      %get3A_560 = arith.constant 16 : index
      %get3A_561 = tpu.vector_load %arg12[%get3A_558, %get3A_559, %get3A_560] {strides = array<i32>} : memref<2x128x64xf32, #tpu.memory_space<vmem>>, vector<16xf32>,
      %mul3A_562 = arith.mulf %get3A_556, %get3A_561 : vector<16xf32>
      %add3A_563 = arith.addf %mul3A_551, %mul3A_562 : vector<16xf32>
      %get3A_564 = arith.constant 0 : i32
      %get3A_565 = arith.index_cast %get3A_564 : i32 to index
      %get3A_566 = arith.index_cast %add3A_540 : i32 to index
      %get3A_567 = arith.constant 32 : index
      %get3A_568 = tpu.vector_load %arg11[%get3A_565, %get3A_566, %get3A_567] {strides = array<i32>} : memref<2x128x64xf32, #tpu.memory_space<vmem>>, vector<16xf32>,
      %get3A_569 = arith.constant 0 : i32
      %get3A_570 = arith.index_cast %get3A_569 : i32 to index
      %get3A_571 = arith.index_cast %add3A_540 : i32 to index
      %get3A_572 = arith.constant 32 : index
      %get3A_573 = tpu.vector_load %arg12[%get3A_570, %get3A_571, %get3A_572] {strides = array<i32>} : memref<2x128x64xf32, #tpu.memory_space<vmem>>, vector<16xf32>,
      %mul3A_574 = arith.mulf %get3A_568, %get3A_573 : vector<16xf32>
      %add3A_575 = arith.addf %add3A_563, %mul3A_574 : vector<16xf32>
      %get3A_576 = arith.constant 0 : i32
      %get3A_577 = arith.index_cast %get3A_576 : i32 to index
      %get3A_578 = arith.index_cast %add3A_540 : i32 to index
      %get3A_579 = arith.constant 48 : index
      %get3A_580 = tpu.vector_load %arg11[%get3A_577, %get3A_578, %get3A_579] {strides = array<i32>} : memref<2x128x64xf32, #tpu.memory_space<vmem>>, vector<16xf32>,
      %get3A_581 = arith.constant 0 : i32
      %get3A_582 = arith.index_cast %get3A_581 : i32 to index
      %get3A_583 = arith.index_cast %add3A_540 : i32 to index
      %get3A_584 = arith.constant 48 : index
      %get3A_585 = tpu.vector_load %arg12[%get3A_582, %get3A_583, %get3A_584] {strides = array<i32>} : memref<2x128x64xf32, #tpu.memory_space<vmem>>, vector<16xf32>,
      %mul3A_586 = arith.mulf %get3A_580, %get3A_585 : vector<16xf32>
      %add3A_587 = arith.addf %add3A_575, %mul3A_586 : vector<16xf32>
      %mul3A_588 = arith.constant 17 : i32
      %mul3A_589 = vector.broadcast %mul3A_588 : i32 to vector<16xi32>
      %mul3A_590 = arith.muli %iota3A, %mul3A_589 : vector<16xi32>
      %add3A_591 = arith.constant 3 : i32
      %add3A_592 = vector.broadcast %add3A_591 : i32 to vector<16xi32>
      %add3A_593 = arith.addi %mul3A_590, %add3A_592 : vector<16xi32>
      tpu.vector_store_idx %arg16[%add3A_593], %add3A_587 : memref<272xf32, #tpu.memory_space<vmem>>[vector<16xi32>], vector<16xf32>,
      %add3A_594 = arith.constant 4 : i32
      %add3A_595 = arith.addi %mul3A_374, %add3A_594 : i32
      %get3A_596 = arith.constant 0 : i32
      %get3A_597 = arith.index_cast %get3A_596 : i32 to index
      %get3A_598 = arith.index_cast %add3A_595 : i32 to index
      %get3A_599 = arith.constant 0 : index
      %get3A_600 = tpu.vector_load %arg11[%get3A_597, %get3A_598, %get3A_599] {strides = array<i32>} : memref<2x128x64xf32, #tpu.memory_space<vmem>>, vector<16xf32>,
      %get3A_601 = arith.constant 0 : i32
      %get3A_602 = arith.index_cast %get3A_601 : i32 to index
      %get3A_603 = arith.index_cast %add3A_595 : i32 to index
      %get3A_604 = arith.constant 0 : index
      %get3A_605 = tpu.vector_load %arg12[%get3A_602, %get3A_603, %get3A_604] {strides = array<i32>} : memref<2x128x64xf32, #tpu.memory_space<vmem>>, vector<16xf32>,
      %mul3A_606 = arith.mulf %get3A_600, %get3A_605 : vector<16xf32>
      %get3A_607 = arith.constant 0 : i32
      %get3A_608 = arith.index_cast %get3A_607 : i32 to index
      %get3A_609 = arith.index_cast %add3A_595 : i32 to index
      %get3A_610 = arith.constant 16 : index
      %get3A_611 = tpu.vector_load %arg11[%get3A_608, %get3A_609, %get3A_610] {strides = array<i32>} : memref<2x128x64xf32, #tpu.memory_space<vmem>>, vector<16xf32>,
      %get3A_612 = arith.constant 0 : i32
      %get3A_613 = arith.index_cast %get3A_612 : i32 to index
      %get3A_614 = arith.index_cast %add3A_595 : i32 to index
      %get3A_615 = arith.constant 16 : index
      %get3A_616 = tpu.vector_load %arg12[%get3A_613, %get3A_614, %get3A_615] {strides = array<i32>} : memref<2x128x64xf32, #tpu.memory_space<vmem>>, vector<16xf32>,
      %mul3A_617 = arith.mulf %get3A_611, %get3A_616 : vector<16xf32>
      %add3A_618 = arith.addf %mul3A_606, %mul3A_617 : vector<16xf32>
      %get3A_619 = arith.constant 0 : i32
      %get3A_620 = arith.index_cast %get3A_619 : i32 to index
      %get3A_621 = arith.index_cast %add3A_595 : i32 to index
      %get3A_622 = arith.constant 32 : index
      %get3A_623 = tpu.vector_load %arg11[%get3A_620, %get3A_621, %get3A_622] {strides = array<i32>} : memref<2x128x64xf32, #tpu.memory_space<vmem>>, vector<16xf32>,
      %get3A_624 = arith.constant 0 : i32
      %get3A_625 = arith.index_cast %get3A_624 : i32 to index
      %get3A_626 = arith.index_cast %add3A_595 : i32 to index
      %get3A_627 = arith.constant 32 : index
      %get3A_628 = tpu.vector_load %arg12[%get3A_625, %get3A_626, %get3A_627] {strides = array<i32>} : memref<2x128x64xf32, #tpu.memory_space<vmem>>, vector<16xf32>,
      %mul3A_629 = arith.mulf %get3A_623, %get3A_628 : vector<16xf32>
      %add3A_630 = arith.addf %add3A_618, %mul3A_629 : vector<16xf32>
      %get3A_631 = arith.constant 0 : i32
      %get3A_632 = arith.index_cast %get3A_631 : i32 to index
      %get3A_633 = arith.index_cast %add3A_595 : i32 to index
      %get3A_634 = arith.constant 48 : index
      %get3A_635 = tpu.vector_load %arg11[%get3A_632, %get3A_633, %get3A_634] {strides = array<i32>} : memref<2x128x64xf32, #tpu.memory_space<vmem>>, vector<16xf32>,
      %get3A_636 = arith.constant 0 : i32
      %get3A_637 = arith.index_cast %get3A_636 : i32 to index
      %get3A_638 = arith.index_cast %add3A_595 : i32 to index
      %get3A_639 = arith.constant 48 : index
      %get3A_640 = tpu.vector_load %arg12[%get3A_637, %get3A_638, %get3A_639] {strides = array<i32>} : memref<2x128x64xf32, #tpu.memory_space<vmem>>, vector<16xf32>,
      %mul3A_641 = arith.mulf %get3A_635, %get3A_640 : vector<16xf32>
      %add3A_642 = arith.addf %add3A_630, %mul3A_641 : vector<16xf32>
      %mul3A_643 = arith.constant 17 : i32
      %mul3A_644 = vector.broadcast %mul3A_643 : i32 to vector<16xi32>
      %mul3A_645 = arith.muli %iota3A, %mul3A_644 : vector<16xi32>
      %add3A_646 = arith.constant 4 : i32
      %add3A_647 = vector.broadcast %add3A_646 : i32 to vector<16xi32>
      %add3A_648 = arith.addi %mul3A_645, %add3A_647 : vector<16xi32>
      tpu.vector_store_idx %arg16[%add3A_648], %add3A_642 : memref<272xf32, #tpu.memory_space<vmem>>[vector<16xi32>], vector<16xf32>,
      %add3A_649 = arith.constant 5 : i32
      %add3A_650 = arith.addi %mul3A_374, %add3A_649 : i32
      %get3A_651 = arith.constant 0 : i32
      %get3A_652 = arith.index_cast %get3A_651 : i32 to index
      %get3A_653 = arith.index_cast %add3A_650 : i32 to index
      %get3A_654 = arith.constant 0 : index
      %get3A_655 = tpu.vector_load %arg11[%get3A_652, %get3A_653, %get3A_654] {strides = array<i32>} : memref<2x128x64xf32, #tpu.memory_space<vmem>>, vector<16xf32>,
      %get3A_656 = arith.constant 0 : i32
      %get3A_657 = arith.index_cast %get3A_656 : i32 to index
      %get3A_658 = arith.index_cast %add3A_650 : i32 to index
      %get3A_659 = arith.constant 0 : index
      %get3A_660 = tpu.vector_load %arg12[%get3A_657, %get3A_658, %get3A_659] {strides = array<i32>} : memref<2x128x64xf32, #tpu.memory_space<vmem>>, vector<16xf32>,
      %mul3A_661 = arith.mulf %get3A_655, %get3A_660 : vector<16xf32>
      %get3A_662 = arith.constant 0 : i32
      %get3A_663 = arith.index_cast %get3A_662 : i32 to index
      %get3A_664 = arith.index_cast %add3A_650 : i32 to index
      %get3A_665 = arith.constant 16 : index
      %get3A_666 = tpu.vector_load %arg11[%get3A_663, %get3A_664, %get3A_665] {strides = array<i32>} : memref<2x128x64xf32, #tpu.memory_space<vmem>>, vector<16xf32>,
      %get3A_667 = arith.constant 0 : i32
      %get3A_668 = arith.index_cast %get3A_667 : i32 to index
      %get3A_669 = arith.index_cast %add3A_650 : i32 to index
      %get3A_670 = arith.constant 16 : index
      %get3A_671 = tpu.vector_load %arg12[%get3A_668, %get3A_669, %get3A_670] {strides = array<i32>} : memref<2x128x64xf32, #tpu.memory_space<vmem>>, vector<16xf32>,
      %mul3A_672 = arith.mulf %get3A_666, %get3A_671 : vector<16xf32>
      %add3A_673 = arith.addf %mul3A_661, %mul3A_672 : vector<16xf32>
      %get3A_674 = arith.constant 0 : i32
      %get3A_675 = arith.index_cast %get3A_674 : i32 to index
      %get3A_676 = arith.index_cast %add3A_650 : i32 to index
      %get3A_677 = arith.constant 32 : index
      %get3A_678 = tpu.vector_load %arg11[%get3A_675, %get3A_676, %get3A_677] {strides = array<i32>} : memref<2x128x64xf32, #tpu.memory_space<vmem>>, vector<16xf32>,
      %get3A_679 = arith.constant 0 : i32
      %get3A_680 = arith.index_cast %get3A_679 : i32 to index
      %get3A_681 = arith.index_cast %add3A_650 : i32 to index
      %get3A_682 = arith.constant 32 : index
      %get3A_683 = tpu.vector_load %arg12[%get3A_680, %get3A_681, %get3A_682] {strides = array<i32>} : memref<2x128x64xf32, #tpu.memory_space<vmem>>, vector<16xf32>,
      %mul3A_684 = arith.mulf %get3A_678, %get3A_683 : vector<16xf32>
      %add3A_685 = arith.addf %add3A_673, %mul3A_684 : vector<16xf32>
      %get3A_686 = arith.constant 0 : i32
      %get3A_687 = arith.index_cast %get3A_686 : i32 to index
      %get3A_688 = arith.index_cast %add3A_650 : i32 to index
      %get3A_689 = arith.constant 48 : index
      %get3A_690 = tpu.vector_load %arg11[%get3A_687, %get3A_688, %get3A_689] {strides = array<i32>} : memref<2x128x64xf32, #tpu.memory_space<vmem>>, vector<16xf32>,
      %get3A_691 = arith.constant 0 : i32
      %get3A_692 = arith.index_cast %get3A_691 : i32 to index
      %get3A_693 = arith.index_cast %add3A_650 : i32 to index
      %get3A_694 = arith.constant 48 : index
      %get3A_695 = tpu.vector_load %arg12[%get3A_692, %get3A_693, %get3A_694] {strides = array<i32>} : memref<2x128x64xf32, #tpu.memory_space<vmem>>, vector<16xf32>,
      %mul3A_696 = arith.mulf %get3A_690, %get3A_695 : vector<16xf32>
      %add3A_697 = arith.addf %add3A_685, %mul3A_696 : vector<16xf32>
      %mul3A_698 = arith.constant 17 : i32
      %mul3A_699 = vector.broadcast %mul3A_698 : i32 to vector<16xi32>
      %mul3A_700 = arith.muli %iota3A, %mul3A_699 : vector<16xi32>
      %add3A_701 = arith.constant 5 : i32
      %add3A_702 = vector.broadcast %add3A_701 : i32 to vector<16xi32>
      %add3A_703 = arith.addi %mul3A_700, %add3A_702 : vector<16xi32>
      tpu.vector_store_idx %arg16[%add3A_703], %add3A_697 : memref<272xf32, #tpu.memory_space<vmem>>[vector<16xi32>], vector<16xf32>,
      %add3A_704 = arith.constant 6 : i32
      %add3A_705 = arith.addi %mul3A_374, %add3A_704 : i32
      %get3A_706 = arith.constant 0 : i32
      %get3A_707 = arith.index_cast %get3A_706 : i32 to index
      %get3A_708 = arith.index_cast %add3A_705 : i32 to index
      %get3A_709 = arith.constant 0 : index
      %get3A_710 = tpu.vector_load %arg11[%get3A_707, %get3A_708, %get3A_709] {strides = array<i32>} : memref<2x128x64xf32, #tpu.memory_space<vmem>>, vector<16xf32>,
      %get3A_711 = arith.constant 0 : i32
      %get3A_712 = arith.index_cast %get3A_711 : i32 to index
      %get3A_713 = arith.index_cast %add3A_705 : i32 to index
      %get3A_714 = arith.constant 0 : index
      %get3A_715 = tpu.vector_load %arg12[%get3A_712, %get3A_713, %get3A_714] {strides = array<i32>} : memref<2x128x64xf32, #tpu.memory_space<vmem>>, vector<16xf32>,
      %mul3A_716 = arith.mulf %get3A_710, %get3A_715 : vector<16xf32>
      %get3A_717 = arith.constant 0 : i32
      %get3A_718 = arith.index_cast %get3A_717 : i32 to index
      %get3A_719 = arith.index_cast %add3A_705 : i32 to index
      %get3A_720 = arith.constant 16 : index
      %get3A_721 = tpu.vector_load %arg11[%get3A_718, %get3A_719, %get3A_720] {strides = array<i32>} : memref<2x128x64xf32, #tpu.memory_space<vmem>>, vector<16xf32>,
      %get3A_722 = arith.constant 0 : i32
      %get3A_723 = arith.index_cast %get3A_722 : i32 to index
      %get3A_724 = arith.index_cast %add3A_705 : i32 to index
      %get3A_725 = arith.constant 16 : index
      %get3A_726 = tpu.vector_load %arg12[%get3A_723, %get3A_724, %get3A_725] {strides = array<i32>} : memref<2x128x64xf32, #tpu.memory_space<vmem>>, vector<16xf32>,
      %mul3A_727 = arith.mulf %get3A_721, %get3A_726 : vector<16xf32>
      %add3A_728 = arith.addf %mul3A_716, %mul3A_727 : vector<16xf32>
      %get3A_729 = arith.constant 0 : i32
      %get3A_730 = arith.index_cast %get3A_729 : i32 to index
      %get3A_731 = arith.index_cast %add3A_705 : i32 to index
      %get3A_732 = arith.constant 32 : index
      %get3A_733 = tpu.vector_load %arg11[%get3A_730, %get3A_731, %get3A_732] {strides = array<i32>} : memref<2x128x64xf32, #tpu.memory_space<vmem>>, vector<16xf32>,
      %get3A_734 = arith.constant 0 : i32
      %get3A_735 = arith.index_cast %get3A_734 : i32 to index
      %get3A_736 = arith.index_cast %add3A_705 : i32 to index
      %get3A_737 = arith.constant 32 : index
      %get3A_738 = tpu.vector_load %arg12[%get3A_735, %get3A_736, %get3A_737] {strides = array<i32>} : memref<2x128x64xf32, #tpu.memory_space<vmem>>, vector<16xf32>,
      %mul3A_739 = arith.mulf %get3A_733, %get3A_738 : vector<16xf32>
      %add3A_740 = arith.addf %add3A_728, %mul3A_739 : vector<16xf32>
      %get3A_741 = arith.constant 0 : i32
      %get3A_742 = arith.index_cast %get3A_741 : i32 to index
      %get3A_743 = arith.index_cast %add3A_705 : i32 to index
      %get3A_744 = arith.constant 48 : index
      %get3A_745 = tpu.vector_load %arg11[%get3A_742, %get3A_743, %get3A_744] {strides = array<i32>} : memref<2x128x64xf32, #tpu.memory_space<vmem>>, vector<16xf32>,
      %get3A_746 = arith.constant 0 : i32
      %get3A_747 = arith.index_cast %get3A_746 : i32 to index
      %get3A_748 = arith.index_cast %add3A_705 : i32 to index
      %get3A_749 = arith.constant 48 : index
      %get3A_750 = tpu.vector_load %arg12[%get3A_747, %get3A_748, %get3A_749] {strides = array<i32>} : memref<2x128x64xf32, #tpu.memory_space<vmem>>, vector<16xf32>,
      %mul3A_751 = arith.mulf %get3A_745, %get3A_750 : vector<16xf32>
      %add3A_752 = arith.addf %add3A_740, %mul3A_751 : vector<16xf32>
      %mul3A_753 = arith.constant 17 : i32
      %mul3A_754 = vector.broadcast %mul3A_753 : i32 to vector<16xi32>
      %mul3A_755 = arith.muli %iota3A, %mul3A_754 : vector<16xi32>
      %add3A_756 = arith.constant 6 : i32
      %add3A_757 = vector.broadcast %add3A_756 : i32 to vector<16xi32>
      %add3A_758 = arith.addi %mul3A_755, %add3A_757 : vector<16xi32>
      tpu.vector_store_idx %arg16[%add3A_758], %add3A_752 : memref<272xf32, #tpu.memory_space<vmem>>[vector<16xi32>], vector<16xf32>,
      %add3A_759 = arith.constant 7 : i32
      %add3A_760 = arith.addi %mul3A_374, %add3A_759 : i32
      %get3A_761 = arith.constant 0 : i32
      %get3A_762 = arith.index_cast %get3A_761 : i32 to index
      %get3A_763 = arith.index_cast %add3A_760 : i32 to index
      %get3A_764 = arith.constant 0 : index
      %get3A_765 = tpu.vector_load %arg11[%get3A_762, %get3A_763, %get3A_764] {strides = array<i32>} : memref<2x128x64xf32, #tpu.memory_space<vmem>>, vector<16xf32>,
      %get3A_766 = arith.constant 0 : i32
      %get3A_767 = arith.index_cast %get3A_766 : i32 to index
      %get3A_768 = arith.index_cast %add3A_760 : i32 to index
      %get3A_769 = arith.constant 0 : index
      %get3A_770 = tpu.vector_load %arg12[%get3A_767, %get3A_768, %get3A_769] {strides = array<i32>} : memref<2x128x64xf32, #tpu.memory_space<vmem>>, vector<16xf32>,
      %mul3A_771 = arith.mulf %get3A_765, %get3A_770 : vector<16xf32>
      %get3A_772 = arith.constant 0 : i32
      %get3A_773 = arith.index_cast %get3A_772 : i32 to index
      %get3A_774 = arith.index_cast %add3A_760 : i32 to index
      %get3A_775 = arith.constant 16 : index
      %get3A_776 = tpu.vector_load %arg11[%get3A_773, %get3A_774, %get3A_775] {strides = array<i32>} : memref<2x128x64xf32, #tpu.memory_space<vmem>>, vector<16xf32>,
      %get3A_777 = arith.constant 0 : i32
      %get3A_778 = arith.index_cast %get3A_777 : i32 to index
      %get3A_779 = arith.index_cast %add3A_760 : i32 to index
      %get3A_780 = arith.constant 16 : index
      %get3A_781 = tpu.vector_load %arg12[%get3A_778, %get3A_779, %get3A_780] {strides = array<i32>} : memref<2x128x64xf32, #tpu.memory_space<vmem>>, vector<16xf32>,
      %mul3A_782 = arith.mulf %get3A_776, %get3A_781 : vector<16xf32>
      %add3A_783 = arith.addf %mul3A_771, %mul3A_782 : vector<16xf32>
      %get3A_784 = arith.constant 0 : i32
      %get3A_785 = arith.index_cast %get3A_784 : i32 to index
      %get3A_786 = arith.index_cast %add3A_760 : i32 to index
      %get3A_787 = arith.constant 32 : index
      %get3A_788 = tpu.vector_load %arg11[%get3A_785, %get3A_786, %get3A_787] {strides = array<i32>} : memref<2x128x64xf32, #tpu.memory_space<vmem>>, vector<16xf32>,
      %get3A_789 = arith.constant 0 : i32
      %get3A_790 = arith.index_cast %get3A_789 : i32 to index
      %get3A_791 = arith.index_cast %add3A_760 : i32 to index
      %get3A_792 = arith.constant 32 : index
      %get3A_793 = tpu.vector_load %arg12[%get3A_790, %get3A_791, %get3A_792] {strides = array<i32>} : memref<2x128x64xf32, #tpu.memory_space<vmem>>, vector<16xf32>,
      %mul3A_794 = arith.mulf %get3A_788, %get3A_793 : vector<16xf32>
      %add3A_795 = arith.addf %add3A_783, %mul3A_794 : vector<16xf32>
      %get3A_796 = arith.constant 0 : i32
      %get3A_797 = arith.index_cast %get3A_796 : i32 to index
      %get3A_798 = arith.index_cast %add3A_760 : i32 to index
      %get3A_799 = arith.constant 48 : index
      %get3A_800 = tpu.vector_load %arg11[%get3A_797, %get3A_798, %get3A_799] {strides = array<i32>} : memref<2x128x64xf32, #tpu.memory_space<vmem>>, vector<16xf32>,
      %get3A_801 = arith.constant 0 : i32
      %get3A_802 = arith.index_cast %get3A_801 : i32 to index
      %get3A_803 = arith.index_cast %add3A_760 : i32 to index
      %get3A_804 = arith.constant 48 : index
      %get3A_805 = tpu.vector_load %arg12[%get3A_802, %get3A_803, %get3A_804] {strides = array<i32>} : memref<2x128x64xf32, #tpu.memory_space<vmem>>, vector<16xf32>,
      %mul3A_806 = arith.mulf %get3A_800, %get3A_805 : vector<16xf32>
      %add3A_807 = arith.addf %add3A_795, %mul3A_806 : vector<16xf32>
      %mul3A_808 = arith.constant 17 : i32
      %mul3A_809 = vector.broadcast %mul3A_808 : i32 to vector<16xi32>
      %mul3A_810 = arith.muli %iota3A, %mul3A_809 : vector<16xi32>
      %add3A_811 = arith.constant 7 : i32
      %add3A_812 = vector.broadcast %add3A_811 : i32 to vector<16xi32>
      %add3A_813 = arith.addi %mul3A_810, %add3A_812 : vector<16xi32>
      tpu.vector_store_idx %arg16[%add3A_813], %add3A_807 : memref<272xf32, #tpu.memory_space<vmem>>[vector<16xi32>], vector<16xf32>,
      %add3A_814 = arith.constant 8 : i32
      %add3A_815 = arith.addi %mul3A_374, %add3A_814 : i32
      %get3A_816 = arith.constant 0 : i32
      %get3A_817 = arith.index_cast %get3A_816 : i32 to index
      %get3A_818 = arith.index_cast %add3A_815 : i32 to index
      %get3A_819 = arith.constant 0 : index
      %get3A_820 = tpu.vector_load %arg11[%get3A_817, %get3A_818, %get3A_819] {strides = array<i32>} : memref<2x128x64xf32, #tpu.memory_space<vmem>>, vector<16xf32>,
      %get3A_821 = arith.constant 0 : i32
      %get3A_822 = arith.index_cast %get3A_821 : i32 to index
      %get3A_823 = arith.index_cast %add3A_815 : i32 to index
      %get3A_824 = arith.constant 0 : index
      %get3A_825 = tpu.vector_load %arg12[%get3A_822, %get3A_823, %get3A_824] {strides = array<i32>} : memref<2x128x64xf32, #tpu.memory_space<vmem>>, vector<16xf32>,
      %mul3A_826 = arith.mulf %get3A_820, %get3A_825 : vector<16xf32>
      %get3A_827 = arith.constant 0 : i32
      %get3A_828 = arith.index_cast %get3A_827 : i32 to index
      %get3A_829 = arith.index_cast %add3A_815 : i32 to index
      %get3A_830 = arith.constant 16 : index
      %get3A_831 = tpu.vector_load %arg11[%get3A_828, %get3A_829, %get3A_830] {strides = array<i32>} : memref<2x128x64xf32, #tpu.memory_space<vmem>>, vector<16xf32>,
      %get3A_832 = arith.constant 0 : i32
      %get3A_833 = arith.index_cast %get3A_832 : i32 to index
      %get3A_834 = arith.index_cast %add3A_815 : i32 to index
      %get3A_835 = arith.constant 16 : index
      %get3A_836 = tpu.vector_load %arg12[%get3A_833, %get3A_834, %get3A_835] {strides = array<i32>} : memref<2x128x64xf32, #tpu.memory_space<vmem>>, vector<16xf32>,
      %mul3A_837 = arith.mulf %get3A_831, %get3A_836 : vector<16xf32>
      %add3A_838 = arith.addf %mul3A_826, %mul3A_837 : vector<16xf32>
      %get3A_839 = arith.constant 0 : i32
      %get3A_840 = arith.index_cast %get3A_839 : i32 to index
      %get3A_841 = arith.index_cast %add3A_815 : i32 to index
      %get3A_842 = arith.constant 32 : index
      %get3A_843 = tpu.vector_load %arg11[%get3A_840, %get3A_841, %get3A_842] {strides = array<i32>} : memref<2x128x64xf32, #tpu.memory_space<vmem>>, vector<16xf32>,
      %get3A_844 = arith.constant 0 : i32
      %get3A_845 = arith.index_cast %get3A_844 : i32 to index
      %get3A_846 = arith.index_cast %add3A_815 : i32 to index
      %get3A_847 = arith.constant 32 : index
      %get3A_848 = tpu.vector_load %arg12[%get3A_845, %get3A_846, %get3A_847] {strides = array<i32>} : memref<2x128x64xf32, #tpu.memory_space<vmem>>, vector<16xf32>,
      %mul3A_849 = arith.mulf %get3A_843, %get3A_848 : vector<16xf32>
      %add3A_850 = arith.addf %add3A_838, %mul3A_849 : vector<16xf32>
      %get3A_851 = arith.constant 0 : i32
      %get3A_852 = arith.index_cast %get3A_851 : i32 to index
      %get3A_853 = arith.index_cast %add3A_815 : i32 to index
      %get3A_854 = arith.constant 48 : index
      %get3A_855 = tpu.vector_load %arg11[%get3A_852, %get3A_853, %get3A_854] {strides = array<i32>} : memref<2x128x64xf32, #tpu.memory_space<vmem>>, vector<16xf32>,
      %get3A_856 = arith.constant 0 : i32
      %get3A_857 = arith.index_cast %get3A_856 : i32 to index
      %get3A_858 = arith.index_cast %add3A_815 : i32 to index
      %get3A_859 = arith.constant 48 : index
      %get3A_860 = tpu.vector_load %arg12[%get3A_857, %get3A_858, %get3A_859] {strides = array<i32>} : memref<2x128x64xf32, #tpu.memory_space<vmem>>, vector<16xf32>,
      %mul3A_861 = arith.mulf %get3A_855, %get3A_860 : vector<16xf32>
      %add3A_862 = arith.addf %add3A_850, %mul3A_861 : vector<16xf32>
      %mul3A_863 = arith.constant 17 : i32
      %mul3A_864 = vector.broadcast %mul3A_863 : i32 to vector<16xi32>
      %mul3A_865 = arith.muli %iota3A, %mul3A_864 : vector<16xi32>
      %add3A_866 = arith.constant 8 : i32
      %add3A_867 = vector.broadcast %add3A_866 : i32 to vector<16xi32>
      %add3A_868 = arith.addi %mul3A_865, %add3A_867 : vector<16xi32>
      tpu.vector_store_idx %arg16[%add3A_868], %add3A_862 : memref<272xf32, #tpu.memory_space<vmem>>[vector<16xi32>], vector<16xf32>,
      %add3A_869 = arith.constant 9 : i32
      %add3A_870 = arith.addi %mul3A_374, %add3A_869 : i32
      %get3A_871 = arith.constant 0 : i32
      %get3A_872 = arith.index_cast %get3A_871 : i32 to index
      %get3A_873 = arith.index_cast %add3A_870 : i32 to index
      %get3A_874 = arith.constant 0 : index
      %get3A_875 = tpu.vector_load %arg11[%get3A_872, %get3A_873, %get3A_874] {strides = array<i32>} : memref<2x128x64xf32, #tpu.memory_space<vmem>>, vector<16xf32>,
      %get3A_876 = arith.constant 0 : i32
      %get3A_877 = arith.index_cast %get3A_876 : i32 to index
      %get3A_878 = arith.index_cast %add3A_870 : i32 to index
      %get3A_879 = arith.constant 0 : index
      %get3A_880 = tpu.vector_load %arg12[%get3A_877, %get3A_878, %get3A_879] {strides = array<i32>} : memref<2x128x64xf32, #tpu.memory_space<vmem>>, vector<16xf32>,
      %mul3A_881 = arith.mulf %get3A_875, %get3A_880 : vector<16xf32>
      %get3A_882 = arith.constant 0 : i32
      %get3A_883 = arith.index_cast %get3A_882 : i32 to index
      %get3A_884 = arith.index_cast %add3A_870 : i32 to index
      %get3A_885 = arith.constant 16 : index
      %get3A_886 = tpu.vector_load %arg11[%get3A_883, %get3A_884, %get3A_885] {strides = array<i32>} : memref<2x128x64xf32, #tpu.memory_space<vmem>>, vector<16xf32>,
      %get3A_887 = arith.constant 0 : i32
      %get3A_888 = arith.index_cast %get3A_887 : i32 to index
      %get3A_889 = arith.index_cast %add3A_870 : i32 to index
      %get3A_890 = arith.constant 16 : index
      %get3A_891 = tpu.vector_load %arg12[%get3A_888, %get3A_889, %get3A_890] {strides = array<i32>} : memref<2x128x64xf32, #tpu.memory_space<vmem>>, vector<16xf32>,
      %mul3A_892 = arith.mulf %get3A_886, %get3A_891 : vector<16xf32>
      %add3A_893 = arith.addf %mul3A_881, %mul3A_892 : vector<16xf32>
      %get3A_894 = arith.constant 0 : i32
      %get3A_895 = arith.index_cast %get3A_894 : i32 to index
      %get3A_896 = arith.index_cast %add3A_870 : i32 to index
      %get3A_897 = arith.constant 32 : index
      %get3A_898 = tpu.vector_load %arg11[%get3A_895, %get3A_896, %get3A_897] {strides = array<i32>} : memref<2x128x64xf32, #tpu.memory_space<vmem>>, vector<16xf32>,
      %get3A_899 = arith.constant 0 : i32
      %get3A_900 = arith.index_cast %get3A_899 : i32 to index
      %get3A_901 = arith.index_cast %add3A_870 : i32 to index
      %get3A_902 = arith.constant 32 : index
      %get3A_903 = tpu.vector_load %arg12[%get3A_900, %get3A_901, %get3A_902] {strides = array<i32>} : memref<2x128x64xf32, #tpu.memory_space<vmem>>, vector<16xf32>,
      %mul3A_904 = arith.mulf %get3A_898, %get3A_903 : vector<16xf32>
      %add3A_905 = arith.addf %add3A_893, %mul3A_904 : vector<16xf32>
      %get3A_906 = arith.constant 0 : i32
      %get3A_907 = arith.index_cast %get3A_906 : i32 to index
      %get3A_908 = arith.index_cast %add3A_870 : i32 to index
      %get3A_909 = arith.constant 48 : index
      %get3A_910 = tpu.vector_load %arg11[%get3A_907, %get3A_908, %get3A_909] {strides = array<i32>} : memref<2x128x64xf32, #tpu.memory_space<vmem>>, vector<16xf32>,
      %get3A_911 = arith.constant 0 : i32
      %get3A_912 = arith.index_cast %get3A_911 : i32 to index
      %get3A_913 = arith.index_cast %add3A_870 : i32 to index
      %get3A_914 = arith.constant 48 : index
      %get3A_915 = tpu.vector_load %arg12[%get3A_912, %get3A_913, %get3A_914] {strides = array<i32>} : memref<2x128x64xf32, #tpu.memory_space<vmem>>, vector<16xf32>,
      %mul3A_916 = arith.mulf %get3A_910, %get3A_915 : vector<16xf32>
      %add3A_917 = arith.addf %add3A_905, %mul3A_916 : vector<16xf32>
      %mul3A_918 = arith.constant 17 : i32
      %mul3A_919 = vector.broadcast %mul3A_918 : i32 to vector<16xi32>
      %mul3A_920 = arith.muli %iota3A, %mul3A_919 : vector<16xi32>
      %add3A_921 = arith.constant 9 : i32
      %add3A_922 = vector.broadcast %add3A_921 : i32 to vector<16xi32>
      %add3A_923 = arith.addi %mul3A_920, %add3A_922 : vector<16xi32>
      tpu.vector_store_idx %arg16[%add3A_923], %add3A_917 : memref<272xf32, #tpu.memory_space<vmem>>[vector<16xi32>], vector<16xf32>,
      %add3A_924 = arith.constant 10 : i32
      %add3A_925 = arith.addi %mul3A_374, %add3A_924 : i32
      %get3A_926 = arith.constant 0 : i32
      %get3A_927 = arith.index_cast %get3A_926 : i32 to index
      %get3A_928 = arith.index_cast %add3A_925 : i32 to index
      %get3A_929 = arith.constant 0 : index
      %get3A_930 = tpu.vector_load %arg11[%get3A_927, %get3A_928, %get3A_929] {strides = array<i32>} : memref<2x128x64xf32, #tpu.memory_space<vmem>>, vector<16xf32>,
      %get3A_931 = arith.constant 0 : i32
      %get3A_932 = arith.index_cast %get3A_931 : i32 to index
      %get3A_933 = arith.index_cast %add3A_925 : i32 to index
      %get3A_934 = arith.constant 0 : index
      %get3A_935 = tpu.vector_load %arg12[%get3A_932, %get3A_933, %get3A_934] {strides = array<i32>} : memref<2x128x64xf32, #tpu.memory_space<vmem>>, vector<16xf32>,
      %mul3A_936 = arith.mulf %get3A_930, %get3A_935 : vector<16xf32>
      %get3A_937 = arith.constant 0 : i32
      %get3A_938 = arith.index_cast %get3A_937 : i32 to index
      %get3A_939 = arith.index_cast %add3A_925 : i32 to index
      %get3A_940 = arith.constant 16 : index
      %get3A_941 = tpu.vector_load %arg11[%get3A_938, %get3A_939, %get3A_940] {strides = array<i32>} : memref<2x128x64xf32, #tpu.memory_space<vmem>>, vector<16xf32>,
      %get3A_942 = arith.constant 0 : i32
      %get3A_943 = arith.index_cast %get3A_942 : i32 to index
      %get3A_944 = arith.index_cast %add3A_925 : i32 to index
      %get3A_945 = arith.constant 16 : index
      %get3A_946 = tpu.vector_load %arg12[%get3A_943, %get3A_944, %get3A_945] {strides = array<i32>} : memref<2x128x64xf32, #tpu.memory_space<vmem>>, vector<16xf32>,
      %mul3A_947 = arith.mulf %get3A_941, %get3A_946 : vector<16xf32>
      %add3A_948 = arith.addf %mul3A_936, %mul3A_947 : vector<16xf32>
      %get3A_949 = arith.constant 0 : i32
      %get3A_950 = arith.index_cast %get3A_949 : i32 to index
      %get3A_951 = arith.index_cast %add3A_925 : i32 to index
      %get3A_952 = arith.constant 32 : index
      %get3A_953 = tpu.vector_load %arg11[%get3A_950, %get3A_951, %get3A_952] {strides = array<i32>} : memref<2x128x64xf32, #tpu.memory_space<vmem>>, vector<16xf32>,
      %get3A_954 = arith.constant 0 : i32
      %get3A_955 = arith.index_cast %get3A_954 : i32 to index
      %get3A_956 = arith.index_cast %add3A_925 : i32 to index
      %get3A_957 = arith.constant 32 : index
      %get3A_958 = tpu.vector_load %arg12[%get3A_955, %get3A_956, %get3A_957] {strides = array<i32>} : memref<2x128x64xf32, #tpu.memory_space<vmem>>, vector<16xf32>,
      %mul3A_959 = arith.mulf %get3A_953, %get3A_958 : vector<16xf32>
      %add3A_960 = arith.addf %add3A_948, %mul3A_959 : vector<16xf32>
      %get3A_961 = arith.constant 0 : i32
      %get3A_962 = arith.index_cast %get3A_961 : i32 to index
      %get3A_963 = arith.index_cast %add3A_925 : i32 to index
      %get3A_964 = arith.constant 48 : index
      %get3A_965 = tpu.vector_load %arg11[%get3A_962, %get3A_963, %get3A_964] {strides = array<i32>} : memref<2x128x64xf32, #tpu.memory_space<vmem>>, vector<16xf32>,
      %get3A_966 = arith.constant 0 : i32
      %get3A_967 = arith.index_cast %get3A_966 : i32 to index
      %get3A_968 = arith.index_cast %add3A_925 : i32 to index
      %get3A_969 = arith.constant 48 : index
      %get3A_970 = tpu.vector_load %arg12[%get3A_967, %get3A_968, %get3A_969] {strides = array<i32>} : memref<2x128x64xf32, #tpu.memory_space<vmem>>, vector<16xf32>,
      %mul3A_971 = arith.mulf %get3A_965, %get3A_970 : vector<16xf32>
      %add3A_972 = arith.addf %add3A_960, %mul3A_971 : vector<16xf32>
      %mul3A_973 = arith.constant 17 : i32
      %mul3A_974 = vector.broadcast %mul3A_973 : i32 to vector<16xi32>
      %mul3A_975 = arith.muli %iota3A, %mul3A_974 : vector<16xi32>
      %add3A_976 = arith.constant 10 : i32
      %add3A_977 = vector.broadcast %add3A_976 : i32 to vector<16xi32>
      %add3A_978 = arith.addi %mul3A_975, %add3A_977 : vector<16xi32>
      tpu.vector_store_idx %arg16[%add3A_978], %add3A_972 : memref<272xf32, #tpu.memory_space<vmem>>[vector<16xi32>], vector<16xf32>,
      %add3A_979 = arith.constant 11 : i32
      %add3A_980 = arith.addi %mul3A_374, %add3A_979 : i32
      %get3A_981 = arith.constant 0 : i32
      %get3A_982 = arith.index_cast %get3A_981 : i32 to index
      %get3A_983 = arith.index_cast %add3A_980 : i32 to index
      %get3A_984 = arith.constant 0 : index
      %get3A_985 = tpu.vector_load %arg11[%get3A_982, %get3A_983, %get3A_984] {strides = array<i32>} : memref<2x128x64xf32, #tpu.memory_space<vmem>>, vector<16xf32>,
      %get3A_986 = arith.constant 0 : i32
      %get3A_987 = arith.index_cast %get3A_986 : i32 to index
      %get3A_988 = arith.index_cast %add3A_980 : i32 to index
      %get3A_989 = arith.constant 0 : index
      %get3A_990 = tpu.vector_load %arg12[%get3A_987, %get3A_988, %get3A_989] {strides = array<i32>} : memref<2x128x64xf32, #tpu.memory_space<vmem>>, vector<16xf32>,
      %mul3A_991 = arith.mulf %get3A_985, %get3A_990 : vector<16xf32>
      %get3A_992 = arith.constant 0 : i32
      %get3A_993 = arith.index_cast %get3A_992 : i32 to index
      %get3A_994 = arith.index_cast %add3A_980 : i32 to index
      %get3A_995 = arith.constant 16 : index
      %get3A_996 = tpu.vector_load %arg11[%get3A_993, %get3A_994, %get3A_995] {strides = array<i32>} : memref<2x128x64xf32, #tpu.memory_space<vmem>>, vector<16xf32>,
      %get3A_997 = arith.constant 0 : i32
      %get3A_998 = arith.index_cast %get3A_997 : i32 to index
      %get3A_999 = arith.index_cast %add3A_980 : i32 to index
      %get3A_1000 = arith.constant 16 : index
      %get3A_1001 = tpu.vector_load %arg12[%get3A_998, %get3A_999, %get3A_1000] {strides = array<i32>} : memref<2x128x64xf32, #tpu.memory_space<vmem>>, vector<16xf32>,
      %mul3A_1002 = arith.mulf %get3A_996, %get3A_1001 : vector<16xf32>
      %add3A_1003 = arith.addf %mul3A_991, %mul3A_1002 : vector<16xf32>
      %get3A_1004 = arith.constant 0 : i32
      %get3A_1005 = arith.index_cast %get3A_1004 : i32 to index
      %get3A_1006 = arith.index_cast %add3A_980 : i32 to index
      %get3A_1007 = arith.constant 32 : index
      %get3A_1008 = tpu.vector_load %arg11[%get3A_1005, %get3A_1006, %get3A_1007] {strides = array<i32>} : memref<2x128x64xf32, #tpu.memory_space<vmem>>, vector<16xf32>,
      %get3A_1009 = arith.constant 0 : i32
      %get3A_1010 = arith.index_cast %get3A_1009 : i32 to index
      %get3A_1011 = arith.index_cast %add3A_980 : i32 to index
      %get3A_1012 = arith.constant 32 : index
      %get3A_1013 = tpu.vector_load %arg12[%get3A_1010, %get3A_1011, %get3A_1012] {strides = array<i32>} : memref<2x128x64xf32, #tpu.memory_space<vmem>>, vector<16xf32>,
      %mul3A_1014 = arith.mulf %get3A_1008, %get3A_1013 : vector<16xf32>
      %add3A_1015 = arith.addf %add3A_1003, %mul3A_1014 : vector<16xf32>
      %get3A_1016 = arith.constant 0 : i32
      %get3A_1017 = arith.index_cast %get3A_1016 : i32 to index
      %get3A_1018 = arith.index_cast %add3A_980 : i32 to index
      %get3A_1019 = arith.constant 48 : index
      %get3A_1020 = tpu.vector_load %arg11[%get3A_1017, %get3A_1018, %get3A_1019] {strides = array<i32>} : memref<2x128x64xf32, #tpu.memory_space<vmem>>, vector<16xf32>,
      %get3A_1021 = arith.constant 0 : i32
      %get3A_1022 = arith.index_cast %get3A_1021 : i32 to index
      %get3A_1023 = arith.index_cast %add3A_980 : i32 to index
      %get3A_1024 = arith.constant 48 : index
      %get3A_1025 = tpu.vector_load %arg12[%get3A_1022, %get3A_1023, %get3A_1024] {strides = array<i32>} : memref<2x128x64xf32, #tpu.memory_space<vmem>>, vector<16xf32>,
      %mul3A_1026 = arith.mulf %get3A_1020, %get3A_1025 : vector<16xf32>
      %add3A_1027 = arith.addf %add3A_1015, %mul3A_1026 : vector<16xf32>
      %mul3A_1028 = arith.constant 17 : i32
      %mul3A_1029 = vector.broadcast %mul3A_1028 : i32 to vector<16xi32>
      %mul3A_1030 = arith.muli %iota3A, %mul3A_1029 : vector<16xi32>
      %add3A_1031 = arith.constant 11 : i32
      %add3A_1032 = vector.broadcast %add3A_1031 : i32 to vector<16xi32>
      %add3A_1033 = arith.addi %mul3A_1030, %add3A_1032 : vector<16xi32>
      tpu.vector_store_idx %arg16[%add3A_1033], %add3A_1027 : memref<272xf32, #tpu.memory_space<vmem>>[vector<16xi32>], vector<16xf32>,
      %add3A_1034 = arith.constant 12 : i32
      %add3A_1035 = arith.addi %mul3A_374, %add3A_1034 : i32
      %get3A_1036 = arith.constant 0 : i32
      %get3A_1037 = arith.index_cast %get3A_1036 : i32 to index
      %get3A_1038 = arith.index_cast %add3A_1035 : i32 to index
      %get3A_1039 = arith.constant 0 : index
      %get3A_1040 = tpu.vector_load %arg11[%get3A_1037, %get3A_1038, %get3A_1039] {strides = array<i32>} : memref<2x128x64xf32, #tpu.memory_space<vmem>>, vector<16xf32>,
      %get3A_1041 = arith.constant 0 : i32
      %get3A_1042 = arith.index_cast %get3A_1041 : i32 to index
      %get3A_1043 = arith.index_cast %add3A_1035 : i32 to index
      %get3A_1044 = arith.constant 0 : index
      %get3A_1045 = tpu.vector_load %arg12[%get3A_1042, %get3A_1043, %get3A_1044] {strides = array<i32>} : memref<2x128x64xf32, #tpu.memory_space<vmem>>, vector<16xf32>,
      %mul3A_1046 = arith.mulf %get3A_1040, %get3A_1045 : vector<16xf32>
      %get3A_1047 = arith.constant 0 : i32
      %get3A_1048 = arith.index_cast %get3A_1047 : i32 to index
      %get3A_1049 = arith.index_cast %add3A_1035 : i32 to index
      %get3A_1050 = arith.constant 16 : index
      %get3A_1051 = tpu.vector_load %arg11[%get3A_1048, %get3A_1049, %get3A_1050] {strides = array<i32>} : memref<2x128x64xf32, #tpu.memory_space<vmem>>, vector<16xf32>,
      %get3A_1052 = arith.constant 0 : i32
      %get3A_1053 = arith.index_cast %get3A_1052 : i32 to index
      %get3A_1054 = arith.index_cast %add3A_1035 : i32 to index
      %get3A_1055 = arith.constant 16 : index
      %get3A_1056 = tpu.vector_load %arg12[%get3A_1053, %get3A_1054, %get3A_1055] {strides = array<i32>} : memref<2x128x64xf32, #tpu.memory_space<vmem>>, vector<16xf32>,
      %mul3A_1057 = arith.mulf %get3A_1051, %get3A_1056 : vector<16xf32>
      %add3A_1058 = arith.addf %mul3A_1046, %mul3A_1057 : vector<16xf32>
      %get3A_1059 = arith.constant 0 : i32
      %get3A_1060 = arith.index_cast %get3A_1059 : i32 to index
      %get3A_1061 = arith.index_cast %add3A_1035 : i32 to index
      %get3A_1062 = arith.constant 32 : index
      %get3A_1063 = tpu.vector_load %arg11[%get3A_1060, %get3A_1061, %get3A_1062] {strides = array<i32>} : memref<2x128x64xf32, #tpu.memory_space<vmem>>, vector<16xf32>,
      %get3A_1064 = arith.constant 0 : i32
      %get3A_1065 = arith.index_cast %get3A_1064 : i32 to index
      %get3A_1066 = arith.index_cast %add3A_1035 : i32 to index
      %get3A_1067 = arith.constant 32 : index
      %get3A_1068 = tpu.vector_load %arg12[%get3A_1065, %get3A_1066, %get3A_1067] {strides = array<i32>} : memref<2x128x64xf32, #tpu.memory_space<vmem>>, vector<16xf32>,
      %mul3A_1069 = arith.mulf %get3A_1063, %get3A_1068 : vector<16xf32>
      %add3A_1070 = arith.addf %add3A_1058, %mul3A_1069 : vector<16xf32>
      %get3A_1071 = arith.constant 0 : i32
      %get3A_1072 = arith.index_cast %get3A_1071 : i32 to index
      %get3A_1073 = arith.index_cast %add3A_1035 : i32 to index
      %get3A_1074 = arith.constant 48 : index
      %get3A_1075 = tpu.vector_load %arg11[%get3A_1072, %get3A_1073, %get3A_1074] {strides = array<i32>} : memref<2x128x64xf32, #tpu.memory_space<vmem>>, vector<16xf32>,
      %get3A_1076 = arith.constant 0 : i32
      %get3A_1077 = arith.index_cast %get3A_1076 : i32 to index
      %get3A_1078 = arith.index_cast %add3A_1035 : i32 to index
      %get3A_1079 = arith.constant 48 : index
      %get3A_1080 = tpu.vector_load %arg12[%get3A_1077, %get3A_1078, %get3A_1079] {strides = array<i32>} : memref<2x128x64xf32, #tpu.memory_space<vmem>>, vector<16xf32>,
      %mul3A_1081 = arith.mulf %get3A_1075, %get3A_1080 : vector<16xf32>
      %add3A_1082 = arith.addf %add3A_1070, %mul3A_1081 : vector<16xf32>
      %mul3A_1083 = arith.constant 17 : i32
      %mul3A_1084 = vector.broadcast %mul3A_1083 : i32 to vector<16xi32>
      %mul3A_1085 = arith.muli %iota3A, %mul3A_1084 : vector<16xi32>
      %add3A_1086 = arith.constant 12 : i32
      %add3A_1087 = vector.broadcast %add3A_1086 : i32 to vector<16xi32>
      %add3A_1088 = arith.addi %mul3A_1085, %add3A_1087 : vector<16xi32>
      tpu.vector_store_idx %arg16[%add3A_1088], %add3A_1082 : memref<272xf32, #tpu.memory_space<vmem>>[vector<16xi32>], vector<16xf32>,
      %add3A_1089 = arith.constant 13 : i32
      %add3A_1090 = arith.addi %mul3A_374, %add3A_1089 : i32
      %get3A_1091 = arith.constant 0 : i32
      %get3A_1092 = arith.index_cast %get3A_1091 : i32 to index
      %get3A_1093 = arith.index_cast %add3A_1090 : i32 to index
      %get3A_1094 = arith.constant 0 : index
      %get3A_1095 = tpu.vector_load %arg11[%get3A_1092, %get3A_1093, %get3A_1094] {strides = array<i32>} : memref<2x128x64xf32, #tpu.memory_space<vmem>>, vector<16xf32>,
      %get3A_1096 = arith.constant 0 : i32
      %get3A_1097 = arith.index_cast %get3A_1096 : i32 to index
      %get3A_1098 = arith.index_cast %add3A_1090 : i32 to index
      %get3A_1099 = arith.constant 0 : index
      %get3A_1100 = tpu.vector_load %arg12[%get3A_1097, %get3A_1098, %get3A_1099] {strides = array<i32>} : memref<2x128x64xf32, #tpu.memory_space<vmem>>, vector<16xf32>,
      %mul3A_1101 = arith.mulf %get3A_1095, %get3A_1100 : vector<16xf32>
      %get3A_1102 = arith.constant 0 : i32
      %get3A_1103 = arith.index_cast %get3A_1102 : i32 to index
      %get3A_1104 = arith.index_cast %add3A_1090 : i32 to index
      %get3A_1105 = arith.constant 16 : index
      %get3A_1106 = tpu.vector_load %arg11[%get3A_1103, %get3A_1104, %get3A_1105] {strides = array<i32>} : memref<2x128x64xf32, #tpu.memory_space<vmem>>, vector<16xf32>,
      %get3A_1107 = arith.constant 0 : i32
      %get3A_1108 = arith.index_cast %get3A_1107 : i32 to index
      %get3A_1109 = arith.index_cast %add3A_1090 : i32 to index
      %get3A_1110 = arith.constant 16 : index
      %get3A_1111 = tpu.vector_load %arg12[%get3A_1108, %get3A_1109, %get3A_1110] {strides = array<i32>} : memref<2x128x64xf32, #tpu.memory_space<vmem>>, vector<16xf32>,
      %mul3A_1112 = arith.mulf %get3A_1106, %get3A_1111 : vector<16xf32>
      %add3A_1113 = arith.addf %mul3A_1101, %mul3A_1112 : vector<16xf32>
      %get3A_1114 = arith.constant 0 : i32
      %get3A_1115 = arith.index_cast %get3A_1114 : i32 to index
      %get3A_1116 = arith.index_cast %add3A_1090 : i32 to index
      %get3A_1117 = arith.constant 32 : index
      %get3A_1118 = tpu.vector_load %arg11[%get3A_1115, %get3A_1116, %get3A_1117] {strides = array<i32>} : memref<2x128x64xf32, #tpu.memory_space<vmem>>, vector<16xf32>,
      %get3A_1119 = arith.constant 0 : i32
      %get3A_1120 = arith.index_cast %get3A_1119 : i32 to index
      %get3A_1121 = arith.index_cast %add3A_1090 : i32 to index
      %get3A_1122 = arith.constant 32 : index
      %get3A_1123 = tpu.vector_load %arg12[%get3A_1120, %get3A_1121, %get3A_1122] {strides = array<i32>} : memref<2x128x64xf32, #tpu.memory_space<vmem>>, vector<16xf32>,
      %mul3A_1124 = arith.mulf %get3A_1118, %get3A_1123 : vector<16xf32>
      %add3A_1125 = arith.addf %add3A_1113, %mul3A_1124 : vector<16xf32>
      %get3A_1126 = arith.constant 0 : i32
      %get3A_1127 = arith.index_cast %get3A_1126 : i32 to index
      %get3A_1128 = arith.index_cast %add3A_1090 : i32 to index
      %get3A_1129 = arith.constant 48 : index
      %get3A_1130 = tpu.vector_load %arg11[%get3A_1127, %get3A_1128, %get3A_1129] {strides = array<i32>} : memref<2x128x64xf32, #tpu.memory_space<vmem>>, vector<16xf32>,
      %get3A_1131 = arith.constant 0 : i32
      %get3A_1132 = arith.index_cast %get3A_1131 : i32 to index
      %get3A_1133 = arith.index_cast %add3A_1090 : i32 to index
      %get3A_1134 = arith.constant 48 : index
      %get3A_1135 = tpu.vector_load %arg12[%get3A_1132, %get3A_1133, %get3A_1134] {strides = array<i32>} : memref<2x128x64xf32, #tpu.memory_space<vmem>>, vector<16xf32>,
      %mul3A_1136 = arith.mulf %get3A_1130, %get3A_1135 : vector<16xf32>
      %add3A_1137 = arith.addf %add3A_1125, %mul3A_1136 : vector<16xf32>
      %mul3A_1138 = arith.constant 17 : i32
      %mul3A_1139 = vector.broadcast %mul3A_1138 : i32 to vector<16xi32>
      %mul3A_1140 = arith.muli %iota3A, %mul3A_1139 : vector<16xi32>
      %add3A_1141 = arith.constant 13 : i32
      %add3A_1142 = vector.broadcast %add3A_1141 : i32 to vector<16xi32>
      %add3A_1143 = arith.addi %mul3A_1140, %add3A_1142 : vector<16xi32>
      tpu.vector_store_idx %arg16[%add3A_1143], %add3A_1137 : memref<272xf32, #tpu.memory_space<vmem>>[vector<16xi32>], vector<16xf32>,
      %add3A_1144 = arith.constant 14 : i32
      %add3A_1145 = arith.addi %mul3A_374, %add3A_1144 : i32
      %get3A_1146 = arith.constant 0 : i32
      %get3A_1147 = arith.index_cast %get3A_1146 : i32 to index
      %get3A_1148 = arith.index_cast %add3A_1145 : i32 to index
      %get3A_1149 = arith.constant 0 : index
      %get3A_1150 = tpu.vector_load %arg11[%get3A_1147, %get3A_1148, %get3A_1149] {strides = array<i32>} : memref<2x128x64xf32, #tpu.memory_space<vmem>>, vector<16xf32>,
      %get3A_1151 = arith.constant 0 : i32
      %get3A_1152 = arith.index_cast %get3A_1151 : i32 to index
      %get3A_1153 = arith.index_cast %add3A_1145 : i32 to index
      %get3A_1154 = arith.constant 0 : index
      %get3A_1155 = tpu.vector_load %arg12[%get3A_1152, %get3A_1153, %get3A_1154] {strides = array<i32>} : memref<2x128x64xf32, #tpu.memory_space<vmem>>, vector<16xf32>,
      %mul3A_1156 = arith.mulf %get3A_1150, %get3A_1155 : vector<16xf32>
      %get3A_1157 = arith.constant 0 : i32
      %get3A_1158 = arith.index_cast %get3A_1157 : i32 to index
      %get3A_1159 = arith.index_cast %add3A_1145 : i32 to index
      %get3A_1160 = arith.constant 16 : index
      %get3A_1161 = tpu.vector_load %arg11[%get3A_1158, %get3A_1159, %get3A_1160] {strides = array<i32>} : memref<2x128x64xf32, #tpu.memory_space<vmem>>, vector<16xf32>,
      %get3A_1162 = arith.constant 0 : i32
      %get3A_1163 = arith.index_cast %get3A_1162 : i32 to index
      %get3A_1164 = arith.index_cast %add3A_1145 : i32 to index
      %get3A_1165 = arith.constant 16 : index
      %get3A_1166 = tpu.vector_load %arg12[%get3A_1163, %get3A_1164, %get3A_1165] {strides = array<i32>} : memref<2x128x64xf32, #tpu.memory_space<vmem>>, vector<16xf32>,
      %mul3A_1167 = arith.mulf %get3A_1161, %get3A_1166 : vector<16xf32>
      %add3A_1168 = arith.addf %mul3A_1156, %mul3A_1167 : vector<16xf32>
      %get3A_1169 = arith.constant 0 : i32
      %get3A_1170 = arith.index_cast %get3A_1169 : i32 to index
      %get3A_1171 = arith.index_cast %add3A_1145 : i32 to index
      %get3A_1172 = arith.constant 32 : index
      %get3A_1173 = tpu.vector_load %arg11[%get3A_1170, %get3A_1171, %get3A_1172] {strides = array<i32>} : memref<2x128x64xf32, #tpu.memory_space<vmem>>, vector<16xf32>,
      %get3A_1174 = arith.constant 0 : i32
      %get3A_1175 = arith.index_cast %get3A_1174 : i32 to index
      %get3A_1176 = arith.index_cast %add3A_1145 : i32 to index
      %get3A_1177 = arith.constant 32 : index
      %get3A_1178 = tpu.vector_load %arg12[%get3A_1175, %get3A_1176, %get3A_1177] {strides = array<i32>} : memref<2x128x64xf32, #tpu.memory_space<vmem>>, vector<16xf32>,
      %mul3A_1179 = arith.mulf %get3A_1173, %get3A_1178 : vector<16xf32>
      %add3A_1180 = arith.addf %add3A_1168, %mul3A_1179 : vector<16xf32>
      %get3A_1181 = arith.constant 0 : i32
      %get3A_1182 = arith.index_cast %get3A_1181 : i32 to index
      %get3A_1183 = arith.index_cast %add3A_1145 : i32 to index
      %get3A_1184 = arith.constant 48 : index
      %get3A_1185 = tpu.vector_load %arg11[%get3A_1182, %get3A_1183, %get3A_1184] {strides = array<i32>} : memref<2x128x64xf32, #tpu.memory_space<vmem>>, vector<16xf32>,
      %get3A_1186 = arith.constant 0 : i32
      %get3A_1187 = arith.index_cast %get3A_1186 : i32 to index
      %get3A_1188 = arith.index_cast %add3A_1145 : i32 to index
      %get3A_1189 = arith.constant 48 : index
      %get3A_1190 = tpu.vector_load %arg12[%get3A_1187, %get3A_1188, %get3A_1189] {strides = array<i32>} : memref<2x128x64xf32, #tpu.memory_space<vmem>>, vector<16xf32>,
      %mul3A_1191 = arith.mulf %get3A_1185, %get3A_1190 : vector<16xf32>
      %add3A_1192 = arith.addf %add3A_1180, %mul3A_1191 : vector<16xf32>
      %mul3A_1193 = arith.constant 17 : i32
      %mul3A_1194 = vector.broadcast %mul3A_1193 : i32 to vector<16xi32>
      %mul3A_1195 = arith.muli %iota3A, %mul3A_1194 : vector<16xi32>
      %add3A_1196 = arith.constant 14 : i32
      %add3A_1197 = vector.broadcast %add3A_1196 : i32 to vector<16xi32>
      %add3A_1198 = arith.addi %mul3A_1195, %add3A_1197 : vector<16xi32>
      tpu.vector_store_idx %arg16[%add3A_1198], %add3A_1192 : memref<272xf32, #tpu.memory_space<vmem>>[vector<16xi32>], vector<16xf32>,
      %add3A_1199 = arith.constant 15 : i32
      %add3A_1200 = arith.addi %mul3A_374, %add3A_1199 : i32
      %get3A_1201 = arith.constant 0 : i32
      %get3A_1202 = arith.index_cast %get3A_1201 : i32 to index
      %get3A_1203 = arith.index_cast %add3A_1200 : i32 to index
      %get3A_1204 = arith.constant 0 : index
      %get3A_1205 = tpu.vector_load %arg11[%get3A_1202, %get3A_1203, %get3A_1204] {strides = array<i32>} : memref<2x128x64xf32, #tpu.memory_space<vmem>>, vector<16xf32>,
      %get3A_1206 = arith.constant 0 : i32
      %get3A_1207 = arith.index_cast %get3A_1206 : i32 to index
      %get3A_1208 = arith.index_cast %add3A_1200 : i32 to index
      %get3A_1209 = arith.constant 0 : index
      %get3A_1210 = tpu.vector_load %arg12[%get3A_1207, %get3A_1208, %get3A_1209] {strides = array<i32>} : memref<2x128x64xf32, #tpu.memory_space<vmem>>, vector<16xf32>,
      %mul3A_1211 = arith.mulf %get3A_1205, %get3A_1210 : vector<16xf32>
      %get3A_1212 = arith.constant 0 : i32
      %get3A_1213 = arith.index_cast %get3A_1212 : i32 to index
      %get3A_1214 = arith.index_cast %add3A_1200 : i32 to index
      %get3A_1215 = arith.constant 16 : index
      %get3A_1216 = tpu.vector_load %arg11[%get3A_1213, %get3A_1214, %get3A_1215] {strides = array<i32>} : memref<2x128x64xf32, #tpu.memory_space<vmem>>, vector<16xf32>,
      %get3A_1217 = arith.constant 0 : i32
      %get3A_1218 = arith.index_cast %get3A_1217 : i32 to index
      %get3A_1219 = arith.index_cast %add3A_1200 : i32 to index
      %get3A_1220 = arith.constant 16 : index
      %get3A_1221 = tpu.vector_load %arg12[%get3A_1218, %get3A_1219, %get3A_1220] {strides = array<i32>} : memref<2x128x64xf32, #tpu.memory_space<vmem>>, vector<16xf32>,
      %mul3A_1222 = arith.mulf %get3A_1216, %get3A_1221 : vector<16xf32>
      %add3A_1223 = arith.addf %mul3A_1211, %mul3A_1222 : vector<16xf32>
      %get3A_1224 = arith.constant 0 : i32
      %get3A_1225 = arith.index_cast %get3A_1224 : i32 to index
      %get3A_1226 = arith.index_cast %add3A_1200 : i32 to index
      %get3A_1227 = arith.constant 32 : index
      %get3A_1228 = tpu.vector_load %arg11[%get3A_1225, %get3A_1226, %get3A_1227] {strides = array<i32>} : memref<2x128x64xf32, #tpu.memory_space<vmem>>, vector<16xf32>,
      %get3A_1229 = arith.constant 0 : i32
      %get3A_1230 = arith.index_cast %get3A_1229 : i32 to index
      %get3A_1231 = arith.index_cast %add3A_1200 : i32 to index
      %get3A_1232 = arith.constant 32 : index
      %get3A_1233 = tpu.vector_load %arg12[%get3A_1230, %get3A_1231, %get3A_1232] {strides = array<i32>} : memref<2x128x64xf32, #tpu.memory_space<vmem>>, vector<16xf32>,
      %mul3A_1234 = arith.mulf %get3A_1228, %get3A_1233 : vector<16xf32>
      %add3A_1235 = arith.addf %add3A_1223, %mul3A_1234 : vector<16xf32>
      %get3A_1236 = arith.constant 0 : i32
      %get3A_1237 = arith.index_cast %get3A_1236 : i32 to index
      %get3A_1238 = arith.index_cast %add3A_1200 : i32 to index
      %get3A_1239 = arith.constant 48 : index
      %get3A_1240 = tpu.vector_load %arg11[%get3A_1237, %get3A_1238, %get3A_1239] {strides = array<i32>} : memref<2x128x64xf32, #tpu.memory_space<vmem>>, vector<16xf32>,
      %get3A_1241 = arith.constant 0 : i32
      %get3A_1242 = arith.index_cast %get3A_1241 : i32 to index
      %get3A_1243 = arith.index_cast %add3A_1200 : i32 to index
      %get3A_1244 = arith.constant 48 : index
      %get3A_1245 = tpu.vector_load %arg12[%get3A_1242, %get3A_1243, %get3A_1244] {strides = array<i32>} : memref<2x128x64xf32, #tpu.memory_space<vmem>>, vector<16xf32>,
      %mul3A_1246 = arith.mulf %get3A_1240, %get3A_1245 : vector<16xf32>
      %add3A_1247 = arith.addf %add3A_1235, %mul3A_1246 : vector<16xf32>
      %mul3A_1248 = arith.constant 17 : i32
      %mul3A_1249 = vector.broadcast %mul3A_1248 : i32 to vector<16xi32>
      %mul3A_1250 = arith.muli %iota3A, %mul3A_1249 : vector<16xi32>
      %add3A_1251 = arith.constant 15 : i32
      %add3A_1252 = vector.broadcast %add3A_1251 : i32 to vector<16xi32>
      %add3A_1253 = arith.addi %mul3A_1250, %add3A_1252 : vector<16xi32>
      tpu.vector_store_idx %arg16[%add3A_1253], %add3A_1247 : memref<272xf32, #tpu.memory_space<vmem>>[vector<16xi32>], vector<16xf32>,
      %get3A_1254 = arith.constant 0 : index
      %get3A_1255 = tpu.vector_load %arg16[%get3A_1254] {strides = array<i32>} : memref<272xf32, #tpu.memory_space<vmem>>, vector<16xf32>,
      %get3A_1256 = arith.constant 17 : index
      %get3A_1257 = tpu.vector_load %arg16[%get3A_1256] {strides = array<i32>} : memref<272xf32, #tpu.memory_space<vmem>>, vector<16xf32>,
      %add3A_1258 = arith.addf %get3A_1255, %get3A_1257 : vector<16xf32>
      %get3A_1259 = arith.constant 34 : index
      %get3A_1260 = tpu.vector_load %arg16[%get3A_1259] {strides = array<i32>} : memref<272xf32, #tpu.memory_space<vmem>>, vector<16xf32>,
      %add3A_1261 = arith.addf %add3A_1258, %get3A_1260 : vector<16xf32>
      %get3A_1262 = arith.constant 51 : index
      %get3A_1263 = tpu.vector_load %arg16[%get3A_1262] {strides = array<i32>} : memref<272xf32, #tpu.memory_space<vmem>>, vector<16xf32>,
      %add3A_1264 = arith.addf %add3A_1261, %get3A_1263 : vector<16xf32>
      %get3A_1265 = arith.constant 68 : index
      %get3A_1266 = tpu.vector_load %arg16[%get3A_1265] {strides = array<i32>} : memref<272xf32, #tpu.memory_space<vmem>>, vector<16xf32>,
      %add3A_1267 = arith.addf %add3A_1264, %get3A_1266 : vector<16xf32>
      %get3A_1268 = arith.constant 85 : index
      %get3A_1269 = tpu.vector_load %arg16[%get3A_1268] {strides = array<i32>} : memref<272xf32, #tpu.memory_space<vmem>>, vector<16xf32>,
      %add3A_1270 = arith.addf %add3A_1267, %get3A_1269 : vector<16xf32>
      %get3A_1271 = arith.constant 102 : index
      %get3A_1272 = tpu.vector_load %arg16[%get3A_1271] {strides = array<i32>} : memref<272xf32, #tpu.memory_space<vmem>>, vector<16xf32>,
      %add3A_1273 = arith.addf %add3A_1270, %get3A_1272 : vector<16xf32>
      %get3A_1274 = arith.constant 119 : index
      %get3A_1275 = tpu.vector_load %arg16[%get3A_1274] {strides = array<i32>} : memref<272xf32, #tpu.memory_space<vmem>>, vector<16xf32>,
      %add3A_1276 = arith.addf %add3A_1273, %get3A_1275 : vector<16xf32>
      %get3A_1277 = arith.constant 136 : index
      %get3A_1278 = tpu.vector_load %arg16[%get3A_1277] {strides = array<i32>} : memref<272xf32, #tpu.memory_space<vmem>>, vector<16xf32>,
      %add3A_1279 = arith.addf %add3A_1276, %get3A_1278 : vector<16xf32>
      %get3A_1280 = arith.constant 153 : index
      %get3A_1281 = tpu.vector_load %arg16[%get3A_1280] {strides = array<i32>} : memref<272xf32, #tpu.memory_space<vmem>>, vector<16xf32>,
      %add3A_1282 = arith.addf %add3A_1279, %get3A_1281 : vector<16xf32>
      %get3A_1283 = arith.constant 170 : index
      %get3A_1284 = tpu.vector_load %arg16[%get3A_1283] {strides = array<i32>} : memref<272xf32, #tpu.memory_space<vmem>>, vector<16xf32>,
      %add3A_1285 = arith.addf %add3A_1282, %get3A_1284 : vector<16xf32>
      %get3A_1286 = arith.constant 187 : index
      %get3A_1287 = tpu.vector_load %arg16[%get3A_1286] {strides = array<i32>} : memref<272xf32, #tpu.memory_space<vmem>>, vector<16xf32>,
      %add3A_1288 = arith.addf %add3A_1285, %get3A_1287 : vector<16xf32>
      %get3A_1289 = arith.constant 204 : index
      %get3A_1290 = tpu.vector_load %arg16[%get3A_1289] {strides = array<i32>} : memref<272xf32, #tpu.memory_space<vmem>>, vector<16xf32>,
      %add3A_1291 = arith.addf %add3A_1288, %get3A_1290 : vector<16xf32>
      %get3A_1292 = arith.constant 221 : index
      %get3A_1293 = tpu.vector_load %arg16[%get3A_1292] {strides = array<i32>} : memref<272xf32, #tpu.memory_space<vmem>>, vector<16xf32>,
      %add3A_1294 = arith.addf %add3A_1291, %get3A_1293 : vector<16xf32>
      %get3A_1295 = arith.constant 238 : index
      %get3A_1296 = tpu.vector_load %arg16[%get3A_1295] {strides = array<i32>} : memref<272xf32, #tpu.memory_space<vmem>>, vector<16xf32>,
      %add3A_1297 = arith.addf %add3A_1294, %get3A_1296 : vector<16xf32>
      %get3A_1298 = arith.constant 255 : index
      %get3A_1299 = tpu.vector_load %arg16[%get3A_1298] {strides = array<i32>} : memref<272xf32, #tpu.memory_space<vmem>>, vector<16xf32>,
      %add3A_1300 = arith.addf %add3A_1297, %get3A_1299 : vector<16xf32>
      %get3A_1301 = arith.constant 0 : i32
      %get3A_1302 = arith.index_cast %get3A_1301 : i32 to index
      %get3A_1303 = arith.index_cast %mul3A_374 : i32 to index
      %get3A_1304 = tpu.vector_load %arg13[%get3A_1302, %get3A_1303] {strides = array<i32>} : memref<2x128xf32, #tpu.memory_space<vmem>>, vector<16xf32>,
      %add3A_1305 = arith.addf %add3A_1300, %get3A_1304 : vector<16xf32>
      %get3A_1306 = arith.constant 0 : i32
      %get3A_1307 = arith.index_cast %get3A_1306 : i32 to index
      %get3A_1308 = arith.index_cast %mul3A_374 : i32 to index
      %get3A_1309 = tpu.vector_load %arg14[%get3A_1307, %get3A_1308] {strides = array<i32>} : memref<2x128xf32, #tpu.memory_space<vmem>>, vector<16xf32>,
      %add3A_1310 = arith.addf %add3A_1305, %get3A_1309 : vector<16xf32>
      %add3A_1311 = arith.constant 256 : i32
      %add3A_1312 = arith.addi %add3A_1311, %mul3A_374 : i32
      %swap3A = arith.index_cast %add3A_1312 : i32 to index
      %swap3A_1313 = tpu.vector_load %arg15[%swap3A] {strides = array<i32>} : memref<512xf32, #tpu.memory_space<vmem>>, vector<16xf32>,
      tpu.vector_store %arg15[%swap3A], %add3A_1310 {strides = array<i32>} : memref<512xf32, #tpu.memory_space<vmem>>, vector<16xf32>,
    }
    %scan3A_322 = arith.constant 8 : i32
    %dma_wait3A_323 = arith.constant 3 : i32
    %dma_wait3A_324 = arith.constant 1 : i32
    %dma_wait3A_325 = arith.constant 0 : i32
    %dma_wait3A_326 = arith.constant 0 : i32
    %dma_wait3A_327 = tpu.memref_slice %arg11[%dma_wait3A_324, %dma_wait3A_325, %dma_wait3A_326] : memref<2x128x64xf32, #tpu.memory_space<vmem>> -> memref<1x128x64xf32, #tpu.memory_space<vmem>>
    %dma_wait3A_328 = tpu.memref_squeeze %dma_wait3A_327 : memref<1x128x64xf32, #tpu.memory_space<vmem>> -> memref<128x64xf32, #tpu.memory_space<vmem>>
    %dma_wait3A_329 = arith.constant 0 : i32
    %dma_wait3A_330 = tpu.memref_slice %arg9[%dma_wait3A_323, %dma_wait3A_329] : memref<4x128xi32, #tpu.memory_space<vmem>> -> memref<1x128xi32, #tpu.memory_space<vmem>>
    %dma_wait3A_331 = tpu.memref_squeeze %dma_wait3A_330 : memref<1x128xi32, #tpu.memory_space<vmem>> -> memref<128xi32, #tpu.memory_space<vmem>>
    %dma_wait3A_332 = arith.constant 0 : i32
    %dma_wait3A_333 = arith.constant 0 : i32
    %dma_wait3A_334 = tpu.memref_slice %arg4[%dma_wait3A_332, %dma_wait3A_333] : memref<100001x64xf32, #tpu.memory_space<hbm>> -> memref<100001x64xf32, #tpu.memory_space<hbm>>
    tpu.wait_indirect_dma semaphore(%arg17 : memref<!tpu.dma_semaphore, #tpu.memory_space<semaphore_mem>>) src(%dma_wait3A_334 : memref<100001x64xf32, #tpu.memory_space<hbm>>) dst(%dma_wait3A_328 : memref<128x64xf32, #tpu.memory_space<vmem>>)
    %dma_wait3A_335 = arith.constant 3 : i32
    %dma_wait3A_336 = arith.constant 1 : i32
    %dma_wait3A_337 = arith.constant 0 : i32
    %dma_wait3A_338 = arith.constant 0 : i32
    %dma_wait3A_339 = tpu.memref_slice %arg12[%dma_wait3A_336, %dma_wait3A_337, %dma_wait3A_338] : memref<2x128x64xf32, #tpu.memory_space<vmem>> -> memref<1x128x64xf32, #tpu.memory_space<vmem>>
    %dma_wait3A_340 = tpu.memref_squeeze %dma_wait3A_339 : memref<1x128x64xf32, #tpu.memory_space<vmem>> -> memref<128x64xf32, #tpu.memory_space<vmem>>
    %dma_wait3A_341 = arith.constant 0 : i32
    %dma_wait3A_342 = tpu.memref_slice %arg10[%dma_wait3A_335, %dma_wait3A_341] : memref<4x128xi32, #tpu.memory_space<vmem>> -> memref<1x128xi32, #tpu.memory_space<vmem>>
    %dma_wait3A_343 = tpu.memref_squeeze %dma_wait3A_342 : memref<1x128xi32, #tpu.memory_space<vmem>> -> memref<128xi32, #tpu.memory_space<vmem>>
    %dma_wait3A_344 = arith.constant 0 : i32
    %dma_wait3A_345 = arith.constant 0 : i32
    %dma_wait3A_346 = tpu.memref_slice %arg5[%dma_wait3A_344, %dma_wait3A_345] : memref<100001x64xf32, #tpu.memory_space<hbm>> -> memref<100001x64xf32, #tpu.memory_space<hbm>>
    tpu.wait_indirect_dma semaphore(%arg17 : memref<!tpu.dma_semaphore, #tpu.memory_space<semaphore_mem>>) src(%dma_wait3A_346 : memref<100001x64xf32, #tpu.memory_space<hbm>>) dst(%dma_wait3A_340 : memref<128x64xf32, #tpu.memory_space<vmem>>)
    %dma_wait3A_347 = arith.constant 3 : i32
    %dma_wait3A_348 = arith.constant 1 : i32
    %dma_wait3A_349 = arith.constant 0 : i32
    %dma_wait3A_350 = tpu.memref_slice %arg13[%dma_wait3A_348, %dma_wait3A_349] : memref<2x128xf32, #tpu.memory_space<vmem>> -> memref<1x128xf32, #tpu.memory_space<vmem>>
    %dma_wait3A_351 = tpu.memref_squeeze %dma_wait3A_350 : memref<1x128xf32, #tpu.memory_space<vmem>> -> memref<128xf32, #tpu.memory_space<vmem>>
    %dma_wait3A_352 = arith.constant 0 : i32
    %dma_wait3A_353 = tpu.memref_slice %arg9[%dma_wait3A_347, %dma_wait3A_352] : memref<4x128xi32, #tpu.memory_space<vmem>> -> memref<1x128xi32, #tpu.memory_space<vmem>>
    %dma_wait3A_354 = tpu.memref_squeeze %dma_wait3A_353 : memref<1x128xi32, #tpu.memory_space<vmem>> -> memref<128xi32, #tpu.memory_space<vmem>>
    %dma_wait3A_355 = arith.constant 0 : i32
    %dma_wait3A_356 = tpu.memref_slice %arg6[%dma_wait3A_355] : memref<100001xf32, #tpu.memory_space<hbm>> -> memref<100001xf32, #tpu.memory_space<hbm>>
    tpu.wait_indirect_dma semaphore(%arg17 : memref<!tpu.dma_semaphore, #tpu.memory_space<semaphore_mem>>) src(%dma_wait3A_356 : memref<100001xf32, #tpu.memory_space<hbm>>) dst(%dma_wait3A_351 : memref<128xf32, #tpu.memory_space<vmem>>)
    %dma_wait3A_357 = arith.constant 3 : i32
    %dma_wait3A_358 = arith.constant 1 : i32
    %dma_wait3A_359 = arith.constant 0 : i32
    %dma_wait3A_360 = tpu.memref_slice %arg14[%dma_wait3A_358, %dma_wait3A_359] : memref<2x128xf32, #tpu.memory_space<vmem>> -> memref<1x128xf32, #tpu.memory_space<vmem>>
    %dma_wait3A_361 = tpu.memref_squeeze %dma_wait3A_360 : memref<1x128xf32, #tpu.memory_space<vmem>> -> memref<128xf32, #tpu.memory_space<vmem>>
    %dma_wait3A_362 = arith.constant 0 : i32
    %dma_wait3A_363 = tpu.memref_slice %arg10[%dma_wait3A_357, %dma_wait3A_362] : memref<4x128xi32, #tpu.memory_space<vmem>> -> memref<1x128xi32, #tpu.memory_space<vmem>>
    %dma_wait3A_364 = tpu.memref_squeeze %dma_wait3A_363 : memref<1x128xi32, #tpu.memory_space<vmem>> -> memref<128xi32, #tpu.memory_space<vmem>>
    %dma_wait3A_365 = arith.constant 0 : i32
    %dma_wait3A_366 = tpu.memref_slice %arg7[%dma_wait3A_365] : memref<100001xf32, #tpu.memory_space<hbm>> -> memref<100001xf32, #tpu.memory_space<hbm>>
    tpu.wait_indirect_dma semaphore(%arg17 : memref<!tpu.dma_semaphore, #tpu.memory_space<semaphore_mem>>) src(%dma_wait3A_366 : memref<100001xf32, #tpu.memory_space<hbm>>) dst(%dma_wait3A_361 : memref<128xf32, #tpu.memory_space<vmem>>)
    %scan3A_367 = arith.constant 0 : i32
    %scan3A_368 = arith.constant 8 : i32
    %scan3A_369 = arith.addi %scan3A_367, %scan3A_368 : i32
    %scan3A_370 = arith.constant 1 : i32
    scf.for %scan3A_372 = %scan3A_367 to %scan3A_369 step %scan3A_370  : i32 {
      %mul3A_373 = arith.constant 16 : i32
      %mul3A_374 = arith.muli %scan3A_372, %mul3A_373 : i32
      %add3A_375 = arith.constant 0 : i32
      %add3A_376 = arith.addi %mul3A_374, %add3A_375 : i32
      %get3A = arith.constant 1 : i32
      %get3A_377 = arith.index_cast %get3A : i32 to index
      %get3A_378 = arith.index_cast %add3A_376 : i32 to index
      %get3A_379 = arith.constant 0 : index
      %get3A_380 = tpu.vector_load %arg11[%get3A_377, %get3A_378, %get3A_379] {strides = array<i32>} : memref<2x128x64xf32, #tpu.memory_space<vmem>>, vector<16xf32>,
      %get3A_381 = arith.constant 1 : i32
      %get3A_382 = arith.index_cast %get3A_381 : i32 to index
      %get3A_383 = arith.index_cast %add3A_376 : i32 to index
      %get3A_384 = arith.constant 0 : index
      %get3A_385 = tpu.vector_load %arg12[%get3A_382, %get3A_383, %get3A_384] {strides = array<i32>} : memref<2x128x64xf32, #tpu.memory_space<vmem>>, vector<16xf32>,
      %mul3A_386 = arith.mulf %get3A_380, %get3A_385 : vector<16xf32>
      %get3A_387 = arith.constant 1 : i32
      %get3A_388 = arith.index_cast %get3A_387 : i32 to index
      %get3A_389 = arith.index_cast %add3A_376 : i32 to index
      %get3A_390 = arith.constant 16 : index
      %get3A_391 = tpu.vector_load %arg11[%get3A_388, %get3A_389, %get3A_390] {strides = array<i32>} : memref<2x128x64xf32, #tpu.memory_space<vmem>>, vector<16xf32>,
      %get3A_392 = arith.constant 1 : i32
      %get3A_393 = arith.index_cast %get3A_392 : i32 to index
      %get3A_394 = arith.index_cast %add3A_376 : i32 to index
      %get3A_395 = arith.constant 16 : index
      %get3A_396 = tpu.vector_load %arg12[%get3A_393, %get3A_394, %get3A_395] {strides = array<i32>} : memref<2x128x64xf32, #tpu.memory_space<vmem>>, vector<16xf32>,
      %mul3A_397 = arith.mulf %get3A_391, %get3A_396 : vector<16xf32>
      %add3A_398 = arith.addf %mul3A_386, %mul3A_397 : vector<16xf32>
      %get3A_399 = arith.constant 1 : i32
      %get3A_400 = arith.index_cast %get3A_399 : i32 to index
      %get3A_401 = arith.index_cast %add3A_376 : i32 to index
      %get3A_402 = arith.constant 32 : index
      %get3A_403 = tpu.vector_load %arg11[%get3A_400, %get3A_401, %get3A_402] {strides = array<i32>} : memref<2x128x64xf32, #tpu.memory_space<vmem>>, vector<16xf32>,
      %get3A_404 = arith.constant 1 : i32
      %get3A_405 = arith.index_cast %get3A_404 : i32 to index
      %get3A_406 = arith.index_cast %add3A_376 : i32 to index
      %get3A_407 = arith.constant 32 : index
      %get3A_408 = tpu.vector_load %arg12[%get3A_405, %get3A_406, %get3A_407] {strides = array<i32>} : memref<2x128x64xf32, #tpu.memory_space<vmem>>, vector<16xf32>,
      %mul3A_409 = arith.mulf %get3A_403, %get3A_408 : vector<16xf32>
      %add3A_410 = arith.addf %add3A_398, %mul3A_409 : vector<16xf32>
      %get3A_411 = arith.constant 1 : i32
      %get3A_412 = arith.index_cast %get3A_411 : i32 to index
      %get3A_413 = arith.index_cast %add3A_376 : i32 to index
      %get3A_414 = arith.constant 48 : index
      %get3A_415 = tpu.vector_load %arg11[%get3A_412, %get3A_413, %get3A_414] {strides = array<i32>} : memref<2x128x64xf32, #tpu.memory_space<vmem>>, vector<16xf32>,
      %get3A_416 = arith.constant 1 : i32
      %get3A_417 = arith.index_cast %get3A_416 : i32 to index
      %get3A_418 = arith.index_cast %add3A_376 : i32 to index
      %get3A_419 = arith.constant 48 : index
      %get3A_420 = tpu.vector_load %arg12[%get3A_417, %get3A_418, %get3A_419] {strides = array<i32>} : memref<2x128x64xf32, #tpu.memory_space<vmem>>, vector<16xf32>,
      %mul3A_421 = arith.mulf %get3A_415, %get3A_420 : vector<16xf32>
      %add3A_422 = arith.addf %add3A_410, %mul3A_421 : vector<16xf32>
      %mul3A_423 = arith.constant 17 : i32
      %mul3A_424 = vector.broadcast %mul3A_423 : i32 to vector<16xi32>
      %mul3A_425 = arith.muli %iota3A, %mul3A_424 : vector<16xi32>
      %add3A_426 = arith.constant 0 : i32
      %add3A_427 = vector.broadcast %add3A_426 : i32 to vector<16xi32>
      %add3A_428 = arith.addi %mul3A_425, %add3A_427 : vector<16xi32>
      tpu.vector_store_idx %arg16[%add3A_428], %add3A_422 : memref<272xf32, #tpu.memory_space<vmem>>[vector<16xi32>], vector<16xf32>,
      %add3A_429 = arith.constant 1 : i32
      %add3A_430 = arith.addi %mul3A_374, %add3A_429 : i32
      %get3A_431 = arith.constant 1 : i32
      %get3A_432 = arith.index_cast %get3A_431 : i32 to index
      %get3A_433 = arith.index_cast %add3A_430 : i32 to index
      %get3A_434 = arith.constant 0 : index
      %get3A_435 = tpu.vector_load %arg11[%get3A_432, %get3A_433, %get3A_434] {strides = array<i32>} : memref<2x128x64xf32, #tpu.memory_space<vmem>>, vector<16xf32>,
      %get3A_436 = arith.constant 1 : i32
      %get3A_437 = arith.index_cast %get3A_436 : i32 to index
      %get3A_438 = arith.index_cast %add3A_430 : i32 to index
      %get3A_439 = arith.constant 0 : index
      %get3A_440 = tpu.vector_load %arg12[%get3A_437, %get3A_438, %get3A_439] {strides = array<i32>} : memref<2x128x64xf32, #tpu.memory_space<vmem>>, vector<16xf32>,
      %mul3A_441 = arith.mulf %get3A_435, %get3A_440 : vector<16xf32>
      %get3A_442 = arith.constant 1 : i32
      %get3A_443 = arith.index_cast %get3A_442 : i32 to index
      %get3A_444 = arith.index_cast %add3A_430 : i32 to index
      %get3A_445 = arith.constant 16 : index
      %get3A_446 = tpu.vector_load %arg11[%get3A_443, %get3A_444, %get3A_445] {strides = array<i32>} : memref<2x128x64xf32, #tpu.memory_space<vmem>>, vector<16xf32>,
      %get3A_447 = arith.constant 1 : i32
      %get3A_448 = arith.index_cast %get3A_447 : i32 to index
      %get3A_449 = arith.index_cast %add3A_430 : i32 to index
      %get3A_450 = arith.constant 16 : index
      %get3A_451 = tpu.vector_load %arg12[%get3A_448, %get3A_449, %get3A_450] {strides = array<i32>} : memref<2x128x64xf32, #tpu.memory_space<vmem>>, vector<16xf32>,
      %mul3A_452 = arith.mulf %get3A_446, %get3A_451 : vector<16xf32>
      %add3A_453 = arith.addf %mul3A_441, %mul3A_452 : vector<16xf32>
      %get3A_454 = arith.constant 1 : i32
      %get3A_455 = arith.index_cast %get3A_454 : i32 to index
      %get3A_456 = arith.index_cast %add3A_430 : i32 to index
      %get3A_457 = arith.constant 32 : index
      %get3A_458 = tpu.vector_load %arg11[%get3A_455, %get3A_456, %get3A_457] {strides = array<i32>} : memref<2x128x64xf32, #tpu.memory_space<vmem>>, vector<16xf32>,
      %get3A_459 = arith.constant 1 : i32
      %get3A_460 = arith.index_cast %get3A_459 : i32 to index
      %get3A_461 = arith.index_cast %add3A_430 : i32 to index
      %get3A_462 = arith.constant 32 : index
      %get3A_463 = tpu.vector_load %arg12[%get3A_460, %get3A_461, %get3A_462] {strides = array<i32>} : memref<2x128x64xf32, #tpu.memory_space<vmem>>, vector<16xf32>,
      %mul3A_464 = arith.mulf %get3A_458, %get3A_463 : vector<16xf32>
      %add3A_465 = arith.addf %add3A_453, %mul3A_464 : vector<16xf32>
      %get3A_466 = arith.constant 1 : i32
      %get3A_467 = arith.index_cast %get3A_466 : i32 to index
      %get3A_468 = arith.index_cast %add3A_430 : i32 to index
      %get3A_469 = arith.constant 48 : index
      %get3A_470 = tpu.vector_load %arg11[%get3A_467, %get3A_468, %get3A_469] {strides = array<i32>} : memref<2x128x64xf32, #tpu.memory_space<vmem>>, vector<16xf32>,
      %get3A_471 = arith.constant 1 : i32
      %get3A_472 = arith.index_cast %get3A_471 : i32 to index
      %get3A_473 = arith.index_cast %add3A_430 : i32 to index
      %get3A_474 = arith.constant 48 : index
      %get3A_475 = tpu.vector_load %arg12[%get3A_472, %get3A_473, %get3A_474] {strides = array<i32>} : memref<2x128x64xf32, #tpu.memory_space<vmem>>, vector<16xf32>,
      %mul3A_476 = arith.mulf %get3A_470, %get3A_475 : vector<16xf32>
      %add3A_477 = arith.addf %add3A_465, %mul3A_476 : vector<16xf32>
      %mul3A_478 = arith.constant 17 : i32
      %mul3A_479 = vector.broadcast %mul3A_478 : i32 to vector<16xi32>
      %mul3A_480 = arith.muli %iota3A, %mul3A_479 : vector<16xi32>
      %add3A_481 = arith.constant 1 : i32
      %add3A_482 = vector.broadcast %add3A_481 : i32 to vector<16xi32>
      %add3A_483 = arith.addi %mul3A_480, %add3A_482 : vector<16xi32>
      tpu.vector_store_idx %arg16[%add3A_483], %add3A_477 : memref<272xf32, #tpu.memory_space<vmem>>[vector<16xi32>], vector<16xf32>,
      %add3A_484 = arith.constant 2 : i32
      %add3A_485 = arith.addi %mul3A_374, %add3A_484 : i32
      %get3A_486 = arith.constant 1 : i32
      %get3A_487 = arith.index_cast %get3A_486 : i32 to index
      %get3A_488 = arith.index_cast %add3A_485 : i32 to index
      %get3A_489 = arith.constant 0 : index
      %get3A_490 = tpu.vector_load %arg11[%get3A_487, %get3A_488, %get3A_489] {strides = array<i32>} : memref<2x128x64xf32, #tpu.memory_space<vmem>>, vector<16xf32>,
      %get3A_491 = arith.constant 1 : i32
      %get3A_492 = arith.index_cast %get3A_491 : i32 to index
      %get3A_493 = arith.index_cast %add3A_485 : i32 to index
      %get3A_494 = arith.constant 0 : index
      %get3A_495 = tpu.vector_load %arg12[%get3A_492, %get3A_493, %get3A_494] {strides = array<i32>} : memref<2x128x64xf32, #tpu.memory_space<vmem>>, vector<16xf32>,
      %mul3A_496 = arith.mulf %get3A_490, %get3A_495 : vector<16xf32>
      %get3A_497 = arith.constant 1 : i32
      %get3A_498 = arith.index_cast %get3A_497 : i32 to index
      %get3A_499 = arith.index_cast %add3A_485 : i32 to index
      %get3A_500 = arith.constant 16 : index
      %get3A_501 = tpu.vector_load %arg11[%get3A_498, %get3A_499, %get3A_500] {strides = array<i32>} : memref<2x128x64xf32, #tpu.memory_space<vmem>>, vector<16xf32>,
      %get3A_502 = arith.constant 1 : i32
      %get3A_503 = arith.index_cast %get3A_502 : i32 to index
      %get3A_504 = arith.index_cast %add3A_485 : i32 to index
      %get3A_505 = arith.constant 16 : index
      %get3A_506 = tpu.vector_load %arg12[%get3A_503, %get3A_504, %get3A_505] {strides = array<i32>} : memref<2x128x64xf32, #tpu.memory_space<vmem>>, vector<16xf32>,
      %mul3A_507 = arith.mulf %get3A_501, %get3A_506 : vector<16xf32>
      %add3A_508 = arith.addf %mul3A_496, %mul3A_507 : vector<16xf32>
      %get3A_509 = arith.constant 1 : i32
      %get3A_510 = arith.index_cast %get3A_509 : i32 to index
      %get3A_511 = arith.index_cast %add3A_485 : i32 to index
      %get3A_512 = arith.constant 32 : index
      %get3A_513 = tpu.vector_load %arg11[%get3A_510, %get3A_511, %get3A_512] {strides = array<i32>} : memref<2x128x64xf32, #tpu.memory_space<vmem>>, vector<16xf32>,
      %get3A_514 = arith.constant 1 : i32
      %get3A_515 = arith.index_cast %get3A_514 : i32 to index
      %get3A_516 = arith.index_cast %add3A_485 : i32 to index
      %get3A_517 = arith.constant 32 : index
      %get3A_518 = tpu.vector_load %arg12[%get3A_515, %get3A_516, %get3A_517] {strides = array<i32>} : memref<2x128x64xf32, #tpu.memory_space<vmem>>, vector<16xf32>,
      %mul3A_519 = arith.mulf %get3A_513, %get3A_518 : vector<16xf32>
      %add3A_520 = arith.addf %add3A_508, %mul3A_519 : vector<16xf32>
      %get3A_521 = arith.constant 1 : i32
      %get3A_522 = arith.index_cast %get3A_521 : i32 to index
      %get3A_523 = arith.index_cast %add3A_485 : i32 to index
      %get3A_524 = arith.constant 48 : index
      %get3A_525 = tpu.vector_load %arg11[%get3A_522, %get3A_523, %get3A_524] {strides = array<i32>} : memref<2x128x64xf32, #tpu.memory_space<vmem>>, vector<16xf32>,
      %get3A_526 = arith.constant 1 : i32
      %get3A_527 = arith.index_cast %get3A_526 : i32 to index
      %get3A_528 = arith.index_cast %add3A_485 : i32 to index
      %get3A_529 = arith.constant 48 : index
      %get3A_530 = tpu.vector_load %arg12[%get3A_527, %get3A_528, %get3A_529] {strides = array<i32>} : memref<2x128x64xf32, #tpu.memory_space<vmem>>, vector<16xf32>,
      %mul3A_531 = arith.mulf %get3A_525, %get3A_530 : vector<16xf32>
      %add3A_532 = arith.addf %add3A_520, %mul3A_531 : vector<16xf32>
      %mul3A_533 = arith.constant 17 : i32
      %mul3A_534 = vector.broadcast %mul3A_533 : i32 to vector<16xi32>
      %mul3A_535 = arith.muli %iota3A, %mul3A_534 : vector<16xi32>
      %add3A_536 = arith.constant 2 : i32
      %add3A_537 = vector.broadcast %add3A_536 : i32 to vector<16xi32>
      %add3A_538 = arith.addi %mul3A_535, %add3A_537 : vector<16xi32>
      tpu.vector_store_idx %arg16[%add3A_538], %add3A_532 : memref<272xf32, #tpu.memory_space<vmem>>[vector<16xi32>], vector<16xf32>,
      %add3A_539 = arith.constant 3 : i32
      %add3A_540 = arith.addi %mul3A_374, %add3A_539 : i32
      %get3A_541 = arith.constant 1 : i32
      %get3A_542 = arith.index_cast %get3A_541 : i32 to index
      %get3A_543 = arith.index_cast %add3A_540 : i32 to index
      %get3A_544 = arith.constant 0 : index
      %get3A_545 = tpu.vector_load %arg11[%get3A_542, %get3A_543, %get3A_544] {strides = array<i32>} : memref<2x128x64xf32, #tpu.memory_space<vmem>>, vector<16xf32>,
      %get3A_546 = arith.constant 1 : i32
      %get3A_547 = arith.index_cast %get3A_546 : i32 to index
      %get3A_548 = arith.index_cast %add3A_540 : i32 to index
      %get3A_549 = arith.constant 0 : index
      %get3A_550 = tpu.vector_load %arg12[%get3A_547, %get3A_548, %get3A_549] {strides = array<i32>} : memref<2x128x64xf32, #tpu.memory_space<vmem>>, vector<16xf32>,
      %mul3A_551 = arith.mulf %get3A_545, %get3A_550 : vector<16xf32>
      %get3A_552 = arith.constant 1 : i32
      %get3A_553 = arith.index_cast %get3A_552 : i32 to index
      %get3A_554 = arith.index_cast %add3A_540 : i32 to index
      %get3A_555 = arith.constant 16 : index
      %get3A_556 = tpu.vector_load %arg11[%get3A_553, %get3A_554, %get3A_555] {strides = array<i32>} : memref<2x128x64xf32, #tpu.memory_space<vmem>>, vector<16xf32>,
      %get3A_557 = arith.constant 1 : i32
      %get3A_558 = arith.index_cast %get3A_557 : i32 to index
      %get3A_559 = arith.index_cast %add3A_540 : i32 to index
      %get3A_560 = arith.constant 16 : index
      %get3A_561 = tpu.vector_load %arg12[%get3A_558, %get3A_559, %get3A_560] {strides = array<i32>} : memref<2x128x64xf32, #tpu.memory_space<vmem>>, vector<16xf32>,
      %mul3A_562 = arith.mulf %get3A_556, %get3A_561 : vector<16xf32>
      %add3A_563 = arith.addf %mul3A_551, %mul3A_562 : vector<16xf32>
      %get3A_564 = arith.constant 1 : i32
      %get3A_565 = arith.index_cast %get3A_564 : i32 to index
      %get3A_566 = arith.index_cast %add3A_540 : i32 to index
      %get3A_567 = arith.constant 32 : index
      %get3A_568 = tpu.vector_load %arg11[%get3A_565, %get3A_566, %get3A_567] {strides = array<i32>} : memref<2x128x64xf32, #tpu.memory_space<vmem>>, vector<16xf32>,
      %get3A_569 = arith.constant 1 : i32
      %get3A_570 = arith.index_cast %get3A_569 : i32 to index
      %get3A_571 = arith.index_cast %add3A_540 : i32 to index
      %get3A_572 = arith.constant 32 : index
      %get3A_573 = tpu.vector_load %arg12[%get3A_570, %get3A_571, %get3A_572] {strides = array<i32>} : memref<2x128x64xf32, #tpu.memory_space<vmem>>, vector<16xf32>,
      %mul3A_574 = arith.mulf %get3A_568, %get3A_573 : vector<16xf32>
      %add3A_575 = arith.addf %add3A_563, %mul3A_574 : vector<16xf32>
      %get3A_576 = arith.constant 1 : i32
      %get3A_577 = arith.index_cast %get3A_576 : i32 to index
      %get3A_578 = arith.index_cast %add3A_540 : i32 to index
      %get3A_579 = arith.constant 48 : index
      %get3A_580 = tpu.vector_load %arg11[%get3A_577, %get3A_578, %get3A_579] {strides = array<i32>} : memref<2x128x64xf32, #tpu.memory_space<vmem>>, vector<16xf32>,
      %get3A_581 = arith.constant 1 : i32
      %get3A_582 = arith.index_cast %get3A_581 : i32 to index
      %get3A_583 = arith.index_cast %add3A_540 : i32 to index
      %get3A_584 = arith.constant 48 : index
      %get3A_585 = tpu.vector_load %arg12[%get3A_582, %get3A_583, %get3A_584] {strides = array<i32>} : memref<2x128x64xf32, #tpu.memory_space<vmem>>, vector<16xf32>,
      %mul3A_586 = arith.mulf %get3A_580, %get3A_585 : vector<16xf32>
      %add3A_587 = arith.addf %add3A_575, %mul3A_586 : vector<16xf32>
      %mul3A_588 = arith.constant 17 : i32
      %mul3A_589 = vector.broadcast %mul3A_588 : i32 to vector<16xi32>
      %mul3A_590 = arith.muli %iota3A, %mul3A_589 : vector<16xi32>
      %add3A_591 = arith.constant 3 : i32
      %add3A_592 = vector.broadcast %add3A_591 : i32 to vector<16xi32>
      %add3A_593 = arith.addi %mul3A_590, %add3A_592 : vector<16xi32>
      tpu.vector_store_idx %arg16[%add3A_593], %add3A_587 : memref<272xf32, #tpu.memory_space<vmem>>[vector<16xi32>], vector<16xf32>,
      %add3A_594 = arith.constant 4 : i32
      %add3A_595 = arith.addi %mul3A_374, %add3A_594 : i32
      %get3A_596 = arith.constant 1 : i32
      %get3A_597 = arith.index_cast %get3A_596 : i32 to index
      %get3A_598 = arith.index_cast %add3A_595 : i32 to index
      %get3A_599 = arith.constant 0 : index
      %get3A_600 = tpu.vector_load %arg11[%get3A_597, %get3A_598, %get3A_599] {strides = array<i32>} : memref<2x128x64xf32, #tpu.memory_space<vmem>>, vector<16xf32>,
      %get3A_601 = arith.constant 1 : i32
      %get3A_602 = arith.index_cast %get3A_601 : i32 to index
      %get3A_603 = arith.index_cast %add3A_595 : i32 to index
      %get3A_604 = arith.constant 0 : index
      %get3A_605 = tpu.vector_load %arg12[%get3A_602, %get3A_603, %get3A_604] {strides = array<i32>} : memref<2x128x64xf32, #tpu.memory_space<vmem>>, vector<16xf32>,
      %mul3A_606 = arith.mulf %get3A_600, %get3A_605 : vector<16xf32>
      %get3A_607 = arith.constant 1 : i32
      %get3A_608 = arith.index_cast %get3A_607 : i32 to index
      %get3A_609 = arith.index_cast %add3A_595 : i32 to index
      %get3A_610 = arith.constant 16 : index
      %get3A_611 = tpu.vector_load %arg11[%get3A_608, %get3A_609, %get3A_610] {strides = array<i32>} : memref<2x128x64xf32, #tpu.memory_space<vmem>>, vector<16xf32>,
      %get3A_612 = arith.constant 1 : i32
      %get3A_613 = arith.index_cast %get3A_612 : i32 to index
      %get3A_614 = arith.index_cast %add3A_595 : i32 to index
      %get3A_615 = arith.constant 16 : index
      %get3A_616 = tpu.vector_load %arg12[%get3A_613, %get3A_614, %get3A_615] {strides = array<i32>} : memref<2x128x64xf32, #tpu.memory_space<vmem>>, vector<16xf32>,
      %mul3A_617 = arith.mulf %get3A_611, %get3A_616 : vector<16xf32>
      %add3A_618 = arith.addf %mul3A_606, %mul3A_617 : vector<16xf32>
      %get3A_619 = arith.constant 1 : i32
      %get3A_620 = arith.index_cast %get3A_619 : i32 to index
      %get3A_621 = arith.index_cast %add3A_595 : i32 to index
      %get3A_622 = arith.constant 32 : index
      %get3A_623 = tpu.vector_load %arg11[%get3A_620, %get3A_621, %get3A_622] {strides = array<i32>} : memref<2x128x64xf32, #tpu.memory_space<vmem>>, vector<16xf32>,
      %get3A_624 = arith.constant 1 : i32
      %get3A_625 = arith.index_cast %get3A_624 : i32 to index
      %get3A_626 = arith.index_cast %add3A_595 : i32 to index
      %get3A_627 = arith.constant 32 : index
      %get3A_628 = tpu.vector_load %arg12[%get3A_625, %get3A_626, %get3A_627] {strides = array<i32>} : memref<2x128x64xf32, #tpu.memory_space<vmem>>, vector<16xf32>,
      %mul3A_629 = arith.mulf %get3A_623, %get3A_628 : vector<16xf32>
      %add3A_630 = arith.addf %add3A_618, %mul3A_629 : vector<16xf32>
      %get3A_631 = arith.constant 1 : i32
      %get3A_632 = arith.index_cast %get3A_631 : i32 to index
      %get3A_633 = arith.index_cast %add3A_595 : i32 to index
      %get3A_634 = arith.constant 48 : index
      %get3A_635 = tpu.vector_load %arg11[%get3A_632, %get3A_633, %get3A_634] {strides = array<i32>} : memref<2x128x64xf32, #tpu.memory_space<vmem>>, vector<16xf32>,
      %get3A_636 = arith.constant 1 : i32
      %get3A_637 = arith.index_cast %get3A_636 : i32 to index
      %get3A_638 = arith.index_cast %add3A_595 : i32 to index
      %get3A_639 = arith.constant 48 : index
      %get3A_640 = tpu.vector_load %arg12[%get3A_637, %get3A_638, %get3A_639] {strides = array<i32>} : memref<2x128x64xf32, #tpu.memory_space<vmem>>, vector<16xf32>,
      %mul3A_641 = arith.mulf %get3A_635, %get3A_640 : vector<16xf32>
      %add3A_642 = arith.addf %add3A_630, %mul3A_641 : vector<16xf32>
      %mul3A_643 = arith.constant 17 : i32
      %mul3A_644 = vector.broadcast %mul3A_643 : i32 to vector<16xi32>
      %mul3A_645 = arith.muli %iota3A, %mul3A_644 : vector<16xi32>
      %add3A_646 = arith.constant 4 : i32
      %add3A_647 = vector.broadcast %add3A_646 : i32 to vector<16xi32>
      %add3A_648 = arith.addi %mul3A_645, %add3A_647 : vector<16xi32>
      tpu.vector_store_idx %arg16[%add3A_648], %add3A_642 : memref<272xf32, #tpu.memory_space<vmem>>[vector<16xi32>], vector<16xf32>,
      %add3A_649 = arith.constant 5 : i32
      %add3A_650 = arith.addi %mul3A_374, %add3A_649 : i32
      %get3A_651 = arith.constant 1 : i32
      %get3A_652 = arith.index_cast %get3A_651 : i32 to index
      %get3A_653 = arith.index_cast %add3A_650 : i32 to index
      %get3A_654 = arith.constant 0 : index
      %get3A_655 = tpu.vector_load %arg11[%get3A_652, %get3A_653, %get3A_654] {strides = array<i32>} : memref<2x128x64xf32, #tpu.memory_space<vmem>>, vector<16xf32>,
      %get3A_656 = arith.constant 1 : i32
      %get3A_657 = arith.index_cast %get3A_656 : i32 to index
      %get3A_658 = arith.index_cast %add3A_650 : i32 to index
      %get3A_659 = arith.constant 0 : index
      %get3A_660 = tpu.vector_load %arg12[%get3A_657, %get3A_658, %get3A_659] {strides = array<i32>} : memref<2x128x64xf32, #tpu.memory_space<vmem>>, vector<16xf32>,
      %mul3A_661 = arith.mulf %get3A_655, %get3A_660 : vector<16xf32>
      %get3A_662 = arith.constant 1 : i32
      %get3A_663 = arith.index_cast %get3A_662 : i32 to index
      %get3A_664 = arith.index_cast %add3A_650 : i32 to index
      %get3A_665 = arith.constant 16 : index
      %get3A_666 = tpu.vector_load %arg11[%get3A_663, %get3A_664, %get3A_665] {strides = array<i32>} : memref<2x128x64xf32, #tpu.memory_space<vmem>>, vector<16xf32>,
      %get3A_667 = arith.constant 1 : i32
      %get3A_668 = arith.index_cast %get3A_667 : i32 to index
      %get3A_669 = arith.index_cast %add3A_650 : i32 to index
      %get3A_670 = arith.constant 16 : index
      %get3A_671 = tpu.vector_load %arg12[%get3A_668, %get3A_669, %get3A_670] {strides = array<i32>} : memref<2x128x64xf32, #tpu.memory_space<vmem>>, vector<16xf32>,
      %mul3A_672 = arith.mulf %get3A_666, %get3A_671 : vector<16xf32>
      %add3A_673 = arith.addf %mul3A_661, %mul3A_672 : vector<16xf32>
      %get3A_674 = arith.constant 1 : i32
      %get3A_675 = arith.index_cast %get3A_674 : i32 to index
      %get3A_676 = arith.index_cast %add3A_650 : i32 to index
      %get3A_677 = arith.constant 32 : index
      %get3A_678 = tpu.vector_load %arg11[%get3A_675, %get3A_676, %get3A_677] {strides = array<i32>} : memref<2x128x64xf32, #tpu.memory_space<vmem>>, vector<16xf32>,
      %get3A_679 = arith.constant 1 : i32
      %get3A_680 = arith.index_cast %get3A_679 : i32 to index
      %get3A_681 = arith.index_cast %add3A_650 : i32 to index
      %get3A_682 = arith.constant 32 : index
      %get3A_683 = tpu.vector_load %arg12[%get3A_680, %get3A_681, %get3A_682] {strides = array<i32>} : memref<2x128x64xf32, #tpu.memory_space<vmem>>, vector<16xf32>,
      %mul3A_684 = arith.mulf %get3A_678, %get3A_683 : vector<16xf32>
      %add3A_685 = arith.addf %add3A_673, %mul3A_684 : vector<16xf32>
      %get3A_686 = arith.constant 1 : i32
      %get3A_687 = arith.index_cast %get3A_686 : i32 to index
      %get3A_688 = arith.index_cast %add3A_650 : i32 to index
      %get3A_689 = arith.constant 48 : index
      %get3A_690 = tpu.vector_load %arg11[%get3A_687, %get3A_688, %get3A_689] {strides = array<i32>} : memref<2x128x64xf32, #tpu.memory_space<vmem>>, vector<16xf32>,
      %get3A_691 = arith.constant 1 : i32
      %get3A_692 = arith.index_cast %get3A_691 : i32 to index
      %get3A_693 = arith.index_cast %add3A_650 : i32 to index
      %get3A_694 = arith.constant 48 : index
      %get3A_695 = tpu.vector_load %arg12[%get3A_692, %get3A_693, %get3A_694] {strides = array<i32>} : memref<2x128x64xf32, #tpu.memory_space<vmem>>, vector<16xf32>,
      %mul3A_696 = arith.mulf %get3A_690, %get3A_695 : vector<16xf32>
      %add3A_697 = arith.addf %add3A_685, %mul3A_696 : vector<16xf32>
      %mul3A_698 = arith.constant 17 : i32
      %mul3A_699 = vector.broadcast %mul3A_698 : i32 to vector<16xi32>
      %mul3A_700 = arith.muli %iota3A, %mul3A_699 : vector<16xi32>
      %add3A_701 = arith.constant 5 : i32
      %add3A_702 = vector.broadcast %add3A_701 : i32 to vector<16xi32>
      %add3A_703 = arith.addi %mul3A_700, %add3A_702 : vector<16xi32>
      tpu.vector_store_idx %arg16[%add3A_703], %add3A_697 : memref<272xf32, #tpu.memory_space<vmem>>[vector<16xi32>], vector<16xf32>,
      %add3A_704 = arith.constant 6 : i32
      %add3A_705 = arith.addi %mul3A_374, %add3A_704 : i32
      %get3A_706 = arith.constant 1 : i32
      %get3A_707 = arith.index_cast %get3A_706 : i32 to index
      %get3A_708 = arith.index_cast %add3A_705 : i32 to index
      %get3A_709 = arith.constant 0 : index
      %get3A_710 = tpu.vector_load %arg11[%get3A_707, %get3A_708, %get3A_709] {strides = array<i32>} : memref<2x128x64xf32, #tpu.memory_space<vmem>>, vector<16xf32>,
      %get3A_711 = arith.constant 1 : i32
      %get3A_712 = arith.index_cast %get3A_711 : i32 to index
      %get3A_713 = arith.index_cast %add3A_705 : i32 to index
      %get3A_714 = arith.constant 0 : index
      %get3A_715 = tpu.vector_load %arg12[%get3A_712, %get3A_713, %get3A_714] {strides = array<i32>} : memref<2x128x64xf32, #tpu.memory_space<vmem>>, vector<16xf32>,
      %mul3A_716 = arith.mulf %get3A_710, %get3A_715 : vector<16xf32>
      %get3A_717 = arith.constant 1 : i32
      %get3A_718 = arith.index_cast %get3A_717 : i32 to index
      %get3A_719 = arith.index_cast %add3A_705 : i32 to index
      %get3A_720 = arith.constant 16 : index
      %get3A_721 = tpu.vector_load %arg11[%get3A_718, %get3A_719, %get3A_720] {strides = array<i32>} : memref<2x128x64xf32, #tpu.memory_space<vmem>>, vector<16xf32>,
      %get3A_722 = arith.constant 1 : i32
      %get3A_723 = arith.index_cast %get3A_722 : i32 to index
      %get3A_724 = arith.index_cast %add3A_705 : i32 to index
      %get3A_725 = arith.constant 16 : index
      %get3A_726 = tpu.vector_load %arg12[%get3A_723, %get3A_724, %get3A_725] {strides = array<i32>} : memref<2x128x64xf32, #tpu.memory_space<vmem>>, vector<16xf32>,
      %mul3A_727 = arith.mulf %get3A_721, %get3A_726 : vector<16xf32>
      %add3A_728 = arith.addf %mul3A_716, %mul3A_727 : vector<16xf32>
      %get3A_729 = arith.constant 1 : i32
      %get3A_730 = arith.index_cast %get3A_729 : i32 to index
      %get3A_731 = arith.index_cast %add3A_705 : i32 to index
      %get3A_732 = arith.constant 32 : index
      %get3A_733 = tpu.vector_load %arg11[%get3A_730, %get3A_731, %get3A_732] {strides = array<i32>} : memref<2x128x64xf32, #tpu.memory_space<vmem>>, vector<16xf32>,
      %get3A_734 = arith.constant 1 : i32
      %get3A_735 = arith.index_cast %get3A_734 : i32 to index
      %get3A_736 = arith.index_cast %add3A_705 : i32 to index
      %get3A_737 = arith.constant 32 : index
      %get3A_738 = tpu.vector_load %arg12[%get3A_735, %get3A_736, %get3A_737] {strides = array<i32>} : memref<2x128x64xf32, #tpu.memory_space<vmem>>, vector<16xf32>,
      %mul3A_739 = arith.mulf %get3A_733, %get3A_738 : vector<16xf32>
      %add3A_740 = arith.addf %add3A_728, %mul3A_739 : vector<16xf32>
      %get3A_741 = arith.constant 1 : i32
      %get3A_742 = arith.index_cast %get3A_741 : i32 to index
      %get3A_743 = arith.index_cast %add3A_705 : i32 to index
      %get3A_744 = arith.constant 48 : index
      %get3A_745 = tpu.vector_load %arg11[%get3A_742, %get3A_743, %get3A_744] {strides = array<i32>} : memref<2x128x64xf32, #tpu.memory_space<vmem>>, vector<16xf32>,
      %get3A_746 = arith.constant 1 : i32
      %get3A_747 = arith.index_cast %get3A_746 : i32 to index
      %get3A_748 = arith.index_cast %add3A_705 : i32 to index
      %get3A_749 = arith.constant 48 : index
      %get3A_750 = tpu.vector_load %arg12[%get3A_747, %get3A_748, %get3A_749] {strides = array<i32>} : memref<2x128x64xf32, #tpu.memory_space<vmem>>, vector<16xf32>,
      %mul3A_751 = arith.mulf %get3A_745, %get3A_750 : vector<16xf32>
      %add3A_752 = arith.addf %add3A_740, %mul3A_751 : vector<16xf32>
      %mul3A_753 = arith.constant 17 : i32
      %mul3A_754 = vector.broadcast %mul3A_753 : i32 to vector<16xi32>
      %mul3A_755 = arith.muli %iota3A, %mul3A_754 : vector<16xi32>
      %add3A_756 = arith.constant 6 : i32
      %add3A_757 = vector.broadcast %add3A_756 : i32 to vector<16xi32>
      %add3A_758 = arith.addi %mul3A_755, %add3A_757 : vector<16xi32>
      tpu.vector_store_idx %arg16[%add3A_758], %add3A_752 : memref<272xf32, #tpu.memory_space<vmem>>[vector<16xi32>], vector<16xf32>,
      %add3A_759 = arith.constant 7 : i32
      %add3A_760 = arith.addi %mul3A_374, %add3A_759 : i32
      %get3A_761 = arith.constant 1 : i32
      %get3A_762 = arith.index_cast %get3A_761 : i32 to index
      %get3A_763 = arith.index_cast %add3A_760 : i32 to index
      %get3A_764 = arith.constant 0 : index
      %get3A_765 = tpu.vector_load %arg11[%get3A_762, %get3A_763, %get3A_764] {strides = array<i32>} : memref<2x128x64xf32, #tpu.memory_space<vmem>>, vector<16xf32>,
      %get3A_766 = arith.constant 1 : i32
      %get3A_767 = arith.index_cast %get3A_766 : i32 to index
      %get3A_768 = arith.index_cast %add3A_760 : i32 to index
      %get3A_769 = arith.constant 0 : index
      %get3A_770 = tpu.vector_load %arg12[%get3A_767, %get3A_768, %get3A_769] {strides = array<i32>} : memref<2x128x64xf32, #tpu.memory_space<vmem>>, vector<16xf32>,
      %mul3A_771 = arith.mulf %get3A_765, %get3A_770 : vector<16xf32>
      %get3A_772 = arith.constant 1 : i32
      %get3A_773 = arith.index_cast %get3A_772 : i32 to index
      %get3A_774 = arith.index_cast %add3A_760 : i32 to index
      %get3A_775 = arith.constant 16 : index
      %get3A_776 = tpu.vector_load %arg11[%get3A_773, %get3A_774, %get3A_775] {strides = array<i32>} : memref<2x128x64xf32, #tpu.memory_space<vmem>>, vector<16xf32>,
      %get3A_777 = arith.constant 1 : i32
      %get3A_778 = arith.index_cast %get3A_777 : i32 to index
      %get3A_779 = arith.index_cast %add3A_760 : i32 to index
      %get3A_780 = arith.constant 16 : index
      %get3A_781 = tpu.vector_load %arg12[%get3A_778, %get3A_779, %get3A_780] {strides = array<i32>} : memref<2x128x64xf32, #tpu.memory_space<vmem>>, vector<16xf32>,
      %mul3A_782 = arith.mulf %get3A_776, %get3A_781 : vector<16xf32>
      %add3A_783 = arith.addf %mul3A_771, %mul3A_782 : vector<16xf32>
      %get3A_784 = arith.constant 1 : i32
      %get3A_785 = arith.index_cast %get3A_784 : i32 to index
      %get3A_786 = arith.index_cast %add3A_760 : i32 to index
      %get3A_787 = arith.constant 32 : index
      %get3A_788 = tpu.vector_load %arg11[%get3A_785, %get3A_786, %get3A_787] {strides = array<i32>} : memref<2x128x64xf32, #tpu.memory_space<vmem>>, vector<16xf32>,
      %get3A_789 = arith.constant 1 : i32
      %get3A_790 = arith.index_cast %get3A_789 : i32 to index
      %get3A_791 = arith.index_cast %add3A_760 : i32 to index
      %get3A_792 = arith.constant 32 : index
      %get3A_793 = tpu.vector_load %arg12[%get3A_790, %get3A_791, %get3A_792] {strides = array<i32>} : memref<2x128x64xf32, #tpu.memory_space<vmem>>, vector<16xf32>,
      %mul3A_794 = arith.mulf %get3A_788, %get3A_793 : vector<16xf32>
      %add3A_795 = arith.addf %add3A_783, %mul3A_794 : vector<16xf32>
      %get3A_796 = arith.constant 1 : i32
      %get3A_797 = arith.index_cast %get3A_796 : i32 to index
      %get3A_798 = arith.index_cast %add3A_760 : i32 to index
      %get3A_799 = arith.constant 48 : index
      %get3A_800 = tpu.vector_load %arg11[%get3A_797, %get3A_798, %get3A_799] {strides = array<i32>} : memref<2x128x64xf32, #tpu.memory_space<vmem>>, vector<16xf32>,
      %get3A_801 = arith.constant 1 : i32
      %get3A_802 = arith.index_cast %get3A_801 : i32 to index
      %get3A_803 = arith.index_cast %add3A_760 : i32 to index
      %get3A_804 = arith.constant 48 : index
      %get3A_805 = tpu.vector_load %arg12[%get3A_802, %get3A_803, %get3A_804] {strides = array<i32>} : memref<2x128x64xf32, #tpu.memory_space<vmem>>, vector<16xf32>,
      %mul3A_806 = arith.mulf %get3A_800, %get3A_805 : vector<16xf32>
      %add3A_807 = arith.addf %add3A_795, %mul3A_806 : vector<16xf32>
      %mul3A_808 = arith.constant 17 : i32
      %mul3A_809 = vector.broadcast %mul3A_808 : i32 to vector<16xi32>
      %mul3A_810 = arith.muli %iota3A, %mul3A_809 : vector<16xi32>
      %add3A_811 = arith.constant 7 : i32
      %add3A_812 = vector.broadcast %add3A_811 : i32 to vector<16xi32>
      %add3A_813 = arith.addi %mul3A_810, %add3A_812 : vector<16xi32>
      tpu.vector_store_idx %arg16[%add3A_813], %add3A_807 : memref<272xf32, #tpu.memory_space<vmem>>[vector<16xi32>], vector<16xf32>,
      %add3A_814 = arith.constant 8 : i32
      %add3A_815 = arith.addi %mul3A_374, %add3A_814 : i32
      %get3A_816 = arith.constant 1 : i32
      %get3A_817 = arith.index_cast %get3A_816 : i32 to index
      %get3A_818 = arith.index_cast %add3A_815 : i32 to index
      %get3A_819 = arith.constant 0 : index
      %get3A_820 = tpu.vector_load %arg11[%get3A_817, %get3A_818, %get3A_819] {strides = array<i32>} : memref<2x128x64xf32, #tpu.memory_space<vmem>>, vector<16xf32>,
      %get3A_821 = arith.constant 1 : i32
      %get3A_822 = arith.index_cast %get3A_821 : i32 to index
      %get3A_823 = arith.index_cast %add3A_815 : i32 to index
      %get3A_824 = arith.constant 0 : index
      %get3A_825 = tpu.vector_load %arg12[%get3A_822, %get3A_823, %get3A_824] {strides = array<i32>} : memref<2x128x64xf32, #tpu.memory_space<vmem>>, vector<16xf32>,
      %mul3A_826 = arith.mulf %get3A_820, %get3A_825 : vector<16xf32>
      %get3A_827 = arith.constant 1 : i32
      %get3A_828 = arith.index_cast %get3A_827 : i32 to index
      %get3A_829 = arith.index_cast %add3A_815 : i32 to index
      %get3A_830 = arith.constant 16 : index
      %get3A_831 = tpu.vector_load %arg11[%get3A_828, %get3A_829, %get3A_830] {strides = array<i32>} : memref<2x128x64xf32, #tpu.memory_space<vmem>>, vector<16xf32>,
      %get3A_832 = arith.constant 1 : i32
      %get3A_833 = arith.index_cast %get3A_832 : i32 to index
      %get3A_834 = arith.index_cast %add3A_815 : i32 to index
      %get3A_835 = arith.constant 16 : index
      %get3A_836 = tpu.vector_load %arg12[%get3A_833, %get3A_834, %get3A_835] {strides = array<i32>} : memref<2x128x64xf32, #tpu.memory_space<vmem>>, vector<16xf32>,
      %mul3A_837 = arith.mulf %get3A_831, %get3A_836 : vector<16xf32>
      %add3A_838 = arith.addf %mul3A_826, %mul3A_837 : vector<16xf32>
      %get3A_839 = arith.constant 1 : i32
      %get3A_840 = arith.index_cast %get3A_839 : i32 to index
      %get3A_841 = arith.index_cast %add3A_815 : i32 to index
      %get3A_842 = arith.constant 32 : index
      %get3A_843 = tpu.vector_load %arg11[%get3A_840, %get3A_841, %get3A_842] {strides = array<i32>} : memref<2x128x64xf32, #tpu.memory_space<vmem>>, vector<16xf32>,
      %get3A_844 = arith.constant 1 : i32
      %get3A_845 = arith.index_cast %get3A_844 : i32 to index
      %get3A_846 = arith.index_cast %add3A_815 : i32 to index
      %get3A_847 = arith.constant 32 : index
      %get3A_848 = tpu.vector_load %arg12[%get3A_845, %get3A_846, %get3A_847] {strides = array<i32>} : memref<2x128x64xf32, #tpu.memory_space<vmem>>, vector<16xf32>,
      %mul3A_849 = arith.mulf %get3A_843, %get3A_848 : vector<16xf32>
      %add3A_850 = arith.addf %add3A_838, %mul3A_849 : vector<16xf32>
      %get3A_851 = arith.constant 1 : i32
      %get3A_852 = arith.index_cast %get3A_851 : i32 to index
      %get3A_853 = arith.index_cast %add3A_815 : i32 to index
      %get3A_854 = arith.constant 48 : index
      %get3A_855 = tpu.vector_load %arg11[%get3A_852, %get3A_853, %get3A_854] {strides = array<i32>} : memref<2x128x64xf32, #tpu.memory_space<vmem>>, vector<16xf32>,
      %get3A_856 = arith.constant 1 : i32
      %get3A_857 = arith.index_cast %get3A_856 : i32 to index
      %get3A_858 = arith.index_cast %add3A_815 : i32 to index
      %get3A_859 = arith.constant 48 : index
      %get3A_860 = tpu.vector_load %arg12[%get3A_857, %get3A_858, %get3A_859] {strides = array<i32>} : memref<2x128x64xf32, #tpu.memory_space<vmem>>, vector<16xf32>,
      %mul3A_861 = arith.mulf %get3A_855, %get3A_860 : vector<16xf32>
      %add3A_862 = arith.addf %add3A_850, %mul3A_861 : vector<16xf32>
      %mul3A_863 = arith.constant 17 : i32
      %mul3A_864 = vector.broadcast %mul3A_863 : i32 to vector<16xi32>
      %mul3A_865 = arith.muli %iota3A, %mul3A_864 : vector<16xi32>
      %add3A_866 = arith.constant 8 : i32
      %add3A_867 = vector.broadcast %add3A_866 : i32 to vector<16xi32>
      %add3A_868 = arith.addi %mul3A_865, %add3A_867 : vector<16xi32>
      tpu.vector_store_idx %arg16[%add3A_868], %add3A_862 : memref<272xf32, #tpu.memory_space<vmem>>[vector<16xi32>], vector<16xf32>,
      %add3A_869 = arith.constant 9 : i32
      %add3A_870 = arith.addi %mul3A_374, %add3A_869 : i32
      %get3A_871 = arith.constant 1 : i32
      %get3A_872 = arith.index_cast %get3A_871 : i32 to index
      %get3A_873 = arith.index_cast %add3A_870 : i32 to index
      %get3A_874 = arith.constant 0 : index
      %get3A_875 = tpu.vector_load %arg11[%get3A_872, %get3A_873, %get3A_874] {strides = array<i32>} : memref<2x128x64xf32, #tpu.memory_space<vmem>>, vector<16xf32>,
      %get3A_876 = arith.constant 1 : i32
      %get3A_877 = arith.index_cast %get3A_876 : i32 to index
      %get3A_878 = arith.index_cast %add3A_870 : i32 to index
      %get3A_879 = arith.constant 0 : index
      %get3A_880 = tpu.vector_load %arg12[%get3A_877, %get3A_878, %get3A_879] {strides = array<i32>} : memref<2x128x64xf32, #tpu.memory_space<vmem>>, vector<16xf32>,
      %mul3A_881 = arith.mulf %get3A_875, %get3A_880 : vector<16xf32>
      %get3A_882 = arith.constant 1 : i32
      %get3A_883 = arith.index_cast %get3A_882 : i32 to index
      %get3A_884 = arith.index_cast %add3A_870 : i32 to index
      %get3A_885 = arith.constant 16 : index
      %get3A_886 = tpu.vector_load %arg11[%get3A_883, %get3A_884, %get3A_885] {strides = array<i32>} : memref<2x128x64xf32, #tpu.memory_space<vmem>>, vector<16xf32>,
      %get3A_887 = arith.constant 1 : i32
      %get3A_888 = arith.index_cast %get3A_887 : i32 to index
      %get3A_889 = arith.index_cast %add3A_870 : i32 to index
      %get3A_890 = arith.constant 16 : index
      %get3A_891 = tpu.vector_load %arg12[%get3A_888, %get3A_889, %get3A_890] {strides = array<i32>} : memref<2x128x64xf32, #tpu.memory_space<vmem>>, vector<16xf32>,
      %mul3A_892 = arith.mulf %get3A_886, %get3A_891 : vector<16xf32>
      %add3A_893 = arith.addf %mul3A_881, %mul3A_892 : vector<16xf32>
      %get3A_894 = arith.constant 1 : i32
      %get3A_895 = arith.index_cast %get3A_894 : i32 to index
      %get3A_896 = arith.index_cast %add3A_870 : i32 to index
      %get3A_897 = arith.constant 32 : index
      %get3A_898 = tpu.vector_load %arg11[%get3A_895, %get3A_896, %get3A_897] {strides = array<i32>} : memref<2x128x64xf32, #tpu.memory_space<vmem>>, vector<16xf32>,
      %get3A_899 = arith.constant 1 : i32
      %get3A_900 = arith.index_cast %get3A_899 : i32 to index
      %get3A_901 = arith.index_cast %add3A_870 : i32 to index
      %get3A_902 = arith.constant 32 : index
      %get3A_903 = tpu.vector_load %arg12[%get3A_900, %get3A_901, %get3A_902] {strides = array<i32>} : memref<2x128x64xf32, #tpu.memory_space<vmem>>, vector<16xf32>,
      %mul3A_904 = arith.mulf %get3A_898, %get3A_903 : vector<16xf32>
      %add3A_905 = arith.addf %add3A_893, %mul3A_904 : vector<16xf32>
      %get3A_906 = arith.constant 1 : i32
      %get3A_907 = arith.index_cast %get3A_906 : i32 to index
      %get3A_908 = arith.index_cast %add3A_870 : i32 to index
      %get3A_909 = arith.constant 48 : index
      %get3A_910 = tpu.vector_load %arg11[%get3A_907, %get3A_908, %get3A_909] {strides = array<i32>} : memref<2x128x64xf32, #tpu.memory_space<vmem>>, vector<16xf32>,
      %get3A_911 = arith.constant 1 : i32
      %get3A_912 = arith.index_cast %get3A_911 : i32 to index
      %get3A_913 = arith.index_cast %add3A_870 : i32 to index
      %get3A_914 = arith.constant 48 : index
      %get3A_915 = tpu.vector_load %arg12[%get3A_912, %get3A_913, %get3A_914] {strides = array<i32>} : memref<2x128x64xf32, #tpu.memory_space<vmem>>, vector<16xf32>,
      %mul3A_916 = arith.mulf %get3A_910, %get3A_915 : vector<16xf32>
      %add3A_917 = arith.addf %add3A_905, %mul3A_916 : vector<16xf32>
      %mul3A_918 = arith.constant 17 : i32
      %mul3A_919 = vector.broadcast %mul3A_918 : i32 to vector<16xi32>
      %mul3A_920 = arith.muli %iota3A, %mul3A_919 : vector<16xi32>
      %add3A_921 = arith.constant 9 : i32
      %add3A_922 = vector.broadcast %add3A_921 : i32 to vector<16xi32>
      %add3A_923 = arith.addi %mul3A_920, %add3A_922 : vector<16xi32>
      tpu.vector_store_idx %arg16[%add3A_923], %add3A_917 : memref<272xf32, #tpu.memory_space<vmem>>[vector<16xi32>], vector<16xf32>,
      %add3A_924 = arith.constant 10 : i32
      %add3A_925 = arith.addi %mul3A_374, %add3A_924 : i32
      %get3A_926 = arith.constant 1 : i32
      %get3A_927 = arith.index_cast %get3A_926 : i32 to index
      %get3A_928 = arith.index_cast %add3A_925 : i32 to index
      %get3A_929 = arith.constant 0 : index
      %get3A_930 = tpu.vector_load %arg11[%get3A_927, %get3A_928, %get3A_929] {strides = array<i32>} : memref<2x128x64xf32, #tpu.memory_space<vmem>>, vector<16xf32>,
      %get3A_931 = arith.constant 1 : i32
      %get3A_932 = arith.index_cast %get3A_931 : i32 to index
      %get3A_933 = arith.index_cast %add3A_925 : i32 to index
      %get3A_934 = arith.constant 0 : index
      %get3A_935 = tpu.vector_load %arg12[%get3A_932, %get3A_933, %get3A_934] {strides = array<i32>} : memref<2x128x64xf32, #tpu.memory_space<vmem>>, vector<16xf32>,
      %mul3A_936 = arith.mulf %get3A_930, %get3A_935 : vector<16xf32>
      %get3A_937 = arith.constant 1 : i32
      %get3A_938 = arith.index_cast %get3A_937 : i32 to index
      %get3A_939 = arith.index_cast %add3A_925 : i32 to index
      %get3A_940 = arith.constant 16 : index
      %get3A_941 = tpu.vector_load %arg11[%get3A_938, %get3A_939, %get3A_940] {strides = array<i32>} : memref<2x128x64xf32, #tpu.memory_space<vmem>>, vector<16xf32>,
      %get3A_942 = arith.constant 1 : i32
      %get3A_943 = arith.index_cast %get3A_942 : i32 to index
      %get3A_944 = arith.index_cast %add3A_925 : i32 to index
      %get3A_945 = arith.constant 16 : index
      %get3A_946 = tpu.vector_load %arg12[%get3A_943, %get3A_944, %get3A_945] {strides = array<i32>} : memref<2x128x64xf32, #tpu.memory_space<vmem>>, vector<16xf32>,
      %mul3A_947 = arith.mulf %get3A_941, %get3A_946 : vector<16xf32>
      %add3A_948 = arith.addf %mul3A_936, %mul3A_947 : vector<16xf32>
      %get3A_949 = arith.constant 1 : i32
      %get3A_950 = arith.index_cast %get3A_949 : i32 to index
      %get3A_951 = arith.index_cast %add3A_925 : i32 to index
      %get3A_952 = arith.constant 32 : index
      %get3A_953 = tpu.vector_load %arg11[%get3A_950, %get3A_951, %get3A_952] {strides = array<i32>} : memref<2x128x64xf32, #tpu.memory_space<vmem>>, vector<16xf32>,
      %get3A_954 = arith.constant 1 : i32
      %get3A_955 = arith.index_cast %get3A_954 : i32 to index
      %get3A_956 = arith.index_cast %add3A_925 : i32 to index
      %get3A_957 = arith.constant 32 : index
      %get3A_958 = tpu.vector_load %arg12[%get3A_955, %get3A_956, %get3A_957] {strides = array<i32>} : memref<2x128x64xf32, #tpu.memory_space<vmem>>, vector<16xf32>,
      %mul3A_959 = arith.mulf %get3A_953, %get3A_958 : vector<16xf32>
      %add3A_960 = arith.addf %add3A_948, %mul3A_959 : vector<16xf32>
      %get3A_961 = arith.constant 1 : i32
      %get3A_962 = arith.index_cast %get3A_961 : i32 to index
      %get3A_963 = arith.index_cast %add3A_925 : i32 to index
      %get3A_964 = arith.constant 48 : index
      %get3A_965 = tpu.vector_load %arg11[%get3A_962, %get3A_963, %get3A_964] {strides = array<i32>} : memref<2x128x64xf32, #tpu.memory_space<vmem>>, vector<16xf32>,
      %get3A_966 = arith.constant 1 : i32
      %get3A_967 = arith.index_cast %get3A_966 : i32 to index
      %get3A_968 = arith.index_cast %add3A_925 : i32 to index
      %get3A_969 = arith.constant 48 : index
      %get3A_970 = tpu.vector_load %arg12[%get3A_967, %get3A_968, %get3A_969] {strides = array<i32>} : memref<2x128x64xf32, #tpu.memory_space<vmem>>, vector<16xf32>,
      %mul3A_971 = arith.mulf %get3A_965, %get3A_970 : vector<16xf32>
      %add3A_972 = arith.addf %add3A_960, %mul3A_971 : vector<16xf32>
      %mul3A_973 = arith.constant 17 : i32
      %mul3A_974 = vector.broadcast %mul3A_973 : i32 to vector<16xi32>
      %mul3A_975 = arith.muli %iota3A, %mul3A_974 : vector<16xi32>
      %add3A_976 = arith.constant 10 : i32
      %add3A_977 = vector.broadcast %add3A_976 : i32 to vector<16xi32>
      %add3A_978 = arith.addi %mul3A_975, %add3A_977 : vector<16xi32>
      tpu.vector_store_idx %arg16[%add3A_978], %add3A_972 : memref<272xf32, #tpu.memory_space<vmem>>[vector<16xi32>], vector<16xf32>,
      %add3A_979 = arith.constant 11 : i32
      %add3A_980 = arith.addi %mul3A_374, %add3A_979 : i32
      %get3A_981 = arith.constant 1 : i32
      %get3A_982 = arith.index_cast %get3A_981 : i32 to index
      %get3A_983 = arith.index_cast %add3A_980 : i32 to index
      %get3A_984 = arith.constant 0 : index
      %get3A_985 = tpu.vector_load %arg11[%get3A_982, %get3A_983, %get3A_984] {strides = array<i32>} : memref<2x128x64xf32, #tpu.memory_space<vmem>>, vector<16xf32>,
      %get3A_986 = arith.constant 1 : i32
      %get3A_987 = arith.index_cast %get3A_986 : i32 to index
      %get3A_988 = arith.index_cast %add3A_980 : i32 to index
      %get3A_989 = arith.constant 0 : index
      %get3A_990 = tpu.vector_load %arg12[%get3A_987, %get3A_988, %get3A_989] {strides = array<i32>} : memref<2x128x64xf32, #tpu.memory_space<vmem>>, vector<16xf32>,
      %mul3A_991 = arith.mulf %get3A_985, %get3A_990 : vector<16xf32>
      %get3A_992 = arith.constant 1 : i32
      %get3A_993 = arith.index_cast %get3A_992 : i32 to index
      %get3A_994 = arith.index_cast %add3A_980 : i32 to index
      %get3A_995 = arith.constant 16 : index
      %get3A_996 = tpu.vector_load %arg11[%get3A_993, %get3A_994, %get3A_995] {strides = array<i32>} : memref<2x128x64xf32, #tpu.memory_space<vmem>>, vector<16xf32>,
      %get3A_997 = arith.constant 1 : i32
      %get3A_998 = arith.index_cast %get3A_997 : i32 to index
      %get3A_999 = arith.index_cast %add3A_980 : i32 to index
      %get3A_1000 = arith.constant 16 : index
      %get3A_1001 = tpu.vector_load %arg12[%get3A_998, %get3A_999, %get3A_1000] {strides = array<i32>} : memref<2x128x64xf32, #tpu.memory_space<vmem>>, vector<16xf32>,
      %mul3A_1002 = arith.mulf %get3A_996, %get3A_1001 : vector<16xf32>
      %add3A_1003 = arith.addf %mul3A_991, %mul3A_1002 : vector<16xf32>
      %get3A_1004 = arith.constant 1 : i32
      %get3A_1005 = arith.index_cast %get3A_1004 : i32 to index
      %get3A_1006 = arith.index_cast %add3A_980 : i32 to index
      %get3A_1007 = arith.constant 32 : index
      %get3A_1008 = tpu.vector_load %arg11[%get3A_1005, %get3A_1006, %get3A_1007] {strides = array<i32>} : memref<2x128x64xf32, #tpu.memory_space<vmem>>, vector<16xf32>,
      %get3A_1009 = arith.constant 1 : i32
      %get3A_1010 = arith.index_cast %get3A_1009 : i32 to index
      %get3A_1011 = arith.index_cast %add3A_980 : i32 to index
      %get3A_1012 = arith.constant 32 : index
      %get3A_1013 = tpu.vector_load %arg12[%get3A_1010, %get3A_1011, %get3A_1012] {strides = array<i32>} : memref<2x128x64xf32, #tpu.memory_space<vmem>>, vector<16xf32>,
      %mul3A_1014 = arith.mulf %get3A_1008, %get3A_1013 : vector<16xf32>
      %add3A_1015 = arith.addf %add3A_1003, %mul3A_1014 : vector<16xf32>
      %get3A_1016 = arith.constant 1 : i32
      %get3A_1017 = arith.index_cast %get3A_1016 : i32 to index
      %get3A_1018 = arith.index_cast %add3A_980 : i32 to index
      %get3A_1019 = arith.constant 48 : index
      %get3A_1020 = tpu.vector_load %arg11[%get3A_1017, %get3A_1018, %get3A_1019] {strides = array<i32>} : memref<2x128x64xf32, #tpu.memory_space<vmem>>, vector<16xf32>,
      %get3A_1021 = arith.constant 1 : i32
      %get3A_1022 = arith.index_cast %get3A_1021 : i32 to index
      %get3A_1023 = arith.index_cast %add3A_980 : i32 to index
      %get3A_1024 = arith.constant 48 : index
      %get3A_1025 = tpu.vector_load %arg12[%get3A_1022, %get3A_1023, %get3A_1024] {strides = array<i32>} : memref<2x128x64xf32, #tpu.memory_space<vmem>>, vector<16xf32>,
      %mul3A_1026 = arith.mulf %get3A_1020, %get3A_1025 : vector<16xf32>
      %add3A_1027 = arith.addf %add3A_1015, %mul3A_1026 : vector<16xf32>
      %mul3A_1028 = arith.constant 17 : i32
      %mul3A_1029 = vector.broadcast %mul3A_1028 : i32 to vector<16xi32>
      %mul3A_1030 = arith.muli %iota3A, %mul3A_1029 : vector<16xi32>
      %add3A_1031 = arith.constant 11 : i32
      %add3A_1032 = vector.broadcast %add3A_1031 : i32 to vector<16xi32>
      %add3A_1033 = arith.addi %mul3A_1030, %add3A_1032 : vector<16xi32>
      tpu.vector_store_idx %arg16[%add3A_1033], %add3A_1027 : memref<272xf32, #tpu.memory_space<vmem>>[vector<16xi32>], vector<16xf32>,
      %add3A_1034 = arith.constant 12 : i32
      %add3A_1035 = arith.addi %mul3A_374, %add3A_1034 : i32
      %get3A_1036 = arith.constant 1 : i32
      %get3A_1037 = arith.index_cast %get3A_1036 : i32 to index
      %get3A_1038 = arith.index_cast %add3A_1035 : i32 to index
      %get3A_1039 = arith.constant 0 : index
      %get3A_1040 = tpu.vector_load %arg11[%get3A_1037, %get3A_1038, %get3A_1039] {strides = array<i32>} : memref<2x128x64xf32, #tpu.memory_space<vmem>>, vector<16xf32>,
      %get3A_1041 = arith.constant 1 : i32
      %get3A_1042 = arith.index_cast %get3A_1041 : i32 to index
      %get3A_1043 = arith.index_cast %add3A_1035 : i32 to index
      %get3A_1044 = arith.constant 0 : index
      %get3A_1045 = tpu.vector_load %arg12[%get3A_1042, %get3A_1043, %get3A_1044] {strides = array<i32>} : memref<2x128x64xf32, #tpu.memory_space<vmem>>, vector<16xf32>,
      %mul3A_1046 = arith.mulf %get3A_1040, %get3A_1045 : vector<16xf32>
      %get3A_1047 = arith.constant 1 : i32
      %get3A_1048 = arith.index_cast %get3A_1047 : i32 to index
      %get3A_1049 = arith.index_cast %add3A_1035 : i32 to index
      %get3A_1050 = arith.constant 16 : index
      %get3A_1051 = tpu.vector_load %arg11[%get3A_1048, %get3A_1049, %get3A_1050] {strides = array<i32>} : memref<2x128x64xf32, #tpu.memory_space<vmem>>, vector<16xf32>,
      %get3A_1052 = arith.constant 1 : i32
      %get3A_1053 = arith.index_cast %get3A_1052 : i32 to index
      %get3A_1054 = arith.index_cast %add3A_1035 : i32 to index
      %get3A_1055 = arith.constant 16 : index
      %get3A_1056 = tpu.vector_load %arg12[%get3A_1053, %get3A_1054, %get3A_1055] {strides = array<i32>} : memref<2x128x64xf32, #tpu.memory_space<vmem>>, vector<16xf32>,
      %mul3A_1057 = arith.mulf %get3A_1051, %get3A_1056 : vector<16xf32>
      %add3A_1058 = arith.addf %mul3A_1046, %mul3A_1057 : vector<16xf32>
      %get3A_1059 = arith.constant 1 : i32
      %get3A_1060 = arith.index_cast %get3A_1059 : i32 to index
      %get3A_1061 = arith.index_cast %add3A_1035 : i32 to index
      %get3A_1062 = arith.constant 32 : index
      %get3A_1063 = tpu.vector_load %arg11[%get3A_1060, %get3A_1061, %get3A_1062] {strides = array<i32>} : memref<2x128x64xf32, #tpu.memory_space<vmem>>, vector<16xf32>,
      %get3A_1064 = arith.constant 1 : i32
      %get3A_1065 = arith.index_cast %get3A_1064 : i32 to index
      %get3A_1066 = arith.index_cast %add3A_1035 : i32 to index
      %get3A_1067 = arith.constant 32 : index
      %get3A_1068 = tpu.vector_load %arg12[%get3A_1065, %get3A_1066, %get3A_1067] {strides = array<i32>} : memref<2x128x64xf32, #tpu.memory_space<vmem>>, vector<16xf32>,
      %mul3A_1069 = arith.mulf %get3A_1063, %get3A_1068 : vector<16xf32>
      %add3A_1070 = arith.addf %add3A_1058, %mul3A_1069 : vector<16xf32>
      %get3A_1071 = arith.constant 1 : i32
      %get3A_1072 = arith.index_cast %get3A_1071 : i32 to index
      %get3A_1073 = arith.index_cast %add3A_1035 : i32 to index
      %get3A_1074 = arith.constant 48 : index
      %get3A_1075 = tpu.vector_load %arg11[%get3A_1072, %get3A_1073, %get3A_1074] {strides = array<i32>} : memref<2x128x64xf32, #tpu.memory_space<vmem>>, vector<16xf32>,
      %get3A_1076 = arith.constant 1 : i32
      %get3A_1077 = arith.index_cast %get3A_1076 : i32 to index
      %get3A_1078 = arith.index_cast %add3A_1035 : i32 to index
      %get3A_1079 = arith.constant 48 : index
      %get3A_1080 = tpu.vector_load %arg12[%get3A_1077, %get3A_1078, %get3A_1079] {strides = array<i32>} : memref<2x128x64xf32, #tpu.memory_space<vmem>>, vector<16xf32>,
      %mul3A_1081 = arith.mulf %get3A_1075, %get3A_1080 : vector<16xf32>
      %add3A_1082 = arith.addf %add3A_1070, %mul3A_1081 : vector<16xf32>
      %mul3A_1083 = arith.constant 17 : i32
      %mul3A_1084 = vector.broadcast %mul3A_1083 : i32 to vector<16xi32>
      %mul3A_1085 = arith.muli %iota3A, %mul3A_1084 : vector<16xi32>
      %add3A_1086 = arith.constant 12 : i32
      %add3A_1087 = vector.broadcast %add3A_1086 : i32 to vector<16xi32>
      %add3A_1088 = arith.addi %mul3A_1085, %add3A_1087 : vector<16xi32>
      tpu.vector_store_idx %arg16[%add3A_1088], %add3A_1082 : memref<272xf32, #tpu.memory_space<vmem>>[vector<16xi32>], vector<16xf32>,
      %add3A_1089 = arith.constant 13 : i32
      %add3A_1090 = arith.addi %mul3A_374, %add3A_1089 : i32
      %get3A_1091 = arith.constant 1 : i32
      %get3A_1092 = arith.index_cast %get3A_1091 : i32 to index
      %get3A_1093 = arith.index_cast %add3A_1090 : i32 to index
      %get3A_1094 = arith.constant 0 : index
      %get3A_1095 = tpu.vector_load %arg11[%get3A_1092, %get3A_1093, %get3A_1094] {strides = array<i32>} : memref<2x128x64xf32, #tpu.memory_space<vmem>>, vector<16xf32>,
      %get3A_1096 = arith.constant 1 : i32
      %get3A_1097 = arith.index_cast %get3A_1096 : i32 to index
      %get3A_1098 = arith.index_cast %add3A_1090 : i32 to index
      %get3A_1099 = arith.constant 0 : index
      %get3A_1100 = tpu.vector_load %arg12[%get3A_1097, %get3A_1098, %get3A_1099] {strides = array<i32>} : memref<2x128x64xf32, #tpu.memory_space<vmem>>, vector<16xf32>,
      %mul3A_1101 = arith.mulf %get3A_1095, %get3A_1100 : vector<16xf32>
      %get3A_1102 = arith.constant 1 : i32
      %get3A_1103 = arith.index_cast %get3A_1102 : i32 to index
      %get3A_1104 = arith.index_cast %add3A_1090 : i32 to index
      %get3A_1105 = arith.constant 16 : index
      %get3A_1106 = tpu.vector_load %arg11[%get3A_1103, %get3A_1104, %get3A_1105] {strides = array<i32>} : memref<2x128x64xf32, #tpu.memory_space<vmem>>, vector<16xf32>,
      %get3A_1107 = arith.constant 1 : i32
      %get3A_1108 = arith.index_cast %get3A_1107 : i32 to index
      %get3A_1109 = arith.index_cast %add3A_1090 : i32 to index
      %get3A_1110 = arith.constant 16 : index
      %get3A_1111 = tpu.vector_load %arg12[%get3A_1108, %get3A_1109, %get3A_1110] {strides = array<i32>} : memref<2x128x64xf32, #tpu.memory_space<vmem>>, vector<16xf32>,
      %mul3A_1112 = arith.mulf %get3A_1106, %get3A_1111 : vector<16xf32>
      %add3A_1113 = arith.addf %mul3A_1101, %mul3A_1112 : vector<16xf32>
      %get3A_1114 = arith.constant 1 : i32
      %get3A_1115 = arith.index_cast %get3A_1114 : i32 to index
      %get3A_1116 = arith.index_cast %add3A_1090 : i32 to index
      %get3A_1117 = arith.constant 32 : index
      %get3A_1118 = tpu.vector_load %arg11[%get3A_1115, %get3A_1116, %get3A_1117] {strides = array<i32>} : memref<2x128x64xf32, #tpu.memory_space<vmem>>, vector<16xf32>,
      %get3A_1119 = arith.constant 1 : i32
      %get3A_1120 = arith.index_cast %get3A_1119 : i32 to index
      %get3A_1121 = arith.index_cast %add3A_1090 : i32 to index
      %get3A_1122 = arith.constant 32 : index
      %get3A_1123 = tpu.vector_load %arg12[%get3A_1120, %get3A_1121, %get3A_1122] {strides = array<i32>} : memref<2x128x64xf32, #tpu.memory_space<vmem>>, vector<16xf32>,
      %mul3A_1124 = arith.mulf %get3A_1118, %get3A_1123 : vector<16xf32>
      %add3A_1125 = arith.addf %add3A_1113, %mul3A_1124 : vector<16xf32>
      %get3A_1126 = arith.constant 1 : i32
      %get3A_1127 = arith.index_cast %get3A_1126 : i32 to index
      %get3A_1128 = arith.index_cast %add3A_1090 : i32 to index
      %get3A_1129 = arith.constant 48 : index
      %get3A_1130 = tpu.vector_load %arg11[%get3A_1127, %get3A_1128, %get3A_1129] {strides = array<i32>} : memref<2x128x64xf32, #tpu.memory_space<vmem>>, vector<16xf32>,
      %get3A_1131 = arith.constant 1 : i32
      %get3A_1132 = arith.index_cast %get3A_1131 : i32 to index
      %get3A_1133 = arith.index_cast %add3A_1090 : i32 to index
      %get3A_1134 = arith.constant 48 : index
      %get3A_1135 = tpu.vector_load %arg12[%get3A_1132, %get3A_1133, %get3A_1134] {strides = array<i32>} : memref<2x128x64xf32, #tpu.memory_space<vmem>>, vector<16xf32>,
      %mul3A_1136 = arith.mulf %get3A_1130, %get3A_1135 : vector<16xf32>
      %add3A_1137 = arith.addf %add3A_1125, %mul3A_1136 : vector<16xf32>
      %mul3A_1138 = arith.constant 17 : i32
      %mul3A_1139 = vector.broadcast %mul3A_1138 : i32 to vector<16xi32>
      %mul3A_1140 = arith.muli %iota3A, %mul3A_1139 : vector<16xi32>
      %add3A_1141 = arith.constant 13 : i32
      %add3A_1142 = vector.broadcast %add3A_1141 : i32 to vector<16xi32>
      %add3A_1143 = arith.addi %mul3A_1140, %add3A_1142 : vector<16xi32>
      tpu.vector_store_idx %arg16[%add3A_1143], %add3A_1137 : memref<272xf32, #tpu.memory_space<vmem>>[vector<16xi32>], vector<16xf32>,
      %add3A_1144 = arith.constant 14 : i32
      %add3A_1145 = arith.addi %mul3A_374, %add3A_1144 : i32
      %get3A_1146 = arith.constant 1 : i32
      %get3A_1147 = arith.index_cast %get3A_1146 : i32 to index
      %get3A_1148 = arith.index_cast %add3A_1145 : i32 to index
      %get3A_1149 = arith.constant 0 : index
      %get3A_1150 = tpu.vector_load %arg11[%get3A_1147, %get3A_1148, %get3A_1149] {strides = array<i32>} : memref<2x128x64xf32, #tpu.memory_space<vmem>>, vector<16xf32>,
      %get3A_1151 = arith.constant 1 : i32
      %get3A_1152 = arith.index_cast %get3A_1151 : i32 to index
      %get3A_1153 = arith.index_cast %add3A_1145 : i32 to index
      %get3A_1154 = arith.constant 0 : index
      %get3A_1155 = tpu.vector_load %arg12[%get3A_1152, %get3A_1153, %get3A_1154] {strides = array<i32>} : memref<2x128x64xf32, #tpu.memory_space<vmem>>, vector<16xf32>,
      %mul3A_1156 = arith.mulf %get3A_1150, %get3A_1155 : vector<16xf32>
      %get3A_1157 = arith.constant 1 : i32
      %get3A_1158 = arith.index_cast %get3A_1157 : i32 to index
      %get3A_1159 = arith.index_cast %add3A_1145 : i32 to index
      %get3A_1160 = arith.constant 16 : index
      %get3A_1161 = tpu.vector_load %arg11[%get3A_1158, %get3A_1159, %get3A_1160] {strides = array<i32>} : memref<2x128x64xf32, #tpu.memory_space<vmem>>, vector<16xf32>,
      %get3A_1162 = arith.constant 1 : i32
      %get3A_1163 = arith.index_cast %get3A_1162 : i32 to index
      %get3A_1164 = arith.index_cast %add3A_1145 : i32 to index
      %get3A_1165 = arith.constant 16 : index
      %get3A_1166 = tpu.vector_load %arg12[%get3A_1163, %get3A_1164, %get3A_1165] {strides = array<i32>} : memref<2x128x64xf32, #tpu.memory_space<vmem>>, vector<16xf32>,
      %mul3A_1167 = arith.mulf %get3A_1161, %get3A_1166 : vector<16xf32>
      %add3A_1168 = arith.addf %mul3A_1156, %mul3A_1167 : vector<16xf32>
      %get3A_1169 = arith.constant 1 : i32
      %get3A_1170 = arith.index_cast %get3A_1169 : i32 to index
      %get3A_1171 = arith.index_cast %add3A_1145 : i32 to index
      %get3A_1172 = arith.constant 32 : index
      %get3A_1173 = tpu.vector_load %arg11[%get3A_1170, %get3A_1171, %get3A_1172] {strides = array<i32>} : memref<2x128x64xf32, #tpu.memory_space<vmem>>, vector<16xf32>,
      %get3A_1174 = arith.constant 1 : i32
      %get3A_1175 = arith.index_cast %get3A_1174 : i32 to index
      %get3A_1176 = arith.index_cast %add3A_1145 : i32 to index
      %get3A_1177 = arith.constant 32 : index
      %get3A_1178 = tpu.vector_load %arg12[%get3A_1175, %get3A_1176, %get3A_1177] {strides = array<i32>} : memref<2x128x64xf32, #tpu.memory_space<vmem>>, vector<16xf32>,
      %mul3A_1179 = arith.mulf %get3A_1173, %get3A_1178 : vector<16xf32>
      %add3A_1180 = arith.addf %add3A_1168, %mul3A_1179 : vector<16xf32>
      %get3A_1181 = arith.constant 1 : i32
      %get3A_1182 = arith.index_cast %get3A_1181 : i32 to index
      %get3A_1183 = arith.index_cast %add3A_1145 : i32 to index
      %get3A_1184 = arith.constant 48 : index
      %get3A_1185 = tpu.vector_load %arg11[%get3A_1182, %get3A_1183, %get3A_1184] {strides = array<i32>} : memref<2x128x64xf32, #tpu.memory_space<vmem>>, vector<16xf32>,
      %get3A_1186 = arith.constant 1 : i32
      %get3A_1187 = arith.index_cast %get3A_1186 : i32 to index
      %get3A_1188 = arith.index_cast %add3A_1145 : i32 to index
      %get3A_1189 = arith.constant 48 : index
      %get3A_1190 = tpu.vector_load %arg12[%get3A_1187, %get3A_1188, %get3A_1189] {strides = array<i32>} : memref<2x128x64xf32, #tpu.memory_space<vmem>>, vector<16xf32>,
      %mul3A_1191 = arith.mulf %get3A_1185, %get3A_1190 : vector<16xf32>
      %add3A_1192 = arith.addf %add3A_1180, %mul3A_1191 : vector<16xf32>
      %mul3A_1193 = arith.constant 17 : i32
      %mul3A_1194 = vector.broadcast %mul3A_1193 : i32 to vector<16xi32>
      %mul3A_1195 = arith.muli %iota3A, %mul3A_1194 : vector<16xi32>
      %add3A_1196 = arith.constant 14 : i32
      %add3A_1197 = vector.broadcast %add3A_1196 : i32 to vector<16xi32>
      %add3A_1198 = arith.addi %mul3A_1195, %add3A_1197 : vector<16xi32>
      tpu.vector_store_idx %arg16[%add3A_1198], %add3A_1192 : memref<272xf32, #tpu.memory_space<vmem>>[vector<16xi32>], vector<16xf32>,
      %add3A_1199 = arith.constant 15 : i32
      %add3A_1200 = arith.addi %mul3A_374, %add3A_1199 : i32
      %get3A_1201 = arith.constant 1 : i32
      %get3A_1202 = arith.index_cast %get3A_1201 : i32 to index
      %get3A_1203 = arith.index_cast %add3A_1200 : i32 to index
      %get3A_1204 = arith.constant 0 : index
      %get3A_1205 = tpu.vector_load %arg11[%get3A_1202, %get3A_1203, %get3A_1204] {strides = array<i32>} : memref<2x128x64xf32, #tpu.memory_space<vmem>>, vector<16xf32>,
      %get3A_1206 = arith.constant 1 : i32
      %get3A_1207 = arith.index_cast %get3A_1206 : i32 to index
      %get3A_1208 = arith.index_cast %add3A_1200 : i32 to index
      %get3A_1209 = arith.constant 0 : index
      %get3A_1210 = tpu.vector_load %arg12[%get3A_1207, %get3A_1208, %get3A_1209] {strides = array<i32>} : memref<2x128x64xf32, #tpu.memory_space<vmem>>, vector<16xf32>,
      %mul3A_1211 = arith.mulf %get3A_1205, %get3A_1210 : vector<16xf32>
      %get3A_1212 = arith.constant 1 : i32
      %get3A_1213 = arith.index_cast %get3A_1212 : i32 to index
      %get3A_1214 = arith.index_cast %add3A_1200 : i32 to index
      %get3A_1215 = arith.constant 16 : index
      %get3A_1216 = tpu.vector_load %arg11[%get3A_1213, %get3A_1214, %get3A_1215] {strides = array<i32>} : memref<2x128x64xf32, #tpu.memory_space<vmem>>, vector<16xf32>,
      %get3A_1217 = arith.constant 1 : i32
      %get3A_1218 = arith.index_cast %get3A_1217 : i32 to index
      %get3A_1219 = arith.index_cast %add3A_1200 : i32 to index
      %get3A_1220 = arith.constant 16 : index
      %get3A_1221 = tpu.vector_load %arg12[%get3A_1218, %get3A_1219, %get3A_1220] {strides = array<i32>} : memref<2x128x64xf32, #tpu.memory_space<vmem>>, vector<16xf32>,
      %mul3A_1222 = arith.mulf %get3A_1216, %get3A_1221 : vector<16xf32>
      %add3A_1223 = arith.addf %mul3A_1211, %mul3A_1222 : vector<16xf32>
      %get3A_1224 = arith.constant 1 : i32
      %get3A_1225 = arith.index_cast %get3A_1224 : i32 to index
      %get3A_1226 = arith.index_cast %add3A_1200 : i32 to index
      %get3A_1227 = arith.constant 32 : index
      %get3A_1228 = tpu.vector_load %arg11[%get3A_1225, %get3A_1226, %get3A_1227] {strides = array<i32>} : memref<2x128x64xf32, #tpu.memory_space<vmem>>, vector<16xf32>,
      %get3A_1229 = arith.constant 1 : i32
      %get3A_1230 = arith.index_cast %get3A_1229 : i32 to index
      %get3A_1231 = arith.index_cast %add3A_1200 : i32 to index
      %get3A_1232 = arith.constant 32 : index
      %get3A_1233 = tpu.vector_load %arg12[%get3A_1230, %get3A_1231, %get3A_1232] {strides = array<i32>} : memref<2x128x64xf32, #tpu.memory_space<vmem>>, vector<16xf32>,
      %mul3A_1234 = arith.mulf %get3A_1228, %get3A_1233 : vector<16xf32>
      %add3A_1235 = arith.addf %add3A_1223, %mul3A_1234 : vector<16xf32>
      %get3A_1236 = arith.constant 1 : i32
      %get3A_1237 = arith.index_cast %get3A_1236 : i32 to index
      %get3A_1238 = arith.index_cast %add3A_1200 : i32 to index
      %get3A_1239 = arith.constant 48 : index
      %get3A_1240 = tpu.vector_load %arg11[%get3A_1237, %get3A_1238, %get3A_1239] {strides = array<i32>} : memref<2x128x64xf32, #tpu.memory_space<vmem>>, vector<16xf32>,
      %get3A_1241 = arith.constant 1 : i32
      %get3A_1242 = arith.index_cast %get3A_1241 : i32 to index
      %get3A_1243 = arith.index_cast %add3A_1200 : i32 to index
      %get3A_1244 = arith.constant 48 : index
      %get3A_1245 = tpu.vector_load %arg12[%get3A_1242, %get3A_1243, %get3A_1244] {strides = array<i32>} : memref<2x128x64xf32, #tpu.memory_space<vmem>>, vector<16xf32>,
      %mul3A_1246 = arith.mulf %get3A_1240, %get3A_1245 : vector<16xf32>
      %add3A_1247 = arith.addf %add3A_1235, %mul3A_1246 : vector<16xf32>
      %mul3A_1248 = arith.constant 17 : i32
      %mul3A_1249 = vector.broadcast %mul3A_1248 : i32 to vector<16xi32>
      %mul3A_1250 = arith.muli %iota3A, %mul3A_1249 : vector<16xi32>
      %add3A_1251 = arith.constant 15 : i32
      %add3A_1252 = vector.broadcast %add3A_1251 : i32 to vector<16xi32>
      %add3A_1253 = arith.addi %mul3A_1250, %add3A_1252 : vector<16xi32>
      tpu.vector_store_idx %arg16[%add3A_1253], %add3A_1247 : memref<272xf32, #tpu.memory_space<vmem>>[vector<16xi32>], vector<16xf32>,
      %get3A_1254 = arith.constant 0 : index
      %get3A_1255 = tpu.vector_load %arg16[%get3A_1254] {strides = array<i32>} : memref<272xf32, #tpu.memory_space<vmem>>, vector<16xf32>,
      %get3A_1256 = arith.constant 17 : index
      %get3A_1257 = tpu.vector_load %arg16[%get3A_1256] {strides = array<i32>} : memref<272xf32, #tpu.memory_space<vmem>>, vector<16xf32>,
      %add3A_1258 = arith.addf %get3A_1255, %get3A_1257 : vector<16xf32>
      %get3A_1259 = arith.constant 34 : index
      %get3A_1260 = tpu.vector_load %arg16[%get3A_1259] {strides = array<i32>} : memref<272xf32, #tpu.memory_space<vmem>>, vector<16xf32>,
      %add3A_1261 = arith.addf %add3A_1258, %get3A_1260 : vector<16xf32>
      %get3A_1262 = arith.constant 51 : index
      %get3A_1263 = tpu.vector_load %arg16[%get3A_1262] {strides = array<i32>} : memref<272xf32, #tpu.memory_space<vmem>>, vector<16xf32>,
      %add3A_1264 = arith.addf %add3A_1261, %get3A_1263 : vector<16xf32>
      %get3A_1265 = arith.constant 68 : index
      %get3A_1266 = tpu.vector_load %arg16[%get3A_1265] {strides = array<i32>} : memref<272xf32, #tpu.memory_space<vmem>>, vector<16xf32>,
      %add3A_1267 = arith.addf %add3A_1264, %get3A_1266 : vector<16xf32>
      %get3A_1268 = arith.constant 85 : index
      %get3A_1269 = tpu.vector_load %arg16[%get3A_1268] {strides = array<i32>} : memref<272xf32, #tpu.memory_space<vmem>>, vector<16xf32>,
      %add3A_1270 = arith.addf %add3A_1267, %get3A_1269 : vector<16xf32>
      %get3A_1271 = arith.constant 102 : index
      %get3A_1272 = tpu.vector_load %arg16[%get3A_1271] {strides = array<i32>} : memref<272xf32, #tpu.memory_space<vmem>>, vector<16xf32>,
      %add3A_1273 = arith.addf %add3A_1270, %get3A_1272 : vector<16xf32>
      %get3A_1274 = arith.constant 119 : index
      %get3A_1275 = tpu.vector_load %arg16[%get3A_1274] {strides = array<i32>} : memref<272xf32, #tpu.memory_space<vmem>>, vector<16xf32>,
      %add3A_1276 = arith.addf %add3A_1273, %get3A_1275 : vector<16xf32>
      %get3A_1277 = arith.constant 136 : index
      %get3A_1278 = tpu.vector_load %arg16[%get3A_1277] {strides = array<i32>} : memref<272xf32, #tpu.memory_space<vmem>>, vector<16xf32>,
      %add3A_1279 = arith.addf %add3A_1276, %get3A_1278 : vector<16xf32>
      %get3A_1280 = arith.constant 153 : index
      %get3A_1281 = tpu.vector_load %arg16[%get3A_1280] {strides = array<i32>} : memref<272xf32, #tpu.memory_space<vmem>>, vector<16xf32>,
      %add3A_1282 = arith.addf %add3A_1279, %get3A_1281 : vector<16xf32>
      %get3A_1283 = arith.constant 170 : index
      %get3A_1284 = tpu.vector_load %arg16[%get3A_1283] {strides = array<i32>} : memref<272xf32, #tpu.memory_space<vmem>>, vector<16xf32>,
      %add3A_1285 = arith.addf %add3A_1282, %get3A_1284 : vector<16xf32>
      %get3A_1286 = arith.constant 187 : index
      %get3A_1287 = tpu.vector_load %arg16[%get3A_1286] {strides = array<i32>} : memref<272xf32, #tpu.memory_space<vmem>>, vector<16xf32>,
      %add3A_1288 = arith.addf %add3A_1285, %get3A_1287 : vector<16xf32>
      %get3A_1289 = arith.constant 204 : index
      %get3A_1290 = tpu.vector_load %arg16[%get3A_1289] {strides = array<i32>} : memref<272xf32, #tpu.memory_space<vmem>>, vector<16xf32>,
      %add3A_1291 = arith.addf %add3A_1288, %get3A_1290 : vector<16xf32>
      %get3A_1292 = arith.constant 221 : index
      %get3A_1293 = tpu.vector_load %arg16[%get3A_1292] {strides = array<i32>} : memref<272xf32, #tpu.memory_space<vmem>>, vector<16xf32>,
      %add3A_1294 = arith.addf %add3A_1291, %get3A_1293 : vector<16xf32>
      %get3A_1295 = arith.constant 238 : index
      %get3A_1296 = tpu.vector_load %arg16[%get3A_1295] {strides = array<i32>} : memref<272xf32, #tpu.memory_space<vmem>>, vector<16xf32>,
      %add3A_1297 = arith.addf %add3A_1294, %get3A_1296 : vector<16xf32>
      %get3A_1298 = arith.constant 255 : index
      %get3A_1299 = tpu.vector_load %arg16[%get3A_1298] {strides = array<i32>} : memref<272xf32, #tpu.memory_space<vmem>>, vector<16xf32>,
      %add3A_1300 = arith.addf %add3A_1297, %get3A_1299 : vector<16xf32>
      %get3A_1301 = arith.constant 1 : i32
      %get3A_1302 = arith.index_cast %get3A_1301 : i32 to index
      %get3A_1303 = arith.index_cast %mul3A_374 : i32 to index
      %get3A_1304 = tpu.vector_load %arg13[%get3A_1302, %get3A_1303] {strides = array<i32>} : memref<2x128xf32, #tpu.memory_space<vmem>>, vector<16xf32>,
      %add3A_1305 = arith.addf %add3A_1300, %get3A_1304 : vector<16xf32>
      %get3A_1306 = arith.constant 1 : i32
      %get3A_1307 = arith.index_cast %get3A_1306 : i32 to index
      %get3A_1308 = arith.index_cast %mul3A_374 : i32 to index
      %get3A_1309 = tpu.vector_load %arg14[%get3A_1307, %get3A_1308] {strides = array<i32>} : memref<2x128xf32, #tpu.memory_space<vmem>>, vector<16xf32>,
      %add3A_1310 = arith.addf %add3A_1305, %get3A_1309 : vector<16xf32>
      %add3A_1311 = arith.constant 384 : i32
      %add3A_1312 = arith.addi %add3A_1311, %mul3A_374 : i32
      %swap3A = arith.index_cast %add3A_1312 : i32 to index
      %swap3A_1313 = tpu.vector_load %arg15[%swap3A] {strides = array<i32>} : memref<512xf32, #tpu.memory_space<vmem>>, vector<16xf32>,
      tpu.vector_store %arg15[%swap3A], %add3A_1310 {strides = array<i32>} : memref<512xf32, #tpu.memory_space<vmem>>, vector<16xf32>,
    }
    %scan3A_371 = arith.constant 8 : i32
    "tpu.region"() ({
      %run_scoped3A = tpu.sem_alloc : memref<!tpu.dma_semaphore, #tpu.memory_space<semaphore_mem>>
      %dma_start3A_372 = tpu.memref_slice %arg8[%multiple_of3A] : memref<16384xf32, #tpu.memory_space<hbm>> -> memref<512xf32, #tpu.memory_space<hbm>>
      %dma_start3A_373 = tpu.memref_slice %arg8[%multiple_of3A] : memref<16384xf32, #tpu.memory_space<hbm>> -> memref<512xf32, #tpu.memory_space<hbm>>
      tpu.enqueue_dma source(%arg15 : memref<512xf32, #tpu.memory_space<vmem>>) target(%dma_start3A_373 : memref<512xf32, #tpu.memory_space<hbm>>) target_semaphore(%run_scoped3A : memref<!tpu.dma_semaphore, #tpu.memory_space<semaphore_mem>>)
      %dma_wait3A_374 = tpu.memref_slice %arg8[%multiple_of3A] : memref<16384xf32, #tpu.memory_space<hbm>> -> memref<512xf32, #tpu.memory_space<hbm>>
      %dma_wait3A_375 = tpu.memref_slice %arg8[%multiple_of3A] : memref<16384xf32, #tpu.memory_space<hbm>> -> memref<512xf32, #tpu.memory_space<hbm>>
      tpu.wait_dma2 semaphore(%run_scoped3A : memref<!tpu.dma_semaphore, #tpu.memory_space<semaphore_mem>>) src(%arg15 : memref<512xf32, #tpu.memory_space<vmem>>) dst(%dma_wait3A_375 : memref<512xf32, #tpu.memory_space<hbm>>)
      tpu.yield
    }) : () -> ()
    return
  }
}

</mosaic_0001>

<sc_bundles>
// kernel: _mf_call.3.cloned.1.call-start
scs
__scs_entry_jumppad:
0x0: {  	(pc) =	sbr.rel $0x88, $3  }
0x1: {  	(tag) =	ssettag $0x0;
	lr =	simm.s32 $0x1  }
0x2: {  	[smem:$0x3F9B] =	sst lr;
	_ =	strace $0xD0000000  }
0x3: {  	_ = 	snop  }
0x4: {  	_ = 	snop  }
0x5: {  	_ = 	snop  }
0x6: {  	_ = 	snop  }
0x7: {  	_ = 	snop  }
__scs_overlays_trampoline_lowered:
0x8: {  	[smem:$0x3FAA] =	sst s0  }
0x9: {  	[smem:$0x3FAB] =	sst s1  }
0xa: {  	[smem:$0x3FAC] =	sst s2  }
0xb: {  	[smem:$0x3FAD] =	sst s3  }
0xc: {  	[smem:$0x3FAE] =	sst s4  }
0xd: {  	[smem:$0x3FAF] =	sst s5  }
0xe: {  	[smem:$0x3FB0] =	sst s6  }
0xf: {  	[smem:$0x3FB1] =	sst s7  }
0x10: {  	[smem:$0x3FB2] =	sst s8  }
0x11: {  	[smem:$0x3FB3] =	sst s9;
	s0 =	simm.s32 @!p0 $0x0  }
0x12: {  	s1 =	sld [smem:$0x3F99];
	s0 =	simm.s32 @p0 $0x1  }
0x13: {  	[smem:$0x3FB4] =	sst s0;
	s0 =	simm.s32 @!p1 $0x0  }
0x14: {  	s2 =	sld [smem:$0x3F98];
	s0 =	simm.s32 @p1 $0x1  }
0x15: {  	[smem:$0x3FB5] =	sst s0;
	s0 =	simm.s32 @!p2 $0x0  }
0x16: {  	s3 =	sld [smem:$0x3FDB];
	s0 =	simm.s32 @p2 $0x1  }
0x17: {  	s4 =	simm.s32 $0x1BF5;
	[smem:$0x3FB7] =	sst s0  }
0x18: {  	s0 =	sld [smem:$0x3F9A];
	_ =	swait.ge [sflag:s4], $0x0  }
0x19: {  	s7 =	sld [smem:$0x3F9B]  }
0x1a: {  	s8 =	sadd.s32 $0xFFFFE003, lr  }
0x1b: {  	s9 =	sadd.s32 $0xFFFFFEF7, lr;
	s5 =	simm.s32 $0xFFFFFFFF;
	p2 =	slt.u32 s8, $0xFFFFF086  }
0x1c: {  	p1 =	slt.u32 s9, $0xF7A;
	s5 =	simm.s32 @!p2 $0x0  }
0x1d: {  	s5 =	simm.s32 @p1 $0x1;
	p0 =	seq.s32 s7, s2  }
0x1e: {  	s7 =	smul.u32 @!p0 $0xF7A, s2;
	p2 =	seq.s32 @!p0 s5, $0x0  }
0x1f: {  	s9 =	smul.u32 $0xF7A, s1;
	s8 =	simm.s32 @!p0 $0x1BF5;
	p2 =	por !p2, p0  }
0x20: {  	[sflag:s8] =	ssyncset.s32 @!p0 $0xFFFFF086;
	s6 =	sadd.s32 @!p0 s3, s7;
	s7 =	simm.s32 @!p0 $0x108  }
0x21: {  	s3 =	sadd.s32 s3, s9;
	s6 =	sadd.s32 @!p0 $0x88, s6;
	s7 =	simm.s32 @p2 $0x1082  }
0x22: {  	[simem:s7], [sflag:s8] =	dma.local @!p0 [hbm:s6], $0xF7A  }
0x23: {  	s9 =	sor.u32 $0xD0000000, s2;
	s6 =	simm.s32 $0x108;
	_ =	swait.ge @!p0 [sflag:s8], $0x0  }
0x24: {  	s3 =	sadd.s32 $0x88, s3;
	s6 =	simm.s32 @!p1 $0x1082;
	[sflag:s4] =	ssyncset.s32 $0xFFFFF086  }
0x25: {  	[simem:s6], [sflag:s4] =	dma.local [hbm:s3], $0xF7A  }
0x26: {  	[smem:$0x3F9B] =	sst s1;
	(tag) =	ssettag s2;
	_ =	strace s9  }
0x27: {  	s1 =	sld [smem:$0x3FAB]  }
0x28: {  	s2 =	sld [smem:$0x3FAC]  }
0x29: {  	s4 =	sld [smem:$0x3FAE]  }
0x2a: {  	p0 =	seq.s32 s5, $0x0;
	s5 =	sld [smem:$0x3FAF]  }
0x2b: {  	s6 =	sld [smem:$0x3FB0]  }
0x2c: {  	s7 =	sld [smem:$0x3FB1]  }
0x2d: {  	s3 =	simm.s32 $0x108;
	s8 =	sld [smem:$0x3FB2]  }
0x2e: {  	s3 =	simm.s32 @!p0 $0x1082;
	s9 =	sld [smem:$0x3FB3]  }
0x2f: {  	lr =	sadd.s32 s0, s3;
	s0 =	sld [smem:$0x3FAA]  }
0x30: {  	s3 =	sld [smem:$0x3FAD]  }
0x31: {  	[smem:$0x3FB6] =	sst s10  }
0x32: {  	s10 =	sld [smem:$0x3FB4];
	_ =	sdelay $0x3  }
0x33: {  	p0 =	seq.s32 s10, $0x1;
	s10 =	sld [smem:$0x3FB6];
	_ =	sdelay $0x3  }
0x34: {  	[smem:$0x3FB6] =	sst s10  }
0x35: {  	s10 =	sld [smem:$0x3FB5];
	_ =	sdelay $0x3  }
0x36: {  	p1 =	seq.s32 s10, $0x1;
	s10 =	sld [smem:$0x3FB6];
	_ =	sdelay $0x3  }
0x37: {  	[smem:$0x3FB6] =	sst s10  }
0x38: {  	s10 =	sld [smem:$0x3FB7]  }
0x39: {  	_ = 	snop;
	(pc) =	sbr.ind lr, $3  }
0x3a: {  	_ = 	snop  }
0x3b: {  	_ = 	snop  }
0x3c: {  	p2 =	seq.s32 s10, $0x1;
	s10 =	sld [smem:$0x3FB6]  }
0x3d: {  	_ =	shalt  }
0x3e: {  	_ =	shalt  }
0x3f: {  	_ =	shalt  }
0x40: {  	_ =	shalt  }
0x41: {  	_ =	shalt  }
0x42: {  	_ =	shalt  }
0x43: {  	_ =	shalt  }
0x44: {  	_ =	shalt  }
0x45: {  	_ =	shalt  }
0x46: {  	_ =	shalt  }
0x47: {  	_ =	shalt  }
0x48: {  	_ =	shalt  }
0x49: {  	_ =	shalt  }
0x4a: {  	_ =	shalt  }
0x4b: {  	_ =	shalt  }
0x4c: {  	_ =	shalt  }
0x4d: {  	_ =	shalt  }
0x4e: {  	_ =	shalt  }
0x4f: {  	_ =	shalt  }
0x50: {  	_ =	shalt  }
0x51: {  	_ =	shalt  }
0x52: {  	_ =	shalt  }
0x53: {  	_ =	shalt  }
0x54: {  	_ =	shalt  }
0x55: {  	_ =	shalt  }
0x56: {  	_ =	shalt  }
0x57: {  	_ =	shalt  }
0x58: {  	_ =	shalt  }
0x59: {  	_ =	shalt  }
0x5a: {  	_ =	shalt  }
0x5b: {  	_ =	shalt  }
0x5c: {  	_ =	shalt  }
0x5d: {  	_ =	shalt  }
0x5e: {  	_ =	shalt  }
0x5f: {  	_ =	shalt  }
0x60: {  	_ =	shalt  }
0x61: {  	_ =	shalt  }
0x62: {  	_ =	shalt  }
0x63: {  	_ =	shalt  }
0x64: {  	_ =	shalt  }
0x65: {  	_ =	shalt  }
0x66: {  	_ =	shalt  }
0x67: {  	_ =	shalt  }
0x68: {  	_ =	shalt  }
0x69: {  	_ =	shalt  }
0x6a: {  	_ =	shalt  }
0x6b: {  	_ =	shalt  }
0x6c: {  	_ =	shalt  }
0x6d: {  	_ =	shalt  }
0x6e: {  	_ =	shalt  }
0x6f: {  	_ =	shalt  }
0x70: {  	_ =	shalt  }
0x71: {  	_ =	shalt  }
0x72: {  	_ =	shalt  }
0x73: {  	_ =	shalt  }
0x74: {  	_ =	shalt  }
0x75: {  	_ =	shalt  }
0x76: {  	_ =	shalt  }
0x77: {  	_ =	shalt  }
0x78: {  	_ =	shalt  }
0x79: {  	_ =	shalt  }
0x7a: {  	_ =	shalt  }
0x7b: {  	_ =	shalt  }
0x7c: {  	_ =	shalt  }
0x7d: {  	_ =	shalt  }
0x7e: {  	_ =	shalt  }
0x7f: {  	_ =	shalt  }
0x80: {  	_ =	shalt  }
0x81: {  	_ =	shalt  }
0x82: {  	_ =	shalt  }
0x83: {  	_ =	shalt  }
0x84: {  	_ =	shalt  }
0x85: {  	_ =	shalt  }
0x86: {  	_ =	shalt  }
0x87: {  	_ =	shalt  }
.Lfunc_end0:
.L_simem_size_0:
called_computation_lowered:
.L_overlay_start_0:
0x88: {  	s2 =	sld [smem:$0x3FD9]  }
0x89: {  	s3 =	sld [smem:$0x3FFE];
	_ =	sdelay $0x1  }
0x8a: {  	s1 =	srdreg.scid  }
0x8b: {  	s0 =	sand.u32 $0x1, s1  }
0x8c: {  	s17 =	sshll.u32 s0, $0xA;
	s2 =	sadd.s32 s3, s2  }
0x8d: {  	s2 =	sadd.s32 s2, s17  }
0x8e: {  	[smem:$0x3FC2] =	sst s2  }
0x8f: {  	_ = 	snop  }
0x90: {  	s2 =	sld [smem:$0x3FC9]  }
0x91: {  	s18 =	sld [smem:$0x3FC8]  }
0x92: {  	s4 =	sld [smem:$0x3FC5]  }
0x93: {  	s5 =	sld [smem:$0x3FC4]  }
0x94: {  	s6 =	sld [smem:$0x3FD0];
	(tm) =	ssettm $0x1  }
0x95: {  	s7 =	sld [smem:$0x3FFB];
	_ =	sdelay $0x3  }
0x96: {  	_ =	strace s7  }
0x97: {  	s7 =	sld [smem:$0x3FFC];
	_ =	sdelay $0x3  }
0x98: {  	_ =	strace s7  }
0x99: {  	s7 =	sld [smem:$0x3FFD];
	_ =	sdelay $0x3  }
0x9a: {  	_ =	strace s7  }
0x9b: {  	_ =	strace $0x8FFFFFFF  }
0x9c: {  	s19 =	sld [smem:$0x3FDB];
	_ =	sdelay $0x1  }
0x9d: {  	s8 =	simm.s32 $_scs_section_size  }
0x9e: {  	s9 =	simm.s32 $_size__tile_overlayer_lowered;
	s10 =	simm.s32 $_tile_overlayer_lowered  }
0x9f: {  	s22 =	simm.s32 $0x1BFF;
	s21 =	sshll.u32 s10, $0x1;
	s7 =	sadd.s32 s8, s19  }
0xa0: {  	s11 =	simm.s32 $0x0;
	s20 =	sshll.u32 s9, $0x1;
	s9 =	sadd.s32 s21, s7  }
0xa1: {  	[timem:s11], [sflag:s22] =	dma.local [hbm:s9], s20  }
0xa2: {  	_ =	swait.ge [sflag:s22], s20  }
0xa3: {  	s8 =	ssub.s32 $0x0, s20;
	[sflag:s22] =	ssyncset.done $0x0  }
0xa4: {  	[sflag:s22] =	ssyncadd.s32 s8;
	_ =	sdelay $0x1  }
0xa5: {  	s23 =	simm.s32 $0x1B8B  }
0xa6: {  	_ =	swait.ge [sflag:s23], $0x1  }
0xa7: {  	[sflag:s23] =	ssyncset.done $0x0  }
0xa8: {  	s25 =	simm.s32 $0x1B8E;
	s24 =	sld [smem:$0x3FFE];
	[sflag:s23] =	ssyncadd.s32 $0xFFFFFFFF  }
0xa9: {  	s26 =	simm.s32 $execute0_lowered;
	[smem:$0x3FD2] =	sst s25  }
0xaa: {  	s9 =	sshll.u32 s26, $0x1;
	_ =	strace $0x80000046;
	[dreg:$0x1] =	wrdreg $0xFFFFFFFF  }
0xab: {  	s28 =	simm.s32 $_size_execute0_lowered;
	s7 =	sadd.s32 s7, s9;
	[dreg:$0x0] =	wrdreg $0x0  }
0xac: {  	s9 =	sshll.u32 s28, $0x1;
	[dreg:$0x2] =	wrdreg s7  }
0xad: {  	[dreg:$0x3] =	wrdreg s9  }
0xae: {  	[dreg:$0x4] =	wrdreg $0xC0  }
0xaf: {  	_ =	task [dreg:s11], $0x5FFFF  }
0xb0: {  	[dreg:$0x1] =	wrdreg $0xFFFFFFFF  }
0xb1: {  	[dreg:$0x0] =	wrdreg $0x60  }
0xb2: {  	[dreg:$0x2] =	wrdreg s2  }
0xb3: {  	[dreg:$0x3] =	wrdreg s18  }
0xb4: {  	[dreg:$0x4] =	wrdreg s24  }
0xb5: {  	[dreg:$0x5] =	wrdreg s4  }
0xb6: {  	[dreg:$0x6] =	wrdreg s5  }
0xb7: {  	[dreg:$0x7] =	wrdreg s6  }
0xb8: {  	[dreg:$0x8] =	wrdreg $0x9  }
0xb9: {  	_ =	task.clear_ibuf [dreg:s11], $0x9FFFF;
	_ =	strace $0x90000046  }
0xba: {  	s29 =	simm.s32 $0x9;
	_ =	strace $0x80000048  }
0xbb: {  	_ =	swait.ge [sflag:s29], $0x1  }
0xbc: {  	[sflag:s29] =	ssyncadd.s32 $0xFFFFFFFF  }
0xbd: {  	_ =	strace $0x90000048  }
0xbe: {  	_ =	sfence  }
0xbf: {  	s30 =	sld [smem:$0x0];
	_ =	sdelay $0x2  }
0xc0: {  	s31 =	sshll.u32 s1, $0xD;
	s1 =	sshrl.u32 s1, $0x2  }
0xc1: {  	s3 =	sand.u32 $0x4000, s31;
	s1 =	sadd.s32 s1, s30  }
0xc2: {  	s0 =	sor.u32 s3, s0;
	s1 =	sshll.u32 s1, $0x11  }
0xc3: {  	s0 =	sor.u32 s1, s0  }
0xc4: {  	s0 =	sadd.s32 $0x8F2B, s0  }
0xc5: {  	[sflag:s0] =	ssyncadd.remote.s32 $0x1  }
0xc6: {  	_ =	sfence.sel $0xFFFF  }
0xc7: {  	[dreg:$0x0] =	wrdreg $0xFFFFFFFF;
	(pc) =	sbr.abs _section_cstart, $3  }
0xc8: {  	[dreg:$0x1] =	wrdreg $0xFFFFFFFF  }
0xc9: {  	_ =	task.clear_ibuf [dreg:s11], $0x2FFFF;
	_ =	strace $0x9FFFFFFF  }
0xca: {  	(tm) =	ssettm $0x7FFFFFFF  }
0xcb: {  	_ =	shalt  }
tec
execute0_lowered:
.L_overlay_start_1:
0x0: {  	(tag) =	ssettag $0x1  }
0x1: {  	s0 =	rddreg [dreg:$0x0]  }
0x2: {  	s4 =	rddreg [dreg:$0x1]  }
0x3: {  	s6 =	rddreg [dreg:$0x2]  }
0x4: {  	s1 =	rddreg [dreg:$0x3]  }
0x5: {  	s2 =	rddreg [dreg:$0x4]  }
0x6: {  	s9 =	rddreg [dreg:$0x5];
	s3 =	simm.s32 $0x0  }
0x7: {  	s5 =	srdreg.scid;
	s11 =	stileid.u32;
	s12 =	simm.s32 $0x200  }
0x8: {  	s13 =	simm.s32 $0x80;
	s17 =	simm.s32 $0x8500;
	s18 =	simm.s32 $0x2400  }
0x9: {  	s19 =	simm.s32 $0x280;
	s20 =	simm.s32 $0x6400;
	s21 =	simm.s32 $0x8480  }
0xa: {  	v0 =	vlaneseq.u32;
	s22 =	simm.s32 $0x8580;
	s23 =	simm.s32 $0x1;
	s24 =	simm.s32 $0x8800  }
0xb: {  	s25 =	simm.s32 $0x100;
	s26 =	simm.s32 $0x300;
	s28 =	simm.s32 $0x180;
	v0 =	vmul.u32 $0x11, v0  }
0xc: {  	s29 =	simm.s32 $0x380;
	s31 =	simm.s32 $0x0;
	[smem:$0x7FF] =	sst s3  }
0xd: {  	s7 =	sand.u32 $0x1, s5;
	s5 =	sadd.s32 $0x188C00, s6;
	s11 =	sshll.u32 s11, $0x6;
	v1 =	vadd.s32 $0x1, v0;
	v2 =	vadd.s32 $0x2, v0;
	v3 =	vadd.s32 $0x3, v0  }
0xe: {  	s6 =	sadd.s32 $0x24C200, s6;
	s8 =	ssub.s32 $0x2, s7;
	s7 =	sshll.u32 s7, $0xA;
	v4 =	vadd.s32 $0x4, v0;
	v5 =	vadd.s32 $0x5, v0;
	v6 =	vadd.s32 $0x6, v0  }
0xf: {  	_ =	strace $0x80000047;
	s10 =	sshrl.u32 s8, $0x1;
	s11 =	sor.u32 s11, s7;
	v7 =	vadd.s32 $0x7, v0;
	v8 =	vadd.s32 $0x8, v0;
	v9 =	vadd.s32 $0x9, v0  }
0x10: {  	v10 =	vadd.s32 $0xA, v0;
	v11 =	vadd.s32 $0xB, v0;
	v12 =	vadd.s32 $0xC, v0;
	s10 =	ssub.s32 s8, s10;
	s7 =	sadd.s32 s0, s11;
	s8 =	sadd.s32 s4, s11  }
0x11: {  	v13 =	vadd.s32 $0xD, v0;
	v14 =	vadd.s32 $0xE, v0;
	v15 =	vadd.s32 $0xF, v0;
	s9 =	sadd.s32 s9, s11;
	s11 =	simm.s32 $0x2;
	s10 =	smax.u32 s10, $0x1  }
.LBB2_1:
0x12: {  	[tilespmem:s3], [sflag:$0x2] =	stream.linear.gather [hbm4b:s7+s3], $0x200, $0x38;
	[tilespmem:$0x8910] =	vst v63  }
0x13: {  	_ =	swait.ge [sflag:s11], $0x200  }
0x14: {  	[sflag:s11] =	ssyncset.done $0x0  }
0x15: {  	[sflag:s11] =	ssyncadd.s32 $0xFFFFFE00  }
0x16: {  	[tilespmem:s12], [sflag:$0x2] =	stream.linear.gather [hbm4b:s8+s3], $0x200, $0x38;
	[tilespmem:$0x8910] =	vst v63  }
0x17: {  	_ =	swait.ge [sflag:s11], $0x200  }
0x18: {  	[sflag:s11] =	ssyncset.done $0x0  }
0x19: {  	s0 =	simm.s32 $0x400;
	[sflag:s11] =	ssyncadd.s32 $0xFFFFFE00  }
0x1a: {  	[tilespmem:s0], [sflag:$0x1] =	stream.indirect.gather [hbm4b:s5+s13], $0x40, s3, s13, $0xb8;
	[tilespmem:$0x8910] =	vst v63  }
0x1b: {  	s15 =	simm.s32 $0x4400  }
0x1c: {  	[tilespmem:s15], [sflag:$0x1] =	stream.indirect.gather [hbm4b:s6+s13], $0x40, s12, s13, $0xb8;
	[tilespmem:$0x8910] =	vst v63  }
0x1d: {  	s16 =	simm.s32 $0x8400  }
0x1e: {  	[tilespmem:s16], [sflag:$0x1] =	stream.indirect.gather [hbm4b:s1+s13], $0x1, s3, s13, $0xb8;
	[tilespmem:$0x8910] =	vst v63  }
0x1f: {  	_ = 	snop  }
0x20: {  	[tilespmem:s17], [sflag:$0x1] =	stream.indirect.gather [hbm4b:s2+s13], $0x1, s12, s13, $0xb8;
	[tilespmem:$0x8910] =	vst v63  }
0x21: {  	_ = 	snop  }
0x22: {  	[tilespmem:s18], [sflag:$0x1] =	stream.indirect.gather [hbm4b:s5+s13], $0x40, s13, s13, $0xb8;
	[tilespmem:$0x8910] =	vst v63  }
0x23: {  	_ = 	snop  }
0x24: {  	[tilespmem:s20], [sflag:$0x1] =	stream.indirect.gather [hbm4b:s6+s13], $0x40, s19, s13, $0xb8;
	[tilespmem:$0x8910] =	vst v63  }
0x25: {  	_ = 	snop  }
0x26: {  	[tilespmem:s21], [sflag:$0x1] =	stream.indirect.gather [hbm4b:s1+s13], $0x1, s13, s13, $0xb8;
	[tilespmem:$0x8910] =	vst v63  }
0x27: {  	_ = 	snop  }
0x28: {  	[tilespmem:s22], [sflag:$0x1] =	stream.indirect.gather [hbm4b:s2+s13], $0x1, s19, s13, $0xb8;
	[tilespmem:$0x8910] =	vst v63  }
0x29: {  	_ =	swait.ge [sflag:s23], $0x2000  }
0x2a: {  	[sflag:s23] =	ssyncset.done $0x0  }
0x2b: {  	[sflag:s23] =	ssyncadd.s32 $0xFFFFE000  }
0x2c: {  	_ =	swait.ge [sflag:s23], $0x2000  }
0x2d: {  	[sflag:s23] =	ssyncset.done $0x0  }
0x2e: {  	[sflag:s23] =	ssyncadd.s32 $0xFFFFE000  }
0x2f: {  	_ =	swait.ge [sflag:s23], $0x80  }
0x30: {  	[sflag:s23] =	ssyncset.done $0x0  }
0x31: {  	[sflag:s23] =	ssyncadd.s32 $0xFFFFFF80  }
0x32: {  	_ =	swait.ge [sflag:s23], $0x80  }
0x33: {  	[sflag:s23] =	ssyncset.done $0x0  }
0x34: {  	s0 =	simm.s32 $0x600;
	[sflag:s23] =	ssyncadd.s32 $0xFFFFFF80  }
0x35: {  	s4 =	simm.s32 $0x4600;
	v16 =	vld [tilespmem:s0+$0xFFFFFE00]  }
0x36: {  	v17 =	vld [tilespmem:s4+$0xFFFFFE10]  }
0x37: {  	v18 =	vld [tilespmem:s0+$0xFFFFFE10]  }
0x38: {  	v19 =	vld [tilespmem:s4+$0xFFFFFE00]  }
0x39: {  	v20 =	vld [tilespmem:s4+$0xFFFFFE20]  }
0x3a: {  	v21 =	vld [tilespmem:s0+$0xFFFFFE20]  }
0x3b: {  	v22 =	vld [tilespmem:s4+$0xFFFFFE30]  }
0x3c: {  	v23 =	vld [tilespmem:s0+$0xFFFFFE30]  }
0x3d: {  	v17 =	vmul.f32 v17, v18;
	v16 =	vmul.f32 v19, v16;
	_ =	sdelay $0x1  }
0x3e: {  	v16 =	vadd.f32 v17, v16;
	v17 =	vmul.f32 v20, v21;
	_ =	sdelay $0x1  }
0x3f: {  	v16 =	vadd.f32 v17, v16;
	v17 =	vmul.f32 v22, v23;
	_ =	sdelay $0x1  }
0x40: {  	v16 =	vadd.f32 v17, v16;
	_ =	sdelay $0x1  }
0x41: {  	[tilespmem:v0+s24+$0x0] =	vst.idx.msk $0xffff, v16  }
0x42: {  	v16 =	vld [tilespmem:s4+$0xFFFFFE50]  }
0x43: {  	v17 =	vld [tilespmem:s0+$0xFFFFFE40]  }
0x44: {  	v18 =	vld [tilespmem:s0+$0xFFFFFE50]  }
0x45: {  	v19 =	vld [tilespmem:s4+$0xFFFFFE40]  }
0x46: {  	v20 =	vld [tilespmem:s4+$0xFFFFFE60]  }
0x47: {  	v60 =	vld [tilespmem:s0+$0xFFFFFE60]  }
0x48: {  	v61 =	vld [tilespmem:s4+$0xFFFFFE70]  }
0x49: {  	v62 =	vld [tilespmem:s0+$0xFFFFFE70]  }
0x4a: {  	v16 =	vmul.f32 v16, v18;
	v17 =	vmul.f32 v19, v17;
	_ =	sdelay $0x1  }
0x4b: {  	v16 =	vadd.f32 v16, v17;
	v17 =	vmul.f32 v20, v60;
	_ =	sdelay $0x1  }
0x4c: {  	v16 =	vadd.f32 v17, v16;
	v17 =	vmul.f32 v61, v62;
	_ =	sdelay $0x1  }
0x4d: {  	v16 =	vadd.f32 v17, v16;
	_ =	sdelay $0x1  }
0x4e: {  	[tilespmem:v1+s24+$0x0] =	vst.idx.msk $0xffff, v16  }
0x4f: {  	v16 =	vld [tilespmem:s0+$0xFFFFFE80]  }
0x50: {  	v17 =	vld [tilespmem:s4+$0xFFFFFE80]  }
0x51: {  	v18 =	vld [tilespmem:s4+$0xFFFFFE90]  }
0x52: {  	v19 =	vld [tilespmem:s0+$0xFFFFFE90]  }
0x53: {  	v20 =	vld [tilespmem:s4+$0xFFFFFEA0]  }
0x54: {  	v63 =	vld [tilespmem:s0+$0xFFFFFEA0]  }
0x55: {  	v24 =	vld [tilespmem:s4+$0xFFFFFEB0]  }
0x56: {  	v25 =	vld [tilespmem:s0+$0xFFFFFEB0]  }
0x57: {  	v16 =	vmul.f32 v17, v16;
	v17 =	vmul.f32 v18, v19;
	_ =	sdelay $0x1  }
0x58: {  	v16 =	vadd.f32 v17, v16;
	v17 =	vmul.f32 v20, v63;
	_ =	sdelay $0x1  }
0x59: {  	v16 =	vadd.f32 v17, v16;
	v17 =	vmul.f32 v24, v25;
	_ =	sdelay $0x1  }
0x5a: {  	v16 =	vadd.f32 v17, v16;
	_ =	sdelay $0x1  }
0x5b: {  	[tilespmem:v2+s24+$0x0] =	vst.idx.msk $0xffff, v16  }
0x5c: {  	v16 =	vld [tilespmem:s4+$0xFFFFFEC0]  }
0x5d: {  	v17 =	vld [tilespmem:s0+$0xFFFFFEC0]  }
0x5e: {  	v18 =	vld [tilespmem:s0+$0xFFFFFED0]  }
0x5f: {  	v19 =	vld [tilespmem:s4+$0xFFFFFED0]  }
0x60: {  	v20 =	vld [tilespmem:s4+$0xFFFFFEE0]  }
0x61: {  	v26 =	vld [tilespmem:s0+$0xFFFFFEE0]  }
0x62: {  	v27 =	vld [tilespmem:s4+$0xFFFFFEF0]  }
0x63: {  	v28 =	vld [tilespmem:s0+$0xFFFFFEF0]  }
0x64: {  	v16 =	vmul.f32 v16, v17;
	v17 =	vmul.f32 v19, v18;
	_ =	sdelay $0x1  }
0x65: {  	v16 =	vadd.f32 v17, v16;
	v17 =	vmul.f32 v20, v26;
	_ =	sdelay $0x1  }
0x66: {  	v16 =	vadd.f32 v17, v16;
	v17 =	vmul.f32 v27, v28;
	_ =	sdelay $0x1  }
0x67: {  	v16 =	vadd.f32 v17, v16;
	_ =	sdelay $0x1  }
0x68: {  	[tilespmem:v3+s24+$0x0] =	vst.idx.msk $0xffff, v16  }
0x69: {  	v16 =	vld [tilespmem:s4+$0xFFFFFF10]  }
0x6a: {  	v17 =	vld [tilespmem:s0+$0xFFFFFF00]  }
0x6b: {  	v18 =	vld [tilespmem:s4+$0xFFFFFF00]  }
0x6c: {  	v19 =	vld [tilespmem:s0+$0xFFFFFF10]  }
0x6d: {  	v20 =	vld [tilespmem:s4+$0xFFFFFF20]  }
0x6e: {  	v29 =	vld [tilespmem:s0+$0xFFFFFF20]  }
0x6f: {  	v30 =	vld [tilespmem:s4+$0xFFFFFF30]  }
0x70: {  	v31 =	vld [tilespmem:s0+$0xFFFFFF30]  }
0x71: {  	v17 =	vmul.f32 v18, v17;
	v16 =	vmul.f32 v16, v19;
	_ =	sdelay $0x1  }
0x72: {  	v16 =	vadd.f32 v16, v17;
	v17 =	vmul.f32 v20, v29;
	_ =	sdelay $0x1  }
0x73: {  	v16 =	vadd.f32 v17, v16;
	v17 =	vmul.f32 v30, v31;
	_ =	sdelay $0x1  }
0x74: {  	v16 =	vadd.f32 v17, v16;
	_ =	sdelay $0x1  }
0x75: {  	[tilespmem:v4+s24+$0x0] =	vst.idx.msk $0xffff, v16  }
0x76: {  	v16 =	vld [tilespmem:s4+$0xFFFFFF50]  }
0x77: {  	v17 =	vld [tilespmem:s0+$0xFFFFFF40]  }
0x78: {  	v18 =	vld [tilespmem:s4+$0xFFFFFF40]  }
0x79: {  	v19 =	vld [tilespmem:s0+$0xFFFFFF50]  }
0x7a: {  	v20 =	vld [tilespmem:s4+$0xFFFFFF60]  }
0x7b: {  	v32 =	vld [tilespmem:s0+$0xFFFFFF60]  }
0x7c: {  	v33 =	vld [tilespmem:s4+$0xFFFFFF70]  }
0x7d: {  	v34 =	vld [tilespmem:s0+$0xFFFFFF70]  }
0x7e: {  	v17 =	vmul.f32 v18, v17;
	v16 =	vmul.f32 v16, v19;
	_ =	sdelay $0x1  }
0x7f: {  	v16 =	vadd.f32 v16, v17;
	v17 =	vmul.f32 v20, v32;
	_ =	sdelay $0x1  }
0x80: {  	v16 =	vadd.f32 v17, v16;
	v17 =	vmul.f32 v33, v34;
	_ =	sdelay $0x1  }
0x81: {  	v16 =	vadd.f32 v17, v16;
	_ =	sdelay $0x1  }
0x82: {  	[tilespmem:v5+s24+$0x0] =	vst.idx.msk $0xffff, v16  }
0x83: {  	v16 =	vld [tilespmem:s4+$0xFFFFFF80]  }
0x84: {  	v17 =	vld [tilespmem:s4+$0xFFFFFF90]  }
0x85: {  	v18 =	vld [tilespmem:s0+$0xFFFFFF90]  }
0x86: {  	v19 =	vld [tilespmem:s0+$0xFFFFFF80]  }
0x87: {  	v20 =	vld [tilespmem:s4+$0xFFFFFFA0]  }
0x88: {  	v35 =	vld [tilespmem:s0+$0xFFFFFFA0]  }
0x89: {  	v36 =	vld [tilespmem:s4+$0xFFFFFFB0]  }
0x8a: {  	v37 =	vld [tilespmem:s0+$0xFFFFFFB0]  }
0x8b: {  	v17 =	vmul.f32 v17, v18;
	v16 =	vmul.f32 v16, v19;
	_ =	sdelay $0x1  }
0x8c: {  	v16 =	vadd.f32 v17, v16;
	v17 =	vmul.f32 v20, v35;
	_ =	sdelay $0x1  }
0x8d: {  	v16 =	vadd.f32 v17, v16;
	v17 =	vmul.f32 v36, v37;
	_ =	sdelay $0x1  }
0x8e: {  	v16 =	vadd.f32 v17, v16;
	_ =	sdelay $0x1  }
0x8f: {  	[tilespmem:v6+s24+$0x0] =	vst.idx.msk $0xffff, v16  }
0x90: {  	v16 =	vld [tilespmem:s4+$0xFFFFFFD0]  }
0x91: {  	v17 =	vld [tilespmem:s4+$0xFFFFFFC0]  }
0x92: {  	v18 =	vld [tilespmem:s0+$0xFFFFFFC0]  }
0x93: {  	v19 =	vld [tilespmem:s0+$0xFFFFFFD0]  }
0x94: {  	v20 =	vld [tilespmem:s4+$0xFFFFFFE0]  }
0x95: {  	v38 =	vld [tilespmem:s0+$0xFFFFFFE0]  }
0x96: {  	v39 =	vld [tilespmem:s4+$0xFFFFFFF0]  }
0x97: {  	v40 =	vld [tilespmem:s0+$0xFFFFFFF0]  }
0x98: {  	v17 =	vmul.f32 v17, v18;
	v16 =	vmul.f32 v16, v19;
	_ =	sdelay $0x1  }
0x99: {  	v16 =	vadd.f32 v16, v17;
	v17 =	vmul.f32 v20, v38;
	_ =	sdelay $0x1  }
0x9a: {  	v16 =	vadd.f32 v17, v16;
	v17 =	vmul.f32 v39, v40;
	_ =	sdelay $0x1  }
0x9b: {  	v16 =	vadd.f32 v17, v16;
	_ =	sdelay $0x1  }
0x9c: {  	[tilespmem:v7+s24+$0x0] =	vst.idx.msk $0xffff, v16  }
0x9d: {  	v16 =	vld [tilespmem:s4+$0x0]  }
0x9e: {  	v17 =	vld [tilespmem:s4+$0x10]  }
0x9f: {  	v18 =	vld [tilespmem:s0+$0x0]  }
0xa0: {  	v19 =	vld [tilespmem:s0+$0x10]  }
0xa1: {  	v20 =	vld [tilespmem:s4+$0x20]  }
0xa2: {  	v41 =	vld [tilespmem:s0+$0x20]  }
0xa3: {  	v42 =	vld [tilespmem:s4+$0x30]  }
0xa4: {  	v43 =	vld [tilespmem:s0+$0x30]  }
0xa5: {  	v16 =	vmul.f32 v16, v18;
	v17 =	vmul.f32 v17, v19;
	_ =	sdelay $0x1  }
0xa6: {  	v16 =	vadd.f32 v17, v16;
	v17 =	vmul.f32 v20, v41;
	_ =	sdelay $0x1  }
0xa7: {  	v16 =	vadd.f32 v17, v16;
	v17 =	vmul.f32 v42, v43;
	_ =	sdelay $0x1  }
0xa8: {  	v16 =	vadd.f32 v17, v16;
	_ =	sdelay $0x1  }
0xa9: {  	[tilespmem:v8+s24+$0x0] =	vst.idx.msk $0xffff, v16  }
0xaa: {  	v16 =	vld [tilespmem:s4+$0x40]  }
0xab: {  	v17 =	vld [tilespmem:s4+$0x50]  }
0xac: {  	v18 =	vld [tilespmem:s0+$0x40]  }
0xad: {  	v19 =	vld [tilespmem:s0+$0x50]  }
0xae: {  	v20 =	vld [tilespmem:s0+$0x60]  }
0xaf: {  	v44 =	vld [tilespmem:s4+$0x60]  }
0xb0: {  	v45 =	vld [tilespmem:s0+$0x70]  }
0xb1: {  	v46 =	vld [tilespmem:s4+$0x70]  }
0xb2: {  	v16 =	vmul.f32 v16, v18;
	v17 =	vmul.f32 v17, v19;
	_ =	sdelay $0x1  }
0xb3: {  	v16 =	vadd.f32 v17, v16;
	v17 =	vmul.f32 v44, v20;
	_ =	sdelay $0x1  }
0xb4: {  	v16 =	vadd.f32 v17, v16;
	v17 =	vmul.f32 v46, v45;
	_ =	sdelay $0x1  }
0xb5: {  	v16 =	vadd.f32 v17, v16;
	_ =	sdelay $0x1  }
0xb6: {  	[tilespmem:v9+s24+$0x0] =	vst.idx.msk $0xffff, v16  }
0xb7: {  	v16 =	vld [tilespmem:s4+$0x80]  }
0xb8: {  	v17 =	vld [tilespmem:s4+$0x90]  }
0xb9: {  	v18 =	vld [tilespmem:s0+$0x80]  }
0xba: {  	v19 =	vld [tilespmem:s0+$0x90]  }
0xbb: {  	v20 =	vld [tilespmem:s0+$0xA0]  }
0xbc: {  	v47 =	vld [tilespmem:s4+$0xA0]  }
0xbd: {  	v48 =	vld [tilespmem:s0+$0xB0]  }
0xbe: {  	v49 =	vld [tilespmem:s4+$0xB0]  }
0xbf: {  	v16 =	vmul.f32 v16, v18;
	v17 =	vmul.f32 v17, v19;
	_ =	sdelay $0x1  }
0xc0: {  	v16 =	vadd.f32 v17, v16;
	v17 =	vmul.f32 v47, v20;
	_ =	sdelay $0x1  }
0xc1: {  	v16 =	vadd.f32 v17, v16;
	v17 =	vmul.f32 v49, v48;
	_ =	sdelay $0x1  }
0xc2: {  	v16 =	vadd.f32 v17, v16;
	_ =	sdelay $0x1  }
0xc3: {  	[tilespmem:v10+s24+$0x0] =	vst.idx.msk $0xffff, v16  }
0xc4: {  	v16 =	vld [tilespmem:s4+$0xC0]  }
0xc5: {  	v17 =	vld [tilespmem:s4+$0xD0]  }
0xc6: {  	v18 =	vld [tilespmem:s0+$0xC0]  }
0xc7: {  	v19 =	vld [tilespmem:s0+$0xD0]  }
0xc8: {  	v20 =	vld [tilespmem:s0+$0xE0]  }
0xc9: {  	v50 =	vld [tilespmem:s4+$0xE0]  }
0xca: {  	v51 =	vld [tilespmem:s0+$0xF0]  }
0xcb: {  	v52 =	vld [tilespmem:s4+$0xF0]  }
0xcc: {  	v16 =	vmul.f32 v16, v18;
	v17 =	vmul.f32 v17, v19;
	_ =	sdelay $0x1  }
0xcd: {  	v16 =	vadd.f32 v17, v16;
	v17 =	vmul.f32 v50, v20;
	_ =	sdelay $0x1  }
0xce: {  	v16 =	vadd.f32 v17, v16;
	v17 =	vmul.f32 v52, v51;
	_ =	sdelay $0x1  }
0xcf: {  	v16 =	vadd.f32 v17, v16;
	_ =	sdelay $0x1  }
0xd0: {  	[tilespmem:v11+s24+$0x0] =	vst.idx.msk $0xffff, v16  }
0xd1: {  	v16 =	vld [tilespmem:s4+$0x100]  }
0xd2: {  	v17 =	vld [tilespmem:s4+$0x110]  }
0xd3: {  	v18 =	vld [tilespmem:s0+$0x100]  }
0xd4: {  	v19 =	vld [tilespmem:s0+$0x110]  }
0xd5: {  	v20 =	vld [tilespmem:s0+$0x120]  }
0xd6: {  	v53 =	vld [tilespmem:s4+$0x120]  }
0xd7: {  	v54 =	vld [tilespmem:s0+$0x130]  }
0xd8: {  	v55 =	vld [tilespmem:s4+$0x130]  }
0xd9: {  	v16 =	vmul.f32 v16, v18;
	v17 =	vmul.f32 v17, v19;
	_ =	sdelay $0x1  }
0xda: {  	v16 =	vadd.f32 v17, v16;
	v17 =	vmul.f32 v53, v20;
	_ =	sdelay $0x1  }
0xdb: {  	v16 =	vadd.f32 v17, v16;
	v17 =	vmul.f32 v55, v54;
	_ =	sdelay $0x1  }
0xdc: {  	v16 =	vadd.f32 v17, v16;
	_ =	sdelay $0x1  }
0xdd: {  	[tilespmem:v12+s24+$0x0] =	vst.idx.msk $0xffff, v16  }
0xde: {  	v16 =	vld [tilespmem:s4+$0x140]  }
0xdf: {  	v17 =	vld [tilespmem:s4+$0x150]  }
0xe0: {  	v18 =	vld [tilespmem:s0+$0x140]  }
0xe1: {  	v19 =	vld [tilespmem:s0+$0x150]  }
0xe2: {  	v20 =	vld [tilespmem:s0+$0x160]  }
0xe3: {  	v56 =	vld [tilespmem:s4+$0x160]  }
0xe4: {  	v57 =	vld [tilespmem:s0+$0x170]  }
0xe5: {  	v58 =	vld [tilespmem:s4+$0x170]  }
0xe6: {  	v16 =	vmul.f32 v16, v18;
	v17 =	vmul.f32 v17, v19;
	_ =	sdelay $0x1  }
0xe7: {  	v16 =	vadd.f32 v17, v16;
	v17 =	vmul.f32 v56, v20;
	_ =	sdelay $0x1  }
0xe8: {  	v16 =	vadd.f32 v17, v16;
	v17 =	vmul.f32 v58, v57;
	_ =	sdelay $0x1  }
0xe9: {  	v16 =	vadd.f32 v17, v16;
	_ =	sdelay $0x1  }
0xea: {  	[tilespmem:v13+s24+$0x0] =	vst.idx.msk $0xffff, v16  }
0xeb: {  	v16 =	vld [tilespmem:s4+$0x180]  }
0xec: {  	v17 =	vld [tilespmem:s4+$0x190]  }
0xed: {  	v18 =	vld [tilespmem:s0+$0x190]  }
0xee: {  	v19 =	vld [tilespmem:s0+$0x180]  }
0xef: {  	v20 =	vld [tilespmem:s0+$0x1A0]  }
0xf0: {  	v59 =	vld [tilespmem:s4+$0x1A0]  }
0xf1: {  	v60 =	vld [tilespmem:s0+$0x1B0]  }
0xf2: {  	v61 =	vld [tilespmem:s4+$0x1B0]  }
0xf3: {  	v17 =	vmul.f32 v17, v18;
	v16 =	vmul.f32 v16, v19;
	_ =	sdelay $0x1  }
0xf4: {  	v16 =	vadd.f32 v17, v16;
	v17 =	vmul.f32 v59, v20;
	_ =	sdelay $0x1  }
0xf5: {  	v16 =	vadd.f32 v17, v16;
	v17 =	vmul.f32 v61, v60;
	_ =	sdelay $0x1  }
0xf6: {  	v16 =	vadd.f32 v17, v16;
	_ =	sdelay $0x1  }
0xf7: {  	[tilespmem:v14+s24+$0x0] =	vst.idx.msk $0xffff, v16  }
0xf8: {  	v16 =	vld [tilespmem:s0+$0x1C0]  }
0xf9: {  	v17 =	vld [tilespmem:s4+$0x1C0]  }
0xfa: {  	v18 =	vld [tilespmem:s4+$0x1D0]  }
0xfb: {  	v19 =	vld [tilespmem:s0+$0x1D0]  }
0xfc: {  	v20 =	vld [tilespmem:s0+$0x1E0]  }
0xfd: {  	v62 =	vld [tilespmem:s4+$0x1E0]  }
0xfe: {  	v63 =	vmul.f32 v17, v16;
	v16 =	vld [tilespmem:s0+$0x1F0]  }
0xff: {  	v17 =	vld [tilespmem:s4+$0x1F0]  }
0x100: {  	v18 =	vmul.f32 v18, v19;
	_ =	sdelay $0x1  }
0x101: {  	s14 =	simm.s32 $0x40;
	s30 =	simm.s32 $0x0;
	v19 =	vmul.f32 v62, v20;
	v18 =	vadd.f32 v18, v63  }
.LBB2_2:
0x102: {  	p0 =	sne.s32 s14, $0x1C0;
	s0 =	sadd.s32 $0x400, s0;
	s4 =	sadd.s32 $0x400, s4  }
0x103: {  	s15 =	smov.u32 s14;
	s14 =	sadd.s32 $0x40, s14;
	v18 =	vadd.f32 v19, v18;
	v16 =	vmul.f32 v17, v16;
	_ =	sdelay $0x1  }
0x104: {  	v16 =	vadd.f32 v16, v18;
	_ =	sdelay $0x1  }
0x105: {  	[tilespmem:v15+s24+$0x0] =	vst.idx.msk $0xffff, v16  }
0x106: {  	v16 =	vld [tilespmem:$0x8800]  }
0x107: {  	v17 =	vld [tilespmem:$0x8811]  }
0x108: {  	v18 =	vld [tilespmem:$0x8822]  }
0x109: {  	v19 =	vld [tilespmem:$0x8833]  }
0x10a: {  	v20 =	vld [tilespmem:$0x8844]  }
0x10b: {  	v21 =	vld [tilespmem:$0x8855]  }
0x10c: {  	v16 =	vadd.f32 v17, v16;
	v17 =	vld [tilespmem:$0x8866]  }
0x10d: {  	v22 =	vld [tilespmem:$0x8877]  }
0x10e: {  	v16 =	vadd.f32 v18, v16;
	v18 =	vld [tilespmem:$0x8888]  }
0x10f: {  	v23 =	vld [tilespmem:$0x8899]  }
0x110: {  	v16 =	vadd.f32 v19, v16;
	v19 =	vld [tilespmem:$0x88AA]  }
0x111: {  	v24 =	vld [tilespmem:$0x88BB]  }
0x112: {  	v16 =	vadd.f32 v20, v16;
	v20 =	vld [tilespmem:$0x88CC]  }
0x113: {  	v25 =	vld [tilespmem:$0x88DD]  }
0x114: {  	v16 =	vadd.f32 v21, v16;
	v21 =	vld [tilespmem:$0x88EE]  }
0x115: {  	s16 =	sshra.s32 s30, $0x2;
	s30 =	smov.u32 s15;
	v26 =	vld [tilespmem:$0x88FF]  }
0x116: {  	v16 =	vadd.f32 v17, v16;
	v17 =	vld [tilespmem:s16+$0x8400]  }
0x117: {  	v27 =	vld [tilespmem:s16+$0x8500]  }
0x118: {  	v16 =	vadd.f32 v22, v16;
	_ =	sdelay $0x1  }
0x119: {  	v16 =	vadd.f32 v18, v16;
	_ =	sdelay $0x1  }
0x11a: {  	v16 =	vadd.f32 v23, v16;
	_ =	sdelay $0x1  }
0x11b: {  	v16 =	vadd.f32 v19, v16;
	_ =	sdelay $0x1  }
0x11c: {  	v16 =	vadd.f32 v24, v16;
	_ =	sdelay $0x1  }
0x11d: {  	v16 =	vadd.f32 v20, v16;
	_ =	sdelay $0x1  }
0x11e: {  	v16 =	vadd.f32 v25, v16;
	_ =	sdelay $0x1  }
0x11f: {  	v16 =	vadd.f32 v21, v16;
	_ =	sdelay $0x1  }
0x120: {  	v16 =	vadd.f32 v26, v16;
	_ =	sdelay $0x1  }
0x121: {  	v16 =	vadd.f32 v17, v16;
	_ =	sdelay $0x1  }
0x122: {  	v16 =	vadd.f32 v27, v16;
	_ =	sdelay $0x1  }
0x123: {  	[tilespmem:s16+$0x8600] =	vst v16  }
0x124: {  	v16 =	vld [tilespmem:s0+$0xFFFFFE00]  }
0x125: {  	v17 =	vld [tilespmem:s4+$0xFFFFFE10]  }
0x126: {  	v18 =	vld [tilespmem:s0+$0xFFFFFE10]  }
0x127: {  	v19 =	vld [tilespmem:s4+$0xFFFFFE00]  }
0x128: {  	v20 =	vld [tilespmem:s4+$0xFFFFFE20]  }
0x129: {  	v21 =	vld [tilespmem:s0+$0xFFFFFE20]  }
0x12a: {  	v22 =	vld [tilespmem:s4+$0xFFFFFE30]  }
0x12b: {  	v17 =	vmul.f32 v17, v18;
	v18 =	vld [tilespmem:s0+$0xFFFFFE30]  }
0x12c: {  	v16 =	vmul.f32 v19, v16;
	_ =	sdelay $0x1  }
0x12d: {  	v16 =	vadd.f32 v17, v16;
	v17 =	vmul.f32 v20, v21;
	_ =	sdelay $0x1  }
0x12e: {  	v16 =	vadd.f32 v17, v16;
	v17 =	vmul.f32 v22, v18;
	_ =	sdelay $0x1  }
0x12f: {  	v16 =	vadd.f32 v17, v16;
	_ =	sdelay $0x1  }
0x130: {  	[tilespmem:v0+s24+$0x0] =	vst.idx.msk $0xffff, v16  }
0x131: {  	v16 =	vld [tilespmem:s4+$0xFFFFFE50]  }
0x132: {  	v17 =	vld [tilespmem:s0+$0xFFFFFE40]  }
0x133: {  	v18 =	vld [tilespmem:s0+$0xFFFFFE50]  }
0x134: {  	v19 =	vld [tilespmem:s4+$0xFFFFFE40]  }
0x135: {  	v20 =	vld [tilespmem:s4+$0xFFFFFE60]  }
0x136: {  	v21 =	vld [tilespmem:s0+$0xFFFFFE60]  }
0x137: {  	v22 =	vld [tilespmem:s4+$0xFFFFFE70]  }
0x138: {  	v16 =	vmul.f32 v16, v18;
	v18 =	vld [tilespmem:s0+$0xFFFFFE70]  }
0x139: {  	v17 =	vmul.f32 v19, v17;
	_ =	sdelay $0x1  }
0x13a: {  	v16 =	vadd.f32 v16, v17;
	v17 =	vmul.f32 v20, v21;
	_ =	sdelay $0x1  }
0x13b: {  	v16 =	vadd.f32 v17, v16;
	v17 =	vmul.f32 v22, v18;
	_ =	sdelay $0x1  }
0x13c: {  	v16 =	vadd.f32 v17, v16;
	_ =	sdelay $0x1  }
0x13d: {  	[tilespmem:v1+s24+$0x0] =	vst.idx.msk $0xffff, v16  }
0x13e: {  	v16 =	vld [tilespmem:s0+$0xFFFFFE80]  }
0x13f: {  	v17 =	vld [tilespmem:s4+$0xFFFFFE80]  }
0x140: {  	v18 =	vld [tilespmem:s4+$0xFFFFFE90]  }
0x141: {  	v19 =	vld [tilespmem:s0+$0xFFFFFE90]  }
0x142: {  	v20 =	vld [tilespmem:s4+$0xFFFFFEA0]  }
0x143: {  	v21 =	vld [tilespmem:s0+$0xFFFFFEA0]  }
0x144: {  	v16 =	vmul.f32 v17, v16;
	v17 =	vld [tilespmem:s4+$0xFFFFFEB0]  }
0x145: {  	v22 =	vld [tilespmem:s0+$0xFFFFFEB0]  }
0x146: {  	v18 =	vmul.f32 v18, v19;
	_ =	sdelay $0x1  }
0x147: {  	v16 =	vadd.f32 v18, v16;
	v18 =	vmul.f32 v20, v21;
	_ =	sdelay $0x1  }
0x148: {  	v16 =	vadd.f32 v18, v16;
	v17 =	vmul.f32 v17, v22;
	_ =	sdelay $0x1  }
0x149: {  	v16 =	vadd.f32 v17, v16;
	_ =	sdelay $0x1  }
0x14a: {  	[tilespmem:v2+s24+$0x0] =	vst.idx.msk $0xffff, v16  }
0x14b: {  	v16 =	vld [tilespmem:s4+$0xFFFFFEC0]  }
0x14c: {  	v17 =	vld [tilespmem:s0+$0xFFFFFEC0]  }
0x14d: {  	v18 =	vld [tilespmem:s0+$0xFFFFFED0]  }
0x14e: {  	v19 =	vld [tilespmem:s4+$0xFFFFFED0]  }
0x14f: {  	v20 =	vld [tilespmem:s4+$0xFFFFFEE0]  }
0x150: {  	v21 =	vld [tilespmem:s0+$0xFFFFFEE0]  }
0x151: {  	v16 =	vmul.f32 v16, v17;
	v17 =	vld [tilespmem:s4+$0xFFFFFEF0]  }
0x152: {  	v22 =	vld [tilespmem:s0+$0xFFFFFEF0]  }
0x153: {  	v18 =	vmul.f32 v19, v18;
	_ =	sdelay $0x1  }
0x154: {  	v16 =	vadd.f32 v18, v16;
	v18 =	vmul.f32 v20, v21;
	_ =	sdelay $0x1  }
0x155: {  	v16 =	vadd.f32 v18, v16;
	v17 =	vmul.f32 v17, v22;
	_ =	sdelay $0x1  }
0x156: {  	v16 =	vadd.f32 v17, v16;
	_ =	sdelay $0x1  }
0x157: {  	[tilespmem:v3+s24+$0x0] =	vst.idx.msk $0xffff, v16  }
0x158: {  	v16 =	vld [tilespmem:s4+$0xFFFFFF10]  }
0x159: {  	v17 =	vld [tilespmem:s0+$0xFFFFFF00]  }
0x15a: {  	v18 =	vld [tilespmem:s4+$0xFFFFFF00]  }
0x15b: {  	v19 =	vld [tilespmem:s0+$0xFFFFFF10]  }
0x15c: {  	v20 =	vld [tilespmem:s4+$0xFFFFFF20]  }
0x15d: {  	v21 =	vld [tilespmem:s0+$0xFFFFFF20]  }
0x15e: {  	v22 =	vld [tilespmem:s4+$0xFFFFFF30]  }
0x15f: {  	v17 =	vmul.f32 v18, v17;
	v18 =	vld [tilespmem:s0+$0xFFFFFF30]  }
0x160: {  	v16 =	vmul.f32 v16, v19;
	_ =	sdelay $0x1  }
0x161: {  	v16 =	vadd.f32 v16, v17;
	v17 =	vmul.f32 v20, v21;
	_ =	sdelay $0x1  }
0x162: {  	v16 =	vadd.f32 v17, v16;
	v17 =	vmul.f32 v22, v18;
	_ =	sdelay $0x1  }
0x163: {  	v16 =	vadd.f32 v17, v16;
	_ =	sdelay $0x1  }
0x164: {  	[tilespmem:v4+s24+$0x0] =	vst.idx.msk $0xffff, v16  }
0x165: {  	v16 =	vld [tilespmem:s4+$0xFFFFFF50]  }
0x166: {  	v17 =	vld [tilespmem:s0+$0xFFFFFF40]  }
0x167: {  	v18 =	vld [tilespmem:s4+$0xFFFFFF40]  }
0x168: {  	v19 =	vld [tilespmem:s0+$0xFFFFFF50]  }
0x169: {  	v20 =	vld [tilespmem:s4+$0xFFFFFF60]  }
0x16a: {  	v21 =	vld [tilespmem:s0+$0xFFFFFF60]  }
0x16b: {  	v22 =	vld [tilespmem:s4+$0xFFFFFF70]  }
0x16c: {  	v17 =	vmul.f32 v18, v17;
	v18 =	vld [tilespmem:s0+$0xFFFFFF70]  }
0x16d: {  	v16 =	vmul.f32 v16, v19;
	_ =	sdelay $0x1  }
0x16e: {  	v16 =	vadd.f32 v16, v17;
	v17 =	vmul.f32 v20, v21;
	_ =	sdelay $0x1  }
0x16f: {  	v16 =	vadd.f32 v17, v16;
	v17 =	vmul.f32 v22, v18;
	_ =	sdelay $0x1  }
0x170: {  	v16 =	vadd.f32 v17, v16;
	_ =	sdelay $0x1  }
0x171: {  	[tilespmem:v5+s24+$0x0] =	vst.idx.msk $0xffff, v16  }
0x172: {  	v16 =	vld [tilespmem:s4+$0xFFFFFF80]  }
0x173: {  	v17 =	vld [tilespmem:s4+$0xFFFFFF90]  }
0x174: {  	v18 =	vld [tilespmem:s0+$0xFFFFFF90]  }
0x175: {  	v19 =	vld [tilespmem:s0+$0xFFFFFF80]  }
0x176: {  	v20 =	vld [tilespmem:s4+$0xFFFFFFA0]  }
0x177: {  	v21 =	vld [tilespmem:s0+$0xFFFFFFA0]  }
0x178: {  	v22 =	vld [tilespmem:s4+$0xFFFFFFB0]  }
0x179: {  	v17 =	vmul.f32 v17, v18;
	v18 =	vld [tilespmem:s0+$0xFFFFFFB0]  }
0x17a: {  	v16 =	vmul.f32 v16, v19;
	_ =	sdelay $0x1  }
0x17b: {  	v16 =	vadd.f32 v17, v16;
	v17 =	vmul.f32 v20, v21;
	_ =	sdelay $0x1  }
0x17c: {  	v16 =	vadd.f32 v17, v16;
	v17 =	vmul.f32 v22, v18;
	_ =	sdelay $0x1  }
0x17d: {  	v16 =	vadd.f32 v17, v16;
	_ =	sdelay $0x1  }
0x17e: {  	[tilespmem:v6+s24+$0x0] =	vst.idx.msk $0xffff, v16  }
0x17f: {  	v16 =	vld [tilespmem:s4+$0xFFFFFFD0]  }
0x180: {  	v17 =	vld [tilespmem:s4+$0xFFFFFFC0]  }
0x181: {  	v18 =	vld [tilespmem:s0+$0xFFFFFFC0]  }
0x182: {  	v19 =	vld [tilespmem:s0+$0xFFFFFFD0]  }
0x183: {  	v20 =	vld [tilespmem:s4+$0xFFFFFFE0]  }
0x184: {  	v21 =	vld [tilespmem:s0+$0xFFFFFFE0]  }
0x185: {  	v22 =	vld [tilespmem:s4+$0xFFFFFFF0]  }
0x186: {  	v17 =	vmul.f32 v17, v18;
	v18 =	vld [tilespmem:s0+$0xFFFFFFF0]  }
0x187: {  	v16 =	vmul.f32 v16, v19;
	_ =	sdelay $0x1  }
0x188: {  	v16 =	vadd.f32 v16, v17;
	v17 =	vmul.f32 v20, v21;
	_ =	sdelay $0x1  }
0x189: {  	v16 =	vadd.f32 v17, v16;
	v17 =	vmul.f32 v22, v18;
	_ =	sdelay $0x1  }
0x18a: {  	v16 =	vadd.f32 v17, v16;
	_ =	sdelay $0x1  }
0x18b: {  	[tilespmem:v7+s24+$0x0] =	vst.idx.msk $0xffff, v16  }
0x18c: {  	v16 =	vld [tilespmem:s4+$0x0]  }
0x18d: {  	v17 =	vld [tilespmem:s4+$0x10]  }
0x18e: {  	v18 =	vld [tilespmem:s0+$0x0]  }
0x18f: {  	v19 =	vld [tilespmem:s0+$0x10]  }
0x190: {  	v20 =	vld [tilespmem:s4+$0x20]  }
0x191: {  	v21 =	vld [tilespmem:s0+$0x20]  }
0x192: {  	v22 =	vld [tilespmem:s4+$0x30]  }
0x193: {  	v16 =	vmul.f32 v16, v18;
	v18 =	vld [tilespmem:s0+$0x30]  }
0x194: {  	v17 =	vmul.f32 v17, v19;
	_ =	sdelay $0x1  }
0x195: {  	v16 =	vadd.f32 v17, v16;
	v17 =	vmul.f32 v20, v21;
	_ =	sdelay $0x1  }
0x196: {  	v16 =	vadd.f32 v17, v16;
	v17 =	vmul.f32 v22, v18;
	_ =	sdelay $0x1  }
0x197: {  	v16 =	vadd.f32 v17, v16;
	_ =	sdelay $0x1  }
0x198: {  	[tilespmem:v8+s24+$0x0] =	vst.idx.msk $0xffff, v16  }
0x199: {  	v16 =	vld [tilespmem:s4+$0x40]  }
0x19a: {  	v17 =	vld [tilespmem:s4+$0x50]  }
0x19b: {  	v18 =	vld [tilespmem:s0+$0x40]  }
0x19c: {  	v19 =	vld [tilespmem:s0+$0x50]  }
0x19d: {  	v20 =	vld [tilespmem:s0+$0x60]  }
0x19e: {  	v21 =	vld [tilespmem:s4+$0x60]  }
0x19f: {  	v22 =	vld [tilespmem:s0+$0x70]  }
0x1a0: {  	v16 =	vmul.f32 v16, v18;
	v18 =	vld [tilespmem:s4+$0x70]  }
0x1a1: {  	v17 =	vmul.f32 v17, v19;
	_ =	sdelay $0x1  }
0x1a2: {  	v16 =	vadd.f32 v17, v16;
	v17 =	vmul.f32 v21, v20;
	_ =	sdelay $0x1  }
0x1a3: {  	v16 =	vadd.f32 v17, v16;
	v17 =	vmul.f32 v18, v22;
	_ =	sdelay $0x1  }
0x1a4: {  	v16 =	vadd.f32 v17, v16;
	_ =	sdelay $0x1  }
0x1a5: {  	[tilespmem:v9+s24+$0x0] =	vst.idx.msk $0xffff, v16  }
0x1a6: {  	v16 =	vld [tilespmem:s4+$0x80]  }
0x1a7: {  	v17 =	vld [tilespmem:s4+$0x90]  }
0x1a8: {  	v18 =	vld [tilespmem:s0+$0x80]  }
0x1a9: {  	v19 =	vld [tilespmem:s0+$0x90]  }
0x1aa: {  	v20 =	vld [tilespmem:s0+$0xA0]  }
0x1ab: {  	v21 =	vld [tilespmem:s4+$0xA0]  }
0x1ac: {  	v22 =	vld [tilespmem:s0+$0xB0]  }
0x1ad: {  	v16 =	vmul.f32 v16, v18;
	v18 =	vld [tilespmem:s4+$0xB0]  }
0x1ae: {  	v17 =	vmul.f32 v17, v19;
	_ =	sdelay $0x1  }
0x1af: {  	v16 =	vadd.f32 v17, v16;
	v17 =	vmul.f32 v21, v20;
	_ =	sdelay $0x1  }
0x1b0: {  	v16 =	vadd.f32 v17, v16;
	v17 =	vmul.f32 v18, v22;
	_ =	sdelay $0x1  }
0x1b1: {  	v16 =	vadd.f32 v17, v16;
	_ =	sdelay $0x1  }
0x1b2: {  	[tilespmem:v10+s24+$0x0] =	vst.idx.msk $0xffff, v16  }
0x1b3: {  	v16 =	vld [tilespmem:s4+$0xC0]  }
0x1b4: {  	v17 =	vld [tilespmem:s4+$0xD0]  }
0x1b5: {  	v18 =	vld [tilespmem:s0+$0xC0]  }
0x1b6: {  	v19 =	vld [tilespmem:s0+$0xD0]  }
0x1b7: {  	v20 =	vld [tilespmem:s0+$0xE0]  }
0x1b8: {  	v21 =	vld [tilespmem:s4+$0xE0]  }
0x1b9: {  	v22 =	vld [tilespmem:s0+$0xF0]  }
0x1ba: {  	v16 =	vmul.f32 v16, v18;
	v18 =	vld [tilespmem:s4+$0xF0]  }
0x1bb: {  	v17 =	vmul.f32 v17, v19;
	_ =	sdelay $0x1  }
0x1bc: {  	v16 =	vadd.f32 v17, v16;
	v17 =	vmul.f32 v21, v20;
	_ =	sdelay $0x1  }
0x1bd: {  	v16 =	vadd.f32 v17, v16;
	v17 =	vmul.f32 v18, v22;
	_ =	sdelay $0x1  }
0x1be: {  	v16 =	vadd.f32 v17, v16;
	_ =	sdelay $0x1  }
0x1bf: {  	[tilespmem:v11+s24+$0x0] =	vst.idx.msk $0xffff, v16  }
0x1c0: {  	v16 =	vld [tilespmem:s4+$0x100]  }
0x1c1: {  	v17 =	vld [tilespmem:s4+$0x110]  }
0x1c2: {  	v18 =	vld [tilespmem:s0+$0x100]  }
0x1c3: {  	v19 =	vld [tilespmem:s0+$0x110]  }
0x1c4: {  	v20 =	vld [tilespmem:s0+$0x120]  }
0x1c5: {  	v21 =	vld [tilespmem:s4+$0x120]  }
0x1c6: {  	v22 =	vld [tilespmem:s0+$0x130]  }
0x1c7: {  	v16 =	vmul.f32 v16, v18;
	v18 =	vld [tilespmem:s4+$0x130]  }
0x1c8: {  	v17 =	vmul.f32 v17, v19;
	_ =	sdelay $0x1  }
0x1c9: {  	v16 =	vadd.f32 v17, v16;
	v17 =	vmul.f32 v21, v20;
	_ =	sdelay $0x1  }
0x1ca: {  	v16 =	vadd.f32 v17, v16;
	v17 =	vmul.f32 v18, v22;
	_ =	sdelay $0x1  }
0x1cb: {  	v16 =	vadd.f32 v17, v16;
	_ =	sdelay $0x1  }
0x1cc: {  	[tilespmem:v12+s24+$0x0] =	vst.idx.msk $0xffff, v16  }
0x1cd: {  	v16 =	vld [tilespmem:s4+$0x140]  }
0x1ce: {  	v17 =	vld [tilespmem:s4+$0x150]  }
0x1cf: {  	v18 =	vld [tilespmem:s0+$0x140]  }
0x1d0: {  	v19 =	vld [tilespmem:s0+$0x150]  }
0x1d1: {  	v20 =	vld [tilespmem:s0+$0x160]  }
0x1d2: {  	v21 =	vld [tilespmem:s4+$0x160]  }
0x1d3: {  	v22 =	vld [tilespmem:s0+$0x170]  }
0x1d4: {  	v16 =	vmul.f32 v16, v18;
	v18 =	vld [tilespmem:s4+$0x170]  }
0x1d5: {  	v17 =	vmul.f32 v17, v19;
	_ =	sdelay $0x1  }
0x1d6: {  	v16 =	vadd.f32 v17, v16;
	v17 =	vmul.f32 v21, v20;
	_ =	sdelay $0x1  }
0x1d7: {  	v16 =	vadd.f32 v17, v16;
	v17 =	vmul.f32 v18, v22;
	_ =	sdelay $0x1  }
0x1d8: {  	v16 =	vadd.f32 v17, v16;
	_ =	sdelay $0x1  }
0x1d9: {  	[tilespmem:v13+s24+$0x0] =	vst.idx.msk $0xffff, v16  }
0x1da: {  	v16 =	vld [tilespmem:s4+$0x180]  }
0x1db: {  	v17 =	vld [tilespmem:s4+$0x190]  }
0x1dc: {  	v18 =	vld [tilespmem:s0+$0x190]  }
0x1dd: {  	v19 =	vld [tilespmem:s0+$0x180]  }
0x1de: {  	v20 =	vld [tilespmem:s0+$0x1A0]  }
0x1df: {  	v21 =	vld [tilespmem:s4+$0x1A0]  }
0x1e0: {  	v22 =	vld [tilespmem:s0+$0x1B0]  }
0x1e1: {  	v17 =	vmul.f32 v17, v18;
	v18 =	vld [tilespmem:s4+$0x1B0]  }
0x1e2: {  	v16 =	vmul.f32 v16, v19;
	_ =	sdelay $0x1  }
0x1e3: {  	v16 =	vadd.f32 v17, v16;
	v17 =	vmul.f32 v21, v20;
	_ =	sdelay $0x1  }
0x1e4: {  	v16 =	vadd.f32 v17, v16;
	v17 =	vmul.f32 v18, v22;
	_ =	sdelay $0x1  }
0x1e5: {  	v16 =	vadd.f32 v17, v16;
	_ =	sdelay $0x1  }
0x1e6: {  	[tilespmem:v14+s24+$0x0] =	vst.idx.msk $0xffff, v16  }
0x1e7: {  	v16 =	vld [tilespmem:s0+$0x1C0]  }
0x1e8: {  	v17 =	vld [tilespmem:s4+$0x1C0]  }
0x1e9: {  	v18 =	vld [tilespmem:s4+$0x1D0]  }
0x1ea: {  	v19 =	vld [tilespmem:s0+$0x1D0]  }
0x1eb: {  	v20 =	vld [tilespmem:s0+$0x1E0]  }
0x1ec: {  	v21 =	vld [tilespmem:s4+$0x1E0]  }
.Ltmp0:
0x1ed: {  	v22 =	vmul.f32 v17, v16;
	v16 =	vld [tilespmem:s0+$0x1F0];
	(pc) =	sbr.rel @p0 .LBB2_2-.Ltmp0, $3  }
0x1ee: {  	v17 =	vld [tilespmem:s4+$0x1F0]  }
0x1ef: {  	v18 =	vmul.f32 v18, v19;
	_ =	sdelay $0x1  }
0x1f0: {  	v18 =	vadd.f32 v18, v22;
	v19 =	vmul.f32 v21, v20  }
0x1f1: {  	_ = 	snop  }
0x1f2: {  	v18 =	vadd.f32 v19, v18;
	v16 =	vmul.f32 v17, v16;
	_ =	sdelay $0x1  }
0x1f3: {  	v16 =	vadd.f32 v16, v18;
	_ =	sdelay $0x1  }
0x1f4: {  	[tilespmem:v15+s24+$0x0] =	vst.idx.msk $0xffff, v16  }
0x1f5: {  	v16 =	vld [tilespmem:$0x8800]  }
0x1f6: {  	v17 =	vld [tilespmem:$0x8811];
	_ =	sdelay $0x1  }
0x1f7: {  	v18 =	vld [tilespmem:$0x8822];
	_ =	sdelay $0x1  }
0x1f8: {  	v19 =	vld [tilespmem:$0x8833]  }
0x1f9: {  	v16 =	vadd.f32 v17, v16  }
0x1fa: {  	v17 =	vld [tilespmem:$0x8844]  }
0x1fb: {  	v16 =	vadd.f32 v18, v16  }
0x1fc: {  	v18 =	vld [tilespmem:$0x8855]  }
0x1fd: {  	v16 =	vadd.f32 v19, v16  }
0x1fe: {  	v19 =	vld [tilespmem:$0x8866]  }
0x1ff: {  	v16 =	vadd.f32 v17, v16  }
0x200: {  	v17 =	vld [tilespmem:$0x8877]  }
0x201: {  	v16 =	vadd.f32 v18, v16  }
0x202: {  	v18 =	vld [tilespmem:$0x8888]  }
0x203: {  	v16 =	vadd.f32 v19, v16  }
0x204: {  	v19 =	vld [tilespmem:$0x8899]  }
0x205: {  	v16 =	vadd.f32 v17, v16  }
0x206: {  	v17 =	vld [tilespmem:$0x88AA]  }
0x207: {  	v16 =	vadd.f32 v18, v16  }
0x208: {  	v18 =	vld [tilespmem:$0x88BB]  }
0x209: {  	v16 =	vadd.f32 v19, v16  }
0x20a: {  	v19 =	vld [tilespmem:$0x88CC]  }
0x20b: {  	v16 =	vadd.f32 v17, v16  }
0x20c: {  	v17 =	vld [tilespmem:$0x88DD]  }
0x20d: {  	v16 =	vadd.f32 v18, v16  }
0x20e: {  	v18 =	vld [tilespmem:$0x88EE]  }
0x20f: {  	v16 =	vadd.f32 v19, v16  }
0x210: {  	v19 =	vld [tilespmem:$0x88FF]  }
0x211: {  	s0 =	sshra.s32 s30, $0x2;
	v16 =	vadd.f32 v17, v16  }
0x212: {  	v17 =	vld [tilespmem:s0+$0x8400]  }
0x213: {  	v16 =	vadd.f32 v18, v16  }
0x214: {  	v18 =	vld [tilespmem:s0+$0x8500]  }
0x215: {  	v16 =	vadd.f32 v19, v16;
	_ =	sdelay $0x1  }
0x216: {  	v16 =	vadd.f32 v17, v16;
	_ =	sdelay $0x1  }
0x217: {  	v16 =	vadd.f32 v18, v16;
	_ =	sdelay $0x1  }
0x218: {  	s14 =	simm.s32 $0x400;
	[tilespmem:s0+$0x8600] =	vst v16  }
0x219: {  	[tilespmem:s14], [sflag:$0x1] =	stream.indirect.gather [hbm4b:s5+s13], $0x40, s25, s13, $0xb8;
	[tilespmem:$0x8910] =	vst v63  }
0x21a: {  	s15 =	simm.s32 $0x4400  }
0x21b: {  	[tilespmem:s15], [sflag:$0x1] =	stream.indirect.gather [hbm4b:s6+s13], $0x40, s26, s13, $0xb8;
	[tilespmem:$0x8910] =	vst v63  }
0x21c: {  	s16 =	simm.s32 $0x8400  }
0x21d: {  	[tilespmem:s16], [sflag:$0x1] =	stream.indirect.gather [hbm4b:s1+s13], $0x1, s25, s13, $0xb8;
	[tilespmem:$0x8910] =	vst v63  }
0x21e: {  	_ = 	snop  }
0x21f: {  	[tilespmem:s17], [sflag:$0x1] =	stream.indirect.gather [hbm4b:s2+s13], $0x1, s26, s13, $0xb8;
	[tilespmem:$0x8910] =	vst v63  }
0x220: {  	_ =	swait.ge [sflag:s23], $0x2000  }
0x221: {  	[sflag:s23] =	ssyncset.done $0x0  }
0x222: {  	[sflag:s23] =	ssyncadd.s32 $0xFFFFE000  }
0x223: {  	_ =	swait.ge [sflag:s23], $0x2000  }
0x224: {  	[sflag:s23] =	ssyncset.done $0x0  }
0x225: {  	[sflag:s23] =	ssyncadd.s32 $0xFFFFE000  }
0x226: {  	_ =	swait.ge [sflag:s23], $0x80  }
0x227: {  	[sflag:s23] =	ssyncset.done $0x0  }
0x228: {  	[sflag:s23] =	ssyncadd.s32 $0xFFFFFF80  }
0x229: {  	_ =	swait.ge [sflag:s23], $0x80  }
0x22a: {  	[sflag:s23] =	ssyncset.done $0x0  }
0x22b: {  	s0 =	simm.s32 $0x27F0;
	[sflag:s23] =	ssyncadd.s32 $0xFFFFFF80  }
0x22c: {  	s4 =	simm.s32 $0x67F0;
	v16 =	vld [tilespmem:s0+$0xFFFFFC10]  }
0x22d: {  	v17 =	vld [tilespmem:s4+$0xFFFFFC20]  }
0x22e: {  	v18 =	vld [tilespmem:s0+$0xFFFFFC20]  }
0x22f: {  	v19 =	vld [tilespmem:s4+$0xFFFFFC10]  }
0x230: {  	v20 =	vld [tilespmem:s4+$0xFFFFFC30]  }
0x231: {  	v21 =	vld [tilespmem:s0+$0xFFFFFC30]  }
0x232: {  	v22 =	vld [tilespmem:s4+$0xFFFFFC40]  }
0x233: {  	v23 =	vld [tilespmem:s0+$0xFFFFFC40]  }
0x234: {  	v17 =	vmul.f32 v17, v18;
	v16 =	vmul.f32 v19, v16;
	_ =	sdelay $0x1  }
0x235: {  	v16 =	vadd.f32 v17, v16;
	v17 =	vmul.f32 v20, v21;
	_ =	sdelay $0x1  }
0x236: {  	v16 =	vadd.f32 v17, v16;
	v17 =	vmul.f32 v22, v23;
	_ =	sdelay $0x1  }
0x237: {  	v16 =	vadd.f32 v17, v16;
	_ =	sdelay $0x1  }
0x238: {  	[tilespmem:v0+s24+$0x0] =	vst.idx.msk $0xffff, v16  }
0x239: {  	v16 =	vld [tilespmem:s4+$0xFFFFFC60]  }
0x23a: {  	v17 =	vld [tilespmem:s0+$0xFFFFFC50]  }
0x23b: {  	v18 =	vld [tilespmem:s0+$0xFFFFFC60]  }
0x23c: {  	v19 =	vld [tilespmem:s4+$0xFFFFFC50]  }
0x23d: {  	v20 =	vld [tilespmem:s4+$0xFFFFFC70]  }
0x23e: {  	v60 =	vld [tilespmem:s0+$0xFFFFFC70]  }
0x23f: {  	v61 =	vld [tilespmem:s4+$0xFFFFFC80]  }
0x240: {  	v62 =	vld [tilespmem:s0+$0xFFFFFC80]  }
0x241: {  	v16 =	vmul.f32 v16, v18;
	v17 =	vmul.f32 v19, v17;
	_ =	sdelay $0x1  }
0x242: {  	v16 =	vadd.f32 v16, v17;
	v17 =	vmul.f32 v20, v60;
	_ =	sdelay $0x1  }
0x243: {  	v16 =	vadd.f32 v17, v16;
	v17 =	vmul.f32 v61, v62;
	_ =	sdelay $0x1  }
0x244: {  	v16 =	vadd.f32 v17, v16;
	_ =	sdelay $0x1  }
0x245: {  	[tilespmem:v1+s24+$0x0] =	vst.idx.msk $0xffff, v16  }
0x246: {  	v16 =	vld [tilespmem:s0+$0xFFFFFC90]  }
0x247: {  	v17 =	vld [tilespmem:s4+$0xFFFFFC90]  }
0x248: {  	v18 =	vld [tilespmem:s4+$0xFFFFFCA0]  }
0x249: {  	v19 =	vld [tilespmem:s0+$0xFFFFFCA0]  }
0x24a: {  	v20 =	vld [tilespmem:s4+$0xFFFFFCB0]  }
0x24b: {  	v63 =	vld [tilespmem:s0+$0xFFFFFCB0]  }
0x24c: {  	v24 =	vld [tilespmem:s4+$0xFFFFFCC0]  }
0x24d: {  	v25 =	vld [tilespmem:s0+$0xFFFFFCC0]  }
0x24e: {  	v16 =	vmul.f32 v17, v16;
	v17 =	vmul.f32 v18, v19;
	_ =	sdelay $0x1  }
0x24f: {  	v16 =	vadd.f32 v17, v16;
	v17 =	vmul.f32 v20, v63;
	_ =	sdelay $0x1  }
0x250: {  	v16 =	vadd.f32 v17, v16;
	v17 =	vmul.f32 v24, v25;
	_ =	sdelay $0x1  }
0x251: {  	v16 =	vadd.f32 v17, v16;
	_ =	sdelay $0x1  }
0x252: {  	[tilespmem:v2+s24+$0x0] =	vst.idx.msk $0xffff, v16  }
0x253: {  	v16 =	vld [tilespmem:s4+$0xFFFFFCD0]  }
0x254: {  	v17 =	vld [tilespmem:s0+$0xFFFFFCD0]  }
0x255: {  	v18 =	vld [tilespmem:s0+$0xFFFFFCE0]  }
0x256: {  	v19 =	vld [tilespmem:s4+$0xFFFFFCE0]  }
0x257: {  	v20 =	vld [tilespmem:s4+$0xFFFFFCF0]  }
0x258: {  	v26 =	vld [tilespmem:s0+$0xFFFFFCF0]  }
0x259: {  	v27 =	vld [tilespmem:s4+$0xFFFFFD00]  }
0x25a: {  	v28 =	vld [tilespmem:s0+$0xFFFFFD00]  }
0x25b: {  	v16 =	vmul.f32 v16, v17;
	v17 =	vmul.f32 v19, v18;
	_ =	sdelay $0x1  }
0x25c: {  	v16 =	vadd.f32 v17, v16;
	v17 =	vmul.f32 v20, v26;
	_ =	sdelay $0x1  }
0x25d: {  	v16 =	vadd.f32 v17, v16;
	v17 =	vmul.f32 v27, v28;
	_ =	sdelay $0x1  }
0x25e: {  	v16 =	vadd.f32 v17, v16;
	_ =	sdelay $0x1  }
0x25f: {  	[tilespmem:v3+s24+$0x0] =	vst.idx.msk $0xffff, v16  }
0x260: {  	v16 =	vld [tilespmem:s4+$0xFFFFFD20]  }
0x261: {  	v17 =	vld [tilespmem:s0+$0xFFFFFD10]  }
0x262: {  	v18 =	vld [tilespmem:s4+$0xFFFFFD10]  }
0x263: {  	v19 =	vld [tilespmem:s0+$0xFFFFFD20]  }
0x264: {  	v20 =	vld [tilespmem:s4+$0xFFFFFD30]  }
0x265: {  	v29 =	vld [tilespmem:s0+$0xFFFFFD30]  }
0x266: {  	v30 =	vld [tilespmem:s4+$0xFFFFFD40]  }
0x267: {  	v31 =	vld [tilespmem:s0+$0xFFFFFD40]  }
0x268: {  	v17 =	vmul.f32 v18, v17;
	v16 =	vmul.f32 v16, v19;
	_ =	sdelay $0x1  }
0x269: {  	v16 =	vadd.f32 v16, v17;
	v17 =	vmul.f32 v20, v29;
	_ =	sdelay $0x1  }
0x26a: {  	v16 =	vadd.f32 v17, v16;
	v17 =	vmul.f32 v30, v31;
	_ =	sdelay $0x1  }
0x26b: {  	v16 =	vadd.f32 v17, v16;
	_ =	sdelay $0x1  }
0x26c: {  	[tilespmem:v4+s24+$0x0] =	vst.idx.msk $0xffff, v16  }
0x26d: {  	v16 =	vld [tilespmem:s4+$0xFFFFFD60]  }
0x26e: {  	v17 =	vld [tilespmem:s0+$0xFFFFFD50]  }
0x26f: {  	v18 =	vld [tilespmem:s4+$0xFFFFFD50]  }
0x270: {  	v19 =	vld [tilespmem:s0+$0xFFFFFD60]  }
0x271: {  	v20 =	vld [tilespmem:s4+$0xFFFFFD70]  }
0x272: {  	v32 =	vld [tilespmem:s0+$0xFFFFFD70]  }
0x273: {  	v33 =	vld [tilespmem:s4+$0xFFFFFD80]  }
0x274: {  	v34 =	vld [tilespmem:s0+$0xFFFFFD80]  }
0x275: {  	v17 =	vmul.f32 v18, v17;
	v16 =	vmul.f32 v16, v19;
	_ =	sdelay $0x1  }
0x276: {  	v16 =	vadd.f32 v16, v17;
	v17 =	vmul.f32 v20, v32;
	_ =	sdelay $0x1  }
0x277: {  	v16 =	vadd.f32 v17, v16;
	v17 =	vmul.f32 v33, v34;
	_ =	sdelay $0x1  }
0x278: {  	v16 =	vadd.f32 v17, v16;
	_ =	sdelay $0x1  }
0x279: {  	[tilespmem:v5+s24+$0x0] =	vst.idx.msk $0xffff, v16  }
0x27a: {  	v16 =	vld [tilespmem:s4+$0xFFFFFD90]  }
0x27b: {  	v17 =	vld [tilespmem:s4+$0xFFFFFDA0]  }
0x27c: {  	v18 =	vld [tilespmem:s0+$0xFFFFFDA0]  }
0x27d: {  	v19 =	vld [tilespmem:s0+$0xFFFFFD90]  }
0x27e: {  	v20 =	vld [tilespmem:s4+$0xFFFFFDB0]  }
0x27f: {  	v35 =	vld [tilespmem:s0+$0xFFFFFDB0]  }
0x280: {  	v36 =	vld [tilespmem:s4+$0xFFFFFDC0]  }
0x281: {  	v37 =	vld [tilespmem:s0+$0xFFFFFDC0]  }
0x282: {  	v17 =	vmul.f32 v17, v18;
	v16 =	vmul.f32 v16, v19;
	_ =	sdelay $0x1  }
0x283: {  	v16 =	vadd.f32 v17, v16;
	v17 =	vmul.f32 v20, v35;
	_ =	sdelay $0x1  }
0x284: {  	v16 =	vadd.f32 v17, v16;
	v17 =	vmul.f32 v36, v37;
	_ =	sdelay $0x1  }
0x285: {  	v16 =	vadd.f32 v17, v16;
	_ =	sdelay $0x1  }
0x286: {  	[tilespmem:v6+s24+$0x0] =	vst.idx.msk $0xffff, v16  }
0x287: {  	v16 =	vld [tilespmem:s4+$0xFFFFFDE0]  }
0x288: {  	v17 =	vld [tilespmem:s4+$0xFFFFFDD0]  }
0x289: {  	v18 =	vld [tilespmem:s0+$0xFFFFFDD0]  }
0x28a: {  	v19 =	vld [tilespmem:s0+$0xFFFFFDE0]  }
0x28b: {  	v20 =	vld [tilespmem:s4+$0xFFFFFDF0]  }
0x28c: {  	v38 =	vld [tilespmem:s0+$0xFFFFFDF0]  }
0x28d: {  	v39 =	vld [tilespmem:s4+$0xFFFFFE00]  }
0x28e: {  	v40 =	vld [tilespmem:s0+$0xFFFFFE00]  }
0x28f: {  	v17 =	vmul.f32 v17, v18;
	v16 =	vmul.f32 v16, v19;
	_ =	sdelay $0x1  }
0x290: {  	v16 =	vadd.f32 v16, v17;
	v17 =	vmul.f32 v20, v38;
	_ =	sdelay $0x1  }
0x291: {  	v16 =	vadd.f32 v17, v16;
	v17 =	vmul.f32 v39, v40;
	_ =	sdelay $0x1  }
0x292: {  	v16 =	vadd.f32 v17, v16;
	_ =	sdelay $0x1  }
0x293: {  	[tilespmem:v7+s24+$0x0] =	vst.idx.msk $0xffff, v16  }
0x294: {  	v16 =	vld [tilespmem:s4+$0xFFFFFE10]  }
0x295: {  	v17 =	vld [tilespmem:s4+$0xFFFFFE20]  }
0x296: {  	v18 =	vld [tilespmem:s0+$0xFFFFFE10]  }
0x297: {  	v19 =	vld [tilespmem:s0+$0xFFFFFE20]  }
0x298: {  	v20 =	vld [tilespmem:s4+$0xFFFFFE30]  }
0x299: {  	v41 =	vld [tilespmem:s0+$0xFFFFFE30]  }
0x29a: {  	v42 =	vld [tilespmem:s4+$0xFFFFFE40]  }
0x29b: {  	v43 =	vld [tilespmem:s0+$0xFFFFFE40]  }
0x29c: {  	v16 =	vmul.f32 v16, v18;
	v17 =	vmul.f32 v17, v19;
	_ =	sdelay $0x1  }
0x29d: {  	v16 =	vadd.f32 v17, v16;
	v17 =	vmul.f32 v20, v41;
	_ =	sdelay $0x1  }
0x29e: {  	v16 =	vadd.f32 v17, v16;
	v17 =	vmul.f32 v42, v43;
	_ =	sdelay $0x1  }
0x29f: {  	v16 =	vadd.f32 v17, v16;
	_ =	sdelay $0x1  }
0x2a0: {  	[tilespmem:v8+s24+$0x0] =	vst.idx.msk $0xffff, v16  }
0x2a1: {  	v16 =	vld [tilespmem:s4+$0xFFFFFE50]  }
0x2a2: {  	v17 =	vld [tilespmem:s4+$0xFFFFFE60]  }
0x2a3: {  	v18 =	vld [tilespmem:s0+$0xFFFFFE50]  }
0x2a4: {  	v19 =	vld [tilespmem:s0+$0xFFFFFE60]  }
0x2a5: {  	v20 =	vld [tilespmem:s0+$0xFFFFFE70]  }
0x2a6: {  	v44 =	vld [tilespmem:s4+$0xFFFFFE70]  }
0x2a7: {  	v45 =	vld [tilespmem:s0+$0xFFFFFE80]  }
0x2a8: {  	v46 =	vld [tilespmem:s4+$0xFFFFFE80]  }
0x2a9: {  	v16 =	vmul.f32 v16, v18;
	v17 =	vmul.f32 v17, v19;
	_ =	sdelay $0x1  }
0x2aa: {  	v16 =	vadd.f32 v17, v16;
	v17 =	vmul.f32 v44, v20;
	_ =	sdelay $0x1  }
0x2ab: {  	v16 =	vadd.f32 v17, v16;
	v17 =	vmul.f32 v46, v45;
	_ =	sdelay $0x1  }
0x2ac: {  	v16 =	vadd.f32 v17, v16;
	_ =	sdelay $0x1  }
0x2ad: {  	[tilespmem:v9+s24+$0x0] =	vst.idx.msk $0xffff, v16  }
0x2ae: {  	v16 =	vld [tilespmem:s4+$0xFFFFFE90]  }
0x2af: {  	v17 =	vld [tilespmem:s4+$0xFFFFFEA0]  }
0x2b0: {  	v18 =	vld [tilespmem:s0+$0xFFFFFE90]  }
0x2b1: {  	v19 =	vld [tilespmem:s0+$0xFFFFFEA0]  }
0x2b2: {  	v20 =	vld [tilespmem:s0+$0xFFFFFEB0]  }
0x2b3: {  	v47 =	vld [tilespmem:s4+$0xFFFFFEB0]  }
0x2b4: {  	v48 =	vld [tilespmem:s0+$0xFFFFFEC0]  }
0x2b5: {  	v49 =	vld [tilespmem:s4+$0xFFFFFEC0]  }
0x2b6: {  	v16 =	vmul.f32 v16, v18;
	v17 =	vmul.f32 v17, v19;
	_ =	sdelay $0x1  }
0x2b7: {  	v16 =	vadd.f32 v17, v16;
	v17 =	vmul.f32 v47, v20;
	_ =	sdelay $0x1  }
0x2b8: {  	v16 =	vadd.f32 v17, v16;
	v17 =	vmul.f32 v49, v48;
	_ =	sdelay $0x1  }
0x2b9: {  	v16 =	vadd.f32 v17, v16;
	_ =	sdelay $0x1  }
0x2ba: {  	[tilespmem:v10+s24+$0x0] =	vst.idx.msk $0xffff, v16  }
0x2bb: {  	v16 =	vld [tilespmem:s4+$0xFFFFFED0]  }
0x2bc: {  	v17 =	vld [tilespmem:s4+$0xFFFFFEE0]  }
0x2bd: {  	v18 =	vld [tilespmem:s0+$0xFFFFFED0]  }
0x2be: {  	v19 =	vld [tilespmem:s0+$0xFFFFFEE0]  }
0x2bf: {  	v20 =	vld [tilespmem:s0+$0xFFFFFEF0]  }
0x2c0: {  	v50 =	vld [tilespmem:s4+$0xFFFFFEF0]  }
0x2c1: {  	v51 =	vld [tilespmem:s0+$0xFFFFFF00]  }
0x2c2: {  	v52 =	vld [tilespmem:s4+$0xFFFFFF00]  }
0x2c3: {  	v16 =	vmul.f32 v16, v18;
	v17 =	vmul.f32 v17, v19;
	_ =	sdelay $0x1  }
0x2c4: {  	v16 =	vadd.f32 v17, v16;
	v17 =	vmul.f32 v50, v20;
	_ =	sdelay $0x1  }
0x2c5: {  	v16 =	vadd.f32 v17, v16;
	v17 =	vmul.f32 v52, v51;
	_ =	sdelay $0x1  }
0x2c6: {  	v16 =	vadd.f32 v17, v16;
	_ =	sdelay $0x1  }
0x2c7: {  	[tilespmem:v11+s24+$0x0] =	vst.idx.msk $0xffff, v16  }
0x2c8: {  	v16 =	vld [tilespmem:s4+$0xFFFFFF10]  }
0x2c9: {  	v17 =	vld [tilespmem:s4+$0xFFFFFF20]  }
0x2ca: {  	v18 =	vld [tilespmem:s0+$0xFFFFFF10]  }
0x2cb: {  	v19 =	vld [tilespmem:s0+$0xFFFFFF20]  }
0x2cc: {  	v20 =	vld [tilespmem:s0+$0xFFFFFF30]  }
0x2cd: {  	v53 =	vld [tilespmem:s4+$0xFFFFFF30]  }
0x2ce: {  	v54 =	vld [tilespmem:s0+$0xFFFFFF40]  }
0x2cf: {  	v55 =	vld [tilespmem:s4+$0xFFFFFF40]  }
0x2d0: {  	v16 =	vmul.f32 v16, v18;
	v17 =	vmul.f32 v17, v19;
	_ =	sdelay $0x1  }
0x2d1: {  	v16 =	vadd.f32 v17, v16;
	v17 =	vmul.f32 v53, v20;
	_ =	sdelay $0x1  }
0x2d2: {  	v16 =	vadd.f32 v17, v16;
	v17 =	vmul.f32 v55, v54;
	_ =	sdelay $0x1  }
0x2d3: {  	v16 =	vadd.f32 v17, v16;
	_ =	sdelay $0x1  }
0x2d4: {  	[tilespmem:v12+s24+$0x0] =	vst.idx.msk $0xffff, v16  }
0x2d5: {  	v16 =	vld [tilespmem:s4+$0xFFFFFF50]  }
0x2d6: {  	v17 =	vld [tilespmem:s4+$0xFFFFFF60]  }
0x2d7: {  	v18 =	vld [tilespmem:s0+$0xFFFFFF50]  }
0x2d8: {  	v19 =	vld [tilespmem:s0+$0xFFFFFF60]  }
0x2d9: {  	v20 =	vld [tilespmem:s0+$0xFFFFFF70]  }
0x2da: {  	v56 =	vld [tilespmem:s4+$0xFFFFFF70]  }
0x2db: {  	v57 =	vld [tilespmem:s0+$0xFFFFFF80]  }
0x2dc: {  	v58 =	vld [tilespmem:s4+$0xFFFFFF80]  }
0x2dd: {  	v16 =	vmul.f32 v16, v18;
	v17 =	vmul.f32 v17, v19;
	_ =	sdelay $0x1  }
0x2de: {  	v16 =	vadd.f32 v17, v16;
	v17 =	vmul.f32 v56, v20;
	_ =	sdelay $0x1  }
0x2df: {  	v16 =	vadd.f32 v17, v16;
	v17 =	vmul.f32 v58, v57;
	_ =	sdelay $0x1  }
0x2e0: {  	v16 =	vadd.f32 v17, v16;
	_ =	sdelay $0x1  }
0x2e1: {  	[tilespmem:v13+s24+$0x0] =	vst.idx.msk $0xffff, v16  }
0x2e2: {  	v16 =	vld [tilespmem:s4+$0xFFFFFF90]  }
0x2e3: {  	v17 =	vld [tilespmem:s4+$0xFFFFFFA0]  }
0x2e4: {  	v18 =	vld [tilespmem:s0+$0xFFFFFFA0]  }
0x2e5: {  	v19 =	vld [tilespmem:s0+$0xFFFFFF90]  }
0x2e6: {  	v20 =	vld [tilespmem:s0+$0xFFFFFFB0]  }
0x2e7: {  	v59 =	vld [tilespmem:s4+$0xFFFFFFB0]  }
0x2e8: {  	v60 =	vld [tilespmem:s0+$0xFFFFFFC0]  }
0x2e9: {  	v61 =	vld [tilespmem:s4+$0xFFFFFFC0]  }
0x2ea: {  	v17 =	vmul.f32 v17, v18;
	v16 =	vmul.f32 v16, v19;
	_ =	sdelay $0x1  }
0x2eb: {  	v16 =	vadd.f32 v17, v16;
	v17 =	vmul.f32 v59, v20;
	_ =	sdelay $0x1  }
0x2ec: {  	v16 =	vadd.f32 v17, v16;
	v17 =	vmul.f32 v61, v60;
	_ =	sdelay $0x1  }
0x2ed: {  	v16 =	vadd.f32 v17, v16;
	_ =	sdelay $0x1  }
0x2ee: {  	[tilespmem:v14+s24+$0x0] =	vst.idx.msk $0xffff, v16  }
0x2ef: {  	v16 =	vld [tilespmem:s0+$0xFFFFFFD0]  }
0x2f0: {  	v17 =	vld [tilespmem:s4+$0xFFFFFFD0]  }
0x2f1: {  	v18 =	vld [tilespmem:s4+$0xFFFFFFE0]  }
0x2f2: {  	v19 =	vld [tilespmem:s0+$0xFFFFFFE0]  }
0x2f3: {  	v20 =	vld [tilespmem:s0+$0xFFFFFFF0]  }
0x2f4: {  	v62 =	vld [tilespmem:s4+$0xFFFFFFF0]  }
0x2f5: {  	v63 =	vmul.f32 v17, v16;
	v16 =	vld [tilespmem:s0+$0x0]  }
0x2f6: {  	v17 =	vld [tilespmem:s4+$0x0]  }
0x2f7: {  	v18 =	vmul.f32 v18, v19;
	_ =	sdelay $0x1  }
0x2f8: {  	s30 =	simm.s32 $0x0;
	s14 =	simm.s32 $0x40;
	v19 =	vmul.f32 v62, v20;
	v18 =	vadd.f32 v18, v63  }
.LBB2_4:
0x2f9: {  	p0 =	sne.s32 s14, $0x1C0;
	s4 =	sadd.s32 $0x400, s4;
	s0 =	sadd.s32 $0x400, s0  }
0x2fa: {  	s15 =	smov.u32 s14;
	s14 =	sadd.s32 $0x40, s14;
	v18 =	vadd.f32 v19, v18;
	v16 =	vmul.f32 v17, v16;
	_ =	sdelay $0x1  }
0x2fb: {  	v16 =	vadd.f32 v16, v18;
	_ =	sdelay $0x1  }
0x2fc: {  	[tilespmem:v15+s24+$0x0] =	vst.idx.msk $0xffff, v16  }
0x2fd: {  	v16 =	vld [tilespmem:$0x8800]  }
0x2fe: {  	v17 =	vld [tilespmem:$0x8811]  }
0x2ff: {  	v18 =	vld [tilespmem:$0x8822]  }
0x300: {  	v19 =	vld [tilespmem:$0x8833]  }
0x301: {  	v20 =	vld [tilespmem:$0x8844]  }
0x302: {  	v21 =	vld [tilespmem:$0x8855]  }
0x303: {  	v16 =	vadd.f32 v17, v16;
	v17 =	vld [tilespmem:$0x8866]  }
0x304: {  	v22 =	vld [tilespmem:$0x8877]  }
0x305: {  	v16 =	vadd.f32 v18, v16;
	v18 =	vld [tilespmem:$0x8888]  }
0x306: {  	v23 =	vld [tilespmem:$0x8899]  }
0x307: {  	v16 =	vadd.f32 v19, v16;
	v19 =	vld [tilespmem:$0x88AA]  }
0x308: {  	v24 =	vld [tilespmem:$0x88BB]  }
0x309: {  	v16 =	vadd.f32 v20, v16;
	v20 =	vld [tilespmem:$0x88CC]  }
0x30a: {  	v25 =	vld [tilespmem:$0x88DD]  }
0x30b: {  	v16 =	vadd.f32 v21, v16;
	v21 =	vld [tilespmem:$0x88EE]  }
0x30c: {  	s16 =	sshra.s32 s30, $0x2;
	s30 =	smov.u32 s15;
	v26 =	vld [tilespmem:$0x88FF]  }
0x30d: {  	v16 =	vadd.f32 v17, v16;
	v17 =	vld [tilespmem:s16+$0x8480]  }
0x30e: {  	v27 =	vld [tilespmem:s16+$0x8580]  }
0x30f: {  	v16 =	vadd.f32 v22, v16;
	_ =	sdelay $0x1  }
0x310: {  	v16 =	vadd.f32 v18, v16;
	_ =	sdelay $0x1  }
0x311: {  	v16 =	vadd.f32 v23, v16;
	_ =	sdelay $0x1  }
0x312: {  	v16 =	vadd.f32 v19, v16;
	_ =	sdelay $0x1  }
0x313: {  	v16 =	vadd.f32 v24, v16;
	_ =	sdelay $0x1  }
0x314: {  	v16 =	vadd.f32 v20, v16;
	_ =	sdelay $0x1  }
0x315: {  	v16 =	vadd.f32 v25, v16;
	_ =	sdelay $0x1  }
0x316: {  	v16 =	vadd.f32 v21, v16;
	_ =	sdelay $0x1  }
0x317: {  	v16 =	vadd.f32 v26, v16;
	_ =	sdelay $0x1  }
0x318: {  	v16 =	vadd.f32 v17, v16;
	_ =	sdelay $0x1  }
0x319: {  	v16 =	vadd.f32 v27, v16;
	_ =	sdelay $0x1  }
0x31a: {  	[tilespmem:s16+$0x8680] =	vst v16  }
0x31b: {  	v16 =	vld [tilespmem:s0+$0xFFFFFC10]  }
0x31c: {  	v17 =	vld [tilespmem:s4+$0xFFFFFC20]  }
0x31d: {  	v18 =	vld [tilespmem:s0+$0xFFFFFC20]  }
0x31e: {  	v19 =	vld [tilespmem:s4+$0xFFFFFC10]  }
0x31f: {  	v20 =	vld [tilespmem:s4+$0xFFFFFC30]  }
0x320: {  	v21 =	vld [tilespmem:s0+$0xFFFFFC30]  }
0x321: {  	v22 =	vld [tilespmem:s4+$0xFFFFFC40]  }
0x322: {  	v17 =	vmul.f32 v17, v18;
	v18 =	vld [tilespmem:s0+$0xFFFFFC40]  }
0x323: {  	v16 =	vmul.f32 v19, v16;
	_ =	sdelay $0x1  }
0x324: {  	v16 =	vadd.f32 v17, v16;
	v17 =	vmul.f32 v20, v21;
	_ =	sdelay $0x1  }
0x325: {  	v16 =	vadd.f32 v17, v16;
	v17 =	vmul.f32 v22, v18;
	_ =	sdelay $0x1  }
0x326: {  	v16 =	vadd.f32 v17, v16;
	_ =	sdelay $0x1  }
0x327: {  	[tilespmem:v0+s24+$0x0] =	vst.idx.msk $0xffff, v16  }
0x328: {  	v16 =	vld [tilespmem:s4+$0xFFFFFC60]  }
0x329: {  	v17 =	vld [tilespmem:s0+$0xFFFFFC50]  }
0x32a: {  	v18 =	vld [tilespmem:s0+$0xFFFFFC60]  }
0x32b: {  	v19 =	vld [tilespmem:s4+$0xFFFFFC50]  }
0x32c: {  	v20 =	vld [tilespmem:s4+$0xFFFFFC70]  }
0x32d: {  	v21 =	vld [tilespmem:s0+$0xFFFFFC70]  }
0x32e: {  	v22 =	vld [tilespmem:s4+$0xFFFFFC80]  }
0x32f: {  	v16 =	vmul.f32 v16, v18;
	v18 =	vld [tilespmem:s0+$0xFFFFFC80]  }
0x330: {  	v17 =	vmul.f32 v19, v17;
	_ =	sdelay $0x1  }
0x331: {  	v16 =	vadd.f32 v16, v17;
	v17 =	vmul.f32 v20, v21;
	_ =	sdelay $0x1  }
0x332: {  	v16 =	vadd.f32 v17, v16;
	v17 =	vmul.f32 v22, v18;
	_ =	sdelay $0x1  }
0x333: {  	v16 =	vadd.f32 v17, v16;
	_ =	sdelay $0x1  }
0x334: {  	[tilespmem:v1+s24+$0x0] =	vst.idx.msk $0xffff, v16  }
0x335: {  	v16 =	vld [tilespmem:s0+$0xFFFFFC90]  }
0x336: {  	v17 =	vld [tilespmem:s4+$0xFFFFFC90]  }
0x337: {  	v18 =	vld [tilespmem:s4+$0xFFFFFCA0]  }
0x338: {  	v19 =	vld [tilespmem:s0+$0xFFFFFCA0]  }
0x339: {  	v20 =	vld [tilespmem:s4+$0xFFFFFCB0]  }
0x33a: {  	v21 =	vld [tilespmem:s0+$0xFFFFFCB0]  }
0x33b: {  	v16 =	vmul.f32 v17, v16;
	v17 =	vld [tilespmem:s4+$0xFFFFFCC0]  }
0x33c: {  	v22 =	vld [tilespmem:s0+$0xFFFFFCC0]  }
0x33d: {  	v18 =	vmul.f32 v18, v19;
	_ =	sdelay $0x1  }
0x33e: {  	v16 =	vadd.f32 v18, v16;
	v18 =	vmul.f32 v20, v21;
	_ =	sdelay $0x1  }
0x33f: {  	v16 =	vadd.f32 v18, v16;
	v17 =	vmul.f32 v17, v22;
	_ =	sdelay $0x1  }
0x340: {  	v16 =	vadd.f32 v17, v16;
	_ =	sdelay $0x1  }
0x341: {  	[tilespmem:v2+s24+$0x0] =	vst.idx.msk $0xffff, v16  }
0x342: {  	v16 =	vld [tilespmem:s4+$0xFFFFFCD0]  }
0x343: {  	v17 =	vld [tilespmem:s0+$0xFFFFFCD0]  }
0x344: {  	v18 =	vld [tilespmem:s0+$0xFFFFFCE0]  }
0x345: {  	v19 =	vld [tilespmem:s4+$0xFFFFFCE0]  }
0x346: {  	v20 =	vld [tilespmem:s4+$0xFFFFFCF0]  }
0x347: {  	v21 =	vld [tilespmem:s0+$0xFFFFFCF0]  }
0x348: {  	v16 =	vmul.f32 v16, v17;
	v17 =	vld [tilespmem:s4+$0xFFFFFD00]  }
0x349: {  	v22 =	vld [tilespmem:s0+$0xFFFFFD00]  }
0x34a: {  	v18 =	vmul.f32 v19, v18;
	_ =	sdelay $0x1  }
0x34b: {  	v16 =	vadd.f32 v18, v16;
	v18 =	vmul.f32 v20, v21;
	_ =	sdelay $0x1  }
0x34c: {  	v16 =	vadd.f32 v18, v16;
	v17 =	vmul.f32 v17, v22;
	_ =	sdelay $0x1  }
0x34d: {  	v16 =	vadd.f32 v17, v16;
	_ =	sdelay $0x1  }
0x34e: {  	[tilespmem:v3+s24+$0x0] =	vst.idx.msk $0xffff, v16  }
0x34f: {  	v16 =	vld [tilespmem:s4+$0xFFFFFD20]  }
0x350: {  	v17 =	vld [tilespmem:s0+$0xFFFFFD10]  }
0x351: {  	v18 =	vld [tilespmem:s4+$0xFFFFFD10]  }
0x352: {  	v19 =	vld [tilespmem:s0+$0xFFFFFD20]  }
0x353: {  	v20 =	vld [tilespmem:s4+$0xFFFFFD30]  }
0x354: {  	v21 =	vld [tilespmem:s0+$0xFFFFFD30]  }
0x355: {  	v22 =	vld [tilespmem:s4+$0xFFFFFD40]  }
0x356: {  	v17 =	vmul.f32 v18, v17;
	v18 =	vld [tilespmem:s0+$0xFFFFFD40]  }
0x357: {  	v16 =	vmul.f32 v16, v19;
	_ =	sdelay $0x1  }
0x358: {  	v16 =	vadd.f32 v16, v17;
	v17 =	vmul.f32 v20, v21;
	_ =	sdelay $0x1  }
0x359: {  	v16 =	vadd.f32 v17, v16;
	v17 =	vmul.f32 v22, v18;
	_ =	sdelay $0x1  }
0x35a: {  	v16 =	vadd.f32 v17, v16;
	_ =	sdelay $0x1  }
0x35b: {  	[tilespmem:v4+s24+$0x0] =	vst.idx.msk $0xffff, v16  }
0x35c: {  	v16 =	vld [tilespmem:s4+$0xFFFFFD60]  }
0x35d: {  	v17 =	vld [tilespmem:s0+$0xFFFFFD50]  }
0x35e: {  	v18 =	vld [tilespmem:s4+$0xFFFFFD50]  }
0x35f: {  	v19 =	vld [tilespmem:s0+$0xFFFFFD60]  }
0x360: {  	v20 =	vld [tilespmem:s4+$0xFFFFFD70]  }
0x361: {  	v21 =	vld [tilespmem:s0+$0xFFFFFD70]  }
0x362: {  	v22 =	vld [tilespmem:s4+$0xFFFFFD80]  }
0x363: {  	v17 =	vmul.f32 v18, v17;
	v18 =	vld [tilespmem:s0+$0xFFFFFD80]  }
0x364: {  	v16 =	vmul.f32 v16, v19;
	_ =	sdelay $0x1  }
0x365: {  	v16 =	vadd.f32 v16, v17;
	v17 =	vmul.f32 v20, v21;
	_ =	sdelay $0x1  }
0x366: {  	v16 =	vadd.f32 v17, v16;
	v17 =	vmul.f32 v22, v18;
	_ =	sdelay $0x1  }
0x367: {  	v16 =	vadd.f32 v17, v16;
	_ =	sdelay $0x1  }
0x368: {  	[tilespmem:v5+s24+$0x0] =	vst.idx.msk $0xffff, v16  }
0x369: {  	v16 =	vld [tilespmem:s4+$0xFFFFFD90]  }
0x36a: {  	v17 =	vld [tilespmem:s4+$0xFFFFFDA0]  }
0x36b: {  	v18 =	vld [tilespmem:s0+$0xFFFFFDA0]  }
0x36c: {  	v19 =	vld [tilespmem:s0+$0xFFFFFD90]  }
0x36d: {  	v20 =	vld [tilespmem:s4+$0xFFFFFDB0]  }
0x36e: {  	v21 =	vld [tilespmem:s0+$0xFFFFFDB0]  }
0x36f: {  	v22 =	vld [tilespmem:s4+$0xFFFFFDC0]  }
0x370: {  	v17 =	vmul.f32 v17, v18;
	v18 =	vld [tilespmem:s0+$0xFFFFFDC0]  }
0x371: {  	v16 =	vmul.f32 v16, v19;
	_ =	sdelay $0x1  }
0x372: {  	v16 =	vadd.f32 v17, v16;
	v17 =	vmul.f32 v20, v21;
	_ =	sdelay $0x1  }
0x373: {  	v16 =	vadd.f32 v17, v16;
	v17 =	vmul.f32 v22, v18;
	_ =	sdelay $0x1  }
0x374: {  	v16 =	vadd.f32 v17, v16;
	_ =	sdelay $0x1  }
0x375: {  	[tilespmem:v6+s24+$0x0] =	vst.idx.msk $0xffff, v16  }
0x376: {  	v16 =	vld [tilespmem:s4+$0xFFFFFDE0]  }
0x377: {  	v17 =	vld [tilespmem:s4+$0xFFFFFDD0]  }
0x378: {  	v18 =	vld [tilespmem:s0+$0xFFFFFDD0]  }
0x379: {  	v19 =	vld [tilespmem:s0+$0xFFFFFDE0]  }
0x37a: {  	v20 =	vld [tilespmem:s4+$0xFFFFFDF0]  }
0x37b: {  	v21 =	vld [tilespmem:s0+$0xFFFFFDF0]  }
0x37c: {  	v22 =	vld [tilespmem:s4+$0xFFFFFE00]  }
0x37d: {  	v17 =	vmul.f32 v17, v18;
	v18 =	vld [tilespmem:s0+$0xFFFFFE00]  }
0x37e: {  	v16 =	vmul.f32 v16, v19;
	_ =	sdelay $0x1  }
0x37f: {  	v16 =	vadd.f32 v16, v17;
	v17 =	vmul.f32 v20, v21;
	_ =	sdelay $0x1  }
0x380: {  	v16 =	vadd.f32 v17, v16;
	v17 =	vmul.f32 v22, v18;
	_ =	sdelay $0x1  }
0x381: {  	v16 =	vadd.f32 v17, v16;
	_ =	sdelay $0x1  }
0x382: {  	[tilespmem:v7+s24+$0x0] =	vst.idx.msk $0xffff, v16  }
0x383: {  	v16 =	vld [tilespmem:s4+$0xFFFFFE10]  }
0x384: {  	v17 =	vld [tilespmem:s4+$0xFFFFFE20]  }
0x385: {  	v18 =	vld [tilespmem:s0+$0xFFFFFE10]  }
0x386: {  	v19 =	vld [tilespmem:s0+$0xFFFFFE20]  }
0x387: {  	v20 =	vld [tilespmem:s4+$0xFFFFFE30]  }
0x388: {  	v21 =	vld [tilespmem:s0+$0xFFFFFE30]  }
0x389: {  	v22 =	vld [tilespmem:s4+$0xFFFFFE40]  }
0x38a: {  	v16 =	vmul.f32 v16, v18;
	v18 =	vld [tilespmem:s0+$0xFFFFFE40]  }
0x38b: {  	v17 =	vmul.f32 v17, v19;
	_ =	sdelay $0x1  }
0x38c: {  	v16 =	vadd.f32 v17, v16;
	v17 =	vmul.f32 v20, v21;
	_ =	sdelay $0x1  }
0x38d: {  	v16 =	vadd.f32 v17, v16;
	v17 =	vmul.f32 v22, v18;
	_ =	sdelay $0x1  }
0x38e: {  	v16 =	vadd.f32 v17, v16;
	_ =	sdelay $0x1  }
0x38f: {  	[tilespmem:v8+s24+$0x0] =	vst.idx.msk $0xffff, v16  }
0x390: {  	v16 =	vld [tilespmem:s4+$0xFFFFFE50]  }
0x391: {  	v17 =	vld [tilespmem:s4+$0xFFFFFE60]  }
0x392: {  	v18 =	vld [tilespmem:s0+$0xFFFFFE50]  }
0x393: {  	v19 =	vld [tilespmem:s0+$0xFFFFFE60]  }
0x394: {  	v20 =	vld [tilespmem:s0+$0xFFFFFE70]  }
0x395: {  	v21 =	vld [tilespmem:s4+$0xFFFFFE70]  }
0x396: {  	v22 =	vld [tilespmem:s0+$0xFFFFFE80]  }
0x397: {  	v16 =	vmul.f32 v16, v18;
	v18 =	vld [tilespmem:s4+$0xFFFFFE80]  }
0x398: {  	v17 =	vmul.f32 v17, v19;
	_ =	sdelay $0x1  }
0x399: {  	v16 =	vadd.f32 v17, v16;
	v17 =	vmul.f32 v21, v20;
	_ =	sdelay $0x1  }
0x39a: {  	v16 =	vadd.f32 v17, v16;
	v17 =	vmul.f32 v18, v22;
	_ =	sdelay $0x1  }
0x39b: {  	v16 =	vadd.f32 v17, v16;
	_ =	sdelay $0x1  }
0x39c: {  	[tilespmem:v9+s24+$0x0] =	vst.idx.msk $0xffff, v16  }
0x39d: {  	v16 =	vld [tilespmem:s4+$0xFFFFFE90]  }
0x39e: {  	v17 =	vld [tilespmem:s4+$0xFFFFFEA0]  }
0x39f: {  	v18 =	vld [tilespmem:s0+$0xFFFFFE90]  }
0x3a0: {  	v19 =	vld [tilespmem:s0+$0xFFFFFEA0]  }
0x3a1: {  	v20 =	vld [tilespmem:s0+$0xFFFFFEB0]  }
0x3a2: {  	v21 =	vld [tilespmem:s4+$0xFFFFFEB0]  }
0x3a3: {  	v22 =	vld [tilespmem:s0+$0xFFFFFEC0]  }
0x3a4: {  	v16 =	vmul.f32 v16, v18;
	v18 =	vld [tilespmem:s4+$0xFFFFFEC0]  }
0x3a5: {  	v17 =	vmul.f32 v17, v19;
	_ =	sdelay $0x1  }
0x3a6: {  	v16 =	vadd.f32 v17, v16;
	v17 =	vmul.f32 v21, v20;
	_ =	sdelay $0x1  }
0x3a7: {  	v16 =	vadd.f32 v17, v16;
	v17 =	vmul.f32 v18, v22;
	_ =	sdelay $0x1  }
0x3a8: {  	v16 =	vadd.f32 v17, v16;
	_ =	sdelay $0x1  }
0x3a9: {  	[tilespmem:v10+s24+$0x0] =	vst.idx.msk $0xffff, v16  }
0x3aa: {  	v16 =	vld [tilespmem:s4+$0xFFFFFED0]  }
0x3ab: {  	v17 =	vld [tilespmem:s4+$0xFFFFFEE0]  }
0x3ac: {  	v18 =	vld [tilespmem:s0+$0xFFFFFED0]  }
0x3ad: {  	v19 =	vld [tilespmem:s0+$0xFFFFFEE0]  }
0x3ae: {  	v20 =	vld [tilespmem:s0+$0xFFFFFEF0]  }
0x3af: {  	v21 =	vld [tilespmem:s4+$0xFFFFFEF0]  }
0x3b0: {  	v22 =	vld [tilespmem:s0+$0xFFFFFF00]  }
0x3b1: {  	v16 =	vmul.f32 v16, v18;
	v18 =	vld [tilespmem:s4+$0xFFFFFF00]  }
0x3b2: {  	v17 =	vmul.f32 v17, v19;
	_ =	sdelay $0x1  }
0x3b3: {  	v16 =	vadd.f32 v17, v16;
	v17 =	vmul.f32 v21, v20;
	_ =	sdelay $0x1  }
0x3b4: {  	v16 =	vadd.f32 v17, v16;
	v17 =	vmul.f32 v18, v22;
	_ =	sdelay $0x1  }
0x3b5: {  	v16 =	vadd.f32 v17, v16;
	_ =	sdelay $0x1  }
0x3b6: {  	[tilespmem:v11+s24+$0x0] =	vst.idx.msk $0xffff, v16  }
0x3b7: {  	v16 =	vld [tilespmem:s4+$0xFFFFFF10]  }
0x3b8: {  	v17 =	vld [tilespmem:s4+$0xFFFFFF20]  }
0x3b9: {  	v18 =	vld [tilespmem:s0+$0xFFFFFF10]  }
0x3ba: {  	v19 =	vld [tilespmem:s0+$0xFFFFFF20]  }
0x3bb: {  	v20 =	vld [tilespmem:s0+$0xFFFFFF30]  }
0x3bc: {  	v21 =	vld [tilespmem:s4+$0xFFFFFF30]  }
0x3bd: {  	v22 =	vld [tilespmem:s0+$0xFFFFFF40]  }
0x3be: {  	v16 =	vmul.f32 v16, v18;
	v18 =	vld [tilespmem:s4+$0xFFFFFF40]  }
0x3bf: {  	v17 =	vmul.f32 v17, v19;
	_ =	sdelay $0x1  }
0x3c0: {  	v16 =	vadd.f32 v17, v16;
	v17 =	vmul.f32 v21, v20;
	_ =	sdelay $0x1  }
0x3c1: {  	v16 =	vadd.f32 v17, v16;
	v17 =	vmul.f32 v18, v22;
	_ =	sdelay $0x1  }
0x3c2: {  	v16 =	vadd.f32 v17, v16;
	_ =	sdelay $0x1  }
0x3c3: {  	[tilespmem:v12+s24+$0x0] =	vst.idx.msk $0xffff, v16  }
0x3c4: {  	v16 =	vld [tilespmem:s4+$0xFFFFFF50]  }
0x3c5: {  	v17 =	vld [tilespmem:s4+$0xFFFFFF60]  }
0x3c6: {  	v18 =	vld [tilespmem:s0+$0xFFFFFF50]  }
0x3c7: {  	v19 =	vld [tilespmem:s0+$0xFFFFFF60]  }
0x3c8: {  	v20 =	vld [tilespmem:s0+$0xFFFFFF70]  }
0x3c9: {  	v21 =	vld [tilespmem:s4+$0xFFFFFF70]  }
0x3ca: {  	v22 =	vld [tilespmem:s0+$0xFFFFFF80]  }
0x3cb: {  	v16 =	vmul.f32 v16, v18;
	v18 =	vld [tilespmem:s4+$0xFFFFFF80]  }
0x3cc: {  	v17 =	vmul.f32 v17, v19;
	_ =	sdelay $0x1  }
0x3cd: {  	v16 =	vadd.f32 v17, v16;
	v17 =	vmul.f32 v21, v20;
	_ =	sdelay $0x1  }
0x3ce: {  	v16 =	vadd.f32 v17, v16;
	v17 =	vmul.f32 v18, v22;
	_ =	sdelay $0x1  }
0x3cf: {  	v16 =	vadd.f32 v17, v16;
	_ =	sdelay $0x1  }
0x3d0: {  	[tilespmem:v13+s24+$0x0] =	vst.idx.msk $0xffff, v16  }
0x3d1: {  	v16 =	vld [tilespmem:s4+$0xFFFFFF90]  }
0x3d2: {  	v17 =	vld [tilespmem:s4+$0xFFFFFFA0]  }
0x3d3: {  	v18 =	vld [tilespmem:s0+$0xFFFFFFA0]  }
0x3d4: {  	v19 =	vld [tilespmem:s0+$0xFFFFFF90]  }
0x3d5: {  	v20 =	vld [tilespmem:s0+$0xFFFFFFB0]  }
0x3d6: {  	v21 =	vld [tilespmem:s4+$0xFFFFFFB0]  }
0x3d7: {  	v22 =	vld [tilespmem:s0+$0xFFFFFFC0]  }
0x3d8: {  	v17 =	vmul.f32 v17, v18;
	v18 =	vld [tilespmem:s4+$0xFFFFFFC0]  }
0x3d9: {  	v16 =	vmul.f32 v16, v19;
	_ =	sdelay $0x1  }
0x3da: {  	v16 =	vadd.f32 v17, v16;
	v17 =	vmul.f32 v21, v20;
	_ =	sdelay $0x1  }
0x3db: {  	v16 =	vadd.f32 v17, v16;
	v17 =	vmul.f32 v18, v22;
	_ =	sdelay $0x1  }
0x3dc: {  	v16 =	vadd.f32 v17, v16;
	_ =	sdelay $0x1  }
0x3dd: {  	[tilespmem:v14+s24+$0x0] =	vst.idx.msk $0xffff, v16  }
0x3de: {  	v16 =	vld [tilespmem:s0+$0xFFFFFFD0]  }
0x3df: {  	v17 =	vld [tilespmem:s4+$0xFFFFFFD0]  }
0x3e0: {  	v18 =	vld [tilespmem:s4+$0xFFFFFFE0]  }
0x3e1: {  	v19 =	vld [tilespmem:s0+$0xFFFFFFE0]  }
0x3e2: {  	v20 =	vld [tilespmem:s0+$0xFFFFFFF0]  }
0x3e3: {  	v21 =	vld [tilespmem:s4+$0xFFFFFFF0]  }
.Ltmp1:
0x3e4: {  	v22 =	vmul.f32 v17, v16;
	v16 =	vld [tilespmem:s0+$0x0];
	(pc) =	sbr.rel @p0 .LBB2_4-.Ltmp1, $3  }
0x3e5: {  	v17 =	vld [tilespmem:s4+$0x0]  }
0x3e6: {  	v18 =	vmul.f32 v18, v19;
	_ =	sdelay $0x1  }
0x3e7: {  	v18 =	vadd.f32 v18, v22;
	v19 =	vmul.f32 v21, v20  }
0x3e8: {  	_ = 	snop  }
0x3e9: {  	v18 =	vadd.f32 v19, v18;
	v16 =	vmul.f32 v17, v16;
	_ =	sdelay $0x1  }
0x3ea: {  	v16 =	vadd.f32 v16, v18;
	_ =	sdelay $0x1  }
0x3eb: {  	[tilespmem:v15+s24+$0x0] =	vst.idx.msk $0xffff, v16  }
0x3ec: {  	v16 =	vld [tilespmem:$0x8800]  }
0x3ed: {  	v17 =	vld [tilespmem:$0x8811];
	_ =	sdelay $0x1  }
0x3ee: {  	v18 =	vld [tilespmem:$0x8822];
	_ =	sdelay $0x1  }
0x3ef: {  	v19 =	vld [tilespmem:$0x8833]  }
0x3f0: {  	v16 =	vadd.f32 v17, v16  }
0x3f1: {  	v17 =	vld [tilespmem:$0x8844]  }
0x3f2: {  	v16 =	vadd.f32 v18, v16  }
0x3f3: {  	v18 =	vld [tilespmem:$0x8855]  }
0x3f4: {  	v16 =	vadd.f32 v19, v16  }
0x3f5: {  	v19 =	vld [tilespmem:$0x8866]  }
0x3f6: {  	v16 =	vadd.f32 v17, v16  }
0x3f7: {  	v17 =	vld [tilespmem:$0x8877]  }
0x3f8: {  	v16 =	vadd.f32 v18, v16  }
0x3f9: {  	v18 =	vld [tilespmem:$0x8888]  }
0x3fa: {  	v16 =	vadd.f32 v19, v16  }
0x3fb: {  	v19 =	vld [tilespmem:$0x8899]  }
0x3fc: {  	v16 =	vadd.f32 v17, v16  }
0x3fd: {  	v17 =	vld [tilespmem:$0x88AA]  }
0x3fe: {  	v16 =	vadd.f32 v18, v16  }
0x3ff: {  	v18 =	vld [tilespmem:$0x88BB]  }
0x400: {  	v16 =	vadd.f32 v19, v16  }
0x401: {  	v19 =	vld [tilespmem:$0x88CC]  }
0x402: {  	v16 =	vadd.f32 v17, v16  }
0x403: {  	v17 =	vld [tilespmem:$0x88DD]  }
0x404: {  	v16 =	vadd.f32 v18, v16  }
0x405: {  	v18 =	vld [tilespmem:$0x88EE]  }
0x406: {  	v16 =	vadd.f32 v19, v16  }
0x407: {  	v19 =	vld [tilespmem:$0x88FF]  }
0x408: {  	s0 =	sshra.s32 s30, $0x2;
	v16 =	vadd.f32 v17, v16  }
0x409: {  	v17 =	vld [tilespmem:s0+$0x8480]  }
0x40a: {  	v16 =	vadd.f32 v18, v16  }
0x40b: {  	v18 =	vld [tilespmem:s0+$0x8580]  }
0x40c: {  	v16 =	vadd.f32 v19, v16;
	_ =	sdelay $0x1  }
0x40d: {  	v16 =	vadd.f32 v17, v16;
	_ =	sdelay $0x1  }
0x40e: {  	v16 =	vadd.f32 v18, v16;
	_ =	sdelay $0x1  }
0x40f: {  	[tilespmem:s0+$0x8680] =	vst v16  }
0x410: {  	[tilespmem:s18], [sflag:$0x1] =	stream.indirect.gather [hbm4b:s5+s13], $0x40, s28, s13, $0xb8;
	[tilespmem:$0x8910] =	vst v63  }
0x411: {  	_ = 	snop  }
0x412: {  	[tilespmem:s20], [sflag:$0x1] =	stream.indirect.gather [hbm4b:s6+s13], $0x40, s29, s13, $0xb8;
	[tilespmem:$0x8910] =	vst v63  }
0x413: {  	_ = 	snop  }
0x414: {  	[tilespmem:s21], [sflag:$0x1] =	stream.indirect.gather [hbm4b:s1+s13], $0x1, s28, s13, $0xb8;
	[tilespmem:$0x8910] =	vst v63  }
0x415: {  	_ = 	snop  }
0x416: {  	[tilespmem:s22], [sflag:$0x1] =	stream.indirect.gather [hbm4b:s2+s13], $0x1, s29, s13, $0xb8;
	[tilespmem:$0x8910] =	vst v63  }
0x417: {  	_ =	swait.ge [sflag:s23], $0x2000  }
0x418: {  	[sflag:s23] =	ssyncset.done $0x0  }
0x419: {  	[sflag:s23] =	ssyncadd.s32 $0xFFFFE000  }
0x41a: {  	_ =	swait.ge [sflag:s23], $0x2000  }
0x41b: {  	[sflag:s23] =	ssyncset.done $0x0  }
0x41c: {  	[sflag:s23] =	ssyncadd.s32 $0xFFFFE000  }
0x41d: {  	_ =	swait.ge [sflag:s23], $0x80  }
0x41e: {  	[sflag:s23] =	ssyncset.done $0x0  }
0x41f: {  	[sflag:s23] =	ssyncadd.s32 $0xFFFFFF80  }
0x420: {  	_ =	swait.ge [sflag:s23], $0x80  }
0x421: {  	[sflag:s23] =	ssyncset.done $0x0  }
0x422: {  	s0 =	simm.s32 $0x600;
	[sflag:s23] =	ssyncadd.s32 $0xFFFFFF80  }
0x423: {  	s4 =	simm.s32 $0x4600;
	v16 =	vld [tilespmem:s0+$0xFFFFFE00]  }
0x424: {  	v17 =	vld [tilespmem:s4+$0xFFFFFE10]  }
0x425: {  	v18 =	vld [tilespmem:s0+$0xFFFFFE10]  }
0x426: {  	v19 =	vld [tilespmem:s4+$0xFFFFFE00]  }
0x427: {  	v20 =	vld [tilespmem:s4+$0xFFFFFE20]  }
0x428: {  	v21 =	vld [tilespmem:s0+$0xFFFFFE20]  }
0x429: {  	v22 =	vld [tilespmem:s4+$0xFFFFFE30]  }
0x42a: {  	v23 =	vld [tilespmem:s0+$0xFFFFFE30]  }
0x42b: {  	v17 =	vmul.f32 v17, v18;
	v16 =	vmul.f32 v19, v16;
	_ =	sdelay $0x1  }
0x42c: {  	v16 =	vadd.f32 v17, v16;
	v17 =	vmul.f32 v20, v21;
	_ =	sdelay $0x1  }
0x42d: {  	v16 =	vadd.f32 v17, v16;
	v17 =	vmul.f32 v22, v23;
	_ =	sdelay $0x1  }
0x42e: {  	v16 =	vadd.f32 v17, v16;
	_ =	sdelay $0x1  }
0x42f: {  	[tilespmem:v0+s24+$0x0] =	vst.idx.msk $0xffff, v16  }
0x430: {  	v16 =	vld [tilespmem:s4+$0xFFFFFE50]  }
0x431: {  	v17 =	vld [tilespmem:s0+$0xFFFFFE40]  }
0x432: {  	v18 =	vld [tilespmem:s0+$0xFFFFFE50]  }
0x433: {  	v19 =	vld [tilespmem:s4+$0xFFFFFE40]  }
0x434: {  	v20 =	vld [tilespmem:s4+$0xFFFFFE60]  }
0x435: {  	v60 =	vld [tilespmem:s0+$0xFFFFFE60]  }
0x436: {  	v61 =	vld [tilespmem:s4+$0xFFFFFE70]  }
0x437: {  	v62 =	vld [tilespmem:s0+$0xFFFFFE70]  }
0x438: {  	v16 =	vmul.f32 v16, v18;
	v17 =	vmul.f32 v19, v17;
	_ =	sdelay $0x1  }
0x439: {  	v16 =	vadd.f32 v16, v17;
	v17 =	vmul.f32 v20, v60;
	_ =	sdelay $0x1  }
0x43a: {  	v16 =	vadd.f32 v17, v16;
	v17 =	vmul.f32 v61, v62;
	_ =	sdelay $0x1  }
0x43b: {  	v16 =	vadd.f32 v17, v16;
	_ =	sdelay $0x1  }
0x43c: {  	[tilespmem:v1+s24+$0x0] =	vst.idx.msk $0xffff, v16  }
0x43d: {  	v16 =	vld [tilespmem:s0+$0xFFFFFE80]  }
0x43e: {  	v17 =	vld [tilespmem:s4+$0xFFFFFE80]  }
0x43f: {  	v18 =	vld [tilespmem:s4+$0xFFFFFE90]  }
0x440: {  	v19 =	vld [tilespmem:s0+$0xFFFFFE90]  }
0x441: {  	v20 =	vld [tilespmem:s4+$0xFFFFFEA0]  }
0x442: {  	v63 =	vld [tilespmem:s0+$0xFFFFFEA0]  }
0x443: {  	v24 =	vld [tilespmem:s4+$0xFFFFFEB0]  }
0x444: {  	v25 =	vld [tilespmem:s0+$0xFFFFFEB0]  }
0x445: {  	v16 =	vmul.f32 v17, v16;
	v17 =	vmul.f32 v18, v19;
	_ =	sdelay $0x1  }
0x446: {  	v16 =	vadd.f32 v17, v16;
	v17 =	vmul.f32 v20, v63;
	_ =	sdelay $0x1  }
0x447: {  	v16 =	vadd.f32 v17, v16;
	v17 =	vmul.f32 v24, v25;
	_ =	sdelay $0x1  }
0x448: {  	v16 =	vadd.f32 v17, v16;
	_ =	sdelay $0x1  }
0x449: {  	[tilespmem:v2+s24+$0x0] =	vst.idx.msk $0xffff, v16  }
0x44a: {  	v16 =	vld [tilespmem:s4+$0xFFFFFEC0]  }
0x44b: {  	v17 =	vld [tilespmem:s0+$0xFFFFFEC0]  }
0x44c: {  	v18 =	vld [tilespmem:s0+$0xFFFFFED0]  }
0x44d: {  	v19 =	vld [tilespmem:s4+$0xFFFFFED0]  }
0x44e: {  	v20 =	vld [tilespmem:s4+$0xFFFFFEE0]  }
0x44f: {  	v26 =	vld [tilespmem:s0+$0xFFFFFEE0]  }
0x450: {  	v27 =	vld [tilespmem:s4+$0xFFFFFEF0]  }
0x451: {  	v28 =	vld [tilespmem:s0+$0xFFFFFEF0]  }
0x452: {  	v16 =	vmul.f32 v16, v17;
	v17 =	vmul.f32 v19, v18;
	_ =	sdelay $0x1  }
0x453: {  	v16 =	vadd.f32 v17, v16;
	v17 =	vmul.f32 v20, v26;
	_ =	sdelay $0x1  }
0x454: {  	v16 =	vadd.f32 v17, v16;
	v17 =	vmul.f32 v27, v28;
	_ =	sdelay $0x1  }
0x455: {  	v16 =	vadd.f32 v17, v16;
	_ =	sdelay $0x1  }
0x456: {  	[tilespmem:v3+s24+$0x0] =	vst.idx.msk $0xffff, v16  }
0x457: {  	v16 =	vld [tilespmem:s4+$0xFFFFFF10]  }
0x458: {  	v17 =	vld [tilespmem:s0+$0xFFFFFF00]  }
0x459: {  	v18 =	vld [tilespmem:s4+$0xFFFFFF00]  }
0x45a: {  	v19 =	vld [tilespmem:s0+$0xFFFFFF10]  }
0x45b: {  	v20 =	vld [tilespmem:s4+$0xFFFFFF20]  }
0x45c: {  	v29 =	vld [tilespmem:s0+$0xFFFFFF20]  }
0x45d: {  	v30 =	vld [tilespmem:s4+$0xFFFFFF30]  }
0x45e: {  	v31 =	vld [tilespmem:s0+$0xFFFFFF30]  }
0x45f: {  	v17 =	vmul.f32 v18, v17;
	v16 =	vmul.f32 v16, v19;
	_ =	sdelay $0x1  }
0x460: {  	v16 =	vadd.f32 v16, v17;
	v17 =	vmul.f32 v20, v29;
	_ =	sdelay $0x1  }
0x461: {  	v16 =	vadd.f32 v17, v16;
	v17 =	vmul.f32 v30, v31;
	_ =	sdelay $0x1  }
0x462: {  	v16 =	vadd.f32 v17, v16;
	_ =	sdelay $0x1  }
0x463: {  	[tilespmem:v4+s24+$0x0] =	vst.idx.msk $0xffff, v16  }
0x464: {  	v16 =	vld [tilespmem:s4+$0xFFFFFF50]  }
0x465: {  	v17 =	vld [tilespmem:s0+$0xFFFFFF40]  }
0x466: {  	v18 =	vld [tilespmem:s4+$0xFFFFFF40]  }
0x467: {  	v19 =	vld [tilespmem:s0+$0xFFFFFF50]  }
0x468: {  	v20 =	vld [tilespmem:s4+$0xFFFFFF60]  }
0x469: {  	v32 =	vld [tilespmem:s0+$0xFFFFFF60]  }
0x46a: {  	v33 =	vld [tilespmem:s4+$0xFFFFFF70]  }
0x46b: {  	v34 =	vld [tilespmem:s0+$0xFFFFFF70]  }
0x46c: {  	v17 =	vmul.f32 v18, v17;
	v16 =	vmul.f32 v16, v19;
	_ =	sdelay $0x1  }
0x46d: {  	v16 =	vadd.f32 v16, v17;
	v17 =	vmul.f32 v20, v32;
	_ =	sdelay $0x1  }
0x46e: {  	v16 =	vadd.f32 v17, v16;
	v17 =	vmul.f32 v33, v34;
	_ =	sdelay $0x1  }
0x46f: {  	v16 =	vadd.f32 v17, v16;
	_ =	sdelay $0x1  }
0x470: {  	[tilespmem:v5+s24+$0x0] =	vst.idx.msk $0xffff, v16  }
0x471: {  	v16 =	vld [tilespmem:s4+$0xFFFFFF80]  }
0x472: {  	v17 =	vld [tilespmem:s4+$0xFFFFFF90]  }
0x473: {  	v18 =	vld [tilespmem:s0+$0xFFFFFF90]  }
0x474: {  	v19 =	vld [tilespmem:s0+$0xFFFFFF80]  }
0x475: {  	v20 =	vld [tilespmem:s4+$0xFFFFFFA0]  }
0x476: {  	v35 =	vld [tilespmem:s0+$0xFFFFFFA0]  }
0x477: {  	v36 =	vld [tilespmem:s4+$0xFFFFFFB0]  }
0x478: {  	v37 =	vld [tilespmem:s0+$0xFFFFFFB0]  }
0x479: {  	v17 =	vmul.f32 v17, v18;
	v16 =	vmul.f32 v16, v19;
	_ =	sdelay $0x1  }
0x47a: {  	v16 =	vadd.f32 v17, v16;
	v17 =	vmul.f32 v20, v35;
	_ =	sdelay $0x1  }
0x47b: {  	v16 =	vadd.f32 v17, v16;
	v17 =	vmul.f32 v36, v37;
	_ =	sdelay $0x1  }
0x47c: {  	v16 =	vadd.f32 v17, v16;
	_ =	sdelay $0x1  }
0x47d: {  	[tilespmem:v6+s24+$0x0] =	vst.idx.msk $0xffff, v16  }
0x47e: {  	v16 =	vld [tilespmem:s4+$0xFFFFFFD0]  }
0x47f: {  	v17 =	vld [tilespmem:s4+$0xFFFFFFC0]  }
0x480: {  	v18 =	vld [tilespmem:s0+$0xFFFFFFC0]  }
0x481: {  	v19 =	vld [tilespmem:s0+$0xFFFFFFD0]  }
0x482: {  	v20 =	vld [tilespmem:s4+$0xFFFFFFE0]  }
0x483: {  	v38 =	vld [tilespmem:s0+$0xFFFFFFE0]  }
0x484: {  	v39 =	vld [tilespmem:s4+$0xFFFFFFF0]  }
0x485: {  	v40 =	vld [tilespmem:s0+$0xFFFFFFF0]  }
0x486: {  	v17 =	vmul.f32 v17, v18;
	v16 =	vmul.f32 v16, v19;
	_ =	sdelay $0x1  }
0x487: {  	v16 =	vadd.f32 v16, v17;
	v17 =	vmul.f32 v20, v38;
	_ =	sdelay $0x1  }
0x488: {  	v16 =	vadd.f32 v17, v16;
	v17 =	vmul.f32 v39, v40;
	_ =	sdelay $0x1  }
0x489: {  	v16 =	vadd.f32 v17, v16;
	_ =	sdelay $0x1  }
0x48a: {  	[tilespmem:v7+s24+$0x0] =	vst.idx.msk $0xffff, v16  }
0x48b: {  	v16 =	vld [tilespmem:s4+$0x0]  }
0x48c: {  	v17 =	vld [tilespmem:s4+$0x10]  }
0x48d: {  	v18 =	vld [tilespmem:s0+$0x0]  }
0x48e: {  	v19 =	vld [tilespmem:s0+$0x10]  }
0x48f: {  	v20 =	vld [tilespmem:s4+$0x20]  }
0x490: {  	v41 =	vld [tilespmem:s0+$0x20]  }
0x491: {  	v42 =	vld [tilespmem:s4+$0x30]  }
0x492: {  	v43 =	vld [tilespmem:s0+$0x30]  }
0x493: {  	v16 =	vmul.f32 v16, v18;
	v17 =	vmul.f32 v17, v19;
	_ =	sdelay $0x1  }
0x494: {  	v16 =	vadd.f32 v17, v16;
	v17 =	vmul.f32 v20, v41;
	_ =	sdelay $0x1  }
0x495: {  	v16 =	vadd.f32 v17, v16;
	v17 =	vmul.f32 v42, v43;
	_ =	sdelay $0x1  }
0x496: {  	v16 =	vadd.f32 v17, v16;
	_ =	sdelay $0x1  }
0x497: {  	[tilespmem:v8+s24+$0x0] =	vst.idx.msk $0xffff, v16  }
0x498: {  	v16 =	vld [tilespmem:s4+$0x40]  }
0x499: {  	v17 =	vld [tilespmem:s4+$0x50]  }
0x49a: {  	v18 =	vld [tilespmem:s0+$0x40]  }
0x49b: {  	v19 =	vld [tilespmem:s0+$0x50]  }
0x49c: {  	v20 =	vld [tilespmem:s0+$0x60]  }
0x49d: {  	v44 =	vld [tilespmem:s4+$0x60]  }
0x49e: {  	v45 =	vld [tilespmem:s0+$0x70]  }
0x49f: {  	v46 =	vld [tilespmem:s4+$0x70]  }
0x4a0: {  	v16 =	vmul.f32 v16, v18;
	v17 =	vmul.f32 v17, v19;
	_ =	sdelay $0x1  }
0x4a1: {  	v16 =	vadd.f32 v17, v16;
	v17 =	vmul.f32 v44, v20;
	_ =	sdelay $0x1  }
0x4a2: {  	v16 =	vadd.f32 v17, v16;
	v17 =	vmul.f32 v46, v45;
	_ =	sdelay $0x1  }
0x4a3: {  	v16 =	vadd.f32 v17, v16;
	_ =	sdelay $0x1  }
0x4a4: {  	[tilespmem:v9+s24+$0x0] =	vst.idx.msk $0xffff, v16  }
0x4a5: {  	v16 =	vld [tilespmem:s4+$0x80]  }
0x4a6: {  	v17 =	vld [tilespmem:s4+$0x90]  }
0x4a7: {  	v18 =	vld [tilespmem:s0+$0x80]  }
0x4a8: {  	v19 =	vld [tilespmem:s0+$0x90]  }
0x4a9: {  	v20 =	vld [tilespmem:s0+$0xA0]  }
0x4aa: {  	v47 =	vld [tilespmem:s4+$0xA0]  }
0x4ab: {  	v48 =	vld [tilespmem:s0+$0xB0]  }
0x4ac: {  	v49 =	vld [tilespmem:s4+$0xB0]  }
0x4ad: {  	v16 =	vmul.f32 v16, v18;
	v17 =	vmul.f32 v17, v19;
	_ =	sdelay $0x1  }
0x4ae: {  	v16 =	vadd.f32 v17, v16;
	v17 =	vmul.f32 v47, v20;
	_ =	sdelay $0x1  }
0x4af: {  	v16 =	vadd.f32 v17, v16;
	v17 =	vmul.f32 v49, v48;
	_ =	sdelay $0x1  }
0x4b0: {  	v16 =	vadd.f32 v17, v16;
	_ =	sdelay $0x1  }
0x4b1: {  	[tilespmem:v10+s24+$0x0] =	vst.idx.msk $0xffff, v16  }
0x4b2: {  	v16 =	vld [tilespmem:s4+$0xC0]  }
0x4b3: {  	v17 =	vld [tilespmem:s4+$0xD0]  }
0x4b4: {  	v18 =	vld [tilespmem:s0+$0xC0]  }
0x4b5: {  	v19 =	vld [tilespmem:s0+$0xD0]  }
0x4b6: {  	v20 =	vld [tilespmem:s0+$0xE0]  }
0x4b7: {  	v50 =	vld [tilespmem:s4+$0xE0]  }
0x4b8: {  	v51 =	vld [tilespmem:s0+$0xF0]  }
0x4b9: {  	v52 =	vld [tilespmem:s4+$0xF0]  }
0x4ba: {  	v16 =	vmul.f32 v16, v18;
	v17 =	vmul.f32 v17, v19;
	_ =	sdelay $0x1  }
0x4bb: {  	v16 =	vadd.f32 v17, v16;
	v17 =	vmul.f32 v50, v20;
	_ =	sdelay $0x1  }
0x4bc: {  	v16 =	vadd.f32 v17, v16;
	v17 =	vmul.f32 v52, v51;
	_ =	sdelay $0x1  }
0x4bd: {  	v16 =	vadd.f32 v17, v16;
	_ =	sdelay $0x1  }
0x4be: {  	[tilespmem:v11+s24+$0x0] =	vst.idx.msk $0xffff, v16  }
0x4bf: {  	v16 =	vld [tilespmem:s4+$0x100]  }
0x4c0: {  	v17 =	vld [tilespmem:s4+$0x110]  }
0x4c1: {  	v18 =	vld [tilespmem:s0+$0x100]  }
0x4c2: {  	v19 =	vld [tilespmem:s0+$0x110]  }
0x4c3: {  	v20 =	vld [tilespmem:s0+$0x120]  }
0x4c4: {  	v53 =	vld [tilespmem:s4+$0x120]  }
0x4c5: {  	v54 =	vld [tilespmem:s0+$0x130]  }
0x4c6: {  	v55 =	vld [tilespmem:s4+$0x130]  }
0x4c7: {  	v16 =	vmul.f32 v16, v18;
	v17 =	vmul.f32 v17, v19;
	_ =	sdelay $0x1  }
0x4c8: {  	v16 =	vadd.f32 v17, v16;
	v17 =	vmul.f32 v53, v20;
	_ =	sdelay $0x1  }
0x4c9: {  	v16 =	vadd.f32 v17, v16;
	v17 =	vmul.f32 v55, v54;
	_ =	sdelay $0x1  }
0x4ca: {  	v16 =	vadd.f32 v17, v16;
	_ =	sdelay $0x1  }
0x4cb: {  	[tilespmem:v12+s24+$0x0] =	vst.idx.msk $0xffff, v16  }
0x4cc: {  	v16 =	vld [tilespmem:s4+$0x140]  }
0x4cd: {  	v17 =	vld [tilespmem:s4+$0x150]  }
0x4ce: {  	v18 =	vld [tilespmem:s0+$0x140]  }
0x4cf: {  	v19 =	vld [tilespmem:s0+$0x150]  }
0x4d0: {  	v20 =	vld [tilespmem:s0+$0x160]  }
0x4d1: {  	v56 =	vld [tilespmem:s4+$0x160]  }
0x4d2: {  	v57 =	vld [tilespmem:s0+$0x170]  }
0x4d3: {  	v58 =	vld [tilespmem:s4+$0x170]  }
0x4d4: {  	v16 =	vmul.f32 v16, v18;
	v17 =	vmul.f32 v17, v19;
	_ =	sdelay $0x1  }
0x4d5: {  	v16 =	vadd.f32 v17, v16;
	v17 =	vmul.f32 v56, v20;
	_ =	sdelay $0x1  }
0x4d6: {  	v16 =	vadd.f32 v17, v16;
	v17 =	vmul.f32 v58, v57;
	_ =	sdelay $0x1  }
0x4d7: {  	v16 =	vadd.f32 v17, v16;
	_ =	sdelay $0x1  }
0x4d8: {  	[tilespmem:v13+s24+$0x0] =	vst.idx.msk $0xffff, v16  }
0x4d9: {  	v16 =	vld [tilespmem:s4+$0x180]  }
0x4da: {  	v17 =	vld [tilespmem:s4+$0x190]  }
0x4db: {  	v18 =	vld [tilespmem:s0+$0x190]  }
0x4dc: {  	v19 =	vld [tilespmem:s0+$0x180]  }
0x4dd: {  	v20 =	vld [tilespmem:s0+$0x1A0]  }
0x4de: {  	v59 =	vld [tilespmem:s4+$0x1A0]  }
0x4df: {  	v60 =	vld [tilespmem:s0+$0x1B0]  }
0x4e0: {  	v61 =	vld [tilespmem:s4+$0x1B0]  }
0x4e1: {  	v17 =	vmul.f32 v17, v18;
	v16 =	vmul.f32 v16, v19;
	_ =	sdelay $0x1  }
0x4e2: {  	v16 =	vadd.f32 v17, v16;
	v17 =	vmul.f32 v59, v20;
	_ =	sdelay $0x1  }
0x4e3: {  	v16 =	vadd.f32 v17, v16;
	v17 =	vmul.f32 v61, v60;
	_ =	sdelay $0x1  }
0x4e4: {  	v16 =	vadd.f32 v17, v16;
	_ =	sdelay $0x1  }
0x4e5: {  	[tilespmem:v14+s24+$0x0] =	vst.idx.msk $0xffff, v16  }
0x4e6: {  	v16 =	vld [tilespmem:s0+$0x1C0]  }
0x4e7: {  	v17 =	vld [tilespmem:s4+$0x1C0]  }
0x4e8: {  	v18 =	vld [tilespmem:s4+$0x1D0]  }
0x4e9: {  	v19 =	vld [tilespmem:s0+$0x1D0]  }
0x4ea: {  	v20 =	vld [tilespmem:s0+$0x1E0]  }
0x4eb: {  	v62 =	vld [tilespmem:s4+$0x1E0]  }
0x4ec: {  	v63 =	vmul.f32 v17, v16;
	v16 =	vld [tilespmem:s0+$0x1F0]  }
0x4ed: {  	v17 =	vld [tilespmem:s4+$0x1F0]  }
0x4ee: {  	v18 =	vmul.f32 v18, v19;
	_ =	sdelay $0x1  }
0x4ef: {  	s30 =	simm.s32 $0x0;
	s14 =	simm.s32 $0x40;
	v19 =	vmul.f32 v62, v20;
	v18 =	vadd.f32 v18, v63  }
.LBB2_6:
0x4f0: {  	p0 =	sne.s32 s14, $0x1C0;
	s0 =	sadd.s32 $0x400, s0;
	s4 =	sadd.s32 $0x400, s4  }
0x4f1: {  	s15 =	smov.u32 s14;
	s14 =	sadd.s32 $0x40, s14;
	v18 =	vadd.f32 v19, v18;
	v16 =	vmul.f32 v17, v16;
	_ =	sdelay $0x1  }
0x4f2: {  	v16 =	vadd.f32 v16, v18;
	_ =	sdelay $0x1  }
0x4f3: {  	[tilespmem:v15+s24+$0x0] =	vst.idx.msk $0xffff, v16  }
0x4f4: {  	v16 =	vld [tilespmem:$0x8800]  }
0x4f5: {  	v17 =	vld [tilespmem:$0x8811]  }
0x4f6: {  	v18 =	vld [tilespmem:$0x8822]  }
0x4f7: {  	v19 =	vld [tilespmem:$0x8833]  }
0x4f8: {  	v20 =	vld [tilespmem:$0x8844]  }
0x4f9: {  	v21 =	vld [tilespmem:$0x8855]  }
0x4fa: {  	v16 =	vadd.f32 v17, v16;
	v17 =	vld [tilespmem:$0x8866]  }
0x4fb: {  	v22 =	vld [tilespmem:$0x8877]  }
0x4fc: {  	v16 =	vadd.f32 v18, v16;
	v18 =	vld [tilespmem:$0x8888]  }
0x4fd: {  	v23 =	vld [tilespmem:$0x8899]  }
0x4fe: {  	v16 =	vadd.f32 v19, v16;
	v19 =	vld [tilespmem:$0x88AA]  }
0x4ff: {  	v24 =	vld [tilespmem:$0x88BB]  }
0x500: {  	v16 =	vadd.f32 v20, v16;
	v20 =	vld [tilespmem:$0x88CC]  }
0x501: {  	v25 =	vld [tilespmem:$0x88DD]  }
0x502: {  	v16 =	vadd.f32 v21, v16;
	v21 =	vld [tilespmem:$0x88EE]  }
0x503: {  	s16 =	sshra.s32 s30, $0x2;
	s30 =	smov.u32 s15;
	v26 =	vld [tilespmem:$0x88FF]  }
0x504: {  	v16 =	vadd.f32 v17, v16;
	v17 =	vld [tilespmem:s16+$0x8400]  }
0x505: {  	v27 =	vld [tilespmem:s16+$0x8500]  }
0x506: {  	v16 =	vadd.f32 v22, v16;
	_ =	sdelay $0x1  }
0x507: {  	v16 =	vadd.f32 v18, v16;
	_ =	sdelay $0x1  }
0x508: {  	v16 =	vadd.f32 v23, v16;
	_ =	sdelay $0x1  }
0x509: {  	v16 =	vadd.f32 v19, v16;
	_ =	sdelay $0x1  }
0x50a: {  	v16 =	vadd.f32 v24, v16;
	_ =	sdelay $0x1  }
0x50b: {  	v16 =	vadd.f32 v20, v16;
	_ =	sdelay $0x1  }
0x50c: {  	v16 =	vadd.f32 v25, v16;
	_ =	sdelay $0x1  }
0x50d: {  	v16 =	vadd.f32 v21, v16;
	_ =	sdelay $0x1  }
0x50e: {  	v16 =	vadd.f32 v26, v16;
	_ =	sdelay $0x1  }
0x50f: {  	v16 =	vadd.f32 v17, v16;
	_ =	sdelay $0x1  }
0x510: {  	v16 =	vadd.f32 v27, v16;
	_ =	sdelay $0x1  }
0x511: {  	[tilespmem:s16+$0x8700] =	vst v16  }
0x512: {  	v16 =	vld [tilespmem:s0+$0xFFFFFE00]  }
0x513: {  	v17 =	vld [tilespmem:s4+$0xFFFFFE10]  }
0x514: {  	v18 =	vld [tilespmem:s0+$0xFFFFFE10]  }
0x515: {  	v19 =	vld [tilespmem:s4+$0xFFFFFE00]  }
0x516: {  	v20 =	vld [tilespmem:s4+$0xFFFFFE20]  }
0x517: {  	v21 =	vld [tilespmem:s0+$0xFFFFFE20]  }
0x518: {  	v22 =	vld [tilespmem:s4+$0xFFFFFE30]  }
0x519: {  	v17 =	vmul.f32 v17, v18;
	v18 =	vld [tilespmem:s0+$0xFFFFFE30]  }
0x51a: {  	v16 =	vmul.f32 v19, v16;
	_ =	sdelay $0x1  }
0x51b: {  	v16 =	vadd.f32 v17, v16;
	v17 =	vmul.f32 v20, v21;
	_ =	sdelay $0x1  }
0x51c: {  	v16 =	vadd.f32 v17, v16;
	v17 =	vmul.f32 v22, v18;
	_ =	sdelay $0x1  }
0x51d: {  	v16 =	vadd.f32 v17, v16;
	_ =	sdelay $0x1  }
0x51e: {  	[tilespmem:v0+s24+$0x0] =	vst.idx.msk $0xffff, v16  }
0x51f: {  	v16 =	vld [tilespmem:s4+$0xFFFFFE50]  }
0x520: {  	v17 =	vld [tilespmem:s0+$0xFFFFFE40]  }
0x521: {  	v18 =	vld [tilespmem:s0+$0xFFFFFE50]  }
0x522: {  	v19 =	vld [tilespmem:s4+$0xFFFFFE40]  }
0x523: {  	v20 =	vld [tilespmem:s4+$0xFFFFFE60]  }
0x524: {  	v21 =	vld [tilespmem:s0+$0xFFFFFE60]  }
0x525: {  	v22 =	vld [tilespmem:s4+$0xFFFFFE70]  }
0x526: {  	v16 =	vmul.f32 v16, v18;
	v18 =	vld [tilespmem:s0+$0xFFFFFE70]  }
0x527: {  	v17 =	vmul.f32 v19, v17;
	_ =	sdelay $0x1  }
0x528: {  	v16 =	vadd.f32 v16, v17;
	v17 =	vmul.f32 v20, v21;
	_ =	sdelay $0x1  }
0x529: {  	v16 =	vadd.f32 v17, v16;
	v17 =	vmul.f32 v22, v18;
	_ =	sdelay $0x1  }
0x52a: {  	v16 =	vadd.f32 v17, v16;
	_ =	sdelay $0x1  }
0x52b: {  	[tilespmem:v1+s24+$0x0] =	vst.idx.msk $0xffff, v16  }
0x52c: {  	v16 =	vld [tilespmem:s0+$0xFFFFFE80]  }
0x52d: {  	v17 =	vld [tilespmem:s4+$0xFFFFFE80]  }
0x52e: {  	v18 =	vld [tilespmem:s4+$0xFFFFFE90]  }
0x52f: {  	v19 =	vld [tilespmem:s0+$0xFFFFFE90]  }
0x530: {  	v20 =	vld [tilespmem:s4+$0xFFFFFEA0]  }
0x531: {  	v21 =	vld [tilespmem:s0+$0xFFFFFEA0]  }
0x532: {  	v16 =	vmul.f32 v17, v16;
	v17 =	vld [tilespmem:s4+$0xFFFFFEB0]  }
0x533: {  	v22 =	vld [tilespmem:s0+$0xFFFFFEB0]  }
0x534: {  	v18 =	vmul.f32 v18, v19;
	_ =	sdelay $0x1  }
0x535: {  	v16 =	vadd.f32 v18, v16;
	v18 =	vmul.f32 v20, v21;
	_ =	sdelay $0x1  }
0x536: {  	v16 =	vadd.f32 v18, v16;
	v17 =	vmul.f32 v17, v22;
	_ =	sdelay $0x1  }
0x537: {  	v16 =	vadd.f32 v17, v16;
	_ =	sdelay $0x1  }
0x538: {  	[tilespmem:v2+s24+$0x0] =	vst.idx.msk $0xffff, v16  }
0x539: {  	v16 =	vld [tilespmem:s4+$0xFFFFFEC0]  }
0x53a: {  	v17 =	vld [tilespmem:s0+$0xFFFFFEC0]  }
0x53b: {  	v18 =	vld [tilespmem:s0+$0xFFFFFED0]  }
0x53c: {  	v19 =	vld [tilespmem:s4+$0xFFFFFED0]  }
0x53d: {  	v20 =	vld [tilespmem:s4+$0xFFFFFEE0]  }
0x53e: {  	v21 =	vld [tilespmem:s0+$0xFFFFFEE0]  }
0x53f: {  	v16 =	vmul.f32 v16, v17;
	v17 =	vld [tilespmem:s4+$0xFFFFFEF0]  }
0x540: {  	v22 =	vld [tilespmem:s0+$0xFFFFFEF0]  }
0x541: {  	v18 =	vmul.f32 v19, v18;
	_ =	sdelay $0x1  }
0x542: {  	v16 =	vadd.f32 v18, v16;
	v18 =	vmul.f32 v20, v21;
	_ =	sdelay $0x1  }
0x543: {  	v16 =	vadd.f32 v18, v16;
	v17 =	vmul.f32 v17, v22;
	_ =	sdelay $0x1  }
0x544: {  	v16 =	vadd.f32 v17, v16;
	_ =	sdelay $0x1  }
0x545: {  	[tilespmem:v3+s24+$0x0] =	vst.idx.msk $0xffff, v16  }
0x546: {  	v16 =	vld [tilespmem:s4+$0xFFFFFF10]  }
0x547: {  	v17 =	vld [tilespmem:s0+$0xFFFFFF00]  }
0x548: {  	v18 =	vld [tilespmem:s4+$0xFFFFFF00]  }
0x549: {  	v19 =	vld [tilespmem:s0+$0xFFFFFF10]  }
0x54a: {  	v20 =	vld [tilespmem:s4+$0xFFFFFF20]  }
0x54b: {  	v21 =	vld [tilespmem:s0+$0xFFFFFF20]  }
0x54c: {  	v22 =	vld [tilespmem:s4+$0xFFFFFF30]  }
0x54d: {  	v17 =	vmul.f32 v18, v17;
	v18 =	vld [tilespmem:s0+$0xFFFFFF30]  }
0x54e: {  	v16 =	vmul.f32 v16, v19;
	_ =	sdelay $0x1  }
0x54f: {  	v16 =	vadd.f32 v16, v17;
	v17 =	vmul.f32 v20, v21;
	_ =	sdelay $0x1  }
0x550: {  	v16 =	vadd.f32 v17, v16;
	v17 =	vmul.f32 v22, v18;
	_ =	sdelay $0x1  }
0x551: {  	v16 =	vadd.f32 v17, v16;
	_ =	sdelay $0x1  }
0x552: {  	[tilespmem:v4+s24+$0x0] =	vst.idx.msk $0xffff, v16  }
0x553: {  	v16 =	vld [tilespmem:s4+$0xFFFFFF50]  }
0x554: {  	v17 =	vld [tilespmem:s0+$0xFFFFFF40]  }
0x555: {  	v18 =	vld [tilespmem:s4+$0xFFFFFF40]  }
0x556: {  	v19 =	vld [tilespmem:s0+$0xFFFFFF50]  }
0x557: {  	v20 =	vld [tilespmem:s4+$0xFFFFFF60]  }
0x558: {  	v21 =	vld [tilespmem:s0+$0xFFFFFF60]  }
0x559: {  	v22 =	vld [tilespmem:s4+$0xFFFFFF70]  }
0x55a: {  	v17 =	vmul.f32 v18, v17;
	v18 =	vld [tilespmem:s0+$0xFFFFFF70]  }
0x55b: {  	v16 =	vmul.f32 v16, v19;
	_ =	sdelay $0x1  }
0x55c: {  	v16 =	vadd.f32 v16, v17;
	v17 =	vmul.f32 v20, v21;
	_ =	sdelay $0x1  }
0x55d: {  	v16 =	vadd.f32 v17, v16;
	v17 =	vmul.f32 v22, v18;
	_ =	sdelay $0x1  }
0x55e: {  	v16 =	vadd.f32 v17, v16;
	_ =	sdelay $0x1  }
0x55f: {  	[tilespmem:v5+s24+$0x0] =	vst.idx.msk $0xffff, v16  }
0x560: {  	v16 =	vld [tilespmem:s4+$0xFFFFFF80]  }
0x561: {  	v17 =	vld [tilespmem:s4+$0xFFFFFF90]  }
0x562: {  	v18 =	vld [tilespmem:s0+$0xFFFFFF90]  }
0x563: {  	v19 =	vld [tilespmem:s0+$0xFFFFFF80]  }
0x564: {  	v20 =	vld [tilespmem:s4+$0xFFFFFFA0]  }
0x565: {  	v21 =	vld [tilespmem:s0+$0xFFFFFFA0]  }
0x566: {  	v22 =	vld [tilespmem:s4+$0xFFFFFFB0]  }
0x567: {  	v17 =	vmul.f32 v17, v18;
	v18 =	vld [tilespmem:s0+$0xFFFFFFB0]  }
0x568: {  	v16 =	vmul.f32 v16, v19;
	_ =	sdelay $0x1  }
0x569: {  	v16 =	vadd.f32 v17, v16;
	v17 =	vmul.f32 v20, v21;
	_ =	sdelay $0x1  }
0x56a: {  	v16 =	vadd.f32 v17, v16;
	v17 =	vmul.f32 v22, v18;
	_ =	sdelay $0x1  }
0x56b: {  	v16 =	vadd.f32 v17, v16;
	_ =	sdelay $0x1  }
0x56c: {  	[tilespmem:v6+s24+$0x0] =	vst.idx.msk $0xffff, v16  }
0x56d: {  	v16 =	vld [tilespmem:s4+$0xFFFFFFD0]  }
0x56e: {  	v17 =	vld [tilespmem:s4+$0xFFFFFFC0]  }
0x56f: {  	v18 =	vld [tilespmem:s0+$0xFFFFFFC0]  }
0x570: {  	v19 =	vld [tilespmem:s0+$0xFFFFFFD0]  }
0x571: {  	v20 =	vld [tilespmem:s4+$0xFFFFFFE0]  }
0x572: {  	v21 =	vld [tilespmem:s0+$0xFFFFFFE0]  }
0x573: {  	v22 =	vld [tilespmem:s4+$0xFFFFFFF0]  }
0x574: {  	v17 =	vmul.f32 v17, v18;
	v18 =	vld [tilespmem:s0+$0xFFFFFFF0]  }
0x575: {  	v16 =	vmul.f32 v16, v19;
	_ =	sdelay $0x1  }
0x576: {  	v16 =	vadd.f32 v16, v17;
	v17 =	vmul.f32 v20, v21;
	_ =	sdelay $0x1  }
0x577: {  	v16 =	vadd.f32 v17, v16;
	v17 =	vmul.f32 v22, v18;
	_ =	sdelay $0x1  }
0x578: {  	v16 =	vadd.f32 v17, v16;
	_ =	sdelay $0x1  }
0x579: {  	[tilespmem:v7+s24+$0x0] =	vst.idx.msk $0xffff, v16  }
0x57a: {  	v16 =	vld [tilespmem:s4+$0x0]  }
0x57b: {  	v17 =	vld [tilespmem:s4+$0x10]  }
0x57c: {  	v18 =	vld [tilespmem:s0+$0x0]  }
0x57d: {  	v19 =	vld [tilespmem:s0+$0x10]  }
0x57e: {  	v20 =	vld [tilespmem:s4+$0x20]  }
0x57f: {  	v21 =	vld [tilespmem:s0+$0x20]  }
0x580: {  	v22 =	vld [tilespmem:s4+$0x30]  }
0x581: {  	v16 =	vmul.f32 v16, v18;
	v18 =	vld [tilespmem:s0+$0x30]  }
0x582: {  	v17 =	vmul.f32 v17, v19;
	_ =	sdelay $0x1  }
0x583: {  	v16 =	vadd.f32 v17, v16;
	v17 =	vmul.f32 v20, v21;
	_ =	sdelay $0x1  }
0x584: {  	v16 =	vadd.f32 v17, v16;
	v17 =	vmul.f32 v22, v18;
	_ =	sdelay $0x1  }
0x585: {  	v16 =	vadd.f32 v17, v16;
	_ =	sdelay $0x1  }
0x586: {  	[tilespmem:v8+s24+$0x0] =	vst.idx.msk $0xffff, v16  }
0x587: {  	v16 =	vld [tilespmem:s4+$0x40]  }
0x588: {  	v17 =	vld [tilespmem:s4+$0x50]  }
0x589: {  	v18 =	vld [tilespmem:s0+$0x40]  }
0x58a: {  	v19 =	vld [tilespmem:s0+$0x50]  }
0x58b: {  	v20 =	vld [tilespmem:s0+$0x60]  }
0x58c: {  	v21 =	vld [tilespmem:s4+$0x60]  }
0x58d: {  	v22 =	vld [tilespmem:s0+$0x70]  }
0x58e: {  	v16 =	vmul.f32 v16, v18;
	v18 =	vld [tilespmem:s4+$0x70]  }
0x58f: {  	v17 =	vmul.f32 v17, v19;
	_ =	sdelay $0x1  }
0x590: {  	v16 =	vadd.f32 v17, v16;
	v17 =	vmul.f32 v21, v20;
	_ =	sdelay $0x1  }
0x591: {  	v16 =	vadd.f32 v17, v16;
	v17 =	vmul.f32 v18, v22;
	_ =	sdelay $0x1  }
0x592: {  	v16 =	vadd.f32 v17, v16;
	_ =	sdelay $0x1  }
0x593: {  	[tilespmem:v9+s24+$0x0] =	vst.idx.msk $0xffff, v16  }
0x594: {  	v16 =	vld [tilespmem:s4+$0x80]  }
0x595: {  	v17 =	vld [tilespmem:s4+$0x90]  }
0x596: {  	v18 =	vld [tilespmem:s0+$0x80]  }
0x597: {  	v19 =	vld [tilespmem:s0+$0x90]  }
0x598: {  	v20 =	vld [tilespmem:s0+$0xA0]  }
0x599: {  	v21 =	vld [tilespmem:s4+$0xA0]  }
0x59a: {  	v22 =	vld [tilespmem:s0+$0xB0]  }
0x59b: {  	v16 =	vmul.f32 v16, v18;
	v18 =	vld [tilespmem:s4+$0xB0]  }
0x59c: {  	v17 =	vmul.f32 v17, v19;
	_ =	sdelay $0x1  }
0x59d: {  	v16 =	vadd.f32 v17, v16;
	v17 =	vmul.f32 v21, v20;
	_ =	sdelay $0x1  }
0x59e: {  	v16 =	vadd.f32 v17, v16;
	v17 =	vmul.f32 v18, v22;
	_ =	sdelay $0x1  }
0x59f: {  	v16 =	vadd.f32 v17, v16;
	_ =	sdelay $0x1  }
0x5a0: {  	[tilespmem:v10+s24+$0x0] =	vst.idx.msk $0xffff, v16  }
0x5a1: {  	v16 =	vld [tilespmem:s4+$0xC0]  }
0x5a2: {  	v17 =	vld [tilespmem:s4+$0xD0]  }
0x5a3: {  	v18 =	vld [tilespmem:s0+$0xC0]  }
0x5a4: {  	v19 =	vld [tilespmem:s0+$0xD0]  }
0x5a5: {  	v20 =	vld [tilespmem:s0+$0xE0]  }
0x5a6: {  	v21 =	vld [tilespmem:s4+$0xE0]  }
0x5a7: {  	v22 =	vld [tilespmem:s0+$0xF0]  }
0x5a8: {  	v16 =	vmul.f32 v16, v18;
	v18 =	vld [tilespmem:s4+$0xF0]  }
0x5a9: {  	v17 =	vmul.f32 v17, v19;
	_ =	sdelay $0x1  }
0x5aa: {  	v16 =	vadd.f32 v17, v16;
	v17 =	vmul.f32 v21, v20;
	_ =	sdelay $0x1  }
0x5ab: {  	v16 =	vadd.f32 v17, v16;
	v17 =	vmul.f32 v18, v22;
	_ =	sdelay $0x1  }
0x5ac: {  	v16 =	vadd.f32 v17, v16;
	_ =	sdelay $0x1  }
0x5ad: {  	[tilespmem:v11+s24+$0x0] =	vst.idx.msk $0xffff, v16  }
0x5ae: {  	v16 =	vld [tilespmem:s4+$0x100]  }
0x5af: {  	v17 =	vld [tilespmem:s4+$0x110]  }
0x5b0: {  	v18 =	vld [tilespmem:s0+$0x100]  }
0x5b1: {  	v19 =	vld [tilespmem:s0+$0x110]  }
0x5b2: {  	v20 =	vld [tilespmem:s0+$0x120]  }
0x5b3: {  	v21 =	vld [tilespmem:s4+$0x120]  }
0x5b4: {  	v22 =	vld [tilespmem:s0+$0x130]  }
0x5b5: {  	v16 =	vmul.f32 v16, v18;
	v18 =	vld [tilespmem:s4+$0x130]  }
0x5b6: {  	v17 =	vmul.f32 v17, v19;
	_ =	sdelay $0x1  }
0x5b7: {  	v16 =	vadd.f32 v17, v16;
	v17 =	vmul.f32 v21, v20;
	_ =	sdelay $0x1  }
0x5b8: {  	v16 =	vadd.f32 v17, v16;
	v17 =	vmul.f32 v18, v22;
	_ =	sdelay $0x1  }
0x5b9: {  	v16 =	vadd.f32 v17, v16;
	_ =	sdelay $0x1  }
0x5ba: {  	[tilespmem:v12+s24+$0x0] =	vst.idx.msk $0xffff, v16  }
0x5bb: {  	v16 =	vld [tilespmem:s4+$0x140]  }
0x5bc: {  	v17 =	vld [tilespmem:s4+$0x150]  }
0x5bd: {  	v18 =	vld [tilespmem:s0+$0x140]  }
0x5be: {  	v19 =	vld [tilespmem:s0+$0x150]  }
0x5bf: {  	v20 =	vld [tilespmem:s0+$0x160]  }
0x5c0: {  	v21 =	vld [tilespmem:s4+$0x160]  }
0x5c1: {  	v22 =	vld [tilespmem:s0+$0x170]  }
0x5c2: {  	v16 =	vmul.f32 v16, v18;
	v18 =	vld [tilespmem:s4+$0x170]  }
0x5c3: {  	v17 =	vmul.f32 v17, v19;
	_ =	sdelay $0x1  }
0x5c4: {  	v16 =	vadd.f32 v17, v16;
	v17 =	vmul.f32 v21, v20;
	_ =	sdelay $0x1  }
0x5c5: {  	v16 =	vadd.f32 v17, v16;
	v17 =	vmul.f32 v18, v22;
	_ =	sdelay $0x1  }
0x5c6: {  	v16 =	vadd.f32 v17, v16;
	_ =	sdelay $0x1  }
0x5c7: {  	[tilespmem:v13+s24+$0x0] =	vst.idx.msk $0xffff, v16  }
0x5c8: {  	v16 =	vld [tilespmem:s4+$0x180]  }
0x5c9: {  	v17 =	vld [tilespmem:s4+$0x190]  }
0x5ca: {  	v18 =	vld [tilespmem:s0+$0x190]  }
0x5cb: {  	v19 =	vld [tilespmem:s0+$0x180]  }
0x5cc: {  	v20 =	vld [tilespmem:s0+$0x1A0]  }
0x5cd: {  	v21 =	vld [tilespmem:s4+$0x1A0]  }
0x5ce: {  	v22 =	vld [tilespmem:s0+$0x1B0]  }
0x5cf: {  	v17 =	vmul.f32 v17, v18;
	v18 =	vld [tilespmem:s4+$0x1B0]  }
0x5d0: {  	v16 =	vmul.f32 v16, v19;
	_ =	sdelay $0x1  }
0x5d1: {  	v16 =	vadd.f32 v17, v16;
	v17 =	vmul.f32 v21, v20;
	_ =	sdelay $0x1  }
0x5d2: {  	v16 =	vadd.f32 v17, v16;
	v17 =	vmul.f32 v18, v22;
	_ =	sdelay $0x1  }
0x5d3: {  	v16 =	vadd.f32 v17, v16;
	_ =	sdelay $0x1  }
0x5d4: {  	[tilespmem:v14+s24+$0x0] =	vst.idx.msk $0xffff, v16  }
0x5d5: {  	v16 =	vld [tilespmem:s0+$0x1C0]  }
0x5d6: {  	v17 =	vld [tilespmem:s4+$0x1C0]  }
0x5d7: {  	v18 =	vld [tilespmem:s4+$0x1D0]  }
0x5d8: {  	v19 =	vld [tilespmem:s0+$0x1D0]  }
0x5d9: {  	v20 =	vld [tilespmem:s0+$0x1E0]  }
0x5da: {  	v21 =	vld [tilespmem:s4+$0x1E0]  }
.Ltmp2:
0x5db: {  	v22 =	vmul.f32 v17, v16;
	v16 =	vld [tilespmem:s0+$0x1F0];
	(pc) =	sbr.rel @p0 .LBB2_6-.Ltmp2, $3  }
0x5dc: {  	v17 =	vld [tilespmem:s4+$0x1F0]  }
0x5dd: {  	v18 =	vmul.f32 v18, v19;
	_ =	sdelay $0x1  }
0x5de: {  	v18 =	vadd.f32 v18, v22;
	v19 =	vmul.f32 v21, v20  }
0x5df: {  	_ = 	snop  }
0x5e0: {  	v18 =	vadd.f32 v19, v18;
	v16 =	vmul.f32 v17, v16;
	_ =	sdelay $0x1  }
0x5e1: {  	v16 =	vadd.f32 v16, v18;
	_ =	sdelay $0x1  }
0x5e2: {  	[tilespmem:v15+s24+$0x0] =	vst.idx.msk $0xffff, v16  }
0x5e3: {  	v16 =	vld [tilespmem:$0x8800]  }
0x5e4: {  	v17 =	vld [tilespmem:$0x8811];
	_ =	sdelay $0x1  }
0x5e5: {  	v18 =	vld [tilespmem:$0x8822];
	_ =	sdelay $0x1  }
0x5e6: {  	v19 =	vld [tilespmem:$0x8833]  }
0x5e7: {  	v16 =	vadd.f32 v17, v16  }
0x5e8: {  	v17 =	vld [tilespmem:$0x8844]  }
0x5e9: {  	v16 =	vadd.f32 v18, v16  }
0x5ea: {  	v18 =	vld [tilespmem:$0x8855]  }
0x5eb: {  	v16 =	vadd.f32 v19, v16  }
0x5ec: {  	v19 =	vld [tilespmem:$0x8866]  }
0x5ed: {  	v16 =	vadd.f32 v17, v16  }
0x5ee: {  	v17 =	vld [tilespmem:$0x8877]  }
0x5ef: {  	v16 =	vadd.f32 v18, v16  }
0x5f0: {  	v18 =	vld [tilespmem:$0x8888]  }
0x5f1: {  	v16 =	vadd.f32 v19, v16  }
0x5f2: {  	v19 =	vld [tilespmem:$0x8899]  }
0x5f3: {  	v16 =	vadd.f32 v17, v16  }
0x5f4: {  	v17 =	vld [tilespmem:$0x88AA]  }
0x5f5: {  	v16 =	vadd.f32 v18, v16  }
0x5f6: {  	v18 =	vld [tilespmem:$0x88BB]  }
0x5f7: {  	v16 =	vadd.f32 v19, v16  }
0x5f8: {  	v19 =	vld [tilespmem:$0x88CC]  }
0x5f9: {  	v16 =	vadd.f32 v17, v16  }
0x5fa: {  	v17 =	vld [tilespmem:$0x88DD]  }
0x5fb: {  	v16 =	vadd.f32 v18, v16  }
0x5fc: {  	v18 =	vld [tilespmem:$0x88EE]  }
0x5fd: {  	v16 =	vadd.f32 v19, v16  }
0x5fe: {  	v19 =	vld [tilespmem:$0x88FF]  }
0x5ff: {  	s0 =	sshra.s32 s30, $0x2;
	v16 =	vadd.f32 v17, v16  }
0x600: {  	v17 =	vld [tilespmem:s0+$0x8400]  }
0x601: {  	v16 =	vadd.f32 v18, v16  }
0x602: {  	v18 =	vld [tilespmem:s0+$0x8500]  }
0x603: {  	v16 =	vadd.f32 v19, v16;
	_ =	sdelay $0x1  }
0x604: {  	v16 =	vadd.f32 v17, v16;
	_ =	sdelay $0x1  }
0x605: {  	v16 =	vadd.f32 v18, v16;
	_ =	sdelay $0x1  }
0x606: {  	[tilespmem:s0+$0x8700] =	vst v16  }
0x607: {  	_ =	swait.ge [sflag:s23], $0x2000  }
0x608: {  	[sflag:s23] =	ssyncset.done $0x0  }
0x609: {  	[sflag:s23] =	ssyncadd.s32 $0xFFFFE000  }
0x60a: {  	_ =	swait.ge [sflag:s23], $0x2000  }
0x60b: {  	[sflag:s23] =	ssyncset.done $0x0  }
0x60c: {  	[sflag:s23] =	ssyncadd.s32 $0xFFFFE000  }
0x60d: {  	_ =	swait.ge [sflag:s23], $0x80  }
0x60e: {  	[sflag:s23] =	ssyncset.done $0x0  }
0x60f: {  	[sflag:s23] =	ssyncadd.s32 $0xFFFFFF80  }
0x610: {  	_ =	swait.ge [sflag:s23], $0x80  }
0x611: {  	[sflag:s23] =	ssyncset.done $0x0  }
0x612: {  	s0 =	simm.s32 $0x27F0;
	[sflag:s23] =	ssyncadd.s32 $0xFFFFFF80  }
0x613: {  	s4 =	simm.s32 $0x67F0;
	v16 =	vld [tilespmem:s0+$0xFFFFFC10]  }
0x614: {  	v17 =	vld [tilespmem:s4+$0xFFFFFC20]  }
0x615: {  	v18 =	vld [tilespmem:s0+$0xFFFFFC20]  }
0x616: {  	v19 =	vld [tilespmem:s4+$0xFFFFFC10]  }
0x617: {  	v20 =	vld [tilespmem:s4+$0xFFFFFC30]  }
0x618: {  	v21 =	vld [tilespmem:s0+$0xFFFFFC30]  }
0x619: {  	v22 =	vld [tilespmem:s4+$0xFFFFFC40]  }
0x61a: {  	v23 =	vld [tilespmem:s0+$0xFFFFFC40]  }
0x61b: {  	v17 =	vmul.f32 v17, v18;
	v16 =	vmul.f32 v19, v16;
	_ =	sdelay $0x1  }
0x61c: {  	v16 =	vadd.f32 v17, v16;
	v17 =	vmul.f32 v20, v21;
	_ =	sdelay $0x1  }
0x61d: {  	v16 =	vadd.f32 v17, v16;
	v17 =	vmul.f32 v22, v23;
	_ =	sdelay $0x1  }
0x61e: {  	v16 =	vadd.f32 v17, v16;
	_ =	sdelay $0x1  }
0x61f: {  	[tilespmem:v0+s24+$0x0] =	vst.idx.msk $0xffff, v16  }
0x620: {  	v16 =	vld [tilespmem:s4+$0xFFFFFC60]  }
0x621: {  	v17 =	vld [tilespmem:s0+$0xFFFFFC50]  }
0x622: {  	v18 =	vld [tilespmem:s0+$0xFFFFFC60]  }
0x623: {  	v19 =	vld [tilespmem:s4+$0xFFFFFC50]  }
0x624: {  	v20 =	vld [tilespmem:s4+$0xFFFFFC70]  }
0x625: {  	v60 =	vld [tilespmem:s0+$0xFFFFFC70]  }
0x626: {  	v61 =	vld [tilespmem:s4+$0xFFFFFC80]  }
0x627: {  	v62 =	vld [tilespmem:s0+$0xFFFFFC80]  }
0x628: {  	v16 =	vmul.f32 v16, v18;
	v17 =	vmul.f32 v19, v17;
	_ =	sdelay $0x1  }
0x629: {  	v16 =	vadd.f32 v16, v17;
	v17 =	vmul.f32 v20, v60;
	_ =	sdelay $0x1  }
0x62a: {  	v16 =	vadd.f32 v17, v16;
	v17 =	vmul.f32 v61, v62;
	_ =	sdelay $0x1  }
0x62b: {  	v16 =	vadd.f32 v17, v16;
	_ =	sdelay $0x1  }
0x62c: {  	[tilespmem:v1+s24+$0x0] =	vst.idx.msk $0xffff, v16  }
0x62d: {  	v16 =	vld [tilespmem:s0+$0xFFFFFC90]  }
0x62e: {  	v17 =	vld [tilespmem:s4+$0xFFFFFC90]  }
0x62f: {  	v18 =	vld [tilespmem:s4+$0xFFFFFCA0]  }
0x630: {  	v19 =	vld [tilespmem:s0+$0xFFFFFCA0]  }
0x631: {  	v20 =	vld [tilespmem:s4+$0xFFFFFCB0]  }
0x632: {  	v63 =	vld [tilespmem:s0+$0xFFFFFCB0]  }
0x633: {  	v24 =	vld [tilespmem:s4+$0xFFFFFCC0]  }
0x634: {  	v25 =	vld [tilespmem:s0+$0xFFFFFCC0]  }
0x635: {  	v16 =	vmul.f32 v17, v16;
	v17 =	vmul.f32 v18, v19;
	_ =	sdelay $0x1  }
0x636: {  	v16 =	vadd.f32 v17, v16;
	v17 =	vmul.f32 v20, v63;
	_ =	sdelay $0x1  }
0x637: {  	v16 =	vadd.f32 v17, v16;
	v17 =	vmul.f32 v24, v25;
	_ =	sdelay $0x1  }
0x638: {  	v16 =	vadd.f32 v17, v16;
	_ =	sdelay $0x1  }
0x639: {  	[tilespmem:v2+s24+$0x0] =	vst.idx.msk $0xffff, v16  }
0x63a: {  	v16 =	vld [tilespmem:s4+$0xFFFFFCD0]  }
0x63b: {  	v17 =	vld [tilespmem:s0+$0xFFFFFCD0]  }
0x63c: {  	v18 =	vld [tilespmem:s0+$0xFFFFFCE0]  }
0x63d: {  	v19 =	vld [tilespmem:s4+$0xFFFFFCE0]  }
0x63e: {  	v20 =	vld [tilespmem:s4+$0xFFFFFCF0]  }
0x63f: {  	v26 =	vld [tilespmem:s0+$0xFFFFFCF0]  }
0x640: {  	v27 =	vld [tilespmem:s4+$0xFFFFFD00]  }
0x641: {  	v28 =	vld [tilespmem:s0+$0xFFFFFD00]  }
0x642: {  	v16 =	vmul.f32 v16, v17;
	v17 =	vmul.f32 v19, v18;
	_ =	sdelay $0x1  }
0x643: {  	v16 =	vadd.f32 v17, v16;
	v17 =	vmul.f32 v20, v26;
	_ =	sdelay $0x1  }
0x644: {  	v16 =	vadd.f32 v17, v16;
	v17 =	vmul.f32 v27, v28;
	_ =	sdelay $0x1  }
0x645: {  	v16 =	vadd.f32 v17, v16;
	_ =	sdelay $0x1  }
0x646: {  	[tilespmem:v3+s24+$0x0] =	vst.idx.msk $0xffff, v16  }
0x647: {  	v16 =	vld [tilespmem:s4+$0xFFFFFD20]  }
0x648: {  	v17 =	vld [tilespmem:s0+$0xFFFFFD10]  }
0x649: {  	v18 =	vld [tilespmem:s4+$0xFFFFFD10]  }
0x64a: {  	v19 =	vld [tilespmem:s0+$0xFFFFFD20]  }
0x64b: {  	v20 =	vld [tilespmem:s4+$0xFFFFFD30]  }
0x64c: {  	v29 =	vld [tilespmem:s0+$0xFFFFFD30]  }
0x64d: {  	v30 =	vld [tilespmem:s4+$0xFFFFFD40]  }
0x64e: {  	v31 =	vld [tilespmem:s0+$0xFFFFFD40]  }
0x64f: {  	v17 =	vmul.f32 v18, v17;
	v16 =	vmul.f32 v16, v19;
	_ =	sdelay $0x1  }
0x650: {  	v16 =	vadd.f32 v16, v17;
	v17 =	vmul.f32 v20, v29;
	_ =	sdelay $0x1  }
0x651: {  	v16 =	vadd.f32 v17, v16;
	v17 =	vmul.f32 v30, v31;
	_ =	sdelay $0x1  }
0x652: {  	v16 =	vadd.f32 v17, v16;
	_ =	sdelay $0x1  }
0x653: {  	[tilespmem:v4+s24+$0x0] =	vst.idx.msk $0xffff, v16  }
0x654: {  	v16 =	vld [tilespmem:s4+$0xFFFFFD60]  }
0x655: {  	v17 =	vld [tilespmem:s0+$0xFFFFFD50]  }
0x656: {  	v18 =	vld [tilespmem:s4+$0xFFFFFD50]  }
0x657: {  	v19 =	vld [tilespmem:s0+$0xFFFFFD60]  }
0x658: {  	v20 =	vld [tilespmem:s4+$0xFFFFFD70]  }
0x659: {  	v32 =	vld [tilespmem:s0+$0xFFFFFD70]  }
0x65a: {  	v33 =	vld [tilespmem:s4+$0xFFFFFD80]  }
0x65b: {  	v34 =	vld [tilespmem:s0+$0xFFFFFD80]  }
0x65c: {  	v17 =	vmul.f32 v18, v17;
	v16 =	vmul.f32 v16, v19;
	_ =	sdelay $0x1  }
0x65d: {  	v16 =	vadd.f32 v16, v17;
	v17 =	vmul.f32 v20, v32;
	_ =	sdelay $0x1  }
0x65e: {  	v16 =	vadd.f32 v17, v16;
	v17 =	vmul.f32 v33, v34;
	_ =	sdelay $0x1  }
0x65f: {  	v16 =	vadd.f32 v17, v16;
	_ =	sdelay $0x1  }
0x660: {  	[tilespmem:v5+s24+$0x0] =	vst.idx.msk $0xffff, v16  }
0x661: {  	v16 =	vld [tilespmem:s4+$0xFFFFFD90]  }
0x662: {  	v17 =	vld [tilespmem:s4+$0xFFFFFDA0]  }
0x663: {  	v18 =	vld [tilespmem:s0+$0xFFFFFDA0]  }
0x664: {  	v19 =	vld [tilespmem:s0+$0xFFFFFD90]  }
0x665: {  	v20 =	vld [tilespmem:s4+$0xFFFFFDB0]  }
0x666: {  	v35 =	vld [tilespmem:s0+$0xFFFFFDB0]  }
0x667: {  	v36 =	vld [tilespmem:s4+$0xFFFFFDC0]  }
0x668: {  	v37 =	vld [tilespmem:s0+$0xFFFFFDC0]  }
0x669: {  	v17 =	vmul.f32 v17, v18;
	v16 =	vmul.f32 v16, v19;
	_ =	sdelay $0x1  }
0x66a: {  	v16 =	vadd.f32 v17, v16;
	v17 =	vmul.f32 v20, v35;
	_ =	sdelay $0x1  }
0x66b: {  	v16 =	vadd.f32 v17, v16;
	v17 =	vmul.f32 v36, v37;
	_ =	sdelay $0x1  }
0x66c: {  	v16 =	vadd.f32 v17, v16;
	_ =	sdelay $0x1  }
0x66d: {  	[tilespmem:v6+s24+$0x0] =	vst.idx.msk $0xffff, v16  }
0x66e: {  	v16 =	vld [tilespmem:s4+$0xFFFFFDE0]  }
0x66f: {  	v17 =	vld [tilespmem:s4+$0xFFFFFDD0]  }
0x670: {  	v18 =	vld [tilespmem:s0+$0xFFFFFDD0]  }
0x671: {  	v19 =	vld [tilespmem:s0+$0xFFFFFDE0]  }
0x672: {  	v20 =	vld [tilespmem:s4+$0xFFFFFDF0]  }
0x673: {  	v38 =	vld [tilespmem:s0+$0xFFFFFDF0]  }
0x674: {  	v39 =	vld [tilespmem:s4+$0xFFFFFE00]  }
0x675: {  	v40 =	vld [tilespmem:s0+$0xFFFFFE00]  }
0x676: {  	v17 =	vmul.f32 v17, v18;
	v16 =	vmul.f32 v16, v19;
	_ =	sdelay $0x1  }
0x677: {  	v16 =	vadd.f32 v16, v17;
	v17 =	vmul.f32 v20, v38;
	_ =	sdelay $0x1  }
0x678: {  	v16 =	vadd.f32 v17, v16;
	v17 =	vmul.f32 v39, v40;
	_ =	sdelay $0x1  }
0x679: {  	v16 =	vadd.f32 v17, v16;
	_ =	sdelay $0x1  }
0x67a: {  	[tilespmem:v7+s24+$0x0] =	vst.idx.msk $0xffff, v16  }
0x67b: {  	v16 =	vld [tilespmem:s4+$0xFFFFFE10]  }
0x67c: {  	v17 =	vld [tilespmem:s4+$0xFFFFFE20]  }
0x67d: {  	v18 =	vld [tilespmem:s0+$0xFFFFFE10]  }
0x67e: {  	v19 =	vld [tilespmem:s0+$0xFFFFFE20]  }
0x67f: {  	v20 =	vld [tilespmem:s4+$0xFFFFFE30]  }
0x680: {  	v41 =	vld [tilespmem:s0+$0xFFFFFE30]  }
0x681: {  	v42 =	vld [tilespmem:s4+$0xFFFFFE40]  }
0x682: {  	v43 =	vld [tilespmem:s0+$0xFFFFFE40]  }
0x683: {  	v16 =	vmul.f32 v16, v18;
	v17 =	vmul.f32 v17, v19;
	_ =	sdelay $0x1  }
0x684: {  	v16 =	vadd.f32 v17, v16;
	v17 =	vmul.f32 v20, v41;
	_ =	sdelay $0x1  }
0x685: {  	v16 =	vadd.f32 v17, v16;
	v17 =	vmul.f32 v42, v43;
	_ =	sdelay $0x1  }
0x686: {  	v16 =	vadd.f32 v17, v16;
	_ =	sdelay $0x1  }
0x687: {  	[tilespmem:v8+s24+$0x0] =	vst.idx.msk $0xffff, v16  }
0x688: {  	v16 =	vld [tilespmem:s4+$0xFFFFFE50]  }
0x689: {  	v17 =	vld [tilespmem:s4+$0xFFFFFE60]  }
0x68a: {  	v18 =	vld [tilespmem:s0+$0xFFFFFE50]  }
0x68b: {  	v19 =	vld [tilespmem:s0+$0xFFFFFE60]  }
0x68c: {  	v20 =	vld [tilespmem:s0+$0xFFFFFE70]  }
0x68d: {  	v44 =	vld [tilespmem:s4+$0xFFFFFE70]  }
0x68e: {  	v45 =	vld [tilespmem:s0+$0xFFFFFE80]  }
0x68f: {  	v46 =	vld [tilespmem:s4+$0xFFFFFE80]  }
0x690: {  	v16 =	vmul.f32 v16, v18;
	v17 =	vmul.f32 v17, v19;
	_ =	sdelay $0x1  }
0x691: {  	v16 =	vadd.f32 v17, v16;
	v17 =	vmul.f32 v44, v20;
	_ =	sdelay $0x1  }
0x692: {  	v16 =	vadd.f32 v17, v16;
	v17 =	vmul.f32 v46, v45;
	_ =	sdelay $0x1  }
0x693: {  	v16 =	vadd.f32 v17, v16;
	_ =	sdelay $0x1  }
0x694: {  	[tilespmem:v9+s24+$0x0] =	vst.idx.msk $0xffff, v16  }
0x695: {  	v16 =	vld [tilespmem:s4+$0xFFFFFE90]  }
0x696: {  	v17 =	vld [tilespmem:s4+$0xFFFFFEA0]  }
0x697: {  	v18 =	vld [tilespmem:s0+$0xFFFFFE90]  }
0x698: {  	v19 =	vld [tilespmem:s0+$0xFFFFFEA0]  }
0x699: {  	v20 =	vld [tilespmem:s0+$0xFFFFFEB0]  }
0x69a: {  	v47 =	vld [tilespmem:s4+$0xFFFFFEB0]  }
0x69b: {  	v48 =	vld [tilespmem:s0+$0xFFFFFEC0]  }
0x69c: {  	v49 =	vld [tilespmem:s4+$0xFFFFFEC0]  }
0x69d: {  	v16 =	vmul.f32 v16, v18;
	v17 =	vmul.f32 v17, v19;
	_ =	sdelay $0x1  }
0x69e: {  	v16 =	vadd.f32 v17, v16;
	v17 =	vmul.f32 v47, v20;
	_ =	sdelay $0x1  }
0x69f: {  	v16 =	vadd.f32 v17, v16;
	v17 =	vmul.f32 v49, v48;
	_ =	sdelay $0x1  }
0x6a0: {  	v16 =	vadd.f32 v17, v16;
	_ =	sdelay $0x1  }
0x6a1: {  	[tilespmem:v10+s24+$0x0] =	vst.idx.msk $0xffff, v16  }
0x6a2: {  	v16 =	vld [tilespmem:s4+$0xFFFFFED0]  }
0x6a3: {  	v17 =	vld [tilespmem:s4+$0xFFFFFEE0]  }
0x6a4: {  	v18 =	vld [tilespmem:s0+$0xFFFFFED0]  }
0x6a5: {  	v19 =	vld [tilespmem:s0+$0xFFFFFEE0]  }
0x6a6: {  	v20 =	vld [tilespmem:s0+$0xFFFFFEF0]  }
0x6a7: {  	v50 =	vld [tilespmem:s4+$0xFFFFFEF0]  }
0x6a8: {  	v51 =	vld [tilespmem:s0+$0xFFFFFF00]  }
0x6a9: {  	v52 =	vld [tilespmem:s4+$0xFFFFFF00]  }
0x6aa: {  	v16 =	vmul.f32 v16, v18;
	v17 =	vmul.f32 v17, v19;
	_ =	sdelay $0x1  }
0x6ab: {  	v16 =	vadd.f32 v17, v16;
	v17 =	vmul.f32 v50, v20;
	_ =	sdelay $0x1  }
0x6ac: {  	v16 =	vadd.f32 v17, v16;
	v17 =	vmul.f32 v52, v51;
	_ =	sdelay $0x1  }
0x6ad: {  	v16 =	vadd.f32 v17, v16;
	_ =	sdelay $0x1  }
0x6ae: {  	[tilespmem:v11+s24+$0x0] =	vst.idx.msk $0xffff, v16  }
0x6af: {  	v16 =	vld [tilespmem:s4+$0xFFFFFF10]  }
0x6b0: {  	v17 =	vld [tilespmem:s4+$0xFFFFFF20]  }
0x6b1: {  	v18 =	vld [tilespmem:s0+$0xFFFFFF10]  }
0x6b2: {  	v19 =	vld [tilespmem:s0+$0xFFFFFF20]  }
0x6b3: {  	v20 =	vld [tilespmem:s0+$0xFFFFFF30]  }
0x6b4: {  	v53 =	vld [tilespmem:s4+$0xFFFFFF30]  }
0x6b5: {  	v54 =	vld [tilespmem:s0+$0xFFFFFF40]  }
0x6b6: {  	v55 =	vld [tilespmem:s4+$0xFFFFFF40]  }
0x6b7: {  	v16 =	vmul.f32 v16, v18;
	v17 =	vmul.f32 v17, v19;
	_ =	sdelay $0x1  }
0x6b8: {  	v16 =	vadd.f32 v17, v16;
	v17 =	vmul.f32 v53, v20;
	_ =	sdelay $0x1  }
0x6b9: {  	v16 =	vadd.f32 v17, v16;
	v17 =	vmul.f32 v55, v54;
	_ =	sdelay $0x1  }
0x6ba: {  	v16 =	vadd.f32 v17, v16;
	_ =	sdelay $0x1  }
0x6bb: {  	[tilespmem:v12+s24+$0x0] =	vst.idx.msk $0xffff, v16  }
0x6bc: {  	v16 =	vld [tilespmem:s4+$0xFFFFFF50]  }
0x6bd: {  	v17 =	vld [tilespmem:s4+$0xFFFFFF60]  }
0x6be: {  	v18 =	vld [tilespmem:s0+$0xFFFFFF50]  }
0x6bf: {  	v19 =	vld [tilespmem:s0+$0xFFFFFF60]  }
0x6c0: {  	v20 =	vld [tilespmem:s0+$0xFFFFFF70]  }
0x6c1: {  	v56 =	vld [tilespmem:s4+$0xFFFFFF70]  }
0x6c2: {  	v57 =	vld [tilespmem:s0+$0xFFFFFF80]  }
0x6c3: {  	v58 =	vld [tilespmem:s4+$0xFFFFFF80]  }
0x6c4: {  	v16 =	vmul.f32 v16, v18;
	v17 =	vmul.f32 v17, v19;
	_ =	sdelay $0x1  }
0x6c5: {  	v16 =	vadd.f32 v17, v16;
	v17 =	vmul.f32 v56, v20;
	_ =	sdelay $0x1  }
0x6c6: {  	v16 =	vadd.f32 v17, v16;
	v17 =	vmul.f32 v58, v57;
	_ =	sdelay $0x1  }
0x6c7: {  	v16 =	vadd.f32 v17, v16;
	_ =	sdelay $0x1  }
0x6c8: {  	[tilespmem:v13+s24+$0x0] =	vst.idx.msk $0xffff, v16  }
0x6c9: {  	v16 =	vld [tilespmem:s4+$0xFFFFFF90]  }
0x6ca: {  	v17 =	vld [tilespmem:s4+$0xFFFFFFA0]  }
0x6cb: {  	v18 =	vld [tilespmem:s0+$0xFFFFFFA0]  }
0x6cc: {  	v19 =	vld [tilespmem:s0+$0xFFFFFF90]  }
0x6cd: {  	v20 =	vld [tilespmem:s0+$0xFFFFFFB0]  }
0x6ce: {  	v59 =	vld [tilespmem:s4+$0xFFFFFFB0]  }
0x6cf: {  	v60 =	vld [tilespmem:s0+$0xFFFFFFC0]  }
0x6d0: {  	v61 =	vld [tilespmem:s4+$0xFFFFFFC0]  }
0x6d1: {  	v17 =	vmul.f32 v17, v18;
	v16 =	vmul.f32 v16, v19;
	_ =	sdelay $0x1  }
0x6d2: {  	v16 =	vadd.f32 v17, v16;
	v17 =	vmul.f32 v59, v20;
	_ =	sdelay $0x1  }
0x6d3: {  	v16 =	vadd.f32 v17, v16;
	v17 =	vmul.f32 v61, v60;
	_ =	sdelay $0x1  }
0x6d4: {  	v16 =	vadd.f32 v17, v16;
	_ =	sdelay $0x1  }
0x6d5: {  	[tilespmem:v14+s24+$0x0] =	vst.idx.msk $0xffff, v16  }
0x6d6: {  	v16 =	vld [tilespmem:s0+$0xFFFFFFD0]  }
0x6d7: {  	v17 =	vld [tilespmem:s4+$0xFFFFFFD0]  }
0x6d8: {  	v18 =	vld [tilespmem:s4+$0xFFFFFFE0]  }
0x6d9: {  	v19 =	vld [tilespmem:s0+$0xFFFFFFE0]  }
0x6da: {  	v20 =	vld [tilespmem:s0+$0xFFFFFFF0]  }
0x6db: {  	v62 =	vld [tilespmem:s4+$0xFFFFFFF0]  }
0x6dc: {  	v63 =	vmul.f32 v17, v16;
	v16 =	vld [tilespmem:s0+$0x0]  }
0x6dd: {  	v17 =	vld [tilespmem:s4+$0x0]  }
0x6de: {  	v18 =	vmul.f32 v18, v19;
	_ =	sdelay $0x1  }
0x6df: {  	s30 =	simm.s32 $0x0;
	s14 =	simm.s32 $0x40;
	v19 =	vmul.f32 v62, v20;
	v18 =	vadd.f32 v18, v63  }
.LBB2_8:
0x6e0: {  	p0 =	sne.s32 s14, $0x1C0;
	s4 =	sadd.s32 $0x400, s4;
	s0 =	sadd.s32 $0x400, s0  }
0x6e1: {  	s15 =	smov.u32 s14;
	s14 =	sadd.s32 $0x40, s14;
	v18 =	vadd.f32 v19, v18;
	v16 =	vmul.f32 v17, v16;
	_ =	sdelay $0x1  }
0x6e2: {  	v16 =	vadd.f32 v16, v18;
	_ =	sdelay $0x1  }
0x6e3: {  	[tilespmem:v15+s24+$0x0] =	vst.idx.msk $0xffff, v16  }
0x6e4: {  	v16 =	vld [tilespmem:$0x8800]  }
0x6e5: {  	v17 =	vld [tilespmem:$0x8811]  }
0x6e6: {  	v18 =	vld [tilespmem:$0x8822]  }
0x6e7: {  	v19 =	vld [tilespmem:$0x8833]  }
0x6e8: {  	v20 =	vld [tilespmem:$0x8844]  }
0x6e9: {  	v21 =	vld [tilespmem:$0x8855]  }
0x6ea: {  	v16 =	vadd.f32 v17, v16;
	v17 =	vld [tilespmem:$0x8866]  }
0x6eb: {  	v22 =	vld [tilespmem:$0x8877]  }
0x6ec: {  	v16 =	vadd.f32 v18, v16;
	v18 =	vld [tilespmem:$0x8888]  }
0x6ed: {  	v23 =	vld [tilespmem:$0x8899]  }
0x6ee: {  	v16 =	vadd.f32 v19, v16;
	v19 =	vld [tilespmem:$0x88AA]  }
0x6ef: {  	v24 =	vld [tilespmem:$0x88BB]  }
0x6f0: {  	v16 =	vadd.f32 v20, v16;
	v20 =	vld [tilespmem:$0x88CC]  }
0x6f1: {  	v25 =	vld [tilespmem:$0x88DD]  }
0x6f2: {  	v16 =	vadd.f32 v21, v16;
	v21 =	vld [tilespmem:$0x88EE]  }
0x6f3: {  	s16 =	sshra.s32 s30, $0x2;
	s30 =	smov.u32 s15;
	v26 =	vld [tilespmem:$0x88FF]  }
0x6f4: {  	v16 =	vadd.f32 v17, v16;
	v17 =	vld [tilespmem:s16+$0x8480]  }
0x6f5: {  	v27 =	vld [tilespmem:s16+$0x8580]  }
0x6f6: {  	v16 =	vadd.f32 v22, v16;
	_ =	sdelay $0x1  }
0x6f7: {  	v16 =	vadd.f32 v18, v16;
	_ =	sdelay $0x1  }
0x6f8: {  	v16 =	vadd.f32 v23, v16;
	_ =	sdelay $0x1  }
0x6f9: {  	v16 =	vadd.f32 v19, v16;
	_ =	sdelay $0x1  }
0x6fa: {  	v16 =	vadd.f32 v24, v16;
	_ =	sdelay $0x1  }
0x6fb: {  	v16 =	vadd.f32 v20, v16;
	_ =	sdelay $0x1  }
0x6fc: {  	v16 =	vadd.f32 v25, v16;
	_ =	sdelay $0x1  }
0x6fd: {  	v16 =	vadd.f32 v21, v16;
	_ =	sdelay $0x1  }
0x6fe: {  	v16 =	vadd.f32 v26, v16;
	_ =	sdelay $0x1  }
0x6ff: {  	v16 =	vadd.f32 v17, v16;
	_ =	sdelay $0x1  }
0x700: {  	v16 =	vadd.f32 v27, v16;
	_ =	sdelay $0x1  }
0x701: {  	[tilespmem:s16+$0x8780] =	vst v16  }
0x702: {  	v16 =	vld [tilespmem:s0+$0xFFFFFC10]  }
0x703: {  	v17 =	vld [tilespmem:s4+$0xFFFFFC20]  }
0x704: {  	v18 =	vld [tilespmem:s0+$0xFFFFFC20]  }
0x705: {  	v19 =	vld [tilespmem:s4+$0xFFFFFC10]  }
0x706: {  	v20 =	vld [tilespmem:s4+$0xFFFFFC30]  }
0x707: {  	v21 =	vld [tilespmem:s0+$0xFFFFFC30]  }
0x708: {  	v22 =	vld [tilespmem:s4+$0xFFFFFC40]  }
0x709: {  	v17 =	vmul.f32 v17, v18;
	v18 =	vld [tilespmem:s0+$0xFFFFFC40]  }
0x70a: {  	v16 =	vmul.f32 v19, v16;
	_ =	sdelay $0x1  }
0x70b: {  	v16 =	vadd.f32 v17, v16;
	v17 =	vmul.f32 v20, v21;
	_ =	sdelay $0x1  }
0x70c: {  	v16 =	vadd.f32 v17, v16;
	v17 =	vmul.f32 v22, v18;
	_ =	sdelay $0x1  }
0x70d: {  	v16 =	vadd.f32 v17, v16;
	_ =	sdelay $0x1  }
0x70e: {  	[tilespmem:v0+s24+$0x0] =	vst.idx.msk $0xffff, v16  }
0x70f: {  	v16 =	vld [tilespmem:s4+$0xFFFFFC60]  }
0x710: {  	v17 =	vld [tilespmem:s0+$0xFFFFFC50]  }
0x711: {  	v18 =	vld [tilespmem:s0+$0xFFFFFC60]  }
0x712: {  	v19 =	vld [tilespmem:s4+$0xFFFFFC50]  }
0x713: {  	v20 =	vld [tilespmem:s4+$0xFFFFFC70]  }
0x714: {  	v21 =	vld [tilespmem:s0+$0xFFFFFC70]  }
0x715: {  	v22 =	vld [tilespmem:s4+$0xFFFFFC80]  }
0x716: {  	v16 =	vmul.f32 v16, v18;
	v18 =	vld [tilespmem:s0+$0xFFFFFC80]  }
0x717: {  	v17 =	vmul.f32 v19, v17;
	_ =	sdelay $0x1  }
0x718: {  	v16 =	vadd.f32 v16, v17;
	v17 =	vmul.f32 v20, v21;
	_ =	sdelay $0x1  }
0x719: {  	v16 =	vadd.f32 v17, v16;
	v17 =	vmul.f32 v22, v18;
	_ =	sdelay $0x1  }
0x71a: {  	v16 =	vadd.f32 v17, v16;
	_ =	sdelay $0x1  }
0x71b: {  	[tilespmem:v1+s24+$0x0] =	vst.idx.msk $0xffff, v16  }
0x71c: {  	v16 =	vld [tilespmem:s0+$0xFFFFFC90]  }
0x71d: {  	v17 =	vld [tilespmem:s4+$0xFFFFFC90]  }
0x71e: {  	v18 =	vld [tilespmem:s4+$0xFFFFFCA0]  }
0x71f: {  	v19 =	vld [tilespmem:s0+$0xFFFFFCA0]  }
0x720: {  	v20 =	vld [tilespmem:s4+$0xFFFFFCB0]  }
0x721: {  	v21 =	vld [tilespmem:s0+$0xFFFFFCB0]  }
0x722: {  	v16 =	vmul.f32 v17, v16;
	v17 =	vld [tilespmem:s4+$0xFFFFFCC0]  }
0x723: {  	v22 =	vld [tilespmem:s0+$0xFFFFFCC0]  }
0x724: {  	v18 =	vmul.f32 v18, v19;
	_ =	sdelay $0x1  }
0x725: {  	v16 =	vadd.f32 v18, v16;
	v18 =	vmul.f32 v20, v21;
	_ =	sdelay $0x1  }
0x726: {  	v16 =	vadd.f32 v18, v16;
	v17 =	vmul.f32 v17, v22;
	_ =	sdelay $0x1  }
0x727: {  	v16 =	vadd.f32 v17, v16;
	_ =	sdelay $0x1  }
0x728: {  	[tilespmem:v2+s24+$0x0] =	vst.idx.msk $0xffff, v16  }
0x729: {  	v16 =	vld [tilespmem:s4+$0xFFFFFCD0]  }
0x72a: {  	v17 =	vld [tilespmem:s0+$0xFFFFFCD0]  }
0x72b: {  	v18 =	vld [tilespmem:s0+$0xFFFFFCE0]  }
0x72c: {  	v19 =	vld [tilespmem:s4+$0xFFFFFCE0]  }
0x72d: {  	v20 =	vld [tilespmem:s4+$0xFFFFFCF0]  }
0x72e: {  	v21 =	vld [tilespmem:s0+$0xFFFFFCF0]  }
0x72f: {  	v16 =	vmul.f32 v16, v17;
	v17 =	vld [tilespmem:s4+$0xFFFFFD00]  }
0x730: {  	v22 =	vld [tilespmem:s0+$0xFFFFFD00]  }
0x731: {  	v18 =	vmul.f32 v19, v18;
	_ =	sdelay $0x1  }
0x732: {  	v16 =	vadd.f32 v18, v16;
	v18 =	vmul.f32 v20, v21;
	_ =	sdelay $0x1  }
0x733: {  	v16 =	vadd.f32 v18, v16;
	v17 =	vmul.f32 v17, v22;
	_ =	sdelay $0x1  }
0x734: {  	v16 =	vadd.f32 v17, v16;
	_ =	sdelay $0x1  }
0x735: {  	[tilespmem:v3+s24+$0x0] =	vst.idx.msk $0xffff, v16  }
0x736: {  	v16 =	vld [tilespmem:s4+$0xFFFFFD20]  }
0x737: {  	v17 =	vld [tilespmem:s0+$0xFFFFFD10]  }
0x738: {  	v18 =	vld [tilespmem:s4+$0xFFFFFD10]  }
0x739: {  	v19 =	vld [tilespmem:s0+$0xFFFFFD20]  }
0x73a: {  	v20 =	vld [tilespmem:s4+$0xFFFFFD30]  }
0x73b: {  	v21 =	vld [tilespmem:s0+$0xFFFFFD30]  }
0x73c: {  	v22 =	vld [tilespmem:s4+$0xFFFFFD40]  }
0x73d: {  	v17 =	vmul.f32 v18, v17;
	v18 =	vld [tilespmem:s0+$0xFFFFFD40]  }
0x73e: {  	v16 =	vmul.f32 v16, v19;
	_ =	sdelay $0x1  }
0x73f: {  	v16 =	vadd.f32 v16, v17;
	v17 =	vmul.f32 v20, v21;
	_ =	sdelay $0x1  }
0x740: {  	v16 =	vadd.f32 v17, v16;
	v17 =	vmul.f32 v22, v18;
	_ =	sdelay $0x1  }
0x741: {  	v16 =	vadd.f32 v17, v16;
	_ =	sdelay $0x1  }
0x742: {  	[tilespmem:v4+s24+$0x0] =	vst.idx.msk $0xffff, v16  }
0x743: {  	v16 =	vld [tilespmem:s4+$0xFFFFFD60]  }
0x744: {  	v17 =	vld [tilespmem:s0+$0xFFFFFD50]  }
0x745: {  	v18 =	vld [tilespmem:s4+$0xFFFFFD50]  }
0x746: {  	v19 =	vld [tilespmem:s0+$0xFFFFFD60]  }
0x747: {  	v20 =	vld [tilespmem:s4+$0xFFFFFD70]  }
0x748: {  	v21 =	vld [tilespmem:s0+$0xFFFFFD70]  }
0x749: {  	v22 =	vld [tilespmem:s4+$0xFFFFFD80]  }
0x74a: {  	v17 =	vmul.f32 v18, v17;
	v18 =	vld [tilespmem:s0+$0xFFFFFD80]  }
0x74b: {  	v16 =	vmul.f32 v16, v19;
	_ =	sdelay $0x1  }
0x74c: {  	v16 =	vadd.f32 v16, v17;
	v17 =	vmul.f32 v20, v21;
	_ =	sdelay $0x1  }
0x74d: {  	v16 =	vadd.f32 v17, v16;
	v17 =	vmul.f32 v22, v18;
	_ =	sdelay $0x1  }
0x74e: {  	v16 =	vadd.f32 v17, v16;
	_ =	sdelay $0x1  }
0x74f: {  	[tilespmem:v5+s24+$0x0] =	vst.idx.msk $0xffff, v16  }
0x750: {  	v16 =	vld [tilespmem:s4+$0xFFFFFD90]  }
0x751: {  	v17 =	vld [tilespmem:s4+$0xFFFFFDA0]  }
0x752: {  	v18 =	vld [tilespmem:s0+$0xFFFFFDA0]  }
0x753: {  	v19 =	vld [tilespmem:s0+$0xFFFFFD90]  }
0x754: {  	v20 =	vld [tilespmem:s4+$0xFFFFFDB0]  }
0x755: {  	v21 =	vld [tilespmem:s0+$0xFFFFFDB0]  }
0x756: {  	v22 =	vld [tilespmem:s4+$0xFFFFFDC0]  }
0x757: {  	v17 =	vmul.f32 v17, v18;
	v18 =	vld [tilespmem:s0+$0xFFFFFDC0]  }
0x758: {  	v16 =	vmul.f32 v16, v19;
	_ =	sdelay $0x1  }
0x759: {  	v16 =	vadd.f32 v17, v16;
	v17 =	vmul.f32 v20, v21;
	_ =	sdelay $0x1  }
0x75a: {  	v16 =	vadd.f32 v17, v16;
	v17 =	vmul.f32 v22, v18;
	_ =	sdelay $0x1  }
0x75b: {  	v16 =	vadd.f32 v17, v16;
	_ =	sdelay $0x1  }
0x75c: {  	[tilespmem:v6+s24+$0x0] =	vst.idx.msk $0xffff, v16  }
0x75d: {  	v16 =	vld [tilespmem:s4+$0xFFFFFDE0]  }
0x75e: {  	v17 =	vld [tilespmem:s4+$0xFFFFFDD0]  }
0x75f: {  	v18 =	vld [tilespmem:s0+$0xFFFFFDD0]  }
0x760: {  	v19 =	vld [tilespmem:s0+$0xFFFFFDE0]  }
0x761: {  	v20 =	vld [tilespmem:s4+$0xFFFFFDF0]  }
0x762: {  	v21 =	vld [tilespmem:s0+$0xFFFFFDF0]  }
0x763: {  	v22 =	vld [tilespmem:s4+$0xFFFFFE00]  }
0x764: {  	v17 =	vmul.f32 v17, v18;
	v18 =	vld [tilespmem:s0+$0xFFFFFE00]  }
0x765: {  	v16 =	vmul.f32 v16, v19;
	_ =	sdelay $0x1  }
0x766: {  	v16 =	vadd.f32 v16, v17;
	v17 =	vmul.f32 v20, v21;
	_ =	sdelay $0x1  }
0x767: {  	v16 =	vadd.f32 v17, v16;
	v17 =	vmul.f32 v22, v18;
	_ =	sdelay $0x1  }
0x768: {  	v16 =	vadd.f32 v17, v16;
	_ =	sdelay $0x1  }
0x769: {  	[tilespmem:v7+s24+$0x0] =	vst.idx.msk $0xffff, v16  }
0x76a: {  	v16 =	vld [tilespmem:s4+$0xFFFFFE10]  }
0x76b: {  	v17 =	vld [tilespmem:s4+$0xFFFFFE20]  }
0x76c: {  	v18 =	vld [tilespmem:s0+$0xFFFFFE10]  }
0x76d: {  	v19 =	vld [tilespmem:s0+$0xFFFFFE20]  }
0x76e: {  	v20 =	vld [tilespmem:s4+$0xFFFFFE30]  }
0x76f: {  	v21 =	vld [tilespmem:s0+$0xFFFFFE30]  }
0x770: {  	v22 =	vld [tilespmem:s4+$0xFFFFFE40]  }
0x771: {  	v16 =	vmul.f32 v16, v18;
	v18 =	vld [tilespmem:s0+$0xFFFFFE40]  }
0x772: {  	v17 =	vmul.f32 v17, v19;
	_ =	sdelay $0x1  }
0x773: {  	v16 =	vadd.f32 v17, v16;
	v17 =	vmul.f32 v20, v21;
	_ =	sdelay $0x1  }
0x774: {  	v16 =	vadd.f32 v17, v16;
	v17 =	vmul.f32 v22, v18;
	_ =	sdelay $0x1  }
0x775: {  	v16 =	vadd.f32 v17, v16;
	_ =	sdelay $0x1  }
0x776: {  	[tilespmem:v8+s24+$0x0] =	vst.idx.msk $0xffff, v16  }
0x777: {  	v16 =	vld [tilespmem:s4+$0xFFFFFE50]  }
0x778: {  	v17 =	vld [tilespmem:s4+$0xFFFFFE60]  }
0x779: {  	v18 =	vld [tilespmem:s0+$0xFFFFFE50]  }
0x77a: {  	v19 =	vld [tilespmem:s0+$0xFFFFFE60]  }
0x77b: {  	v20 =	vld [tilespmem:s0+$0xFFFFFE70]  }
0x77c: {  	v21 =	vld [tilespmem:s4+$0xFFFFFE70]  }
0x77d: {  	v22 =	vld [tilespmem:s0+$0xFFFFFE80]  }
0x77e: {  	v16 =	vmul.f32 v16, v18;
	v18 =	vld [tilespmem:s4+$0xFFFFFE80]  }
0x77f: {  	v17 =	vmul.f32 v17, v19;
	_ =	sdelay $0x1  }
0x780: {  	v16 =	vadd.f32 v17, v16;
	v17 =	vmul.f32 v21, v20;
	_ =	sdelay $0x1  }
0x781: {  	v16 =	vadd.f32 v17, v16;
	v17 =	vmul.f32 v18, v22;
	_ =	sdelay $0x1  }
0x782: {  	v16 =	vadd.f32 v17, v16;
	_ =	sdelay $0x1  }
0x783: {  	[tilespmem:v9+s24+$0x0] =	vst.idx.msk $0xffff, v16  }
0x784: {  	v16 =	vld [tilespmem:s4+$0xFFFFFE90]  }
0x785: {  	v17 =	vld [tilespmem:s4+$0xFFFFFEA0]  }
0x786: {  	v18 =	vld [tilespmem:s0+$0xFFFFFE90]  }
0x787: {  	v19 =	vld [tilespmem:s0+$0xFFFFFEA0]  }
0x788: {  	v20 =	vld [tilespmem:s0+$0xFFFFFEB0]  }
0x789: {  	v21 =	vld [tilespmem:s4+$0xFFFFFEB0]  }
0x78a: {  	v22 =	vld [tilespmem:s0+$0xFFFFFEC0]  }
0x78b: {  	v16 =	vmul.f32 v16, v18;
	v18 =	vld [tilespmem:s4+$0xFFFFFEC0]  }
0x78c: {  	v17 =	vmul.f32 v17, v19;
	_ =	sdelay $0x1  }
0x78d: {  	v16 =	vadd.f32 v17, v16;
	v17 =	vmul.f32 v21, v20;
	_ =	sdelay $0x1  }
0x78e: {  	v16 =	vadd.f32 v17, v16;
	v17 =	vmul.f32 v18, v22;
	_ =	sdelay $0x1  }
0x78f: {  	v16 =	vadd.f32 v17, v16;
	_ =	sdelay $0x1  }
0x790: {  	[tilespmem:v10+s24+$0x0] =	vst.idx.msk $0xffff, v16  }
0x791: {  	v16 =	vld [tilespmem:s4+$0xFFFFFED0]  }
0x792: {  	v17 =	vld [tilespmem:s4+$0xFFFFFEE0]  }
0x793: {  	v18 =	vld [tilespmem:s0+$0xFFFFFED0]  }
0x794: {  	v19 =	vld [tilespmem:s0+$0xFFFFFEE0]  }
0x795: {  	v20 =	vld [tilespmem:s0+$0xFFFFFEF0]  }
0x796: {  	v21 =	vld [tilespmem:s4+$0xFFFFFEF0]  }
0x797: {  	v22 =	vld [tilespmem:s0+$0xFFFFFF00]  }
0x798: {  	v16 =	vmul.f32 v16, v18;
	v18 =	vld [tilespmem:s4+$0xFFFFFF00]  }
0x799: {  	v17 =	vmul.f32 v17, v19;
	_ =	sdelay $0x1  }
0x79a: {  	v16 =	vadd.f32 v17, v16;
	v17 =	vmul.f32 v21, v20;
	_ =	sdelay $0x1  }
0x79b: {  	v16 =	vadd.f32 v17, v16;
	v17 =	vmul.f32 v18, v22;
	_ =	sdelay $0x1  }
0x79c: {  	v16 =	vadd.f32 v17, v16;
	_ =	sdelay $0x1  }
0x79d: {  	[tilespmem:v11+s24+$0x0] =	vst.idx.msk $0xffff, v16  }
0x79e: {  	v16 =	vld [tilespmem:s4+$0xFFFFFF10]  }
0x79f: {  	v17 =	vld [tilespmem:s4+$0xFFFFFF20]  }
0x7a0: {  	v18 =	vld [tilespmem:s0+$0xFFFFFF10]  }
0x7a1: {  	v19 =	vld [tilespmem:s0+$0xFFFFFF20]  }
0x7a2: {  	v20 =	vld [tilespmem:s0+$0xFFFFFF30]  }
0x7a3: {  	v21 =	vld [tilespmem:s4+$0xFFFFFF30]  }
0x7a4: {  	v22 =	vld [tilespmem:s0+$0xFFFFFF40]  }
0x7a5: {  	v16 =	vmul.f32 v16, v18;
	v18 =	vld [tilespmem:s4+$0xFFFFFF40]  }
0x7a6: {  	v17 =	vmul.f32 v17, v19;
	_ =	sdelay $0x1  }
0x7a7: {  	v16 =	vadd.f32 v17, v16;
	v17 =	vmul.f32 v21, v20;
	_ =	sdelay $0x1  }
0x7a8: {  	v16 =	vadd.f32 v17, v16;
	v17 =	vmul.f32 v18, v22;
	_ =	sdelay $0x1  }
0x7a9: {  	v16 =	vadd.f32 v17, v16;
	_ =	sdelay $0x1  }
0x7aa: {  	[tilespmem:v12+s24+$0x0] =	vst.idx.msk $0xffff, v16  }
0x7ab: {  	v16 =	vld [tilespmem:s4+$0xFFFFFF50]  }
0x7ac: {  	v17 =	vld [tilespmem:s4+$0xFFFFFF60]  }
0x7ad: {  	v18 =	vld [tilespmem:s0+$0xFFFFFF50]  }
0x7ae: {  	v19 =	vld [tilespmem:s0+$0xFFFFFF60]  }
0x7af: {  	v20 =	vld [tilespmem:s0+$0xFFFFFF70]  }
0x7b0: {  	v21 =	vld [tilespmem:s4+$0xFFFFFF70]  }
0x7b1: {  	v22 =	vld [tilespmem:s0+$0xFFFFFF80]  }
0x7b2: {  	v16 =	vmul.f32 v16, v18;
	v18 =	vld [tilespmem:s4+$0xFFFFFF80]  }
0x7b3: {  	v17 =	vmul.f32 v17, v19;
	_ =	sdelay $0x1  }
0x7b4: {  	v16 =	vadd.f32 v17, v16;
	v17 =	vmul.f32 v21, v20;
	_ =	sdelay $0x1  }
0x7b5: {  	v16 =	vadd.f32 v17, v16;
	v17 =	vmul.f32 v18, v22;
	_ =	sdelay $0x1  }
0x7b6: {  	v16 =	vadd.f32 v17, v16;
	_ =	sdelay $0x1  }
0x7b7: {  	[tilespmem:v13+s24+$0x0] =	vst.idx.msk $0xffff, v16  }
0x7b8: {  	v16 =	vld [tilespmem:s4+$0xFFFFFF90]  }
0x7b9: {  	v17 =	vld [tilespmem:s4+$0xFFFFFFA0]  }
0x7ba: {  	v18 =	vld [tilespmem:s0+$0xFFFFFFA0]  }
0x7bb: {  	v19 =	vld [tilespmem:s0+$0xFFFFFF90]  }
0x7bc: {  	v20 =	vld [tilespmem:s0+$0xFFFFFFB0]  }
0x7bd: {  	v21 =	vld [tilespmem:s4+$0xFFFFFFB0]  }
0x7be: {  	v22 =	vld [tilespmem:s0+$0xFFFFFFC0]  }
0x7bf: {  	v17 =	vmul.f32 v17, v18;
	v18 =	vld [tilespmem:s4+$0xFFFFFFC0]  }
0x7c0: {  	v16 =	vmul.f32 v16, v19;
	_ =	sdelay $0x1  }
0x7c1: {  	v16 =	vadd.f32 v17, v16;
	v17 =	vmul.f32 v21, v20;
	_ =	sdelay $0x1  }
0x7c2: {  	v16 =	vadd.f32 v17, v16;
	v17 =	vmul.f32 v18, v22;
	_ =	sdelay $0x1  }
0x7c3: {  	v16 =	vadd.f32 v17, v16;
	_ =	sdelay $0x1  }
0x7c4: {  	[tilespmem:v14+s24+$0x0] =	vst.idx.msk $0xffff, v16  }
0x7c5: {  	v16 =	vld [tilespmem:s0+$0xFFFFFFD0]  }
0x7c6: {  	v17 =	vld [tilespmem:s4+$0xFFFFFFD0]  }
0x7c7: {  	v18 =	vld [tilespmem:s4+$0xFFFFFFE0]  }
0x7c8: {  	v19 =	vld [tilespmem:s0+$0xFFFFFFE0]  }
0x7c9: {  	v20 =	vld [tilespmem:s0+$0xFFFFFFF0]  }
0x7ca: {  	v21 =	vld [tilespmem:s4+$0xFFFFFFF0]  }
.Ltmp3:
0x7cb: {  	v22 =	vmul.f32 v17, v16;
	v16 =	vld [tilespmem:s0+$0x0];
	(pc) =	sbr.rel @p0 .LBB2_8-.Ltmp3, $3  }
0x7cc: {  	v17 =	vld [tilespmem:s4+$0x0]  }
0x7cd: {  	v18 =	vmul.f32 v18, v19;
	_ =	sdelay $0x1  }
0x7ce: {  	v18 =	vadd.f32 v18, v22;
	v19 =	vmul.f32 v21, v20  }
0x7cf: {  	_ = 	snop  }
0x7d0: {  	v18 =	vadd.f32 v19, v18;
	v16 =	vmul.f32 v17, v16;
	_ =	sdelay $0x1  }
0x7d1: {  	v16 =	vadd.f32 v16, v18;
	_ =	sdelay $0x1  }
0x7d2: {  	[tilespmem:v15+s24+$0x0] =	vst.idx.msk $0xffff, v16  }
0x7d3: {  	v16 =	vld [tilespmem:$0x8800]  }
0x7d4: {  	v17 =	vld [tilespmem:$0x8811];
	_ =	sdelay $0x1  }
0x7d5: {  	v53 =	vld [tilespmem:$0x8822];
	_ =	sdelay $0x1  }
0x7d6: {  	v54 =	vld [tilespmem:$0x8833]  }
0x7d7: {  	v16 =	vadd.f32 v17, v16  }
0x7d8: {  	v17 =	vld [tilespmem:$0x8844]  }
0x7d9: {  	v16 =	vadd.f32 v53, v16  }
0x7da: {  	v55 =	vld [tilespmem:$0x8855]  }
0x7db: {  	v16 =	vadd.f32 v54, v16  }
0x7dc: {  	v56 =	vld [tilespmem:$0x8866]  }
0x7dd: {  	v16 =	vadd.f32 v17, v16  }
0x7de: {  	v17 =	vld [tilespmem:$0x8877]  }
0x7df: {  	v16 =	vadd.f32 v55, v16  }
0x7e0: {  	v57 =	vld [tilespmem:$0x8888]  }
0x7e1: {  	v16 =	vadd.f32 v56, v16  }
0x7e2: {  	v58 =	vld [tilespmem:$0x8899]  }
0x7e3: {  	v16 =	vadd.f32 v17, v16  }
0x7e4: {  	v17 =	vld [tilespmem:$0x88AA]  }
0x7e5: {  	v16 =	vadd.f32 v57, v16  }
0x7e6: {  	v59 =	vld [tilespmem:$0x88BB]  }
0x7e7: {  	v16 =	vadd.f32 v58, v16  }
0x7e8: {  	v60 =	vld [tilespmem:$0x88CC]  }
0x7e9: {  	v16 =	vadd.f32 v17, v16  }
0x7ea: {  	v17 =	vld [tilespmem:$0x88DD]  }
0x7eb: {  	v16 =	vadd.f32 v59, v16  }
0x7ec: {  	v61 =	vld [tilespmem:$0x88EE]  }
0x7ed: {  	v16 =	vadd.f32 v60, v16  }
0x7ee: {  	v62 =	vld [tilespmem:$0x88FF]  }
0x7ef: {  	s0 =	sshra.s32 s30, $0x2;
	v16 =	vadd.f32 v17, v16  }
0x7f0: {  	v17 =	vld [tilespmem:s0+$0x8480]  }
0x7f1: {  	v16 =	vadd.f32 v61, v16  }
0x7f2: {  	v63 =	vld [tilespmem:s0+$0x8580]  }
0x7f3: {  	v16 =	vadd.f32 v62, v16;
	_ =	sdelay $0x1  }
0x7f4: {  	v16 =	vadd.f32 v17, v16;
	_ =	sdelay $0x1  }
0x7f5: {  	s31 =	sadd.s32 $0x1, s31;
	v16 =	vadd.f32 v63, v16  }
0x7f6: {  	p0 =	sne.s32 s31, s10  }
.Ltmp4:
0x7f7: {  	s30 =	simm.s32 $0x8600;
	[tilespmem:s0+$0x8780] =	vst v16;
	(pc) =	sbr.rel @p0 .LBB2_1-.Ltmp4, $4  }
0x7f8: {  	[hbm4b:s9+s3] =	stream.linear.scatter [tilespmem:s30], [sflag:$0x2], $0x200, $0x38;
	[tilespmem:$0x8910] =	vst v63  }
0x7f9: {  	_ =	swait.ge [sflag:s11], $0x200  }
0x7fa: {  	[sflag:s11] =	ssyncset.done $0x0  }
0x7fb: {  	[sflag:s11] =	ssyncadd.s32 $0xFFFFFE00  }
0x7fc: {  	_ =	sfence.sel $0x180000  }
0x7fd: {  	[bflag:$0x0] =	sbarrier.arrive $0xFFFF  }
0x7fe: {  	_ =	strace $0x90000047  }
0x7ff: {  	s0 =	stileid.u32;
	[bflag:$0x2] =	sbarrier.arrive $0xFFFF  }
0x800: {  	p0 =	sne.s32 s0, $0x0;
	s0 =	rddreg [dreg:$0x6]  }
0x801: {  	s0 =	sadd.s32 @!p0 $0x100000, s0  }
0x802: {  	[sflag:s0] =	ssyncadd.tile.s32 @!p0 $0x1;
	_ =	shalt  }
.Lfunc_end2:
_tile_overlayer_lowered:
.L_overlay_start_2:
0x803: {  	(tag) =	ssettag $0x2  }
0x804: {  	s0 =	rddreg [dreg:$0x0];
	s2 =	stileid.u32  }
0x805: {  	s1 =	rddreg [dreg:$0x1];
	p0 =	sne.s32 s2, $0x0  }
0x806: {  	s3 =	rddreg [dreg:$0x2];
	[bflag:$0x3] =	sbarrier.arrive $0xFFFF;
	s2 =	simm.s32 @!p0 $0x1C02  }
0x807: {  	[timem:s3], [sflag:s2] =	dma.local @!p0 [hbm:s0], s1  }
0x808: {  	s0 =	simm.s32 @!p0 $0x2  }
0x809: {  	_ =	swait.ge @!p0 [sflag:s0], s1  }
0x80a: {  	s1 =	ssub.s32 @!p0 $0x0, s1;
	[sflag:s0] =	ssyncset.done @!p0 $0x0  }
0x80b: {  	[sflag:s0] =	ssyncadd.s32 @!p0 s1  }
0x80c: {  	[bflag:$0x3] =	sbarrier.arrive $0xFFFF  }
0x80d: {  	_ =	shalt  }

</sc_bundles>
